<compile_context>
chip_gen: v7x
topology: tpu7x:2x2x1
jax: 0.10.2.dev20260603
libtpu: 0.0.44.dev20260713+nightly
codegen_flags: <defaults>
</compile_context>

<pallas_src>
import functools

import jax
import jax.numpy as jnp
from jax import lax
from jax.experimental import pallas as pl
from jax.experimental.pallas import tpu as pltpu
from jax.experimental.pallas import tpu_sc as plsc

N_NODES = 10000
D = 128
NG = 64
NO = 10
NC = 2
NS = 16
NW = NC * NS
CH = 128

R = 1000
GRID = N_NODES // R
N_PAD = 10240
DEG_PAD = 10240


def _sc_degree(edge_ref_arr, E):
    nrows = E // CH
    IS = 4
    mesh = plsc.VectorSubcoreMesh(core_axis_name="c", subcore_axis_name="s")

    @functools.partial(
        pl.kernel,
        out_type=jax.ShapeDtypeStruct((NC, DEG_PAD), jnp.float32),
        mesh=mesh,
        scratch_types=[
            pltpu.VMEM((640,), jnp.float32),
            pltpu.VMEM((CH,), jnp.float32),
            pltpu.VMEM((IS, CH), jnp.int32),
            pltpu.VMEM_SHARED((DEG_PAD,), jnp.float32),
            pltpu.SemaphoreType.DMA((IS,)),
            pltpu.SemaphoreType.DMA((IS,)),
        ],
    )
    def k(e_ref, out_ref, zbuf, ones, didx, acc, jsem, ssem):
        c = lax.axis_index("c")
        s = lax.axis_index("s")
        wid = c * NS + s
        nch = (nrows - wid + NW - 1) // NW

        for p in range(2):
            dbase = pl.multiple_of((wid + p * NW) * CH, 8)
            pltpu.async_copy(e_ref.at[1, pl.ds(dbase, CH)], didx.at[p],
                             jsem.at[p])

        def zfill(i, carry):
            zbuf[pl.ds(i * 16, 16)] = jnp.zeros((16,), jnp.float32)
            return carry

        lax.fori_loop(0, 40, zfill, 0)
        for i in range(CH // 16):
            ones[pl.ds(i * 16, 16)] = jnp.ones((16,), jnp.float32)
        pltpu.sync_copy(zbuf, acc.at[pl.ds(s * 640, 640)])
        plsc.subcore_barrier()

        def body(j, carry):
            b = j % IS
            mb = pl.multiple_of((wid + j * NW) * CH, 8)
            pltpu.make_async_copy(e_ref.at[1, pl.ds(mb, CH)], didx.at[b],
                                  jsem.at[b]).wait()
            pltpu.async_copy(ones, acc.at[didx.at[b]], ssem.at[b], add=True)

            @pl.when(j + 2 < nch)
            def _():
                bn = (j + 2) % IS

                @pl.when(j >= 2)
                def _():
                    bo = (j - 2) % IS
                    pltpu.make_async_copy(ones, acc.at[didx.at[bo]],
                                          ssem.at[bo]).wait()

                mb2 = pl.multiple_of((wid + (j + 2) * NW) * CH, 8)
                pltpu.async_copy(e_ref.at[1, pl.ds(mb2, CH)], didx.at[bn],
                                 jsem.at[bn])

            return carry

        lax.fori_loop(0, nch, body, 0)
        for dj in range(4):
            jj = nch - 4 + dj

            @pl.when(jj >= 0)
            def _():
                b = jj % IS
                pltpu.make_async_copy(ones, acc.at[didx.at[b]],
                                      ssem.at[b]).wait()

        plsc.subcore_barrier()
        pltpu.sync_copy(acc.at[pl.ds(s * 640, 640)],
                        out_ref.at[c, pl.ds(s * 640, 640)])

    return k(edge_ref_arr)


def _sc_aggregate(g, edge_ref_arr, E):
    nrows = E // CH
    rpt = N_PAD // NS
    RS = 2
    IS = 6
    mesh = plsc.VectorSubcoreMesh(core_axis_name="c", subcore_axis_name="s")

    @functools.partial(
        pl.kernel,
        out_type=jax.ShapeDtypeStruct((NC, N_PAD, D), jnp.float32),
        mesh=mesh,
        scratch_types=[
            pltpu.VMEM((RS, CH, D), jnp.float32),
            pltpu.VMEM((IS, CH), jnp.int32),
            pltpu.VMEM((IS, CH), jnp.int32),
            pltpu.VMEM_SHARED((N_PAD, D), jnp.float32),
            pltpu.SemaphoreType.DMA((IS,)),
            pltpu.SemaphoreType.DMA((IS,)),
            pltpu.SemaphoreType.DMA((RS,)),
            pltpu.SemaphoreType.DMA((RS,)),
        ],
    )
    def k(g_ref, e_ref, out_ref, rows, sidx, didx, acc,
          isem, jsem, gsem, ssem):
        c = lax.axis_index("c")
        s = lax.axis_index("s")
        wid = c * NS + s
        nch = (nrows - wid + NW - 1) // NW

        for p in range(2):
            sb = pl.multiple_of((wid + p * NW) * CH, 8)
            pltpu.async_copy(e_ref.at[0, pl.ds(sb, CH)], sidx.at[p],
                             isem.at[p])
            pltpu.async_copy(e_ref.at[1, pl.ds(sb, CH)], didx.at[p],
                             jsem.at[p])

        def zrow(i, carry):
            for k16 in range(D // 16):
                rows[RS - 1, i, pl.ds(k16 * 16, 16)] = jnp.zeros(
                    (16,), jnp.float32)
            return carry

        lax.fori_loop(0, CH, zrow, 0)
        rbase = s * rpt
        for t in range(rpt // CH):
            pltpu.sync_copy(rows.at[RS - 1], acc.at[pl.ds(rbase + t * CH, CH)])
        sb0 = pl.multiple_of(wid * CH, 8)
        pltpu.make_async_copy(e_ref.at[0, pl.ds(sb0, CH)], sidx.at[0],
                              isem.at[0]).wait()
        pltpu.async_copy(g_ref.at[sidx.at[0]], rows.at[0], gsem.at[0])
        plsc.subcore_barrier()

        def body(j, carry):
            b = j % RS
            ib = j % IS

            @pl.when(j + 1 < nch)
            def _():
                bn = (j + 1) % RS
                ibn = (j + 1) % IS

                @pl.when(j + 1 - RS >= 0)
                def _():
                    jo = j + 1 - RS
                    pltpu.make_async_copy(rows.at[bn],
                                          acc.at[didx.at[jo % IS]],
                                          ssem.at[bn]).wait()

                sb1 = pl.multiple_of((wid + (j + 1) * NW) * CH, 8)
                pltpu.make_async_copy(e_ref.at[0, pl.ds(sb1, CH)],
                                      sidx.at[ibn], isem.at[ibn]).wait()
                pltpu.async_copy(g_ref.at[sidx.at[ibn]], rows.at[bn],
                                 gsem.at[bn])

            pltpu.make_async_copy(g_ref.at[sidx.at[ib]], rows.at[b],
                                  gsem.at[b]).wait()
            db0 = pl.multiple_of((wid + j * NW) * CH, 8)
            pltpu.make_async_copy(e_ref.at[1, pl.ds(db0, CH)], didx.at[ib],
                                  jsem.at[ib]).wait()
            pltpu.async_copy(rows.at[b], acc.at[didx.at[ib]], ssem.at[b],
                             add=True)

            @pl.when(j + 2 < nch)
            def _():
                ib2 = (j + 2) % IS
                sb2 = pl.multiple_of((wid + (j + 2) * NW) * CH, 8)
                pltpu.async_copy(e_ref.at[0, pl.ds(sb2, CH)], sidx.at[ib2],
                                 isem.at[ib2])
                pltpu.async_copy(e_ref.at[1, pl.ds(sb2, CH)], didx.at[ib2],
                                 jsem.at[ib2])

            return carry

        lax.fori_loop(0, nch, body, 0)
        for dj in range(RS):
            jj = nch - RS + dj

            @pl.when(jj >= 0)
            def _():
                pltpu.make_async_copy(rows.at[jj % RS],
                                      acc.at[didx.at[jj % IS]],
                                      ssem.at[jj % RS]).wait()

        plsc.subcore_barrier()
        pltpu.sync_copy(acc.at[pl.ds(rbase, rpt)],
                        out_ref.at[c, pl.ds(rbase, rpt)])

    return k(g, edge_ref_arr)


def _dinv_block(d_ref):
    deg = d_ref[...].astype(jnp.float32)
    return lax.rsqrt(jnp.maximum(deg, 1.0))


def _tc1_body(x_ref, w_ref, d_ref, g_ref):
    dinv = _dinv_block(d_ref)
    h = jnp.dot(x_ref[...].astype(jnp.bfloat16), w_ref[...],
                preferred_element_type=jnp.float32)
    g_ref[...] = h * dinv


def _tc2_body(a_ref0, a_ref1, g1_ref, d_ref, w_ref, b_ref, g2_ref):
    dinv = _dinv_block(d_ref)
    agg = (a_ref0[0] + a_ref1[0] + g1_ref[...]).astype(jnp.float32)
    x2 = jnp.maximum(dinv * agg + b_ref[...], 0.0)
    h = jnp.dot(x2.astype(jnp.bfloat16), w_ref[...],
                preferred_element_type=jnp.float32)
    g2_ref[...] = h * dinv


def _tc3_body(a_ref0, a_ref1, g2_ref, d_ref, b_ref, batch_ref,
              wc_ref, bc_ref, out_ref, sums, cnts):
    i = pl.program_id(0)
    dinv = _dinv_block(d_ref)
    agg = (a_ref0[0] + a_ref1[0] + g2_ref[...]).astype(jnp.float32)
    h3 = jnp.maximum(dinv * agg + b_ref[...], 0.0)
    bb = batch_ref[0, 0, :]
    onehot = jnp.equal(
        jnp.reshape(bb, (R, 1)),
        lax.broadcasted_iota(jnp.int32, (R, NG), 1)).astype(jnp.float32)
    ps = lax.dot_general(onehot.astype(jnp.bfloat16),
                         h3.astype(jnp.bfloat16), (((0,), (0,)), ((), ())),
                         preferred_element_type=jnp.float32)
    pc = lax.dot_general(onehot, jnp.ones((R, D), jnp.float32),
                         (((0,), (0,)), ((), ())),
                         preferred_element_type=jnp.float32)

    @pl.when(i == 0)
    def _():
        sums[...] = ps
        cnts[...] = pc

    @pl.when(i > 0)
    def _():
        sums[...] += ps
        cnts[...] += pc

    @pl.when(i == GRID - 1)
    def _():
        pooled = sums[...] / jnp.maximum(cnts[...], 1.0)
        logits = jnp.dot(pooled, wc_ref[...],
                         preferred_element_type=jnp.float32) + bc_ref[...]
        m = jnp.max(logits, axis=1, keepdims=True)
        sh = logits - m
        lse = jnp.log(jnp.sum(jnp.exp(sh), axis=1, keepdims=True))
        out_ref[...] = (sh - lse)[:, :NO]


def kernel(x, edge_index, batch, W1, b1, W2, b2, Wc, bc):
    E = edge_index.shape[1]

    deg = _sc_degree(edge_index, E)
    dsum = jnp.reshape((deg[0] + deg[1]).astype(jnp.bfloat16), (DEG_PAD, 1))

    row_spec = pl.BlockSpec((R, D), lambda i: (i, 0))
    aspec0 = pl.BlockSpec((1, R, D), lambda i: (0, i, 0))
    aspec1 = pl.BlockSpec((1, R, D), lambda i: (1, i, 0))
    dspec = pl.BlockSpec((R, 1), lambda i: (i, 0))
    wspec = pl.BlockSpec((D, D), lambda i: (0, 0))
    bspec = pl.BlockSpec((1, D), lambda i: (0, 0))

    g1 = pl.pallas_call(
        _tc1_body,
        grid=(GRID,),
        in_specs=[row_spec, wspec, dspec],
        out_specs=row_spec,
        out_shape=jax.ShapeDtypeStruct((N_NODES, D), jnp.float32),
    )(x, W1.astype(jnp.bfloat16), dsum)

    a1 = _sc_aggregate(g1, edge_index, E)

    g2 = pl.pallas_call(
        _tc2_body,
        grid=(GRID,),
        in_specs=[aspec0, aspec1, row_spec, dspec, wspec, bspec],
        out_specs=row_spec,
        out_shape=jax.ShapeDtypeStruct((N_NODES, D), jnp.float32),
    )(a1, a1, g1, dsum, W2.astype(jnp.bfloat16), jnp.reshape(b1, (1, D)))

    a2 = _sc_aggregate(g2, edge_index, E)

    batch3 = jnp.reshape(batch, (GRID, 1, R))
    wc_pad = jnp.zeros((D, D), jnp.float32).at[:, :Wc.shape[1]].set(Wc)
    bc_pad = jnp.full((1, D), -1e30, jnp.float32).at[0, :bc.shape[0]].set(bc)

    logits_pad = pl.pallas_call(
        _tc3_body,
        grid=(GRID,),
        in_specs=[aspec0, aspec1, row_spec, dspec, bspec,
                  pl.BlockSpec((1, 1, R), lambda i: (i, 0, 0)),
                  wspec, bspec],
        out_specs=pl.BlockSpec((NG, NO), lambda i: (0, 0)),
        out_shape=jax.ShapeDtypeStruct((NG, NO), jnp.float32),
        scratch_shapes=[pltpu.VMEM((NG, D), jnp.float32),
                        pltpu.VMEM((NG, D), jnp.float32)],
    )(a2, a2, g2, dsum, jnp.reshape(b2, (1, D)), batch3, wc_pad, bc_pad)

    return logits_pad

# --- scband reference (transcript-rebuilt; emitter-appended) ---
"""Pipeline reference for scband-graph-classifier-33964601377212 (READ-ONLY COPY).

The authoritative reference and input builder live on the scoring server;
editing this copy changes nothing except your own understanding.
"""

import jax, jax.numpy as jnp
import numpy as np

N_NODES = 10000
N_EDGES = 320000
D_IN = 128
D_HID = 128
D_OUT = 10
N_GRAPHS = 64


def gcn_conv(x, edge_index, W, b, n_nodes):
    # PyG-style GCNConv: add self-loops, symmetric normalization D^-1/2 (A+I) D^-1/2 X W + b
    src = edge_index[0]
    dst = edge_index[1]
    loop = jnp.arange(n_nodes, dtype=edge_index.dtype)
    src2 = jnp.concatenate([src, loop])
    dst2 = jnp.concatenate([dst, loop])
    h = x @ W
    deg = jnp.zeros((n_nodes,), dtype=h.dtype).at[dst2].add(1.0)
    dinv = jax.lax.rsqrt(jnp.maximum(deg, 1.0))
    norm = dinv[src2] * dinv[dst2]
    msg = h[src2] * norm[:, None]
    out = jnp.zeros_like(h).at[dst2].add(msg)
    return out + b


def setup_inputs(seed: int = 0):
    key = jax.random.key(seed)
    ks = jax.random.split(key, 10)
    x = jax.random.normal(ks[0], (N_NODES, D_IN), dtype=jnp.float32)
    edge_index = jax.random.randint(ks[1], (2, N_EDGES), 0, N_NODES, dtype=jnp.int32)
    batch = jnp.sort(jax.random.randint(ks[2], (N_NODES,), 0, N_GRAPHS, dtype=jnp.int32))
    s1 = 1.0 / np.sqrt(D_IN)
    s2 = 1.0 / np.sqrt(D_HID)
    W1 = jax.random.uniform(ks[3], (D_IN, D_HID), jnp.float32, -s1, s1)
    b1 = jnp.zeros((D_HID,), dtype=jnp.float32)
    W2 = jax.random.uniform(ks[4], (D_HID, D_HID), jnp.float32, -s2, s2)
    b2 = jnp.zeros((D_HID,), dtype=jnp.float32)
    Wc = jax.random.uniform(ks[5], (D_HID, D_OUT), jnp.float32, -s2, s2)
    bc = jax.random.uniform(ks[6], (D_OUT,), jnp.float32, -s2, s2)
    return {"x": x, "edge_index": edge_index, "batch": batch,
            "W1": W1, "b1": b1, "W2": W2, "b2": b2, "Wc": Wc, "bc": bc}


def reference(x, edge_index, batch, W1, b1, W2, b2, Wc, bc):
    h = gcn_conv(x, edge_index, W1, b1, N_NODES)
    h = jax.nn.relu(h)
    h = gcn_conv(h, edge_index, W2, b2, N_NODES)
    h = jax.nn.relu(h)
    # global_mean_pool over batch assignment
    sums = jnp.zeros((N_GRAPHS, h.shape[1]), dtype=h.dtype).at[batch].add(h)
    cnt = jnp.zeros((N_GRAPHS,), dtype=h.dtype).at[batch].add(1.0)
    pooled = sums / jnp.maximum(cnt, 1.0)[:, None]
    logits = pooled @ Wc + bc
    return jax.nn.log_softmax(logits, axis=1)

if __name__ == "__main__":
    import jax
    _d = setup_inputs()
    print(jax.jit(kernel)(*tuple(_d.values())))

</pallas_src>

<mosaic_0001>
#map = affine_map<(d0, d1) -> (0, 0)>
#map1 = affine_map<(d0, d1) -> (0, 0, 0)>
module attributes {stable_mosaic.version = 14 : i64} {
  func.func @k(%arg0: i32, %arg1: i32, %arg2: memref<10000x128xf32, #tpu.memory_space<hbm>>, %arg3: memref<2x320000xi32, #tpu.memory_space<hbm>>, %arg4: memref<2x10240x128xf32, #tpu.memory_space<hbm>>, %arg5: memref<2x128x128xf32, #tpu.memory_space<vmem>>, %arg6: memref<6x128xi32, #tpu.memory_space<vmem>>, %arg7: memref<6x128xi32, #tpu.memory_space<vmem>>, %arg8: memref<10240x128xf32, #tpu.memory_space<vmem_shared>>, %arg9: memref<6x!tpu.dma_semaphore, #tpu.memory_space<semaphore_mem>>, %arg10: memref<6x!tpu.dma_semaphore, #tpu.memory_space<semaphore_mem>>, %arg11: memref<2x!tpu.dma_semaphore, #tpu.memory_space<semaphore_mem>>, %arg12: memref<2x!tpu.dma_semaphore, #tpu.memory_space<semaphore_mem>>) attributes {dimension_semantics = [#tpu.dimension_semantics<core_parallel>, #tpu.dimension_semantics<subcore_parallel>], iteration_bounds = array<i64: 2, 16>, scalar_prefetch = 0 : i64, scratch_operands = 8 : i64, tpu.core_type = #tpu.core_type<sc_vector_subcore>, window_params = [{transform_indices = #map}, {transform_indices = #map}, {transform_indices = #map1}]} {
    %mul3A = arith.constant 16 : i32
    %mul3A_0 = arith.muli %arg0, %mul3A : i32
    %add3A = arith.addi %mul3A_0, %arg1 : i32
    %sub3A = arith.constant 2500 : i32
    %sub3A_1 = arith.subi %sub3A, %add3A : i32
    %add3A_2 = arith.constant 32 : i32
    %add3A_3 = arith.addi %sub3A_1, %add3A_2 : i32
    %sub3A_4 = arith.constant 1 : i32
    %sub3A_5 = arith.subi %add3A_3, %sub3A_4 : i32
    %jit3A = arith.constant 32 : i32
    %div3A = arith.divsi %sub3A_5, %jit3A : i32
    %sign3A = arith.constant 0 : i32
    %sign3A_6 = arith.cmpi sgt, %sub3A_5, %sign3A : i32
    %sign3A_7 = arith.extui %sign3A_6 : i1 to i32
    %sign3A_8 = arith.constant 0 : i32
    %sign3A_9 = arith.cmpi slt, %sub3A_5, %sign3A_8 : i32
    %sign3A_10 = arith.extui %sign3A_9 : i1 to i32
    %sign3A_11 = arith.subi %sign3A_7, %sign3A_10 : i32
    %sign3A_12 = arith.constant 0 : i32
    %sign3A_13 = arith.cmpi sgt, %jit3A, %sign3A_12 : i32
    %sign3A_14 = arith.extui %sign3A_13 : i1 to i32
    %sign3A_15 = arith.constant 0 : i32
    %sign3A_16 = arith.cmpi slt, %jit3A, %sign3A_15 : i32
    %sign3A_17 = arith.extui %sign3A_16 : i1 to i32
    %sign3A_18 = arith.subi %sign3A_14, %sign3A_17 : i32
    %ne3A = arith.cmpi ne, %sign3A_11, %sign3A_18 : i32
    %rem3A = arith.remsi %sub3A_5, %jit3A : i32
    %ne3A_19 = arith.constant 0 : i32
    %ne3A_20 = arith.cmpi ne, %rem3A, %ne3A_19 : i32
    %and3A = arith.andi %ne3A, %ne3A_20 : i1
    %sub3A_21 = arith.constant 1 : i32
    %sub3A_22 = arith.subi %div3A, %sub3A_21 : i32
    %select_n3A = arith.select %and3A, %sub3A_22, %div3A : i32
    %add3A_23 = arith.constant 0 : i32
    %add3A_24 = arith.addi %add3A, %add3A_23 : i32
    %mul3A_25 = arith.constant 128 : i32
    %mul3A_26 = arith.muli %add3A_24, %mul3A_25 : i32
    %multiple_of3A = tpu.assume_multiple %mul3A_26, 8 : i32
    %dma_start3A = arith.constant 0 : i32
    %dma_start3A_27 = arith.constant 0 : i32
    %dma_start3A_28 = arith.constant 0 : i32
    %dma_start3A_29 = arith.constant 0 : i32
    %dma_start3A_30 = tpu.memref_slice %arg6[%dma_start3A_27, %dma_start3A_29] : memref<6x128xi32, #tpu.memory_space<vmem>> -> memref<1x128xi32, #tpu.memory_space<vmem>>
    %dma_start3A_31 = tpu.memref_squeeze %dma_start3A_30 : memref<1x128xi32, #tpu.memory_space<vmem>> -> memref<128xi32, #tpu.memory_space<vmem>>
    %dma_start3A_32 = tpu.memref_slice %arg3[%dma_start3A, %multiple_of3A] : memref<2x320000xi32, #tpu.memory_space<hbm>> -> memref<1x128xi32, #tpu.memory_space<hbm>>
    %dma_start3A_33 = tpu.memref_squeeze %dma_start3A_32 : memref<1x128xi32, #tpu.memory_space<hbm>> -> memref<128xi32, #tpu.memory_space<hbm>>
    %dma_start3A_34 = tpu.memref_slice %arg9[%dma_start3A_28] : memref<6x!tpu.dma_semaphore, #tpu.memory_space<semaphore_mem>> -> memref<1x!tpu.dma_semaphore, #tpu.memory_space<semaphore_mem>>
    %dma_start3A_35 = tpu.memref_squeeze %dma_start3A_34 : memref<1x!tpu.dma_semaphore, #tpu.memory_space<semaphore_mem>> -> memref<!tpu.dma_semaphore, #tpu.memory_space<semaphore_mem>>
    %dma_start3A_36 = arith.constant 0 : i32
    %dma_start3A_37 = tpu.memref_slice %arg6[%dma_start3A_27, %dma_start3A_36] : memref<6x128xi32, #tpu.memory_space<vmem>> -> memref<1x128xi32, #tpu.memory_space<vmem>>
    %dma_start3A_38 = tpu.memref_squeeze %dma_start3A_37 : memref<1x128xi32, #tpu.memory_space<vmem>> -> memref<128xi32, #tpu.memory_space<vmem>>
    %dma_start3A_39 = tpu.memref_slice %arg3[%dma_start3A, %multiple_of3A] : memref<2x320000xi32, #tpu.memory_space<hbm>> -> memref<1x128xi32, #tpu.memory_space<hbm>>
    %dma_start3A_40 = tpu.memref_squeeze %dma_start3A_39 : memref<1x128xi32, #tpu.memory_space<hbm>> -> memref<128xi32, #tpu.memory_space<hbm>>
    tpu.enqueue_dma source(%dma_start3A_40 : memref<128xi32, #tpu.memory_space<hbm>>) target(%dma_start3A_38 : memref<128xi32, #tpu.memory_space<vmem>>) target_semaphore(%dma_start3A_35 : memref<!tpu.dma_semaphore, #tpu.memory_space<semaphore_mem>>)
    %dma_start3A_41 = arith.constant 1 : i32
    %dma_start3A_42 = arith.constant 0 : i32
    %dma_start3A_43 = arith.constant 0 : i32
    %dma_start3A_44 = arith.constant 0 : i32
    %dma_start3A_45 = tpu.memref_slice %arg7[%dma_start3A_42, %dma_start3A_44] : memref<6x128xi32, #tpu.memory_space<vmem>> -> memref<1x128xi32, #tpu.memory_space<vmem>>
    %dma_start3A_46 = tpu.memref_squeeze %dma_start3A_45 : memref<1x128xi32, #tpu.memory_space<vmem>> -> memref<128xi32, #tpu.memory_space<vmem>>
    %dma_start3A_47 = tpu.memref_slice %arg3[%dma_start3A_41, %multiple_of3A] : memref<2x320000xi32, #tpu.memory_space<hbm>> -> memref<1x128xi32, #tpu.memory_space<hbm>>
    %dma_start3A_48 = tpu.memref_squeeze %dma_start3A_47 : memref<1x128xi32, #tpu.memory_space<hbm>> -> memref<128xi32, #tpu.memory_space<hbm>>
    %dma_start3A_49 = tpu.memref_slice %arg10[%dma_start3A_43] : memref<6x!tpu.dma_semaphore, #tpu.memory_space<semaphore_mem>> -> memref<1x!tpu.dma_semaphore, #tpu.memory_space<semaphore_mem>>
    %dma_start3A_50 = tpu.memref_squeeze %dma_start3A_49 : memref<1x!tpu.dma_semaphore, #tpu.memory_space<semaphore_mem>> -> memref<!tpu.dma_semaphore, #tpu.memory_space<semaphore_mem>>
    %dma_start3A_51 = arith.constant 0 : i32
    %dma_start3A_52 = tpu.memref_slice %arg7[%dma_start3A_42, %dma_start3A_51] : memref<6x128xi32, #tpu.memory_space<vmem>> -> memref<1x128xi32, #tpu.memory_space<vmem>>
    %dma_start3A_53 = tpu.memref_squeeze %dma_start3A_52 : memref<1x128xi32, #tpu.memory_space<vmem>> -> memref<128xi32, #tpu.memory_space<vmem>>
    %dma_start3A_54 = tpu.memref_slice %arg3[%dma_start3A_41, %multiple_of3A] : memref<2x320000xi32, #tpu.memory_space<hbm>> -> memref<1x128xi32, #tpu.memory_space<hbm>>
    %dma_start3A_55 = tpu.memref_squeeze %dma_start3A_54 : memref<1x128xi32, #tpu.memory_space<hbm>> -> memref<128xi32, #tpu.memory_space<hbm>>
    tpu.enqueue_dma source(%dma_start3A_55 : memref<128xi32, #tpu.memory_space<hbm>>) target(%dma_start3A_53 : memref<128xi32, #tpu.memory_space<vmem>>) target_semaphore(%dma_start3A_50 : memref<!tpu.dma_semaphore, #tpu.memory_space<semaphore_mem>>)
    %add3A_56 = arith.constant 32 : i32
    %add3A_57 = arith.addi %add3A, %add3A_56 : i32
    %mul3A_58 = arith.constant 128 : i32
    %mul3A_59 = arith.muli %add3A_57, %mul3A_58 : i32
    %multiple_of3A_60 = tpu.assume_multiple %mul3A_59, 8 : i32
    %dma_start3A_61 = arith.constant 0 : i32
    %dma_start3A_62 = arith.constant 1 : i32
    %dma_start3A_63 = arith.constant 1 : i32
    %dma_start3A_64 = arith.constant 0 : i32
    %dma_start3A_65 = tpu.memref_slice %arg6[%dma_start3A_62, %dma_start3A_64] : memref<6x128xi32, #tpu.memory_space<vmem>> -> memref<1x128xi32, #tpu.memory_space<vmem>>
    %dma_start3A_66 = tpu.memref_squeeze %dma_start3A_65 : memref<1x128xi32, #tpu.memory_space<vmem>> -> memref<128xi32, #tpu.memory_space<vmem>>
    %dma_start3A_67 = tpu.memref_slice %arg3[%dma_start3A_61, %multiple_of3A_60] : memref<2x320000xi32, #tpu.memory_space<hbm>> -> memref<1x128xi32, #tpu.memory_space<hbm>>
    %dma_start3A_68 = tpu.memref_squeeze %dma_start3A_67 : memref<1x128xi32, #tpu.memory_space<hbm>> -> memref<128xi32, #tpu.memory_space<hbm>>
    %dma_start3A_69 = tpu.memref_slice %arg9[%dma_start3A_63] : memref<6x!tpu.dma_semaphore, #tpu.memory_space<semaphore_mem>> -> memref<1x!tpu.dma_semaphore, #tpu.memory_space<semaphore_mem>>
    %dma_start3A_70 = tpu.memref_squeeze %dma_start3A_69 : memref<1x!tpu.dma_semaphore, #tpu.memory_space<semaphore_mem>> -> memref<!tpu.dma_semaphore, #tpu.memory_space<semaphore_mem>>
    %dma_start3A_71 = arith.constant 0 : i32
    %dma_start3A_72 = tpu.memref_slice %arg6[%dma_start3A_62, %dma_start3A_71] : memref<6x128xi32, #tpu.memory_space<vmem>> -> memref<1x128xi32, #tpu.memory_space<vmem>>
    %dma_start3A_73 = tpu.memref_squeeze %dma_start3A_72 : memref<1x128xi32, #tpu.memory_space<vmem>> -> memref<128xi32, #tpu.memory_space<vmem>>
    %dma_start3A_74 = tpu.memref_slice %arg3[%dma_start3A_61, %multiple_of3A_60] : memref<2x320000xi32, #tpu.memory_space<hbm>> -> memref<1x128xi32, #tpu.memory_space<hbm>>
    %dma_start3A_75 = tpu.memref_squeeze %dma_start3A_74 : memref<1x128xi32, #tpu.memory_space<hbm>> -> memref<128xi32, #tpu.memory_space<hbm>>
    tpu.enqueue_dma source(%dma_start3A_75 : memref<128xi32, #tpu.memory_space<hbm>>) target(%dma_start3A_73 : memref<128xi32, #tpu.memory_space<vmem>>) target_semaphore(%dma_start3A_70 : memref<!tpu.dma_semaphore, #tpu.memory_space<semaphore_mem>>)
    %dma_start3A_76 = arith.constant 1 : i32
    %dma_start3A_77 = arith.constant 1 : i32
    %dma_start3A_78 = arith.constant 1 : i32
    %dma_start3A_79 = arith.constant 0 : i32
    %dma_start3A_80 = tpu.memref_slice %arg7[%dma_start3A_77, %dma_start3A_79] : memref<6x128xi32, #tpu.memory_space<vmem>> -> memref<1x128xi32, #tpu.memory_space<vmem>>
    %dma_start3A_81 = tpu.memref_squeeze %dma_start3A_80 : memref<1x128xi32, #tpu.memory_space<vmem>> -> memref<128xi32, #tpu.memory_space<vmem>>
    %dma_start3A_82 = tpu.memref_slice %arg3[%dma_start3A_76, %multiple_of3A_60] : memref<2x320000xi32, #tpu.memory_space<hbm>> -> memref<1x128xi32, #tpu.memory_space<hbm>>
    %dma_start3A_83 = tpu.memref_squeeze %dma_start3A_82 : memref<1x128xi32, #tpu.memory_space<hbm>> -> memref<128xi32, #tpu.memory_space<hbm>>
    %dma_start3A_84 = tpu.memref_slice %arg10[%dma_start3A_78] : memref<6x!tpu.dma_semaphore, #tpu.memory_space<semaphore_mem>> -> memref<1x!tpu.dma_semaphore, #tpu.memory_space<semaphore_mem>>
    %dma_start3A_85 = tpu.memref_squeeze %dma_start3A_84 : memref<1x!tpu.dma_semaphore, #tpu.memory_space<semaphore_mem>> -> memref<!tpu.dma_semaphore, #tpu.memory_space<semaphore_mem>>
    %dma_start3A_86 = arith.constant 0 : i32
    %dma_start3A_87 = tpu.memref_slice %arg7[%dma_start3A_77, %dma_start3A_86] : memref<6x128xi32, #tpu.memory_space<vmem>> -> memref<1x128xi32, #tpu.memory_space<vmem>>
    %dma_start3A_88 = tpu.memref_squeeze %dma_start3A_87 : memref<1x128xi32, #tpu.memory_space<vmem>> -> memref<128xi32, #tpu.memory_space<vmem>>
    %dma_start3A_89 = tpu.memref_slice %arg3[%dma_start3A_76, %multiple_of3A_60] : memref<2x320000xi32, #tpu.memory_space<hbm>> -> memref<1x128xi32, #tpu.memory_space<hbm>>
    %dma_start3A_90 = tpu.memref_squeeze %dma_start3A_89 : memref<1x128xi32, #tpu.memory_space<hbm>> -> memref<128xi32, #tpu.memory_space<hbm>>
    tpu.enqueue_dma source(%dma_start3A_90 : memref<128xi32, #tpu.memory_space<hbm>>) target(%dma_start3A_88 : memref<128xi32, #tpu.memory_space<vmem>>) target_semaphore(%dma_start3A_85 : memref<!tpu.dma_semaphore, #tpu.memory_space<semaphore_mem>>)
    %scan3A = arith.constant 0 : i32
    %scan3A_91 = arith.constant 0 : i32
    %scan3A_92 = arith.constant 128 : i32
    %scan3A_93 = arith.addi %scan3A_91, %scan3A_92 : i32
    %scan3A_94 = arith.constant 1 : i32
    scf.for %scan3A_169 = %scan3A_91 to %scan3A_93 step %scan3A_94  : i32 {
      %broadcast_in_dim3A = arith.constant 0.000000e+00 : f32
      %broadcast_in_dim3A_170 = vector.broadcast %broadcast_in_dim3A : f32 to vector<16xf32>
      %swap3A = arith.constant 1 : i32
      %swap3A_171 = arith.index_cast %swap3A : i32 to index
      %swap3A_172 = arith.index_cast %scan3A_169 : i32 to index
      %swap3A_173 = arith.constant 0 : index
      %swap3A_174 = tpu.vector_load %arg5[%swap3A_171, %swap3A_172, %swap3A_173] {strides = array<i32>} : memref<2x128x128xf32, #tpu.memory_space<vmem>>, vector<1x1x16xf32>,
      %swap3A_175 = vector.shape_cast %swap3A_174 : vector<1x1x16xf32> to vector<16xf32>
      %swap3A_176 = vector.shape_cast %broadcast_in_dim3A_170 : vector<16xf32> to vector<1x1x16xf32>
      tpu.vector_store %arg5[%swap3A_171, %swap3A_172, %swap3A_173], %swap3A_176 {strides = array<i32>} : memref<2x128x128xf32, #tpu.memory_space<vmem>>, vector<1x1x16xf32>,
      %broadcast_in_dim3A_177 = arith.constant 0.000000e+00 : f32
      %broadcast_in_dim3A_178 = vector.broadcast %broadcast_in_dim3A_177 : f32 to vector<16xf32>
      %swap3A_179 = arith.constant 1 : i32
      %swap3A_180 = arith.index_cast %swap3A_179 : i32 to index
      %swap3A_181 = arith.index_cast %scan3A_169 : i32 to index
      %swap3A_182 = arith.constant 16 : index
      %swap3A_183 = tpu.vector_load %arg5[%swap3A_180, %swap3A_181, %swap3A_182] {strides = array<i32>} : memref<2x128x128xf32, #tpu.memory_space<vmem>>, vector<1x1x16xf32>,
      %swap3A_184 = vector.shape_cast %swap3A_183 : vector<1x1x16xf32> to vector<16xf32>
      %swap3A_185 = vector.shape_cast %broadcast_in_dim3A_178 : vector<16xf32> to vector<1x1x16xf32>
      tpu.vector_store %arg5[%swap3A_180, %swap3A_181, %swap3A_182], %swap3A_185 {strides = array<i32>} : memref<2x128x128xf32, #tpu.memory_space<vmem>>, vector<1x1x16xf32>,
      %broadcast_in_dim3A_186 = arith.constant 0.000000e+00 : f32
      %broadcast_in_dim3A_187 = vector.broadcast %broadcast_in_dim3A_186 : f32 to vector<16xf32>
      %swap3A_188 = arith.constant 1 : i32
      %swap3A_189 = arith.index_cast %swap3A_188 : i32 to index
      %swap3A_190 = arith.index_cast %scan3A_169 : i32 to index
      %swap3A_191 = arith.constant 32 : index
      %swap3A_192 = tpu.vector_load %arg5[%swap3A_189, %swap3A_190, %swap3A_191] {strides = array<i32>} : memref<2x128x128xf32, #tpu.memory_space<vmem>>, vector<1x1x16xf32>,
      %swap3A_193 = vector.shape_cast %swap3A_192 : vector<1x1x16xf32> to vector<16xf32>
      %swap3A_194 = vector.shape_cast %broadcast_in_dim3A_187 : vector<16xf32> to vector<1x1x16xf32>
      tpu.vector_store %arg5[%swap3A_189, %swap3A_190, %swap3A_191], %swap3A_194 {strides = array<i32>} : memref<2x128x128xf32, #tpu.memory_space<vmem>>, vector<1x1x16xf32>,
      %broadcast_in_dim3A_195 = arith.constant 0.000000e+00 : f32
      %broadcast_in_dim3A_196 = vector.broadcast %broadcast_in_dim3A_195 : f32 to vector<16xf32>
      %swap3A_197 = arith.constant 1 : i32
      %swap3A_198 = arith.index_cast %swap3A_197 : i32 to index
      %swap3A_199 = arith.index_cast %scan3A_169 : i32 to index
      %swap3A_200 = arith.constant 48 : index
      %swap3A_201 = tpu.vector_load %arg5[%swap3A_198, %swap3A_199, %swap3A_200] {strides = array<i32>} : memref<2x128x128xf32, #tpu.memory_space<vmem>>, vector<1x1x16xf32>,
      %swap3A_202 = vector.shape_cast %swap3A_201 : vector<1x1x16xf32> to vector<16xf32>
      %swap3A_203 = vector.shape_cast %broadcast_in_dim3A_196 : vector<16xf32> to vector<1x1x16xf32>
      tpu.vector_store %arg5[%swap3A_198, %swap3A_199, %swap3A_200], %swap3A_203 {strides = array<i32>} : memref<2x128x128xf32, #tpu.memory_space<vmem>>, vector<1x1x16xf32>,
      %broadcast_in_dim3A_204 = arith.constant 0.000000e+00 : f32
      %broadcast_in_dim3A_205 = vector.broadcast %broadcast_in_dim3A_204 : f32 to vector<16xf32>
      %swap3A_206 = arith.constant 1 : i32
      %swap3A_207 = arith.index_cast %swap3A_206 : i32 to index
      %swap3A_208 = arith.index_cast %scan3A_169 : i32 to index
      %swap3A_209 = arith.constant 64 : index
      %swap3A_210 = tpu.vector_load %arg5[%swap3A_207, %swap3A_208, %swap3A_209] {strides = array<i32>} : memref<2x128x128xf32, #tpu.memory_space<vmem>>, vector<1x1x16xf32>,
      %swap3A_211 = vector.shape_cast %swap3A_210 : vector<1x1x16xf32> to vector<16xf32>
      %swap3A_212 = vector.shape_cast %broadcast_in_dim3A_205 : vector<16xf32> to vector<1x1x16xf32>
      tpu.vector_store %arg5[%swap3A_207, %swap3A_208, %swap3A_209], %swap3A_212 {strides = array<i32>} : memref<2x128x128xf32, #tpu.memory_space<vmem>>, vector<1x1x16xf32>,
      %broadcast_in_dim3A_213 = arith.constant 0.000000e+00 : f32
      %broadcast_in_dim3A_214 = vector.broadcast %broadcast_in_dim3A_213 : f32 to vector<16xf32>
      %swap3A_215 = arith.constant 1 : i32
      %swap3A_216 = arith.index_cast %swap3A_215 : i32 to index
      %swap3A_217 = arith.index_cast %scan3A_169 : i32 to index
      %swap3A_218 = arith.constant 80 : index
      %swap3A_219 = tpu.vector_load %arg5[%swap3A_216, %swap3A_217, %swap3A_218] {strides = array<i32>} : memref<2x128x128xf32, #tpu.memory_space<vmem>>, vector<1x1x16xf32>,
      %swap3A_220 = vector.shape_cast %swap3A_219 : vector<1x1x16xf32> to vector<16xf32>
      %swap3A_221 = vector.shape_cast %broadcast_in_dim3A_214 : vector<16xf32> to vector<1x1x16xf32>
      tpu.vector_store %arg5[%swap3A_216, %swap3A_217, %swap3A_218], %swap3A_221 {strides = array<i32>} : memref<2x128x128xf32, #tpu.memory_space<vmem>>, vector<1x1x16xf32>,
      %broadcast_in_dim3A_222 = arith.constant 0.000000e+00 : f32
      %broadcast_in_dim3A_223 = vector.broadcast %broadcast_in_dim3A_222 : f32 to vector<16xf32>
      %swap3A_224 = arith.constant 1 : i32
      %swap3A_225 = arith.index_cast %swap3A_224 : i32 to index
      %swap3A_226 = arith.index_cast %scan3A_169 : i32 to index
      %swap3A_227 = arith.constant 96 : index
      %swap3A_228 = tpu.vector_load %arg5[%swap3A_225, %swap3A_226, %swap3A_227] {strides = array<i32>} : memref<2x128x128xf32, #tpu.memory_space<vmem>>, vector<1x1x16xf32>,
      %swap3A_229 = vector.shape_cast %swap3A_228 : vector<1x1x16xf32> to vector<16xf32>
      %swap3A_230 = vector.shape_cast %broadcast_in_dim3A_223 : vector<16xf32> to vector<1x1x16xf32>
      tpu.vector_store %arg5[%swap3A_225, %swap3A_226, %swap3A_227], %swap3A_230 {strides = array<i32>} : memref<2x128x128xf32, #tpu.memory_space<vmem>>, vector<1x1x16xf32>,
      %broadcast_in_dim3A_231 = arith.constant 0.000000e+00 : f32
      %broadcast_in_dim3A_232 = vector.broadcast %broadcast_in_dim3A_231 : f32 to vector<16xf32>
      %swap3A_233 = arith.constant 1 : i32
      %swap3A_234 = arith.index_cast %swap3A_233 : i32 to index
      %swap3A_235 = arith.index_cast %scan3A_169 : i32 to index
      %swap3A_236 = arith.constant 112 : index
      %swap3A_237 = tpu.vector_load %arg5[%swap3A_234, %swap3A_235, %swap3A_236] {strides = array<i32>} : memref<2x128x128xf32, #tpu.memory_space<vmem>>, vector<1x1x16xf32>,
      %swap3A_238 = vector.shape_cast %swap3A_237 : vector<1x1x16xf32> to vector<16xf32>
      %swap3A_239 = vector.shape_cast %broadcast_in_dim3A_232 : vector<16xf32> to vector<1x1x16xf32>
      tpu.vector_store %arg5[%swap3A_234, %swap3A_235, %swap3A_236], %swap3A_239 {strides = array<i32>} : memref<2x128x128xf32, #tpu.memory_space<vmem>>, vector<1x1x16xf32>,
    }
    %scan3A_95 = arith.constant 128 : i32
    %mul3A_96 = arith.constant 640 : i32
    %mul3A_97 = arith.muli %arg1, %mul3A_96 : i32
    %add3A_98 = arith.constant 0 : i32
    %add3A_99 = arith.addi %mul3A_97, %add3A_98 : i32
    %run_scoped3A = arith.constant 1 : i32
    "tpu.region"() ({
      %run_scoped3A_169 = tpu.sem_alloc : memref<!tpu.dma_semaphore, #tpu.memory_space<semaphore_mem>>
      %dma_start3A_170 = arith.constant 0 : i32
      %dma_start3A_171 = arith.constant 0 : i32
      %dma_start3A_172 = tpu.memref_slice %arg5[%run_scoped3A, %dma_start3A_170, %dma_start3A_171] : memref<2x128x128xf32, #tpu.memory_space<vmem>> -> memref<1x128x128xf32, #tpu.memory_space<vmem>>
      %dma_start3A_173 = tpu.memref_squeeze %dma_start3A_172 : memref<1x128x128xf32, #tpu.memory_space<vmem>> -> memref<128x128xf32, #tpu.memory_space<vmem>>
      %dma_start3A_174 = arith.constant 0 : i32
      %dma_start3A_175 = tpu.memref_slice %arg8[%add3A_99, %dma_start3A_174] : memref<10240x128xf32, #tpu.memory_space<vmem_shared>> -> memref<128x128xf32, #tpu.memory_space<vmem_shared>>
      %dma_start3A_176 = arith.constant 0 : i32
      %dma_start3A_177 = tpu.memref_slice %arg8[%add3A_99, %dma_start3A_176] : memref<10240x128xf32, #tpu.memory_space<vmem_shared>> -> memref<128x128xf32, #tpu.memory_space<vmem_shared>>
      %dma_start3A_178 = arith.constant 0 : i32
      %dma_start3A_179 = arith.constant 0 : i32
      %dma_start3A_180 = tpu.memref_slice %arg5[%run_scoped3A, %dma_start3A_178, %dma_start3A_179] : memref<2x128x128xf32, #tpu.memory_space<vmem>> -> memref<1x128x128xf32, #tpu.memory_space<vmem>>
      %dma_start3A_181 = tpu.memref_squeeze %dma_start3A_180 : memref<1x128x128xf32, #tpu.memory_space<vmem>> -> memref<128x128xf32, #tpu.memory_space<vmem>>
      tpu.enqueue_dma source(%dma_start3A_181 : memref<128x128xf32, #tpu.memory_space<vmem>>) target(%dma_start3A_177 : memref<128x128xf32, #tpu.memory_space<vmem_shared>>) target_semaphore(%run_scoped3A_169 : memref<!tpu.dma_semaphore, #tpu.memory_space<semaphore_mem>>)
      %dma_wait3A_182 = arith.constant 0 : i32
      %dma_wait3A_183 = arith.constant 0 : i32
      %dma_wait3A_184 = tpu.memref_slice %arg5[%run_scoped3A, %dma_wait3A_182, %dma_wait3A_183] : memref<2x128x128xf32, #tpu.memory_space<vmem>> -> memref<1x128x128xf32, #tpu.memory_space<vmem>>
      %dma_wait3A_185 = tpu.memref_squeeze %dma_wait3A_184 : memref<1x128x128xf32, #tpu.memory_space<vmem>> -> memref<128x128xf32, #tpu.memory_space<vmem>>
      %dma_wait3A_186 = arith.constant 0 : i32
      %dma_wait3A_187 = tpu.memref_slice %arg8[%add3A_99, %dma_wait3A_186] : memref<10240x128xf32, #tpu.memory_space<vmem_shared>> -> memref<128x128xf32, #tpu.memory_space<vmem_shared>>
      %dma_wait3A_188 = arith.constant 0 : i32
      %dma_wait3A_189 = tpu.memref_slice %arg8[%add3A_99, %dma_wait3A_188] : memref<10240x128xf32, #tpu.memory_space<vmem_shared>> -> memref<128x128xf32, #tpu.memory_space<vmem_shared>>
      %dma_wait3A_190 = arith.constant 0 : i32
      %dma_wait3A_191 = arith.constant 0 : i32
      %dma_wait3A_192 = tpu.memref_slice %arg5[%run_scoped3A, %dma_wait3A_190, %dma_wait3A_191] : memref<2x128x128xf32, #tpu.memory_space<vmem>> -> memref<1x128x128xf32, #tpu.memory_space<vmem>>
      %dma_wait3A_193 = tpu.memref_squeeze %dma_wait3A_192 : memref<1x128x128xf32, #tpu.memory_space<vmem>> -> memref<128x128xf32, #tpu.memory_space<vmem>>
      tpu.wait_dma2 semaphore(%run_scoped3A_169 : memref<!tpu.dma_semaphore, #tpu.memory_space<semaphore_mem>>) src(%dma_wait3A_193 : memref<128x128xf32, #tpu.memory_space<vmem>>) dst(%dma_wait3A_189 : memref<128x128xf32, #tpu.memory_space<vmem_shared>>)
      tpu.yield
    }) : () -> ()
    %add3A_100 = arith.constant 128 : i32
    %add3A_101 = arith.addi %mul3A_97, %add3A_100 : i32
    %run_scoped3A_102 = arith.constant 1 : i32
    "tpu.region"() ({
      %run_scoped3A_169 = tpu.sem_alloc : memref<!tpu.dma_semaphore, #tpu.memory_space<semaphore_mem>>
      %dma_start3A_170 = arith.constant 0 : i32
      %dma_start3A_171 = arith.constant 0 : i32
      %dma_start3A_172 = tpu.memref_slice %arg5[%run_scoped3A_102, %dma_start3A_170, %dma_start3A_171] : memref<2x128x128xf32, #tpu.memory_space<vmem>> -> memref<1x128x128xf32, #tpu.memory_space<vmem>>
      %dma_start3A_173 = tpu.memref_squeeze %dma_start3A_172 : memref<1x128x128xf32, #tpu.memory_space<vmem>> -> memref<128x128xf32, #tpu.memory_space<vmem>>
      %dma_start3A_174 = arith.constant 0 : i32
      %dma_start3A_175 = tpu.memref_slice %arg8[%add3A_101, %dma_start3A_174] : memref<10240x128xf32, #tpu.memory_space<vmem_shared>> -> memref<128x128xf32, #tpu.memory_space<vmem_shared>>
      %dma_start3A_176 = arith.constant 0 : i32
      %dma_start3A_177 = tpu.memref_slice %arg8[%add3A_101, %dma_start3A_176] : memref<10240x128xf32, #tpu.memory_space<vmem_shared>> -> memref<128x128xf32, #tpu.memory_space<vmem_shared>>
      %dma_start3A_178 = arith.constant 0 : i32
      %dma_start3A_179 = arith.constant 0 : i32
      %dma_start3A_180 = tpu.memref_slice %arg5[%run_scoped3A_102, %dma_start3A_178, %dma_start3A_179] : memref<2x128x128xf32, #tpu.memory_space<vmem>> -> memref<1x128x128xf32, #tpu.memory_space<vmem>>
      %dma_start3A_181 = tpu.memref_squeeze %dma_start3A_180 : memref<1x128x128xf32, #tpu.memory_space<vmem>> -> memref<128x128xf32, #tpu.memory_space<vmem>>
      tpu.enqueue_dma source(%dma_start3A_181 : memref<128x128xf32, #tpu.memory_space<vmem>>) target(%dma_start3A_177 : memref<128x128xf32, #tpu.memory_space<vmem_shared>>) target_semaphore(%run_scoped3A_169 : memref<!tpu.dma_semaphore, #tpu.memory_space<semaphore_mem>>)
      %dma_wait3A_182 = arith.constant 0 : i32
      %dma_wait3A_183 = arith.constant 0 : i32
      %dma_wait3A_184 = tpu.memref_slice %arg5[%run_scoped3A_102, %dma_wait3A_182, %dma_wait3A_183] : memref<2x128x128xf32, #tpu.memory_space<vmem>> -> memref<1x128x128xf32, #tpu.memory_space<vmem>>
      %dma_wait3A_185 = tpu.memref_squeeze %dma_wait3A_184 : memref<1x128x128xf32, #tpu.memory_space<vmem>> -> memref<128x128xf32, #tpu.memory_space<vmem>>
      %dma_wait3A_186 = arith.constant 0 : i32
      %dma_wait3A_187 = tpu.memref_slice %arg8[%add3A_101, %dma_wait3A_186] : memref<10240x128xf32, #tpu.memory_space<vmem_shared>> -> memref<128x128xf32, #tpu.memory_space<vmem_shared>>
      %dma_wait3A_188 = arith.constant 0 : i32
      %dma_wait3A_189 = tpu.memref_slice %arg8[%add3A_101, %dma_wait3A_188] : memref<10240x128xf32, #tpu.memory_space<vmem_shared>> -> memref<128x128xf32, #tpu.memory_space<vmem_shared>>
      %dma_wait3A_190 = arith.constant 0 : i32
      %dma_wait3A_191 = arith.constant 0 : i32
      %dma_wait3A_192 = tpu.memref_slice %arg5[%run_scoped3A_102, %dma_wait3A_190, %dma_wait3A_191] : memref<2x128x128xf32, #tpu.memory_space<vmem>> -> memref<1x128x128xf32, #tpu.memory_space<vmem>>
      %dma_wait3A_193 = tpu.memref_squeeze %dma_wait3A_192 : memref<1x128x128xf32, #tpu.memory_space<vmem>> -> memref<128x128xf32, #tpu.memory_space<vmem>>
      tpu.wait_dma2 semaphore(%run_scoped3A_169 : memref<!tpu.dma_semaphore, #tpu.memory_space<semaphore_mem>>) src(%dma_wait3A_193 : memref<128x128xf32, #tpu.memory_space<vmem>>) dst(%dma_wait3A_189 : memref<128x128xf32, #tpu.memory_space<vmem_shared>>)
      tpu.yield
    }) : () -> ()
    %add3A_103 = arith.constant 256 : i32
    %add3A_104 = arith.addi %mul3A_97, %add3A_103 : i32
    %run_scoped3A_105 = arith.constant 1 : i32
    "tpu.region"() ({
      %run_scoped3A_169 = tpu.sem_alloc : memref<!tpu.dma_semaphore, #tpu.memory_space<semaphore_mem>>
      %dma_start3A_170 = arith.constant 0 : i32
      %dma_start3A_171 = arith.constant 0 : i32
      %dma_start3A_172 = tpu.memref_slice %arg5[%run_scoped3A_105, %dma_start3A_170, %dma_start3A_171] : memref<2x128x128xf32, #tpu.memory_space<vmem>> -> memref<1x128x128xf32, #tpu.memory_space<vmem>>
      %dma_start3A_173 = tpu.memref_squeeze %dma_start3A_172 : memref<1x128x128xf32, #tpu.memory_space<vmem>> -> memref<128x128xf32, #tpu.memory_space<vmem>>
      %dma_start3A_174 = arith.constant 0 : i32
      %dma_start3A_175 = tpu.memref_slice %arg8[%add3A_104, %dma_start3A_174] : memref<10240x128xf32, #tpu.memory_space<vmem_shared>> -> memref<128x128xf32, #tpu.memory_space<vmem_shared>>
      %dma_start3A_176 = arith.constant 0 : i32
      %dma_start3A_177 = tpu.memref_slice %arg8[%add3A_104, %dma_start3A_176] : memref<10240x128xf32, #tpu.memory_space<vmem_shared>> -> memref<128x128xf32, #tpu.memory_space<vmem_shared>>
      %dma_start3A_178 = arith.constant 0 : i32
      %dma_start3A_179 = arith.constant 0 : i32
      %dma_start3A_180 = tpu.memref_slice %arg5[%run_scoped3A_105, %dma_start3A_178, %dma_start3A_179] : memref<2x128x128xf32, #tpu.memory_space<vmem>> -> memref<1x128x128xf32, #tpu.memory_space<vmem>>
      %dma_start3A_181 = tpu.memref_squeeze %dma_start3A_180 : memref<1x128x128xf32, #tpu.memory_space<vmem>> -> memref<128x128xf32, #tpu.memory_space<vmem>>
      tpu.enqueue_dma source(%dma_start3A_181 : memref<128x128xf32, #tpu.memory_space<vmem>>) target(%dma_start3A_177 : memref<128x128xf32, #tpu.memory_space<vmem_shared>>) target_semaphore(%run_scoped3A_169 : memref<!tpu.dma_semaphore, #tpu.memory_space<semaphore_mem>>)
      %dma_wait3A_182 = arith.constant 0 : i32
      %dma_wait3A_183 = arith.constant 0 : i32
      %dma_wait3A_184 = tpu.memref_slice %arg5[%run_scoped3A_105, %dma_wait3A_182, %dma_wait3A_183] : memref<2x128x128xf32, #tpu.memory_space<vmem>> -> memref<1x128x128xf32, #tpu.memory_space<vmem>>
      %dma_wait3A_185 = tpu.memref_squeeze %dma_wait3A_184 : memref<1x128x128xf32, #tpu.memory_space<vmem>> -> memref<128x128xf32, #tpu.memory_space<vmem>>
      %dma_wait3A_186 = arith.constant 0 : i32
      %dma_wait3A_187 = tpu.memref_slice %arg8[%add3A_104, %dma_wait3A_186] : memref<10240x128xf32, #tpu.memory_space<vmem_shared>> -> memref<128x128xf32, #tpu.memory_space<vmem_shared>>
      %dma_wait3A_188 = arith.constant 0 : i32
      %dma_wait3A_189 = tpu.memref_slice %arg8[%add3A_104, %dma_wait3A_188] : memref<10240x128xf32, #tpu.memory_space<vmem_shared>> -> memref<128x128xf32, #tpu.memory_space<vmem_shared>>
      %dma_wait3A_190 = arith.constant 0 : i32
      %dma_wait3A_191 = arith.constant 0 : i32
      %dma_wait3A_192 = tpu.memref_slice %arg5[%run_scoped3A_105, %dma_wait3A_190, %dma_wait3A_191] : memref<2x128x128xf32, #tpu.memory_space<vmem>> -> memref<1x128x128xf32, #tpu.memory_space<vmem>>
      %dma_wait3A_193 = tpu.memref_squeeze %dma_wait3A_192 : memref<1x128x128xf32, #tpu.memory_space<vmem>> -> memref<128x128xf32, #tpu.memory_space<vmem>>
      tpu.wait_dma2 semaphore(%run_scoped3A_169 : memref<!tpu.dma_semaphore, #tpu.memory_space<semaphore_mem>>) src(%dma_wait3A_193 : memref<128x128xf32, #tpu.memory_space<vmem>>) dst(%dma_wait3A_189 : memref<128x128xf32, #tpu.memory_space<vmem_shared>>)
      tpu.yield
    }) : () -> ()
    %add3A_106 = arith.constant 384 : i32
    %add3A_107 = arith.addi %mul3A_97, %add3A_106 : i32
    %run_scoped3A_108 = arith.constant 1 : i32
    "tpu.region"() ({
      %run_scoped3A_169 = tpu.sem_alloc : memref<!tpu.dma_semaphore, #tpu.memory_space<semaphore_mem>>
      %dma_start3A_170 = arith.constant 0 : i32
      %dma_start3A_171 = arith.constant 0 : i32
      %dma_start3A_172 = tpu.memref_slice %arg5[%run_scoped3A_108, %dma_start3A_170, %dma_start3A_171] : memref<2x128x128xf32, #tpu.memory_space<vmem>> -> memref<1x128x128xf32, #tpu.memory_space<vmem>>
      %dma_start3A_173 = tpu.memref_squeeze %dma_start3A_172 : memref<1x128x128xf32, #tpu.memory_space<vmem>> -> memref<128x128xf32, #tpu.memory_space<vmem>>
      %dma_start3A_174 = arith.constant 0 : i32
      %dma_start3A_175 = tpu.memref_slice %arg8[%add3A_107, %dma_start3A_174] : memref<10240x128xf32, #tpu.memory_space<vmem_shared>> -> memref<128x128xf32, #tpu.memory_space<vmem_shared>>
      %dma_start3A_176 = arith.constant 0 : i32
      %dma_start3A_177 = tpu.memref_slice %arg8[%add3A_107, %dma_start3A_176] : memref<10240x128xf32, #tpu.memory_space<vmem_shared>> -> memref<128x128xf32, #tpu.memory_space<vmem_shared>>
      %dma_start3A_178 = arith.constant 0 : i32
      %dma_start3A_179 = arith.constant 0 : i32
      %dma_start3A_180 = tpu.memref_slice %arg5[%run_scoped3A_108, %dma_start3A_178, %dma_start3A_179] : memref<2x128x128xf32, #tpu.memory_space<vmem>> -> memref<1x128x128xf32, #tpu.memory_space<vmem>>
      %dma_start3A_181 = tpu.memref_squeeze %dma_start3A_180 : memref<1x128x128xf32, #tpu.memory_space<vmem>> -> memref<128x128xf32, #tpu.memory_space<vmem>>
      tpu.enqueue_dma source(%dma_start3A_181 : memref<128x128xf32, #tpu.memory_space<vmem>>) target(%dma_start3A_177 : memref<128x128xf32, #tpu.memory_space<vmem_shared>>) target_semaphore(%run_scoped3A_169 : memref<!tpu.dma_semaphore, #tpu.memory_space<semaphore_mem>>)
      %dma_wait3A_182 = arith.constant 0 : i32
      %dma_wait3A_183 = arith.constant 0 : i32
      %dma_wait3A_184 = tpu.memref_slice %arg5[%run_scoped3A_108, %dma_wait3A_182, %dma_wait3A_183] : memref<2x128x128xf32, #tpu.memory_space<vmem>> -> memref<1x128x128xf32, #tpu.memory_space<vmem>>
      %dma_wait3A_185 = tpu.memref_squeeze %dma_wait3A_184 : memref<1x128x128xf32, #tpu.memory_space<vmem>> -> memref<128x128xf32, #tpu.memory_space<vmem>>
      %dma_wait3A_186 = arith.constant 0 : i32
      %dma_wait3A_187 = tpu.memref_slice %arg8[%add3A_107, %dma_wait3A_186] : memref<10240x128xf32, #tpu.memory_space<vmem_shared>> -> memref<128x128xf32, #tpu.memory_space<vmem_shared>>
      %dma_wait3A_188 = arith.constant 0 : i32
      %dma_wait3A_189 = tpu.memref_slice %arg8[%add3A_107, %dma_wait3A_188] : memref<10240x128xf32, #tpu.memory_space<vmem_shared>> -> memref<128x128xf32, #tpu.memory_space<vmem_shared>>
      %dma_wait3A_190 = arith.constant 0 : i32
      %dma_wait3A_191 = arith.constant 0 : i32
      %dma_wait3A_192 = tpu.memref_slice %arg5[%run_scoped3A_108, %dma_wait3A_190, %dma_wait3A_191] : memref<2x128x128xf32, #tpu.memory_space<vmem>> -> memref<1x128x128xf32, #tpu.memory_space<vmem>>
      %dma_wait3A_193 = tpu.memref_squeeze %dma_wait3A_192 : memref<1x128x128xf32, #tpu.memory_space<vmem>> -> memref<128x128xf32, #tpu.memory_space<vmem>>
      tpu.wait_dma2 semaphore(%run_scoped3A_169 : memref<!tpu.dma_semaphore, #tpu.memory_space<semaphore_mem>>) src(%dma_wait3A_193 : memref<128x128xf32, #tpu.memory_space<vmem>>) dst(%dma_wait3A_189 : memref<128x128xf32, #tpu.memory_space<vmem_shared>>)
      tpu.yield
    }) : () -> ()
    %add3A_109 = arith.constant 512 : i32
    %add3A_110 = arith.addi %mul3A_97, %add3A_109 : i32
    %run_scoped3A_111 = arith.constant 1 : i32
    "tpu.region"() ({
      %run_scoped3A_169 = tpu.sem_alloc : memref<!tpu.dma_semaphore, #tpu.memory_space<semaphore_mem>>
      %dma_start3A_170 = arith.constant 0 : i32
      %dma_start3A_171 = arith.constant 0 : i32
      %dma_start3A_172 = tpu.memref_slice %arg5[%run_scoped3A_111, %dma_start3A_170, %dma_start3A_171] : memref<2x128x128xf32, #tpu.memory_space<vmem>> -> memref<1x128x128xf32, #tpu.memory_space<vmem>>
      %dma_start3A_173 = tpu.memref_squeeze %dma_start3A_172 : memref<1x128x128xf32, #tpu.memory_space<vmem>> -> memref<128x128xf32, #tpu.memory_space<vmem>>
      %dma_start3A_174 = arith.constant 0 : i32
      %dma_start3A_175 = tpu.memref_slice %arg8[%add3A_110, %dma_start3A_174] : memref<10240x128xf32, #tpu.memory_space<vmem_shared>> -> memref<128x128xf32, #tpu.memory_space<vmem_shared>>
      %dma_start3A_176 = arith.constant 0 : i32
      %dma_start3A_177 = tpu.memref_slice %arg8[%add3A_110, %dma_start3A_176] : memref<10240x128xf32, #tpu.memory_space<vmem_shared>> -> memref<128x128xf32, #tpu.memory_space<vmem_shared>>
      %dma_start3A_178 = arith.constant 0 : i32
      %dma_start3A_179 = arith.constant 0 : i32
      %dma_start3A_180 = tpu.memref_slice %arg5[%run_scoped3A_111, %dma_start3A_178, %dma_start3A_179] : memref<2x128x128xf32, #tpu.memory_space<vmem>> -> memref<1x128x128xf32, #tpu.memory_space<vmem>>
      %dma_start3A_181 = tpu.memref_squeeze %dma_start3A_180 : memref<1x128x128xf32, #tpu.memory_space<vmem>> -> memref<128x128xf32, #tpu.memory_space<vmem>>
      tpu.enqueue_dma source(%dma_start3A_181 : memref<128x128xf32, #tpu.memory_space<vmem>>) target(%dma_start3A_177 : memref<128x128xf32, #tpu.memory_space<vmem_shared>>) target_semaphore(%run_scoped3A_169 : memref<!tpu.dma_semaphore, #tpu.memory_space<semaphore_mem>>)
      %dma_wait3A_182 = arith.constant 0 : i32
      %dma_wait3A_183 = arith.constant 0 : i32
      %dma_wait3A_184 = tpu.memref_slice %arg5[%run_scoped3A_111, %dma_wait3A_182, %dma_wait3A_183] : memref<2x128x128xf32, #tpu.memory_space<vmem>> -> memref<1x128x128xf32, #tpu.memory_space<vmem>>
      %dma_wait3A_185 = tpu.memref_squeeze %dma_wait3A_184 : memref<1x128x128xf32, #tpu.memory_space<vmem>> -> memref<128x128xf32, #tpu.memory_space<vmem>>
      %dma_wait3A_186 = arith.constant 0 : i32
      %dma_wait3A_187 = tpu.memref_slice %arg8[%add3A_110, %dma_wait3A_186] : memref<10240x128xf32, #tpu.memory_space<vmem_shared>> -> memref<128x128xf32, #tpu.memory_space<vmem_shared>>
      %dma_wait3A_188 = arith.constant 0 : i32
      %dma_wait3A_189 = tpu.memref_slice %arg8[%add3A_110, %dma_wait3A_188] : memref<10240x128xf32, #tpu.memory_space<vmem_shared>> -> memref<128x128xf32, #tpu.memory_space<vmem_shared>>
      %dma_wait3A_190 = arith.constant 0 : i32
      %dma_wait3A_191 = arith.constant 0 : i32
      %dma_wait3A_192 = tpu.memref_slice %arg5[%run_scoped3A_111, %dma_wait3A_190, %dma_wait3A_191] : memref<2x128x128xf32, #tpu.memory_space<vmem>> -> memref<1x128x128xf32, #tpu.memory_space<vmem>>
      %dma_wait3A_193 = tpu.memref_squeeze %dma_wait3A_192 : memref<1x128x128xf32, #tpu.memory_space<vmem>> -> memref<128x128xf32, #tpu.memory_space<vmem>>
      tpu.wait_dma2 semaphore(%run_scoped3A_169 : memref<!tpu.dma_semaphore, #tpu.memory_space<semaphore_mem>>) src(%dma_wait3A_193 : memref<128x128xf32, #tpu.memory_space<vmem>>) dst(%dma_wait3A_189 : memref<128x128xf32, #tpu.memory_space<vmem_shared>>)
      tpu.yield
    }) : () -> ()
    %mul3A_112 = arith.constant 128 : i32
    %mul3A_113 = arith.muli %add3A, %mul3A_112 : i32
    %multiple_of3A_114 = tpu.assume_multiple %mul3A_113, 8 : i32
    %dma_wait3A = arith.constant 0 : i32
    %dma_wait3A_115 = arith.constant 0 : i32
    %dma_wait3A_116 = arith.constant 0 : i32
    %dma_wait3A_117 = arith.constant 0 : i32
    %dma_wait3A_118 = tpu.memref_slice %arg6[%dma_wait3A_115, %dma_wait3A_117] : memref<6x128xi32, #tpu.memory_space<vmem>> -> memref<1x128xi32, #tpu.memory_space<vmem>>
    %dma_wait3A_119 = tpu.memref_squeeze %dma_wait3A_118 : memref<1x128xi32, #tpu.memory_space<vmem>> -> memref<128xi32, #tpu.memory_space<vmem>>
    %dma_wait3A_120 = tpu.memref_slice %arg3[%dma_wait3A, %multiple_of3A_114] : memref<2x320000xi32, #tpu.memory_space<hbm>> -> memref<1x128xi32, #tpu.memory_space<hbm>>
    %dma_wait3A_121 = tpu.memref_squeeze %dma_wait3A_120 : memref<1x128xi32, #tpu.memory_space<hbm>> -> memref<128xi32, #tpu.memory_space<hbm>>
    %dma_wait3A_122 = tpu.memref_slice %arg9[%dma_wait3A_116] : memref<6x!tpu.dma_semaphore, #tpu.memory_space<semaphore_mem>> -> memref<1x!tpu.dma_semaphore, #tpu.memory_space<semaphore_mem>>
    %dma_wait3A_123 = tpu.memref_squeeze %dma_wait3A_122 : memref<1x!tpu.dma_semaphore, #tpu.memory_space<semaphore_mem>> -> memref<!tpu.dma_semaphore, #tpu.memory_space<semaphore_mem>>
    %dma_wait3A_124 = arith.constant 0 : i32
    %dma_wait3A_125 = tpu.memref_slice %arg6[%dma_wait3A_115, %dma_wait3A_124] : memref<6x128xi32, #tpu.memory_space<vmem>> -> memref<1x128xi32, #tpu.memory_space<vmem>>
    %dma_wait3A_126 = tpu.memref_squeeze %dma_wait3A_125 : memref<1x128xi32, #tpu.memory_space<vmem>> -> memref<128xi32, #tpu.memory_space<vmem>>
    %dma_wait3A_127 = tpu.memref_slice %arg3[%dma_wait3A, %multiple_of3A_114] : memref<2x320000xi32, #tpu.memory_space<hbm>> -> memref<1x128xi32, #tpu.memory_space<hbm>>
    %dma_wait3A_128 = tpu.memref_squeeze %dma_wait3A_127 : memref<1x128xi32, #tpu.memory_space<hbm>> -> memref<128xi32, #tpu.memory_space<hbm>>
    tpu.wait_dma2 semaphore(%dma_wait3A_123 : memref<!tpu.dma_semaphore, #tpu.memory_space<semaphore_mem>>) src(%dma_wait3A_128 : memref<128xi32, #tpu.memory_space<hbm>>) dst(%dma_wait3A_126 : memref<128xi32, #tpu.memory_space<vmem>>)
    %dma_start3A_129 = arith.constant 0 : i32
    %dma_start3A_130 = arith.constant 0 : i32
    %dma_start3A_131 = arith.constant 0 : i32
    %dma_start3A_132 = arith.constant 0 : i32
    %dma_start3A_133 = arith.constant 0 : i32
    %dma_start3A_134 = tpu.memref_slice %arg5[%dma_start3A_130, %dma_start3A_132, %dma_start3A_133] : memref<2x128x128xf32, #tpu.memory_space<vmem>> -> memref<1x128x128xf32, #tpu.memory_space<vmem>>
    %dma_start3A_135 = tpu.memref_squeeze %dma_start3A_134 : memref<1x128x128xf32, #tpu.memory_space<vmem>> -> memref<128x128xf32, #tpu.memory_space<vmem>>
    %dma_start3A_136 = arith.constant 0 : i32
    %dma_start3A_137 = tpu.memref_slice %arg6[%dma_start3A_129, %dma_start3A_136] : memref<6x128xi32, #tpu.memory_space<vmem>> -> memref<1x128xi32, #tpu.memory_space<vmem>>
    %dma_start3A_138 = tpu.memref_squeeze %dma_start3A_137 : memref<1x128xi32, #tpu.memory_space<vmem>> -> memref<128xi32, #tpu.memory_space<vmem>>
    %dma_start3A_139 = arith.constant 0 : i32
    %dma_start3A_140 = arith.constant 0 : i32
    %dma_start3A_141 = tpu.memref_slice %arg2[%dma_start3A_139, %dma_start3A_140] : memref<10000x128xf32, #tpu.memory_space<hbm>> -> memref<10000x128xf32, #tpu.memory_space<hbm>>
    %dma_start3A_142 = tpu.memref_slice %arg11[%dma_start3A_131] : memref<2x!tpu.dma_semaphore, #tpu.memory_space<semaphore_mem>> -> memref<1x!tpu.dma_semaphore, #tpu.memory_space<semaphore_mem>>
    %dma_start3A_143 = tpu.memref_squeeze %dma_start3A_142 : memref<1x!tpu.dma_semaphore, #tpu.memory_space<semaphore_mem>> -> memref<!tpu.dma_semaphore, #tpu.memory_space<semaphore_mem>>
    tpu.enqueue_indirect_dma source(%dma_start3A_141 : memref<10000x128xf32, #tpu.memory_space<hbm>>) target(%dma_start3A_135 : memref<128x128xf32, #tpu.memory_space<vmem>>) offsets(%dma_start3A_138 : memref<128xi32, #tpu.memory_space<vmem>>) semaphore(%dma_start3A_143 : memref<!tpu.dma_semaphore, #tpu.memory_space<semaphore_mem>>)
    %barrier3A = arith.constant 0 : index
    tpu.barrier barrier_id(%barrier3A)
    %while3A = arith.constant 0 : i32
    %while3A_144 = arith.constant 0 : i32
    %while3A_145 = arith.subi %select_n3A, %while3A_144 : i32
    %while3A_146 = arith.addi %while3A_144, %while3A_145 : i32
    %while3A_147 = arith.constant 1 : i32
    %while3A_148 = arith.divsi %while3A_145, %while3A_147 : i32
    %while3A_149 = arith.muli %while3A_148, %while3A_147 : i32
    %while3A_150 = arith.addi %while3A_144, %while3A_149 : i32
    %while3A_151 = arith.constant 1 : i32
    scf.for %while3A_169 = %while3A_144 to %while3A_150 step %while3A_151  : i32 {
      %jit3A_170 = arith.constant 2 : i32
      %eq3A = arith.constant 0 : i32
      %eq3A_171 = arith.cmpi eq, %jit3A_170, %eq3A : i32
      %jit3A_172 = arith.constant 1 : i32
      %select_n3A_173 = arith.select %eq3A_171, %jit3A_172, %jit3A_170 : i32
      %rem3A_174 = arith.remsi %while3A_169, %select_n3A_173 : i32
      %ne3A_175 = arith.constant 0 : i32
      %ne3A_176 = arith.cmpi ne, %rem3A_174, %ne3A_175 : i32
      %lt3A = arith.constant 0 : i32
      %lt3A_177 = arith.cmpi slt, %rem3A_174, %lt3A : i32
      %lt3A_178 = arith.constant 0 : i32
      %lt3A_179 = arith.cmpi slt, %select_n3A_173, %lt3A_178 : i32
      %ne3A_180 = arith.xori %lt3A_177, %lt3A_179 : i1
      %and3A_181 = arith.andi %ne3A_180, %ne3A_176 : i1
      %add3A_182 = arith.addi %rem3A_174, %select_n3A_173 : i32
      %select_n3A_183 = arith.select %and3A_181, %add3A_182, %rem3A_174 : i32
      %jit3A_184 = arith.constant 6 : i32
      %eq3A_185 = arith.constant 0 : i32
      %eq3A_186 = arith.cmpi eq, %jit3A_184, %eq3A_185 : i32
      %jit3A_187 = arith.constant 1 : i32
      %select_n3A_188 = arith.select %eq3A_186, %jit3A_187, %jit3A_184 : i32
      %rem3A_189 = arith.remsi %while3A_169, %select_n3A_188 : i32
      %ne3A_190 = arith.constant 0 : i32
      %ne3A_191 = arith.cmpi ne, %rem3A_189, %ne3A_190 : i32
      %lt3A_192 = arith.constant 0 : i32
      %lt3A_193 = arith.cmpi slt, %rem3A_189, %lt3A_192 : i32
      %lt3A_194 = arith.constant 0 : i32
      %lt3A_195 = arith.cmpi slt, %select_n3A_188, %lt3A_194 : i32
      %ne3A_196 = arith.xori %lt3A_193, %lt3A_195 : i1
      %and3A_197 = arith.andi %ne3A_196, %ne3A_191 : i1
      %add3A_198 = arith.addi %rem3A_189, %select_n3A_188 : i32
      %select_n3A_199 = arith.select %and3A_197, %add3A_198, %rem3A_189 : i32
      %add3A_200 = arith.constant 1 : i32
      %add3A_201 = arith.addi %while3A_169, %add3A_200 : i32
      %lt3A_202 = arith.cmpi slt, %add3A_201, %select_n3A : i32
      %convert_element_type3A_203 = arith.extui %lt3A_202 : i1 to i32
      %cond3A_204 = arith.constant 0 : i32
      %cond3A_205 = arith.cmpi ne, %convert_element_type3A_203, %cond3A_204 : i32
      scf.if %cond3A_205 {
        %add3A_255 = arith.constant 1 : i32
        %add3A_256 = arith.addi %while3A_169, %add3A_255 : i32
        %jit3A_257 = arith.constant 2 : i32
        %eq3A_258 = arith.constant 0 : i32
        %eq3A_259 = arith.cmpi eq, %jit3A_257, %eq3A_258 : i32
        %jit3A_260 = arith.constant 1 : i32
        %select_n3A_261 = arith.select %eq3A_259, %jit3A_260, %jit3A_257 : i32
        %rem3A_262 = arith.remsi %add3A_256, %select_n3A_261 : i32
        %ne3A_263 = arith.constant 0 : i32
        %ne3A_264 = arith.cmpi ne, %rem3A_262, %ne3A_263 : i32
        %lt3A_265 = arith.constant 0 : i32
        %lt3A_266 = arith.cmpi slt, %rem3A_262, %lt3A_265 : i32
        %lt3A_267 = arith.constant 0 : i32
        %lt3A_268 = arith.cmpi slt, %select_n3A_261, %lt3A_267 : i32
        %ne3A_269 = arith.xori %lt3A_266, %lt3A_268 : i1
        %and3A_270 = arith.andi %ne3A_269, %ne3A_264 : i1
        %add3A_271 = arith.addi %rem3A_262, %select_n3A_261 : i32
        %select_n3A_272 = arith.select %and3A_270, %add3A_271, %rem3A_262 : i32
        %add3A_273 = arith.constant 1 : i32
        %add3A_274 = arith.addi %while3A_169, %add3A_273 : i32
        %jit3A_275 = arith.constant 6 : i32
        %eq3A_276 = arith.constant 0 : i32
        %eq3A_277 = arith.cmpi eq, %jit3A_275, %eq3A_276 : i32
        %jit3A_278 = arith.constant 1 : i32
        %select_n3A_279 = arith.select %eq3A_277, %jit3A_278, %jit3A_275 : i32
        %rem3A_280 = arith.remsi %add3A_274, %select_n3A_279 : i32
        %ne3A_281 = arith.constant 0 : i32
        %ne3A_282 = arith.cmpi ne, %rem3A_280, %ne3A_281 : i32
        %lt3A_283 = arith.constant 0 : i32
        %lt3A_284 = arith.cmpi slt, %rem3A_280, %lt3A_283 : i32
        %lt3A_285 = arith.constant 0 : i32
        %lt3A_286 = arith.cmpi slt, %select_n3A_279, %lt3A_285 : i32
        %ne3A_287 = arith.xori %lt3A_284, %lt3A_286 : i1
        %and3A_288 = arith.andi %ne3A_287, %ne3A_282 : i1
        %add3A_289 = arith.addi %rem3A_280, %select_n3A_279 : i32
        %select_n3A_290 = arith.select %and3A_288, %add3A_289, %rem3A_280 : i32
        %add3A_291 = arith.constant 1 : i32
        %add3A_292 = arith.addi %while3A_169, %add3A_291 : i32
        %sub3A_293 = arith.constant 2 : i32
        %sub3A_294 = arith.subi %add3A_292, %sub3A_293 : i32
        %ge3A_295 = arith.constant 0 : i32
        %ge3A_296 = arith.cmpi sge, %sub3A_294, %ge3A_295 : i32
        %convert_element_type3A_297 = arith.extui %ge3A_296 : i1 to i32
        %cond3A_298 = arith.constant 0 : i32
        %cond3A_299 = arith.cmpi ne, %convert_element_type3A_297, %cond3A_298 : i32
        scf.if %cond3A_299 {
          %add3A_333 = arith.constant 1 : i32
          %add3A_334 = arith.addi %while3A_169, %add3A_333 : i32
          %sub3A_335 = arith.constant 2 : i32
          %sub3A_336 = arith.subi %add3A_334, %sub3A_335 : i32
          %jit3A_337 = arith.constant 6 : i32
          %eq3A_338 = arith.constant 0 : i32
          %eq3A_339 = arith.cmpi eq, %jit3A_337, %eq3A_338 : i32
          %jit3A_340 = arith.constant 1 : i32
          %select_n3A_341 = arith.select %eq3A_339, %jit3A_340, %jit3A_337 : i32
          %rem3A_342 = arith.remsi %sub3A_336, %select_n3A_341 : i32
          %ne3A_343 = arith.constant 0 : i32
          %ne3A_344 = arith.cmpi ne, %rem3A_342, %ne3A_343 : i32
          %lt3A_345 = arith.constant 0 : i32
          %lt3A_346 = arith.cmpi slt, %rem3A_342, %lt3A_345 : i32
          %lt3A_347 = arith.constant 0 : i32
          %lt3A_348 = arith.cmpi slt, %select_n3A_341, %lt3A_347 : i32
          %ne3A_349 = arith.xori %lt3A_346, %lt3A_348 : i1
          %and3A_350 = arith.andi %ne3A_349, %ne3A_344 : i1
          %add3A_351 = arith.addi %rem3A_342, %select_n3A_341 : i32
          %select_n3A_352 = arith.select %and3A_350, %add3A_351, %rem3A_342 : i32
          %dma_wait3A_353 = arith.constant 0 : i32
          %dma_wait3A_354 = arith.constant 0 : i32
          %dma_wait3A_355 = tpu.memref_slice %arg5[%select_n3A_272, %dma_wait3A_353, %dma_wait3A_354] : memref<2x128x128xf32, #tpu.memory_space<vmem>> -> memref<1x128x128xf32, #tpu.memory_space<vmem>>
          %dma_wait3A_356 = tpu.memref_squeeze %dma_wait3A_355 : memref<1x128x128xf32, #tpu.memory_space<vmem>> -> memref<128x128xf32, #tpu.memory_space<vmem>>
          %dma_wait3A_357 = arith.constant 0 : i32
          %dma_wait3A_358 = tpu.memref_slice %arg7[%select_n3A_352, %dma_wait3A_357] : memref<6x128xi32, #tpu.memory_space<vmem>> -> memref<1x128xi32, #tpu.memory_space<vmem>>
          %dma_wait3A_359 = tpu.memref_squeeze %dma_wait3A_358 : memref<1x128xi32, #tpu.memory_space<vmem>> -> memref<128xi32, #tpu.memory_space<vmem>>
          %dma_wait3A_360 = arith.constant 0 : i32
          %dma_wait3A_361 = arith.constant 0 : i32
          %dma_wait3A_362 = tpu.memref_slice %arg8[%dma_wait3A_360, %dma_wait3A_361] : memref<10240x128xf32, #tpu.memory_space<vmem_shared>> -> memref<10240x128xf32, #tpu.memory_space<vmem_shared>>
          %dma_wait3A_363 = tpu.memref_slice %arg12[%select_n3A_272] : memref<2x!tpu.dma_semaphore, #tpu.memory_space<semaphore_mem>> -> memref<1x!tpu.dma_semaphore, #tpu.memory_space<semaphore_mem>>
          %dma_wait3A_364 = tpu.memref_squeeze %dma_wait3A_363 : memref<1x!tpu.dma_semaphore, #tpu.memory_space<semaphore_mem>> -> memref<!tpu.dma_semaphore, #tpu.memory_space<semaphore_mem>>
          tpu.wait_indirect_dma semaphore(%dma_wait3A_364 : memref<!tpu.dma_semaphore, #tpu.memory_space<semaphore_mem>>) src(%dma_wait3A_356 : memref<128x128xf32, #tpu.memory_space<vmem>>) dst(%dma_wait3A_362 : memref<10240x128xf32, #tpu.memory_space<vmem_shared>>)
        } else {
        }
        %add3A_300 = arith.constant 1 : i32
        %add3A_301 = arith.addi %while3A_169, %add3A_300 : i32
        %mul3A_302 = arith.constant 32 : i32
        %mul3A_303 = arith.muli %add3A_301, %mul3A_302 : i32
        %add3A_304 = arith.addi %add3A, %mul3A_303 : i32
        %mul3A_305 = arith.constant 128 : i32
        %mul3A_306 = arith.muli %add3A_304, %mul3A_305 : i32
        %multiple_of3A_307 = tpu.assume_multiple %mul3A_306, 8 : i32
        %dma_wait3A_308 = arith.constant 0 : i32
        %dma_wait3A_309 = arith.constant 0 : i32
        %dma_wait3A_310 = tpu.memref_slice %arg6[%select_n3A_290, %dma_wait3A_309] : memref<6x128xi32, #tpu.memory_space<vmem>> -> memref<1x128xi32, #tpu.memory_space<vmem>>
        %dma_wait3A_311 = tpu.memref_squeeze %dma_wait3A_310 : memref<1x128xi32, #tpu.memory_space<vmem>> -> memref<128xi32, #tpu.memory_space<vmem>>
        %dma_wait3A_312 = tpu.memref_slice %arg3[%dma_wait3A_308, %multiple_of3A_307] : memref<2x320000xi32, #tpu.memory_space<hbm>> -> memref<1x128xi32, #tpu.memory_space<hbm>>
        %dma_wait3A_313 = tpu.memref_squeeze %dma_wait3A_312 : memref<1x128xi32, #tpu.memory_space<hbm>> -> memref<128xi32, #tpu.memory_space<hbm>>
        %dma_wait3A_314 = tpu.memref_slice %arg9[%select_n3A_290] : memref<6x!tpu.dma_semaphore, #tpu.memory_space<semaphore_mem>> -> memref<1x!tpu.dma_semaphore, #tpu.memory_space<semaphore_mem>>
        %dma_wait3A_315 = tpu.memref_squeeze %dma_wait3A_314 : memref<1x!tpu.dma_semaphore, #tpu.memory_space<semaphore_mem>> -> memref<!tpu.dma_semaphore, #tpu.memory_space<semaphore_mem>>
        %dma_wait3A_316 = arith.constant 0 : i32
        %dma_wait3A_317 = tpu.memref_slice %arg6[%select_n3A_290, %dma_wait3A_316] : memref<6x128xi32, #tpu.memory_space<vmem>> -> memref<1x128xi32, #tpu.memory_space<vmem>>
        %dma_wait3A_318 = tpu.memref_squeeze %dma_wait3A_317 : memref<1x128xi32, #tpu.memory_space<vmem>> -> memref<128xi32, #tpu.memory_space<vmem>>
        %dma_wait3A_319 = tpu.memref_slice %arg3[%dma_wait3A_308, %multiple_of3A_307] : memref<2x320000xi32, #tpu.memory_space<hbm>> -> memref<1x128xi32, #tpu.memory_space<hbm>>
        %dma_wait3A_320 = tpu.memref_squeeze %dma_wait3A_319 : memref<1x128xi32, #tpu.memory_space<hbm>> -> memref<128xi32, #tpu.memory_space<hbm>>
        tpu.wait_dma2 semaphore(%dma_wait3A_315 : memref<!tpu.dma_semaphore, #tpu.memory_space<semaphore_mem>>) src(%dma_wait3A_320 : memref<128xi32, #tpu.memory_space<hbm>>) dst(%dma_wait3A_318 : memref<128xi32, #tpu.memory_space<vmem>>)
        %dma_start3A_321 = arith.constant 0 : i32
        %dma_start3A_322 = arith.constant 0 : i32
        %dma_start3A_323 = tpu.memref_slice %arg5[%select_n3A_272, %dma_start3A_321, %dma_start3A_322] : memref<2x128x128xf32, #tpu.memory_space<vmem>> -> memref<1x128x128xf32, #tpu.memory_space<vmem>>
        %dma_start3A_324 = tpu.memref_squeeze %dma_start3A_323 : memref<1x128x128xf32, #tpu.memory_space<vmem>> -> memref<128x128xf32, #tpu.memory_space<vmem>>
        %dma_start3A_325 = arith.constant 0 : i32
        %dma_start3A_326 = tpu.memref_slice %arg6[%select_n3A_290, %dma_start3A_325] : memref<6x128xi32, #tpu.memory_space<vmem>> -> memref<1x128xi32, #tpu.memory_space<vmem>>
        %dma_start3A_327 = tpu.memref_squeeze %dma_start3A_326 : memref<1x128xi32, #tpu.memory_space<vmem>> -> memref<128xi32, #tpu.memory_space<vmem>>
        %dma_start3A_328 = arith.constant 0 : i32
        %dma_start3A_329 = arith.constant 0 : i32
        %dma_start3A_330 = tpu.memref_slice %arg2[%dma_start3A_328, %dma_start3A_329] : memref<10000x128xf32, #tpu.memory_space<hbm>> -> memref<10000x128xf32, #tpu.memory_space<hbm>>
        %dma_start3A_331 = tpu.memref_slice %arg11[%select_n3A_272] : memref<2x!tpu.dma_semaphore, #tpu.memory_space<semaphore_mem>> -> memref<1x!tpu.dma_semaphore, #tpu.memory_space<semaphore_mem>>
        %dma_start3A_332 = tpu.memref_squeeze %dma_start3A_331 : memref<1x!tpu.dma_semaphore, #tpu.memory_space<semaphore_mem>> -> memref<!tpu.dma_semaphore, #tpu.memory_space<semaphore_mem>>
        tpu.enqueue_indirect_dma source(%dma_start3A_330 : memref<10000x128xf32, #tpu.memory_space<hbm>>) target(%dma_start3A_324 : memref<128x128xf32, #tpu.memory_space<vmem>>) offsets(%dma_start3A_327 : memref<128xi32, #tpu.memory_space<vmem>>) semaphore(%dma_start3A_332 : memref<!tpu.dma_semaphore, #tpu.memory_space<semaphore_mem>>)
      } else {
      }
      %dma_wait3A_206 = arith.constant 0 : i32
      %dma_wait3A_207 = arith.constant 0 : i32
      %dma_wait3A_208 = tpu.memref_slice %arg5[%select_n3A_183, %dma_wait3A_206, %dma_wait3A_207] : memref<2x128x128xf32, #tpu.memory_space<vmem>> -> memref<1x128x128xf32, #tpu.memory_space<vmem>>
      %dma_wait3A_209 = tpu.memref_squeeze %dma_wait3A_208 : memref<1x128x128xf32, #tpu.memory_space<vmem>> -> memref<128x128xf32, #tpu.memory_space<vmem>>
      %dma_wait3A_210 = arith.constant 0 : i32
      %dma_wait3A_211 = tpu.memref_slice %arg6[%select_n3A_199, %dma_wait3A_210] : memref<6x128xi32, #tpu.memory_space<vmem>> -> memref<1x128xi32, #tpu.memory_space<vmem>>
      %dma_wait3A_212 = tpu.memref_squeeze %dma_wait3A_211 : memref<1x128xi32, #tpu.memory_space<vmem>> -> memref<128xi32, #tpu.memory_space<vmem>>
      %dma_wait3A_213 = arith.constant 0 : i32
      %dma_wait3A_214 = arith.constant 0 : i32
      %dma_wait3A_215 = tpu.memref_slice %arg2[%dma_wait3A_213, %dma_wait3A_214] : memref<10000x128xf32, #tpu.memory_space<hbm>> -> memref<10000x128xf32, #tpu.memory_space<hbm>>
      %dma_wait3A_216 = tpu.memref_slice %arg11[%select_n3A_183] : memref<2x!tpu.dma_semaphore, #tpu.memory_space<semaphore_mem>> -> memref<1x!tpu.dma_semaphore, #tpu.memory_space<semaphore_mem>>
      %dma_wait3A_217 = tpu.memref_squeeze %dma_wait3A_216 : memref<1x!tpu.dma_semaphore, #tpu.memory_space<semaphore_mem>> -> memref<!tpu.dma_semaphore, #tpu.memory_space<semaphore_mem>>
      tpu.wait_indirect_dma semaphore(%dma_wait3A_217 : memref<!tpu.dma_semaphore, #tpu.memory_space<semaphore_mem>>) src(%dma_wait3A_215 : memref<10000x128xf32, #tpu.memory_space<hbm>>) dst(%dma_wait3A_209 : memref<128x128xf32, #tpu.memory_space<vmem>>)
      %mul3A_218 = arith.constant 32 : i32
      %mul3A_219 = arith.muli %while3A_169, %mul3A_218 : i32
      %add3A_220 = arith.addi %add3A, %mul3A_219 : i32
      %mul3A_221 = arith.constant 128 : i32
      %mul3A_222 = arith.muli %add3A_220, %mul3A_221 : i32
      %multiple_of3A_223 = tpu.assume_multiple %mul3A_222, 8 : i32
      %dma_wait3A_224 = arith.constant 1 : i32
      %dma_wait3A_225 = arith.constant 0 : i32
      %dma_wait3A_226 = tpu.memref_slice %arg7[%select_n3A_199, %dma_wait3A_225] : memref<6x128xi32, #tpu.memory_space<vmem>> -> memref<1x128xi32, #tpu.memory_space<vmem>>
      %dma_wait3A_227 = tpu.memref_squeeze %dma_wait3A_226 : memref<1x128xi32, #tpu.memory_space<vmem>> -> memref<128xi32, #tpu.memory_space<vmem>>
      %dma_wait3A_228 = tpu.memref_slice %arg3[%dma_wait3A_224, %multiple_of3A_223] : memref<2x320000xi32, #tpu.memory_space<hbm>> -> memref<1x128xi32, #tpu.memory_space<hbm>>
      %dma_wait3A_229 = tpu.memref_squeeze %dma_wait3A_228 : memref<1x128xi32, #tpu.memory_space<hbm>> -> memref<128xi32, #tpu.memory_space<hbm>>
      %dma_wait3A_230 = tpu.memref_slice %arg10[%select_n3A_199] : memref<6x!tpu.dma_semaphore, #tpu.memory_space<semaphore_mem>> -> memref<1x!tpu.dma_semaphore, #tpu.memory_space<semaphore_mem>>
      %dma_wait3A_231 = tpu.memref_squeeze %dma_wait3A_230 : memref<1x!tpu.dma_semaphore, #tpu.memory_space<semaphore_mem>> -> memref<!tpu.dma_semaphore, #tpu.memory_space<semaphore_mem>>
      %dma_wait3A_232 = arith.constant 0 : i32
      %dma_wait3A_233 = tpu.memref_slice %arg7[%select_n3A_199, %dma_wait3A_232] : memref<6x128xi32, #tpu.memory_space<vmem>> -> memref<1x128xi32, #tpu.memory_space<vmem>>
      %dma_wait3A_234 = tpu.memref_squeeze %dma_wait3A_233 : memref<1x128xi32, #tpu.memory_space<vmem>> -> memref<128xi32, #tpu.memory_space<vmem>>
      %dma_wait3A_235 = tpu.memref_slice %arg3[%dma_wait3A_224, %multiple_of3A_223] : memref<2x320000xi32, #tpu.memory_space<hbm>> -> memref<1x128xi32, #tpu.memory_space<hbm>>
      %dma_wait3A_236 = tpu.memref_squeeze %dma_wait3A_235 : memref<1x128xi32, #tpu.memory_space<hbm>> -> memref<128xi32, #tpu.memory_space<hbm>>
      tpu.wait_dma2 semaphore(%dma_wait3A_231 : memref<!tpu.dma_semaphore, #tpu.memory_space<semaphore_mem>>) src(%dma_wait3A_236 : memref<128xi32, #tpu.memory_space<hbm>>) dst(%dma_wait3A_234 : memref<128xi32, #tpu.memory_space<vmem>>)
      %dma_start3A_237 = arith.constant 0 : i32
      %dma_start3A_238 = arith.constant 0 : i32
      %dma_start3A_239 = tpu.memref_slice %arg5[%select_n3A_183, %dma_start3A_237, %dma_start3A_238] : memref<2x128x128xf32, #tpu.memory_space<vmem>> -> memref<1x128x128xf32, #tpu.memory_space<vmem>>
      %dma_start3A_240 = tpu.memref_squeeze %dma_start3A_239 : memref<1x128x128xf32, #tpu.memory_space<vmem>> -> memref<128x128xf32, #tpu.memory_space<vmem>>
      %dma_start3A_241 = arith.constant 0 : i32
      %dma_start3A_242 = tpu.memref_slice %arg7[%select_n3A_199, %dma_start3A_241] : memref<6x128xi32, #tpu.memory_space<vmem>> -> memref<1x128xi32, #tpu.memory_space<vmem>>
      %dma_start3A_243 = tpu.memref_squeeze %dma_start3A_242 : memref<1x128xi32, #tpu.memory_space<vmem>> -> memref<128xi32, #tpu.memory_space<vmem>>
      %dma_start3A_244 = arith.constant 0 : i32
      %dma_start3A_245 = arith.constant 0 : i32
      %dma_start3A_246 = tpu.memref_slice %arg8[%dma_start3A_244, %dma_start3A_245] : memref<10240x128xf32, #tpu.memory_space<vmem_shared>> -> memref<10240x128xf32, #tpu.memory_space<vmem_shared>>
      %dma_start3A_247 = tpu.memref_slice %arg12[%select_n3A_183] : memref<2x!tpu.dma_semaphore, #tpu.memory_space<semaphore_mem>> -> memref<1x!tpu.dma_semaphore, #tpu.memory_space<semaphore_mem>>
      %dma_start3A_248 = tpu.memref_squeeze %dma_start3A_247 : memref<1x!tpu.dma_semaphore, #tpu.memory_space<semaphore_mem>> -> memref<!tpu.dma_semaphore, #tpu.memory_space<semaphore_mem>>
      tpu.enqueue_indirect_dma source(%dma_start3A_240 : memref<128x128xf32, #tpu.memory_space<vmem>>) target(%dma_start3A_246 : memref<10240x128xf32, #tpu.memory_space<vmem_shared>>) offsets(%dma_start3A_243 : memref<128xi32, #tpu.memory_space<vmem>>) semaphore(%dma_start3A_248 : memref<!tpu.dma_semaphore, #tpu.memory_space<semaphore_mem>>) {add = true}
      %add3A_249 = arith.constant 2 : i32
      %add3A_250 = arith.addi %while3A_169, %add3A_249 : i32
      %lt3A_251 = arith.cmpi slt, %add3A_250, %select_n3A : i32
      %convert_element_type3A_252 = arith.extui %lt3A_251 : i1 to i32
      %cond3A_253 = arith.constant 0 : i32
      %cond3A_254 = arith.cmpi ne, %convert_element_type3A_252, %cond3A_253 : i32
      scf.if %cond3A_254 {
        %add3A_255 = arith.constant 2 : i32
        %add3A_256 = arith.addi %while3A_169, %add3A_255 : i32
        %jit3A_257 = arith.constant 6 : i32
        %eq3A_258 = arith.constant 0 : i32
        %eq3A_259 = arith.cmpi eq, %jit3A_257, %eq3A_258 : i32
        %jit3A_260 = arith.constant 1 : i32
        %select_n3A_261 = arith.select %eq3A_259, %jit3A_260, %jit3A_257 : i32
        %rem3A_262 = arith.remsi %add3A_256, %select_n3A_261 : i32
        %ne3A_263 = arith.constant 0 : i32
        %ne3A_264 = arith.cmpi ne, %rem3A_262, %ne3A_263 : i32
        %lt3A_265 = arith.constant 0 : i32
        %lt3A_266 = arith.cmpi slt, %rem3A_262, %lt3A_265 : i32
        %lt3A_267 = arith.constant 0 : i32
        %lt3A_268 = arith.cmpi slt, %select_n3A_261, %lt3A_267 : i32
        %ne3A_269 = arith.xori %lt3A_266, %lt3A_268 : i1
        %and3A_270 = arith.andi %ne3A_269, %ne3A_264 : i1
        %add3A_271 = arith.addi %rem3A_262, %select_n3A_261 : i32
        %select_n3A_272 = arith.select %and3A_270, %add3A_271, %rem3A_262 : i32
        %add3A_273 = arith.constant 2 : i32
        %add3A_274 = arith.addi %while3A_169, %add3A_273 : i32
        %mul3A_275 = arith.constant 32 : i32
        %mul3A_276 = arith.muli %add3A_274, %mul3A_275 : i32
        %add3A_277 = arith.addi %add3A, %mul3A_276 : i32
        %mul3A_278 = arith.constant 128 : i32
        %mul3A_279 = arith.muli %add3A_277, %mul3A_278 : i32
        %multiple_of3A_280 = tpu.assume_multiple %mul3A_279, 8 : i32
        %dma_start3A_281 = arith.constant 0 : i32
        %dma_start3A_282 = arith.constant 0 : i32
        %dma_start3A_283 = tpu.memref_slice %arg6[%select_n3A_272, %dma_start3A_282] : memref<6x128xi32, #tpu.memory_space<vmem>> -> memref<1x128xi32, #tpu.memory_space<vmem>>
        %dma_start3A_284 = tpu.memref_squeeze %dma_start3A_283 : memref<1x128xi32, #tpu.memory_space<vmem>> -> memref<128xi32, #tpu.memory_space<vmem>>
        %dma_start3A_285 = tpu.memref_slice %arg3[%dma_start3A_281, %multiple_of3A_280] : memref<2x320000xi32, #tpu.memory_space<hbm>> -> memref<1x128xi32, #tpu.memory_space<hbm>>
        %dma_start3A_286 = tpu.memref_squeeze %dma_start3A_285 : memref<1x128xi32, #tpu.memory_space<hbm>> -> memref<128xi32, #tpu.memory_space<hbm>>
        %dma_start3A_287 = tpu.memref_slice %arg9[%select_n3A_272] : memref<6x!tpu.dma_semaphore, #tpu.memory_space<semaphore_mem>> -> memref<1x!tpu.dma_semaphore, #tpu.memory_space<semaphore_mem>>
        %dma_start3A_288 = tpu.memref_squeeze %dma_start3A_287 : memref<1x!tpu.dma_semaphore, #tpu.memory_space<semaphore_mem>> -> memref<!tpu.dma_semaphore, #tpu.memory_space<semaphore_mem>>
        %dma_start3A_289 = arith.constant 0 : i32
        %dma_start3A_290 = tpu.memref_slice %arg6[%select_n3A_272, %dma_start3A_289] : memref<6x128xi32, #tpu.memory_space<vmem>> -> memref<1x128xi32, #tpu.memory_space<vmem>>
        %dma_start3A_291 = tpu.memref_squeeze %dma_start3A_290 : memref<1x128xi32, #tpu.memory_space<vmem>> -> memref<128xi32, #tpu.memory_space<vmem>>
        %dma_start3A_292 = tpu.memref_slice %arg3[%dma_start3A_281, %multiple_of3A_280] : memref<2x320000xi32, #tpu.memory_space<hbm>> -> memref<1x128xi32, #tpu.memory_space<hbm>>
        %dma_start3A_293 = tpu.memref_squeeze %dma_start3A_292 : memref<1x128xi32, #tpu.memory_space<hbm>> -> memref<128xi32, #tpu.memory_space<hbm>>
        tpu.enqueue_dma source(%dma_start3A_293 : memref<128xi32, #tpu.memory_space<hbm>>) target(%dma_start3A_291 : memref<128xi32, #tpu.memory_space<vmem>>) target_semaphore(%dma_start3A_288 : memref<!tpu.dma_semaphore, #tpu.memory_space<semaphore_mem>>)
        %dma_start3A_294 = arith.constant 1 : i32
        %dma_start3A_295 = arith.constant 0 : i32
        %dma_start3A_296 = tpu.memref_slice %arg7[%select_n3A_272, %dma_start3A_295] : memref<6x128xi32, #tpu.memory_space<vmem>> -> memref<1x128xi32, #tpu.memory_space<vmem>>
        %dma_start3A_297 = tpu.memref_squeeze %dma_start3A_296 : memref<1x128xi32, #tpu.memory_space<vmem>> -> memref<128xi32, #tpu.memory_space<vmem>>
        %dma_start3A_298 = tpu.memref_slice %arg3[%dma_start3A_294, %multiple_of3A_280] : memref<2x320000xi32, #tpu.memory_space<hbm>> -> memref<1x128xi32, #tpu.memory_space<hbm>>
        %dma_start3A_299 = tpu.memref_squeeze %dma_start3A_298 : memref<1x128xi32, #tpu.memory_space<hbm>> -> memref<128xi32, #tpu.memory_space<hbm>>
        %dma_start3A_300 = tpu.memref_slice %arg10[%select_n3A_272] : memref<6x!tpu.dma_semaphore, #tpu.memory_space<semaphore_mem>> -> memref<1x!tpu.dma_semaphore, #tpu.memory_space<semaphore_mem>>
        %dma_start3A_301 = tpu.memref_squeeze %dma_start3A_300 : memref<1x!tpu.dma_semaphore, #tpu.memory_space<semaphore_mem>> -> memref<!tpu.dma_semaphore, #tpu.memory_space<semaphore_mem>>
        %dma_start3A_302 = arith.constant 0 : i32
        %dma_start3A_303 = tpu.memref_slice %arg7[%select_n3A_272, %dma_start3A_302] : memref<6x128xi32, #tpu.memory_space<vmem>> -> memref<1x128xi32, #tpu.memory_space<vmem>>
        %dma_start3A_304 = tpu.memref_squeeze %dma_start3A_303 : memref<1x128xi32, #tpu.memory_space<vmem>> -> memref<128xi32, #tpu.memory_space<vmem>>
        %dma_start3A_305 = tpu.memref_slice %arg3[%dma_start3A_294, %multiple_of3A_280] : memref<2x320000xi32, #tpu.memory_space<hbm>> -> memref<1x128xi32, #tpu.memory_space<hbm>>
        %dma_start3A_306 = tpu.memref_squeeze %dma_start3A_305 : memref<1x128xi32, #tpu.memory_space<hbm>> -> memref<128xi32, #tpu.memory_space<hbm>>
        tpu.enqueue_dma source(%dma_start3A_306 : memref<128xi32, #tpu.memory_space<hbm>>) target(%dma_start3A_304 : memref<128xi32, #tpu.memory_space<vmem>>) target_semaphore(%dma_start3A_301 : memref<!tpu.dma_semaphore, #tpu.memory_space<semaphore_mem>>)
      } else {
      }
    }
    %while3A_152 = arith.constant 1 : i32
    scf.for %while3A_169 = %while3A_150 to %while3A_146 step %while3A_152  : i32 {
      %jit3A_170 = arith.constant 2 : i32
      %eq3A = arith.constant 0 : i32
      %eq3A_171 = arith.cmpi eq, %jit3A_170, %eq3A : i32
      %jit3A_172 = arith.constant 1 : i32
      %select_n3A_173 = arith.select %eq3A_171, %jit3A_172, %jit3A_170 : i32
      %rem3A_174 = arith.remsi %while3A_169, %select_n3A_173 : i32
      %ne3A_175 = arith.constant 0 : i32
      %ne3A_176 = arith.cmpi ne, %rem3A_174, %ne3A_175 : i32
      %lt3A = arith.constant 0 : i32
      %lt3A_177 = arith.cmpi slt, %rem3A_174, %lt3A : i32
      %lt3A_178 = arith.constant 0 : i32
      %lt3A_179 = arith.cmpi slt, %select_n3A_173, %lt3A_178 : i32
      %ne3A_180 = arith.xori %lt3A_177, %lt3A_179 : i1
      %and3A_181 = arith.andi %ne3A_180, %ne3A_176 : i1
      %add3A_182 = arith.addi %rem3A_174, %select_n3A_173 : i32
      %select_n3A_183 = arith.select %and3A_181, %add3A_182, %rem3A_174 : i32
      %jit3A_184 = arith.constant 6 : i32
      %eq3A_185 = arith.constant 0 : i32
      %eq3A_186 = arith.cmpi eq, %jit3A_184, %eq3A_185 : i32
      %jit3A_187 = arith.constant 1 : i32
      %select_n3A_188 = arith.select %eq3A_186, %jit3A_187, %jit3A_184 : i32
      %rem3A_189 = arith.remsi %while3A_169, %select_n3A_188 : i32
      %ne3A_190 = arith.constant 0 : i32
      %ne3A_191 = arith.cmpi ne, %rem3A_189, %ne3A_190 : i32
      %lt3A_192 = arith.constant 0 : i32
      %lt3A_193 = arith.cmpi slt, %rem3A_189, %lt3A_192 : i32
      %lt3A_194 = arith.constant 0 : i32
      %lt3A_195 = arith.cmpi slt, %select_n3A_188, %lt3A_194 : i32
      %ne3A_196 = arith.xori %lt3A_193, %lt3A_195 : i1
      %and3A_197 = arith.andi %ne3A_196, %ne3A_191 : i1
      %add3A_198 = arith.addi %rem3A_189, %select_n3A_188 : i32
      %select_n3A_199 = arith.select %and3A_197, %add3A_198, %rem3A_189 : i32
      %add3A_200 = arith.constant 1 : i32
      %add3A_201 = arith.addi %while3A_169, %add3A_200 : i32
      %lt3A_202 = arith.cmpi slt, %add3A_201, %select_n3A : i32
      %convert_element_type3A_203 = arith.extui %lt3A_202 : i1 to i32
      %cond3A_204 = arith.constant 0 : i32
      %cond3A_205 = arith.cmpi ne, %convert_element_type3A_203, %cond3A_204 : i32
      scf.if %cond3A_205 {
        %add3A_255 = arith.constant 1 : i32
        %add3A_256 = arith.addi %while3A_169, %add3A_255 : i32
        %jit3A_257 = arith.constant 2 : i32
        %eq3A_258 = arith.constant 0 : i32
        %eq3A_259 = arith.cmpi eq, %jit3A_257, %eq3A_258 : i32
        %jit3A_260 = arith.constant 1 : i32
        %select_n3A_261 = arith.select %eq3A_259, %jit3A_260, %jit3A_257 : i32
        %rem3A_262 = arith.remsi %add3A_256, %select_n3A_261 : i32
        %ne3A_263 = arith.constant 0 : i32
        %ne3A_264 = arith.cmpi ne, %rem3A_262, %ne3A_263 : i32
        %lt3A_265 = arith.constant 0 : i32
        %lt3A_266 = arith.cmpi slt, %rem3A_262, %lt3A_265 : i32
        %lt3A_267 = arith.constant 0 : i32
        %lt3A_268 = arith.cmpi slt, %select_n3A_261, %lt3A_267 : i32
        %ne3A_269 = arith.xori %lt3A_266, %lt3A_268 : i1
        %and3A_270 = arith.andi %ne3A_269, %ne3A_264 : i1
        %add3A_271 = arith.addi %rem3A_262, %select_n3A_261 : i32
        %select_n3A_272 = arith.select %and3A_270, %add3A_271, %rem3A_262 : i32
        %add3A_273 = arith.constant 1 : i32
        %add3A_274 = arith.addi %while3A_169, %add3A_273 : i32
        %jit3A_275 = arith.constant 6 : i32
        %eq3A_276 = arith.constant 0 : i32
        %eq3A_277 = arith.cmpi eq, %jit3A_275, %eq3A_276 : i32
        %jit3A_278 = arith.constant 1 : i32
        %select_n3A_279 = arith.select %eq3A_277, %jit3A_278, %jit3A_275 : i32
        %rem3A_280 = arith.remsi %add3A_274, %select_n3A_279 : i32
        %ne3A_281 = arith.constant 0 : i32
        %ne3A_282 = arith.cmpi ne, %rem3A_280, %ne3A_281 : i32
        %lt3A_283 = arith.constant 0 : i32
        %lt3A_284 = arith.cmpi slt, %rem3A_280, %lt3A_283 : i32
        %lt3A_285 = arith.constant 0 : i32
        %lt3A_286 = arith.cmpi slt, %select_n3A_279, %lt3A_285 : i32
        %ne3A_287 = arith.xori %lt3A_284, %lt3A_286 : i1
        %and3A_288 = arith.andi %ne3A_287, %ne3A_282 : i1
        %add3A_289 = arith.addi %rem3A_280, %select_n3A_279 : i32
        %select_n3A_290 = arith.select %and3A_288, %add3A_289, %rem3A_280 : i32
        %add3A_291 = arith.constant 1 : i32
        %add3A_292 = arith.addi %while3A_169, %add3A_291 : i32
        %sub3A_293 = arith.constant 2 : i32
        %sub3A_294 = arith.subi %add3A_292, %sub3A_293 : i32
        %ge3A_295 = arith.constant 0 : i32
        %ge3A_296 = arith.cmpi sge, %sub3A_294, %ge3A_295 : i32
        %convert_element_type3A_297 = arith.extui %ge3A_296 : i1 to i32
        %cond3A_298 = arith.constant 0 : i32
        %cond3A_299 = arith.cmpi ne, %convert_element_type3A_297, %cond3A_298 : i32
        scf.if %cond3A_299 {
          %add3A_333 = arith.constant 1 : i32
          %add3A_334 = arith.addi %while3A_169, %add3A_333 : i32
          %sub3A_335 = arith.constant 2 : i32
          %sub3A_336 = arith.subi %add3A_334, %sub3A_335 : i32
          %jit3A_337 = arith.constant 6 : i32
          %eq3A_338 = arith.constant 0 : i32
          %eq3A_339 = arith.cmpi eq, %jit3A_337, %eq3A_338 : i32
          %jit3A_340 = arith.constant 1 : i32
          %select_n3A_341 = arith.select %eq3A_339, %jit3A_340, %jit3A_337 : i32
          %rem3A_342 = arith.remsi %sub3A_336, %select_n3A_341 : i32
          %ne3A_343 = arith.constant 0 : i32
          %ne3A_344 = arith.cmpi ne, %rem3A_342, %ne3A_343 : i32
          %lt3A_345 = arith.constant 0 : i32
          %lt3A_346 = arith.cmpi slt, %rem3A_342, %lt3A_345 : i32
          %lt3A_347 = arith.constant 0 : i32
          %lt3A_348 = arith.cmpi slt, %select_n3A_341, %lt3A_347 : i32
          %ne3A_349 = arith.xori %lt3A_346, %lt3A_348 : i1
          %and3A_350 = arith.andi %ne3A_349, %ne3A_344 : i1
          %add3A_351 = arith.addi %rem3A_342, %select_n3A_341 : i32
          %select_n3A_352 = arith.select %and3A_350, %add3A_351, %rem3A_342 : i32
          %dma_wait3A_353 = arith.constant 0 : i32
          %dma_wait3A_354 = arith.constant 0 : i32
          %dma_wait3A_355 = tpu.memref_slice %arg5[%select_n3A_272, %dma_wait3A_353, %dma_wait3A_354] : memref<2x128x128xf32, #tpu.memory_space<vmem>> -> memref<1x128x128xf32, #tpu.memory_space<vmem>>
          %dma_wait3A_356 = tpu.memref_squeeze %dma_wait3A_355 : memref<1x128x128xf32, #tpu.memory_space<vmem>> -> memref<128x128xf32, #tpu.memory_space<vmem>>
          %dma_wait3A_357 = arith.constant 0 : i32
          %dma_wait3A_358 = tpu.memref_slice %arg7[%select_n3A_352, %dma_wait3A_357] : memref<6x128xi32, #tpu.memory_space<vmem>> -> memref<1x128xi32, #tpu.memory_space<vmem>>
          %dma_wait3A_359 = tpu.memref_squeeze %dma_wait3A_358 : memref<1x128xi32, #tpu.memory_space<vmem>> -> memref<128xi32, #tpu.memory_space<vmem>>
          %dma_wait3A_360 = arith.constant 0 : i32
          %dma_wait3A_361 = arith.constant 0 : i32
          %dma_wait3A_362 = tpu.memref_slice %arg8[%dma_wait3A_360, %dma_wait3A_361] : memref<10240x128xf32, #tpu.memory_space<vmem_shared>> -> memref<10240x128xf32, #tpu.memory_space<vmem_shared>>
          %dma_wait3A_363 = tpu.memref_slice %arg12[%select_n3A_272] : memref<2x!tpu.dma_semaphore, #tpu.memory_space<semaphore_mem>> -> memref<1x!tpu.dma_semaphore, #tpu.memory_space<semaphore_mem>>
          %dma_wait3A_364 = tpu.memref_squeeze %dma_wait3A_363 : memref<1x!tpu.dma_semaphore, #tpu.memory_space<semaphore_mem>> -> memref<!tpu.dma_semaphore, #tpu.memory_space<semaphore_mem>>
          tpu.wait_indirect_dma semaphore(%dma_wait3A_364 : memref<!tpu.dma_semaphore, #tpu.memory_space<semaphore_mem>>) src(%dma_wait3A_356 : memref<128x128xf32, #tpu.memory_space<vmem>>) dst(%dma_wait3A_362 : memref<10240x128xf32, #tpu.memory_space<vmem_shared>>)
        } else {
        }
        %add3A_300 = arith.constant 1 : i32
        %add3A_301 = arith.addi %while3A_169, %add3A_300 : i32
        %mul3A_302 = arith.constant 32 : i32
        %mul3A_303 = arith.muli %add3A_301, %mul3A_302 : i32
        %add3A_304 = arith.addi %add3A, %mul3A_303 : i32
        %mul3A_305 = arith.constant 128 : i32
        %mul3A_306 = arith.muli %add3A_304, %mul3A_305 : i32
        %multiple_of3A_307 = tpu.assume_multiple %mul3A_306, 8 : i32
        %dma_wait3A_308 = arith.constant 0 : i32
        %dma_wait3A_309 = arith.constant 0 : i32
        %dma_wait3A_310 = tpu.memref_slice %arg6[%select_n3A_290, %dma_wait3A_309] : memref<6x128xi32, #tpu.memory_space<vmem>> -> memref<1x128xi32, #tpu.memory_space<vmem>>
        %dma_wait3A_311 = tpu.memref_squeeze %dma_wait3A_310 : memref<1x128xi32, #tpu.memory_space<vmem>> -> memref<128xi32, #tpu.memory_space<vmem>>
        %dma_wait3A_312 = tpu.memref_slice %arg3[%dma_wait3A_308, %multiple_of3A_307] : memref<2x320000xi32, #tpu.memory_space<hbm>> -> memref<1x128xi32, #tpu.memory_space<hbm>>
        %dma_wait3A_313 = tpu.memref_squeeze %dma_wait3A_312 : memref<1x128xi32, #tpu.memory_space<hbm>> -> memref<128xi32, #tpu.memory_space<hbm>>
        %dma_wait3A_314 = tpu.memref_slice %arg9[%select_n3A_290] : memref<6x!tpu.dma_semaphore, #tpu.memory_space<semaphore_mem>> -> memref<1x!tpu.dma_semaphore, #tpu.memory_space<semaphore_mem>>
        %dma_wait3A_315 = tpu.memref_squeeze %dma_wait3A_314 : memref<1x!tpu.dma_semaphore, #tpu.memory_space<semaphore_mem>> -> memref<!tpu.dma_semaphore, #tpu.memory_space<semaphore_mem>>
        %dma_wait3A_316 = arith.constant 0 : i32
        %dma_wait3A_317 = tpu.memref_slice %arg6[%select_n3A_290, %dma_wait3A_316] : memref<6x128xi32, #tpu.memory_space<vmem>> -> memref<1x128xi32, #tpu.memory_space<vmem>>
        %dma_wait3A_318 = tpu.memref_squeeze %dma_wait3A_317 : memref<1x128xi32, #tpu.memory_space<vmem>> -> memref<128xi32, #tpu.memory_space<vmem>>
        %dma_wait3A_319 = tpu.memref_slice %arg3[%dma_wait3A_308, %multiple_of3A_307] : memref<2x320000xi32, #tpu.memory_space<hbm>> -> memref<1x128xi32, #tpu.memory_space<hbm>>
        %dma_wait3A_320 = tpu.memref_squeeze %dma_wait3A_319 : memref<1x128xi32, #tpu.memory_space<hbm>> -> memref<128xi32, #tpu.memory_space<hbm>>
        tpu.wait_dma2 semaphore(%dma_wait3A_315 : memref<!tpu.dma_semaphore, #tpu.memory_space<semaphore_mem>>) src(%dma_wait3A_320 : memref<128xi32, #tpu.memory_space<hbm>>) dst(%dma_wait3A_318 : memref<128xi32, #tpu.memory_space<vmem>>)
        %dma_start3A_321 = arith.constant 0 : i32
        %dma_start3A_322 = arith.constant 0 : i32
        %dma_start3A_323 = tpu.memref_slice %arg5[%select_n3A_272, %dma_start3A_321, %dma_start3A_322] : memref<2x128x128xf32, #tpu.memory_space<vmem>> -> memref<1x128x128xf32, #tpu.memory_space<vmem>>
        %dma_start3A_324 = tpu.memref_squeeze %dma_start3A_323 : memref<1x128x128xf32, #tpu.memory_space<vmem>> -> memref<128x128xf32, #tpu.memory_space<vmem>>
        %dma_start3A_325 = arith.constant 0 : i32
        %dma_start3A_326 = tpu.memref_slice %arg6[%select_n3A_290, %dma_start3A_325] : memref<6x128xi32, #tpu.memory_space<vmem>> -> memref<1x128xi32, #tpu.memory_space<vmem>>
        %dma_start3A_327 = tpu.memref_squeeze %dma_start3A_326 : memref<1x128xi32, #tpu.memory_space<vmem>> -> memref<128xi32, #tpu.memory_space<vmem>>
        %dma_start3A_328 = arith.constant 0 : i32
        %dma_start3A_329 = arith.constant 0 : i32
        %dma_start3A_330 = tpu.memref_slice %arg2[%dma_start3A_328, %dma_start3A_329] : memref<10000x128xf32, #tpu.memory_space<hbm>> -> memref<10000x128xf32, #tpu.memory_space<hbm>>
        %dma_start3A_331 = tpu.memref_slice %arg11[%select_n3A_272] : memref<2x!tpu.dma_semaphore, #tpu.memory_space<semaphore_mem>> -> memref<1x!tpu.dma_semaphore, #tpu.memory_space<semaphore_mem>>
        %dma_start3A_332 = tpu.memref_squeeze %dma_start3A_331 : memref<1x!tpu.dma_semaphore, #tpu.memory_space<semaphore_mem>> -> memref<!tpu.dma_semaphore, #tpu.memory_space<semaphore_mem>>
        tpu.enqueue_indirect_dma source(%dma_start3A_330 : memref<10000x128xf32, #tpu.memory_space<hbm>>) target(%dma_start3A_324 : memref<128x128xf32, #tpu.memory_space<vmem>>) offsets(%dma_start3A_327 : memref<128xi32, #tpu.memory_space<vmem>>) semaphore(%dma_start3A_332 : memref<!tpu.dma_semaphore, #tpu.memory_space<semaphore_mem>>)
      } else {
      }
      %dma_wait3A_206 = arith.constant 0 : i32
      %dma_wait3A_207 = arith.constant 0 : i32
      %dma_wait3A_208 = tpu.memref_slice %arg5[%select_n3A_183, %dma_wait3A_206, %dma_wait3A_207] : memref<2x128x128xf32, #tpu.memory_space<vmem>> -> memref<1x128x128xf32, #tpu.memory_space<vmem>>
      %dma_wait3A_209 = tpu.memref_squeeze %dma_wait3A_208 : memref<1x128x128xf32, #tpu.memory_space<vmem>> -> memref<128x128xf32, #tpu.memory_space<vmem>>
      %dma_wait3A_210 = arith.constant 0 : i32
      %dma_wait3A_211 = tpu.memref_slice %arg6[%select_n3A_199, %dma_wait3A_210] : memref<6x128xi32, #tpu.memory_space<vmem>> -> memref<1x128xi32, #tpu.memory_space<vmem>>
      %dma_wait3A_212 = tpu.memref_squeeze %dma_wait3A_211 : memref<1x128xi32, #tpu.memory_space<vmem>> -> memref<128xi32, #tpu.memory_space<vmem>>
      %dma_wait3A_213 = arith.constant 0 : i32
      %dma_wait3A_214 = arith.constant 0 : i32
      %dma_wait3A_215 = tpu.memref_slice %arg2[%dma_wait3A_213, %dma_wait3A_214] : memref<10000x128xf32, #tpu.memory_space<hbm>> -> memref<10000x128xf32, #tpu.memory_space<hbm>>
      %dma_wait3A_216 = tpu.memref_slice %arg11[%select_n3A_183] : memref<2x!tpu.dma_semaphore, #tpu.memory_space<semaphore_mem>> -> memref<1x!tpu.dma_semaphore, #tpu.memory_space<semaphore_mem>>
      %dma_wait3A_217 = tpu.memref_squeeze %dma_wait3A_216 : memref<1x!tpu.dma_semaphore, #tpu.memory_space<semaphore_mem>> -> memref<!tpu.dma_semaphore, #tpu.memory_space<semaphore_mem>>
      tpu.wait_indirect_dma semaphore(%dma_wait3A_217 : memref<!tpu.dma_semaphore, #tpu.memory_space<semaphore_mem>>) src(%dma_wait3A_215 : memref<10000x128xf32, #tpu.memory_space<hbm>>) dst(%dma_wait3A_209 : memref<128x128xf32, #tpu.memory_space<vmem>>)
      %mul3A_218 = arith.constant 32 : i32
      %mul3A_219 = arith.muli %while3A_169, %mul3A_218 : i32
      %add3A_220 = arith.addi %add3A, %mul3A_219 : i32
      %mul3A_221 = arith.constant 128 : i32
      %mul3A_222 = arith.muli %add3A_220, %mul3A_221 : i32
      %multiple_of3A_223 = tpu.assume_multiple %mul3A_222, 8 : i32
      %dma_wait3A_224 = arith.constant 1 : i32
      %dma_wait3A_225 = arith.constant 0 : i32
      %dma_wait3A_226 = tpu.memref_slice %arg7[%select_n3A_199, %dma_wait3A_225] : memref<6x128xi32, #tpu.memory_space<vmem>> -> memref<1x128xi32, #tpu.memory_space<vmem>>
      %dma_wait3A_227 = tpu.memref_squeeze %dma_wait3A_226 : memref<1x128xi32, #tpu.memory_space<vmem>> -> memref<128xi32, #tpu.memory_space<vmem>>
      %dma_wait3A_228 = tpu.memref_slice %arg3[%dma_wait3A_224, %multiple_of3A_223] : memref<2x320000xi32, #tpu.memory_space<hbm>> -> memref<1x128xi32, #tpu.memory_space<hbm>>
      %dma_wait3A_229 = tpu.memref_squeeze %dma_wait3A_228 : memref<1x128xi32, #tpu.memory_space<hbm>> -> memref<128xi32, #tpu.memory_space<hbm>>
      %dma_wait3A_230 = tpu.memref_slice %arg10[%select_n3A_199] : memref<6x!tpu.dma_semaphore, #tpu.memory_space<semaphore_mem>> -> memref<1x!tpu.dma_semaphore, #tpu.memory_space<semaphore_mem>>
      %dma_wait3A_231 = tpu.memref_squeeze %dma_wait3A_230 : memref<1x!tpu.dma_semaphore, #tpu.memory_space<semaphore_mem>> -> memref<!tpu.dma_semaphore, #tpu.memory_space<semaphore_mem>>
      %dma_wait3A_232 = arith.constant 0 : i32
      %dma_wait3A_233 = tpu.memref_slice %arg7[%select_n3A_199, %dma_wait3A_232] : memref<6x128xi32, #tpu.memory_space<vmem>> -> memref<1x128xi32, #tpu.memory_space<vmem>>
      %dma_wait3A_234 = tpu.memref_squeeze %dma_wait3A_233 : memref<1x128xi32, #tpu.memory_space<vmem>> -> memref<128xi32, #tpu.memory_space<vmem>>
      %dma_wait3A_235 = tpu.memref_slice %arg3[%dma_wait3A_224, %multiple_of3A_223] : memref<2x320000xi32, #tpu.memory_space<hbm>> -> memref<1x128xi32, #tpu.memory_space<hbm>>
      %dma_wait3A_236 = tpu.memref_squeeze %dma_wait3A_235 : memref<1x128xi32, #tpu.memory_space<hbm>> -> memref<128xi32, #tpu.memory_space<hbm>>
      tpu.wait_dma2 semaphore(%dma_wait3A_231 : memref<!tpu.dma_semaphore, #tpu.memory_space<semaphore_mem>>) src(%dma_wait3A_236 : memref<128xi32, #tpu.memory_space<hbm>>) dst(%dma_wait3A_234 : memref<128xi32, #tpu.memory_space<vmem>>)
      %dma_start3A_237 = arith.constant 0 : i32
      %dma_start3A_238 = arith.constant 0 : i32
      %dma_start3A_239 = tpu.memref_slice %arg5[%select_n3A_183, %dma_start3A_237, %dma_start3A_238] : memref<2x128x128xf32, #tpu.memory_space<vmem>> -> memref<1x128x128xf32, #tpu.memory_space<vmem>>
      %dma_start3A_240 = tpu.memref_squeeze %dma_start3A_239 : memref<1x128x128xf32, #tpu.memory_space<vmem>> -> memref<128x128xf32, #tpu.memory_space<vmem>>
      %dma_start3A_241 = arith.constant 0 : i32
      %dma_start3A_242 = tpu.memref_slice %arg7[%select_n3A_199, %dma_start3A_241] : memref<6x128xi32, #tpu.memory_space<vmem>> -> memref<1x128xi32, #tpu.memory_space<vmem>>
      %dma_start3A_243 = tpu.memref_squeeze %dma_start3A_242 : memref<1x128xi32, #tpu.memory_space<vmem>> -> memref<128xi32, #tpu.memory_space<vmem>>
      %dma_start3A_244 = arith.constant 0 : i32
      %dma_start3A_245 = arith.constant 0 : i32
      %dma_start3A_246 = tpu.memref_slice %arg8[%dma_start3A_244, %dma_start3A_245] : memref<10240x128xf32, #tpu.memory_space<vmem_shared>> -> memref<10240x128xf32, #tpu.memory_space<vmem_shared>>
      %dma_start3A_247 = tpu.memref_slice %arg12[%select_n3A_183] : memref<2x!tpu.dma_semaphore, #tpu.memory_space<semaphore_mem>> -> memref<1x!tpu.dma_semaphore, #tpu.memory_space<semaphore_mem>>
      %dma_start3A_248 = tpu.memref_squeeze %dma_start3A_247 : memref<1x!tpu.dma_semaphore, #tpu.memory_space<semaphore_mem>> -> memref<!tpu.dma_semaphore, #tpu.memory_space<semaphore_mem>>
      tpu.enqueue_indirect_dma source(%dma_start3A_240 : memref<128x128xf32, #tpu.memory_space<vmem>>) target(%dma_start3A_246 : memref<10240x128xf32, #tpu.memory_space<vmem_shared>>) offsets(%dma_start3A_243 : memref<128xi32, #tpu.memory_space<vmem>>) semaphore(%dma_start3A_248 : memref<!tpu.dma_semaphore, #tpu.memory_space<semaphore_mem>>) {add = true}
      %add3A_249 = arith.constant 2 : i32
      %add3A_250 = arith.addi %while3A_169, %add3A_249 : i32
      %lt3A_251 = arith.cmpi slt, %add3A_250, %select_n3A : i32
      %convert_element_type3A_252 = arith.extui %lt3A_251 : i1 to i32
      %cond3A_253 = arith.constant 0 : i32
      %cond3A_254 = arith.cmpi ne, %convert_element_type3A_252, %cond3A_253 : i32
      scf.if %cond3A_254 {
        %add3A_255 = arith.constant 2 : i32
        %add3A_256 = arith.addi %while3A_169, %add3A_255 : i32
        %jit3A_257 = arith.constant 6 : i32
        %eq3A_258 = arith.constant 0 : i32
        %eq3A_259 = arith.cmpi eq, %jit3A_257, %eq3A_258 : i32
        %jit3A_260 = arith.constant 1 : i32
        %select_n3A_261 = arith.select %eq3A_259, %jit3A_260, %jit3A_257 : i32
        %rem3A_262 = arith.remsi %add3A_256, %select_n3A_261 : i32
        %ne3A_263 = arith.constant 0 : i32
        %ne3A_264 = arith.cmpi ne, %rem3A_262, %ne3A_263 : i32
        %lt3A_265 = arith.constant 0 : i32
        %lt3A_266 = arith.cmpi slt, %rem3A_262, %lt3A_265 : i32
        %lt3A_267 = arith.constant 0 : i32
        %lt3A_268 = arith.cmpi slt, %select_n3A_261, %lt3A_267 : i32
        %ne3A_269 = arith.xori %lt3A_266, %lt3A_268 : i1
        %and3A_270 = arith.andi %ne3A_269, %ne3A_264 : i1
        %add3A_271 = arith.addi %rem3A_262, %select_n3A_261 : i32
        %select_n3A_272 = arith.select %and3A_270, %add3A_271, %rem3A_262 : i32
        %add3A_273 = arith.constant 2 : i32
        %add3A_274 = arith.addi %while3A_169, %add3A_273 : i32
        %mul3A_275 = arith.constant 32 : i32
        %mul3A_276 = arith.muli %add3A_274, %mul3A_275 : i32
        %add3A_277 = arith.addi %add3A, %mul3A_276 : i32
        %mul3A_278 = arith.constant 128 : i32
        %mul3A_279 = arith.muli %add3A_277, %mul3A_278 : i32
        %multiple_of3A_280 = tpu.assume_multiple %mul3A_279, 8 : i32
        %dma_start3A_281 = arith.constant 0 : i32
        %dma_start3A_282 = arith.constant 0 : i32
        %dma_start3A_283 = tpu.memref_slice %arg6[%select_n3A_272, %dma_start3A_282] : memref<6x128xi32, #tpu.memory_space<vmem>> -> memref<1x128xi32, #tpu.memory_space<vmem>>
        %dma_start3A_284 = tpu.memref_squeeze %dma_start3A_283 : memref<1x128xi32, #tpu.memory_space<vmem>> -> memref<128xi32, #tpu.memory_space<vmem>>
        %dma_start3A_285 = tpu.memref_slice %arg3[%dma_start3A_281, %multiple_of3A_280] : memref<2x320000xi32, #tpu.memory_space<hbm>> -> memref<1x128xi32, #tpu.memory_space<hbm>>
        %dma_start3A_286 = tpu.memref_squeeze %dma_start3A_285 : memref<1x128xi32, #tpu.memory_space<hbm>> -> memref<128xi32, #tpu.memory_space<hbm>>
        %dma_start3A_287 = tpu.memref_slice %arg9[%select_n3A_272] : memref<6x!tpu.dma_semaphore, #tpu.memory_space<semaphore_mem>> -> memref<1x!tpu.dma_semaphore, #tpu.memory_space<semaphore_mem>>
        %dma_start3A_288 = tpu.memref_squeeze %dma_start3A_287 : memref<1x!tpu.dma_semaphore, #tpu.memory_space<semaphore_mem>> -> memref<!tpu.dma_semaphore, #tpu.memory_space<semaphore_mem>>
        %dma_start3A_289 = arith.constant 0 : i32
        %dma_start3A_290 = tpu.memref_slice %arg6[%select_n3A_272, %dma_start3A_289] : memref<6x128xi32, #tpu.memory_space<vmem>> -> memref<1x128xi32, #tpu.memory_space<vmem>>
        %dma_start3A_291 = tpu.memref_squeeze %dma_start3A_290 : memref<1x128xi32, #tpu.memory_space<vmem>> -> memref<128xi32, #tpu.memory_space<vmem>>
        %dma_start3A_292 = tpu.memref_slice %arg3[%dma_start3A_281, %multiple_of3A_280] : memref<2x320000xi32, #tpu.memory_space<hbm>> -> memref<1x128xi32, #tpu.memory_space<hbm>>
        %dma_start3A_293 = tpu.memref_squeeze %dma_start3A_292 : memref<1x128xi32, #tpu.memory_space<hbm>> -> memref<128xi32, #tpu.memory_space<hbm>>
        tpu.enqueue_dma source(%dma_start3A_293 : memref<128xi32, #tpu.memory_space<hbm>>) target(%dma_start3A_291 : memref<128xi32, #tpu.memory_space<vmem>>) target_semaphore(%dma_start3A_288 : memref<!tpu.dma_semaphore, #tpu.memory_space<semaphore_mem>>)
        %dma_start3A_294 = arith.constant 1 : i32
        %dma_start3A_295 = arith.constant 0 : i32
        %dma_start3A_296 = tpu.memref_slice %arg7[%select_n3A_272, %dma_start3A_295] : memref<6x128xi32, #tpu.memory_space<vmem>> -> memref<1x128xi32, #tpu.memory_space<vmem>>
        %dma_start3A_297 = tpu.memref_squeeze %dma_start3A_296 : memref<1x128xi32, #tpu.memory_space<vmem>> -> memref<128xi32, #tpu.memory_space<vmem>>
        %dma_start3A_298 = tpu.memref_slice %arg3[%dma_start3A_294, %multiple_of3A_280] : memref<2x320000xi32, #tpu.memory_space<hbm>> -> memref<1x128xi32, #tpu.memory_space<hbm>>
        %dma_start3A_299 = tpu.memref_squeeze %dma_start3A_298 : memref<1x128xi32, #tpu.memory_space<hbm>> -> memref<128xi32, #tpu.memory_space<hbm>>
        %dma_start3A_300 = tpu.memref_slice %arg10[%select_n3A_272] : memref<6x!tpu.dma_semaphore, #tpu.memory_space<semaphore_mem>> -> memref<1x!tpu.dma_semaphore, #tpu.memory_space<semaphore_mem>>
        %dma_start3A_301 = tpu.memref_squeeze %dma_start3A_300 : memref<1x!tpu.dma_semaphore, #tpu.memory_space<semaphore_mem>> -> memref<!tpu.dma_semaphore, #tpu.memory_space<semaphore_mem>>
        %dma_start3A_302 = arith.constant 0 : i32
        %dma_start3A_303 = tpu.memref_slice %arg7[%select_n3A_272, %dma_start3A_302] : memref<6x128xi32, #tpu.memory_space<vmem>> -> memref<1x128xi32, #tpu.memory_space<vmem>>
        %dma_start3A_304 = tpu.memref_squeeze %dma_start3A_303 : memref<1x128xi32, #tpu.memory_space<vmem>> -> memref<128xi32, #tpu.memory_space<vmem>>
        %dma_start3A_305 = tpu.memref_slice %arg3[%dma_start3A_294, %multiple_of3A_280] : memref<2x320000xi32, #tpu.memory_space<hbm>> -> memref<1x128xi32, #tpu.memory_space<hbm>>
        %dma_start3A_306 = tpu.memref_squeeze %dma_start3A_305 : memref<1x128xi32, #tpu.memory_space<hbm>> -> memref<128xi32, #tpu.memory_space<hbm>>
        tpu.enqueue_dma source(%dma_start3A_306 : memref<128xi32, #tpu.memory_space<hbm>>) target(%dma_start3A_304 : memref<128xi32, #tpu.memory_space<vmem>>) target_semaphore(%dma_start3A_301 : memref<!tpu.dma_semaphore, #tpu.memory_space<semaphore_mem>>)
      } else {
      }
    }
    %sub3A_153 = arith.constant 2 : i32
    %sub3A_154 = arith.subi %select_n3A, %sub3A_153 : i32
    %add3A_155 = arith.constant 0 : i32
    %add3A_156 = arith.addi %sub3A_154, %add3A_155 : i32
    %ge3A = arith.constant 0 : i32
    %ge3A_157 = arith.cmpi sge, %add3A_156, %ge3A : i32
    %convert_element_type3A = arith.extui %ge3A_157 : i1 to i32
    %cond3A = arith.constant 0 : i32
    %cond3A_158 = arith.cmpi ne, %convert_element_type3A, %cond3A : i32
    scf.if %cond3A_158 {
      %jit3A_169 = arith.constant 2 : i32
      %eq3A = arith.constant 0 : i32
      %eq3A_170 = arith.cmpi eq, %jit3A_169, %eq3A : i32
      %jit3A_171 = arith.constant 1 : i32
      %select_n3A_172 = arith.select %eq3A_170, %jit3A_171, %jit3A_169 : i32
      %rem3A_173 = arith.remsi %add3A_156, %select_n3A_172 : i32
      %ne3A_174 = arith.constant 0 : i32
      %ne3A_175 = arith.cmpi ne, %rem3A_173, %ne3A_174 : i32
      %lt3A = arith.constant 0 : i32
      %lt3A_176 = arith.cmpi slt, %rem3A_173, %lt3A : i32
      %lt3A_177 = arith.constant 0 : i32
      %lt3A_178 = arith.cmpi slt, %select_n3A_172, %lt3A_177 : i32
      %ne3A_179 = arith.xori %lt3A_176, %lt3A_178 : i1
      %and3A_180 = arith.andi %ne3A_179, %ne3A_175 : i1
      %add3A_181 = arith.addi %rem3A_173, %select_n3A_172 : i32
      %select_n3A_182 = arith.select %and3A_180, %add3A_181, %rem3A_173 : i32
      %jit3A_183 = arith.constant 6 : i32
      %eq3A_184 = arith.constant 0 : i32
      %eq3A_185 = arith.cmpi eq, %jit3A_183, %eq3A_184 : i32
      %jit3A_186 = arith.constant 1 : i32
      %select_n3A_187 = arith.select %eq3A_185, %jit3A_186, %jit3A_183 : i32
      %rem3A_188 = arith.remsi %add3A_156, %select_n3A_187 : i32
      %ne3A_189 = arith.constant 0 : i32
      %ne3A_190 = arith.cmpi ne, %rem3A_188, %ne3A_189 : i32
      %lt3A_191 = arith.constant 0 : i32
      %lt3A_192 = arith.cmpi slt, %rem3A_188, %lt3A_191 : i32
      %lt3A_193 = arith.constant 0 : i32
      %lt3A_194 = arith.cmpi slt, %select_n3A_187, %lt3A_193 : i32
      %ne3A_195 = arith.xori %lt3A_192, %lt3A_194 : i1
      %and3A_196 = arith.andi %ne3A_195, %ne3A_190 : i1
      %add3A_197 = arith.addi %rem3A_188, %select_n3A_187 : i32
      %select_n3A_198 = arith.select %and3A_196, %add3A_197, %rem3A_188 : i32
      %jit3A_199 = arith.constant 2 : i32
      %eq3A_200 = arith.constant 0 : i32
      %eq3A_201 = arith.cmpi eq, %jit3A_199, %eq3A_200 : i32
      %jit3A_202 = arith.constant 1 : i32
      %select_n3A_203 = arith.select %eq3A_201, %jit3A_202, %jit3A_199 : i32
      %rem3A_204 = arith.remsi %add3A_156, %select_n3A_203 : i32
      %ne3A_205 = arith.constant 0 : i32
      %ne3A_206 = arith.cmpi ne, %rem3A_204, %ne3A_205 : i32
      %lt3A_207 = arith.constant 0 : i32
      %lt3A_208 = arith.cmpi slt, %rem3A_204, %lt3A_207 : i32
      %lt3A_209 = arith.constant 0 : i32
      %lt3A_210 = arith.cmpi slt, %select_n3A_203, %lt3A_209 : i32
      %ne3A_211 = arith.xori %lt3A_208, %lt3A_210 : i1
      %and3A_212 = arith.andi %ne3A_211, %ne3A_206 : i1
      %add3A_213 = arith.addi %rem3A_204, %select_n3A_203 : i32
      %select_n3A_214 = arith.select %and3A_212, %add3A_213, %rem3A_204 : i32
      %dma_wait3A_215 = arith.constant 0 : i32
      %dma_wait3A_216 = arith.constant 0 : i32
      %dma_wait3A_217 = tpu.memref_slice %arg5[%select_n3A_182, %dma_wait3A_215, %dma_wait3A_216] : memref<2x128x128xf32, #tpu.memory_space<vmem>> -> memref<1x128x128xf32, #tpu.memory_space<vmem>>
      %dma_wait3A_218 = tpu.memref_squeeze %dma_wait3A_217 : memref<1x128x128xf32, #tpu.memory_space<vmem>> -> memref<128x128xf32, #tpu.memory_space<vmem>>
      %dma_wait3A_219 = arith.constant 0 : i32
      %dma_wait3A_220 = tpu.memref_slice %arg7[%select_n3A_198, %dma_wait3A_219] : memref<6x128xi32, #tpu.memory_space<vmem>> -> memref<1x128xi32, #tpu.memory_space<vmem>>
      %dma_wait3A_221 = tpu.memref_squeeze %dma_wait3A_220 : memref<1x128xi32, #tpu.memory_space<vmem>> -> memref<128xi32, #tpu.memory_space<vmem>>
      %dma_wait3A_222 = arith.constant 0 : i32
      %dma_wait3A_223 = arith.constant 0 : i32
      %dma_wait3A_224 = tpu.memref_slice %arg8[%dma_wait3A_222, %dma_wait3A_223] : memref<10240x128xf32, #tpu.memory_space<vmem_shared>> -> memref<10240x128xf32, #tpu.memory_space<vmem_shared>>
      %dma_wait3A_225 = tpu.memref_slice %arg12[%select_n3A_214] : memref<2x!tpu.dma_semaphore, #tpu.memory_space<semaphore_mem>> -> memref<1x!tpu.dma_semaphore, #tpu.memory_space<semaphore_mem>>
      %dma_wait3A_226 = tpu.memref_squeeze %dma_wait3A_225 : memref<1x!tpu.dma_semaphore, #tpu.memory_space<semaphore_mem>> -> memref<!tpu.dma_semaphore, #tpu.memory_space<semaphore_mem>>
      tpu.wait_indirect_dma semaphore(%dma_wait3A_226 : memref<!tpu.dma_semaphore, #tpu.memory_space<semaphore_mem>>) src(%dma_wait3A_218 : memref<128x128xf32, #tpu.memory_space<vmem>>) dst(%dma_wait3A_224 : memref<10240x128xf32, #tpu.memory_space<vmem_shared>>)
    } else {
    }
    %sub3A_159 = arith.constant 2 : i32
    %sub3A_160 = arith.subi %select_n3A, %sub3A_159 : i32
    %add3A_161 = arith.constant 1 : i32
    %add3A_162 = arith.addi %sub3A_160, %add3A_161 : i32
    %ge3A_163 = arith.constant 0 : i32
    %ge3A_164 = arith.cmpi sge, %add3A_162, %ge3A_163 : i32
    %convert_element_type3A_165 = arith.extui %ge3A_164 : i1 to i32
    %cond3A_166 = arith.constant 0 : i32
    %cond3A_167 = arith.cmpi ne, %convert_element_type3A_165, %cond3A_166 : i32
    scf.if %cond3A_167 {
      %jit3A_169 = arith.constant 2 : i32
      %eq3A = arith.constant 0 : i32
      %eq3A_170 = arith.cmpi eq, %jit3A_169, %eq3A : i32
      %jit3A_171 = arith.constant 1 : i32
      %select_n3A_172 = arith.select %eq3A_170, %jit3A_171, %jit3A_169 : i32
      %rem3A_173 = arith.remsi %add3A_162, %select_n3A_172 : i32
      %ne3A_174 = arith.constant 0 : i32
      %ne3A_175 = arith.cmpi ne, %rem3A_173, %ne3A_174 : i32
      %lt3A = arith.constant 0 : i32
      %lt3A_176 = arith.cmpi slt, %rem3A_173, %lt3A : i32
      %lt3A_177 = arith.constant 0 : i32
      %lt3A_178 = arith.cmpi slt, %select_n3A_172, %lt3A_177 : i32
      %ne3A_179 = arith.xori %lt3A_176, %lt3A_178 : i1
      %and3A_180 = arith.andi %ne3A_179, %ne3A_175 : i1
      %add3A_181 = arith.addi %rem3A_173, %select_n3A_172 : i32
      %select_n3A_182 = arith.select %and3A_180, %add3A_181, %rem3A_173 : i32
      %jit3A_183 = arith.constant 6 : i32
      %eq3A_184 = arith.constant 0 : i32
      %eq3A_185 = arith.cmpi eq, %jit3A_183, %eq3A_184 : i32
      %jit3A_186 = arith.constant 1 : i32
      %select_n3A_187 = arith.select %eq3A_185, %jit3A_186, %jit3A_183 : i32
      %rem3A_188 = arith.remsi %add3A_162, %select_n3A_187 : i32
      %ne3A_189 = arith.constant 0 : i32
      %ne3A_190 = arith.cmpi ne, %rem3A_188, %ne3A_189 : i32
      %lt3A_191 = arith.constant 0 : i32
      %lt3A_192 = arith.cmpi slt, %rem3A_188, %lt3A_191 : i32
      %lt3A_193 = arith.constant 0 : i32
      %lt3A_194 = arith.cmpi slt, %select_n3A_187, %lt3A_193 : i32
      %ne3A_195 = arith.xori %lt3A_192, %lt3A_194 : i1
      %and3A_196 = arith.andi %ne3A_195, %ne3A_190 : i1
      %add3A_197 = arith.addi %rem3A_188, %select_n3A_187 : i32
      %select_n3A_198 = arith.select %and3A_196, %add3A_197, %rem3A_188 : i32
      %jit3A_199 = arith.constant 2 : i32
      %eq3A_200 = arith.constant 0 : i32
      %eq3A_201 = arith.cmpi eq, %jit3A_199, %eq3A_200 : i32
      %jit3A_202 = arith.constant 1 : i32
      %select_n3A_203 = arith.select %eq3A_201, %jit3A_202, %jit3A_199 : i32
      %rem3A_204 = arith.remsi %add3A_162, %select_n3A_203 : i32
      %ne3A_205 = arith.constant 0 : i32
      %ne3A_206 = arith.cmpi ne, %rem3A_204, %ne3A_205 : i32
      %lt3A_207 = arith.constant 0 : i32
      %lt3A_208 = arith.cmpi slt, %rem3A_204, %lt3A_207 : i32
      %lt3A_209 = arith.constant 0 : i32
      %lt3A_210 = arith.cmpi slt, %select_n3A_203, %lt3A_209 : i32
      %ne3A_211 = arith.xori %lt3A_208, %lt3A_210 : i1
      %and3A_212 = arith.andi %ne3A_211, %ne3A_206 : i1
      %add3A_213 = arith.addi %rem3A_204, %select_n3A_203 : i32
      %select_n3A_214 = arith.select %and3A_212, %add3A_213, %rem3A_204 : i32
      %dma_wait3A_215 = arith.constant 0 : i32
      %dma_wait3A_216 = arith.constant 0 : i32
      %dma_wait3A_217 = tpu.memref_slice %arg5[%select_n3A_182, %dma_wait3A_215, %dma_wait3A_216] : memref<2x128x128xf32, #tpu.memory_space<vmem>> -> memref<1x128x128xf32, #tpu.memory_space<vmem>>
      %dma_wait3A_218 = tpu.memref_squeeze %dma_wait3A_217 : memref<1x128x128xf32, #tpu.memory_space<vmem>> -> memref<128x128xf32, #tpu.memory_space<vmem>>
      %dma_wait3A_219 = arith.constant 0 : i32
      %dma_wait3A_220 = tpu.memref_slice %arg7[%select_n3A_198, %dma_wait3A_219] : memref<6x128xi32, #tpu.memory_space<vmem>> -> memref<1x128xi32, #tpu.memory_space<vmem>>
      %dma_wait3A_221 = tpu.memref_squeeze %dma_wait3A_220 : memref<1x128xi32, #tpu.memory_space<vmem>> -> memref<128xi32, #tpu.memory_space<vmem>>
      %dma_wait3A_222 = arith.constant 0 : i32
      %dma_wait3A_223 = arith.constant 0 : i32
      %dma_wait3A_224 = tpu.memref_slice %arg8[%dma_wait3A_222, %dma_wait3A_223] : memref<10240x128xf32, #tpu.memory_space<vmem_shared>> -> memref<10240x128xf32, #tpu.memory_space<vmem_shared>>
      %dma_wait3A_225 = tpu.memref_slice %arg12[%select_n3A_214] : memref<2x!tpu.dma_semaphore, #tpu.memory_space<semaphore_mem>> -> memref<1x!tpu.dma_semaphore, #tpu.memory_space<semaphore_mem>>
      %dma_wait3A_226 = tpu.memref_squeeze %dma_wait3A_225 : memref<1x!tpu.dma_semaphore, #tpu.memory_space<semaphore_mem>> -> memref<!tpu.dma_semaphore, #tpu.memory_space<semaphore_mem>>
      tpu.wait_indirect_dma semaphore(%dma_wait3A_226 : memref<!tpu.dma_semaphore, #tpu.memory_space<semaphore_mem>>) src(%dma_wait3A_218 : memref<128x128xf32, #tpu.memory_space<vmem>>) dst(%dma_wait3A_224 : memref<10240x128xf32, #tpu.memory_space<vmem_shared>>)
    } else {
    }
    %barrier3A_168 = arith.constant 0 : index
    tpu.barrier barrier_id(%barrier3A_168)
    "tpu.region"() ({
      %run_scoped3A_169 = tpu.sem_alloc : memref<!tpu.dma_semaphore, #tpu.memory_space<semaphore_mem>>
      %dma_start3A_170 = arith.constant 0 : i32
      %dma_start3A_171 = tpu.memref_slice %arg4[%arg0, %mul3A_97, %dma_start3A_170] : memref<2x10240x128xf32, #tpu.memory_space<hbm>> -> memref<1x640x128xf32, #tpu.memory_space<hbm>>
      %dma_start3A_172 = tpu.memref_squeeze %dma_start3A_171 : memref<1x640x128xf32, #tpu.memory_space<hbm>> -> memref<640x128xf32, #tpu.memory_space<hbm>>
      %dma_start3A_173 = arith.constant 0 : i32
      %dma_start3A_174 = tpu.memref_slice %arg8[%mul3A_97, %dma_start3A_173] : memref<10240x128xf32, #tpu.memory_space<vmem_shared>> -> memref<640x128xf32, #tpu.memory_space<vmem_shared>>
      tpu.enqueue_dma source(%dma_start3A_174 : memref<640x128xf32, #tpu.memory_space<vmem_shared>>) target(%dma_start3A_172 : memref<640x128xf32, #tpu.memory_space<hbm>>) target_semaphore(%run_scoped3A_169 : memref<!tpu.dma_semaphore, #tpu.memory_space<semaphore_mem>>)
      %dma_wait3A_175 = arith.constant 0 : i32
      %dma_wait3A_176 = tpu.memref_slice %arg4[%arg0, %mul3A_97, %dma_wait3A_175] : memref<2x10240x128xf32, #tpu.memory_space<hbm>> -> memref<1x640x128xf32, #tpu.memory_space<hbm>>
      %dma_wait3A_177 = tpu.memref_squeeze %dma_wait3A_176 : memref<1x640x128xf32, #tpu.memory_space<hbm>> -> memref<640x128xf32, #tpu.memory_space<hbm>>
      %dma_wait3A_178 = arith.constant 0 : i32
      %dma_wait3A_179 = tpu.memref_slice %arg8[%mul3A_97, %dma_wait3A_178] : memref<10240x128xf32, #tpu.memory_space<vmem_shared>> -> memref<640x128xf32, #tpu.memory_space<vmem_shared>>
      tpu.wait_dma2 semaphore(%run_scoped3A_169 : memref<!tpu.dma_semaphore, #tpu.memory_space<semaphore_mem>>) src(%dma_wait3A_179 : memref<640x128xf32, #tpu.memory_space<vmem_shared>>) dst(%dma_wait3A_177 : memref<640x128xf32, #tpu.memory_space<hbm>>)
      tpu.yield
    }) : () -> ()
    return
  }
}

#map = affine_map<(d0, d1) -> (0, 0)>
module attributes {stable_mosaic.version = 14 : i64} {
  func.func @k(%arg0: i32, %arg1: i32, %arg2: memref<2x320000xi32, #tpu.memory_space<hbm>>, %arg3: memref<2x10240xf32, #tpu.memory_space<hbm>>, %arg4: memref<640xf32, #tpu.memory_space<vmem>>, %arg5: memref<128xf32, #tpu.memory_space<vmem>>, %arg6: memref<4x128xi32, #tpu.memory_space<vmem>>, %arg7: memref<10240xf32, #tpu.memory_space<vmem_shared>>, %arg8: memref<4x!tpu.dma_semaphore, #tpu.memory_space<semaphore_mem>>, %arg9: memref<4x!tpu.dma_semaphore, #tpu.memory_space<semaphore_mem>>) attributes {dimension_semantics = [#tpu.dimension_semantics<core_parallel>, #tpu.dimension_semantics<subcore_parallel>], iteration_bounds = array<i64: 2, 16>, scalar_prefetch = 0 : i64, scratch_operands = 6 : i64, tpu.core_type = #tpu.core_type<sc_vector_subcore>, window_params = [{transform_indices = #map}, {transform_indices = #map}]} {
    %mul3A = arith.constant 16 : i32
    %mul3A_0 = arith.muli %arg0, %mul3A : i32
    %add3A = arith.addi %mul3A_0, %arg1 : i32
    %sub3A = arith.constant 2500 : i32
    %sub3A_1 = arith.subi %sub3A, %add3A : i32
    %add3A_2 = arith.constant 32 : i32
    %add3A_3 = arith.addi %sub3A_1, %add3A_2 : i32
    %sub3A_4 = arith.constant 1 : i32
    %sub3A_5 = arith.subi %add3A_3, %sub3A_4 : i32
    %jit3A = arith.constant 32 : i32
    %div3A = arith.divsi %sub3A_5, %jit3A : i32
    %sign3A = arith.constant 0 : i32
    %sign3A_6 = arith.cmpi sgt, %sub3A_5, %sign3A : i32
    %sign3A_7 = arith.extui %sign3A_6 : i1 to i32
    %sign3A_8 = arith.constant 0 : i32
    %sign3A_9 = arith.cmpi slt, %sub3A_5, %sign3A_8 : i32
    %sign3A_10 = arith.extui %sign3A_9 : i1 to i32
    %sign3A_11 = arith.subi %sign3A_7, %sign3A_10 : i32
    %sign3A_12 = arith.constant 0 : i32
    %sign3A_13 = arith.cmpi sgt, %jit3A, %sign3A_12 : i32
    %sign3A_14 = arith.extui %sign3A_13 : i1 to i32
    %sign3A_15 = arith.constant 0 : i32
    %sign3A_16 = arith.cmpi slt, %jit3A, %sign3A_15 : i32
    %sign3A_17 = arith.extui %sign3A_16 : i1 to i32
    %sign3A_18 = arith.subi %sign3A_14, %sign3A_17 : i32
    %ne3A = arith.cmpi ne, %sign3A_11, %sign3A_18 : i32
    %rem3A = arith.remsi %sub3A_5, %jit3A : i32
    %ne3A_19 = arith.constant 0 : i32
    %ne3A_20 = arith.cmpi ne, %rem3A, %ne3A_19 : i32
    %and3A = arith.andi %ne3A, %ne3A_20 : i1
    %sub3A_21 = arith.constant 1 : i32
    %sub3A_22 = arith.subi %div3A, %sub3A_21 : i32
    %select_n3A = arith.select %and3A, %sub3A_22, %div3A : i32
    %add3A_23 = arith.constant 0 : i32
    %add3A_24 = arith.addi %add3A, %add3A_23 : i32
    %mul3A_25 = arith.constant 128 : i32
    %mul3A_26 = arith.muli %add3A_24, %mul3A_25 : i32
    %multiple_of3A = tpu.assume_multiple %mul3A_26, 8 : i32
    %dma_start3A = arith.constant 1 : i32
    %dma_start3A_27 = arith.constant 0 : i32
    %dma_start3A_28 = arith.constant 0 : i32
    %dma_start3A_29 = arith.constant 0 : i32
    %dma_start3A_30 = tpu.memref_slice %arg6[%dma_start3A_27, %dma_start3A_29] : memref<4x128xi32, #tpu.memory_space<vmem>> -> memref<1x128xi32, #tpu.memory_space<vmem>>
    %dma_start3A_31 = tpu.memref_squeeze %dma_start3A_30 : memref<1x128xi32, #tpu.memory_space<vmem>> -> memref<128xi32, #tpu.memory_space<vmem>>
    %dma_start3A_32 = tpu.memref_slice %arg2[%dma_start3A, %multiple_of3A] : memref<2x320000xi32, #tpu.memory_space<hbm>> -> memref<1x128xi32, #tpu.memory_space<hbm>>
    %dma_start3A_33 = tpu.memref_squeeze %dma_start3A_32 : memref<1x128xi32, #tpu.memory_space<hbm>> -> memref<128xi32, #tpu.memory_space<hbm>>
    %dma_start3A_34 = tpu.memref_slice %arg8[%dma_start3A_28] : memref<4x!tpu.dma_semaphore, #tpu.memory_space<semaphore_mem>> -> memref<1x!tpu.dma_semaphore, #tpu.memory_space<semaphore_mem>>
    %dma_start3A_35 = tpu.memref_squeeze %dma_start3A_34 : memref<1x!tpu.dma_semaphore, #tpu.memory_space<semaphore_mem>> -> memref<!tpu.dma_semaphore, #tpu.memory_space<semaphore_mem>>
    %dma_start3A_36 = arith.constant 0 : i32
    %dma_start3A_37 = tpu.memref_slice %arg6[%dma_start3A_27, %dma_start3A_36] : memref<4x128xi32, #tpu.memory_space<vmem>> -> memref<1x128xi32, #tpu.memory_space<vmem>>
    %dma_start3A_38 = tpu.memref_squeeze %dma_start3A_37 : memref<1x128xi32, #tpu.memory_space<vmem>> -> memref<128xi32, #tpu.memory_space<vmem>>
    %dma_start3A_39 = tpu.memref_slice %arg2[%dma_start3A, %multiple_of3A] : memref<2x320000xi32, #tpu.memory_space<hbm>> -> memref<1x128xi32, #tpu.memory_space<hbm>>
    %dma_start3A_40 = tpu.memref_squeeze %dma_start3A_39 : memref<1x128xi32, #tpu.memory_space<hbm>> -> memref<128xi32, #tpu.memory_space<hbm>>
    tpu.enqueue_dma source(%dma_start3A_40 : memref<128xi32, #tpu.memory_space<hbm>>) target(%dma_start3A_38 : memref<128xi32, #tpu.memory_space<vmem>>) target_semaphore(%dma_start3A_35 : memref<!tpu.dma_semaphore, #tpu.memory_space<semaphore_mem>>)
    %add3A_41 = arith.constant 32 : i32
    %add3A_42 = arith.addi %add3A, %add3A_41 : i32
    %mul3A_43 = arith.constant 128 : i32
    %mul3A_44 = arith.muli %add3A_42, %mul3A_43 : i32
    %multiple_of3A_45 = tpu.assume_multiple %mul3A_44, 8 : i32
    %dma_start3A_46 = arith.constant 1 : i32
    %dma_start3A_47 = arith.constant 1 : i32
    %dma_start3A_48 = arith.constant 1 : i32
    %dma_start3A_49 = arith.constant 0 : i32
    %dma_start3A_50 = tpu.memref_slice %arg6[%dma_start3A_47, %dma_start3A_49] : memref<4x128xi32, #tpu.memory_space<vmem>> -> memref<1x128xi32, #tpu.memory_space<vmem>>
    %dma_start3A_51 = tpu.memref_squeeze %dma_start3A_50 : memref<1x128xi32, #tpu.memory_space<vmem>> -> memref<128xi32, #tpu.memory_space<vmem>>
    %dma_start3A_52 = tpu.memref_slice %arg2[%dma_start3A_46, %multiple_of3A_45] : memref<2x320000xi32, #tpu.memory_space<hbm>> -> memref<1x128xi32, #tpu.memory_space<hbm>>
    %dma_start3A_53 = tpu.memref_squeeze %dma_start3A_52 : memref<1x128xi32, #tpu.memory_space<hbm>> -> memref<128xi32, #tpu.memory_space<hbm>>
    %dma_start3A_54 = tpu.memref_slice %arg8[%dma_start3A_48] : memref<4x!tpu.dma_semaphore, #tpu.memory_space<semaphore_mem>> -> memref<1x!tpu.dma_semaphore, #tpu.memory_space<semaphore_mem>>
    %dma_start3A_55 = tpu.memref_squeeze %dma_start3A_54 : memref<1x!tpu.dma_semaphore, #tpu.memory_space<semaphore_mem>> -> memref<!tpu.dma_semaphore, #tpu.memory_space<semaphore_mem>>
    %dma_start3A_56 = arith.constant 0 : i32
    %dma_start3A_57 = tpu.memref_slice %arg6[%dma_start3A_47, %dma_start3A_56] : memref<4x128xi32, #tpu.memory_space<vmem>> -> memref<1x128xi32, #tpu.memory_space<vmem>>
    %dma_start3A_58 = tpu.memref_squeeze %dma_start3A_57 : memref<1x128xi32, #tpu.memory_space<vmem>> -> memref<128xi32, #tpu.memory_space<vmem>>
    %dma_start3A_59 = tpu.memref_slice %arg2[%dma_start3A_46, %multiple_of3A_45] : memref<2x320000xi32, #tpu.memory_space<hbm>> -> memref<1x128xi32, #tpu.memory_space<hbm>>
    %dma_start3A_60 = tpu.memref_squeeze %dma_start3A_59 : memref<1x128xi32, #tpu.memory_space<hbm>> -> memref<128xi32, #tpu.memory_space<hbm>>
    tpu.enqueue_dma source(%dma_start3A_60 : memref<128xi32, #tpu.memory_space<hbm>>) target(%dma_start3A_58 : memref<128xi32, #tpu.memory_space<vmem>>) target_semaphore(%dma_start3A_55 : memref<!tpu.dma_semaphore, #tpu.memory_space<semaphore_mem>>)
    %scan3A = arith.constant 0 : i32
    %scan3A_61 = arith.constant 0 : i32
    %scan3A_62 = arith.constant 40 : i32
    %scan3A_63 = arith.addi %scan3A_61, %scan3A_62 : i32
    %scan3A_64 = arith.constant 1 : i32
    scf.for %scan3A_161 = %scan3A_61 to %scan3A_63 step %scan3A_64  : i32 {
      %broadcast_in_dim3A_162 = arith.constant 0.000000e+00 : f32
      %broadcast_in_dim3A_163 = vector.broadcast %broadcast_in_dim3A_162 : f32 to vector<16xf32>
      %mul3A_164 = arith.constant 16 : i32
      %mul3A_165 = arith.muli %scan3A_161, %mul3A_164 : i32
      %swap3A_166 = arith.index_cast %mul3A_165 : i32 to index
      %swap3A_167 = tpu.vector_load %arg4[%swap3A_166] {strides = array<i32>} : memref<640xf32, #tpu.memory_space<vmem>>, vector<16xf32>,
      %swap3A_168 = vector.shape_cast %swap3A_167 : vector<16xf32> to vector<16xf32>
      %swap3A_169 = vector.shape_cast %broadcast_in_dim3A_163 : vector<16xf32> to vector<16xf32>
      tpu.vector_store %arg4[%swap3A_166], %swap3A_169 {strides = array<i32>} : memref<640xf32, #tpu.memory_space<vmem>>, vector<16xf32>,
    }
    %scan3A_65 = arith.constant 40 : i32
    %broadcast_in_dim3A = arith.constant 1.000000e+00 : f32
    %broadcast_in_dim3A_66 = vector.broadcast %broadcast_in_dim3A : f32 to vector<16xf32>
    %swap3A = arith.constant 0 : index
    %swap3A_67 = tpu.vector_load %arg5[%swap3A] {strides = array<i32>} : memref<128xf32, #tpu.memory_space<vmem>>, vector<16xf32>,
    %swap3A_68 = vector.shape_cast %swap3A_67 : vector<16xf32> to vector<16xf32>
    %swap3A_69 = vector.shape_cast %broadcast_in_dim3A_66 : vector<16xf32> to vector<16xf32>
    tpu.vector_store %arg5[%swap3A], %swap3A_69 {strides = array<i32>} : memref<128xf32, #tpu.memory_space<vmem>>, vector<16xf32>,
    %broadcast_in_dim3A_70 = arith.constant 1.000000e+00 : f32
    %broadcast_in_dim3A_71 = vector.broadcast %broadcast_in_dim3A_70 : f32 to vector<16xf32>
    %swap3A_72 = arith.constant 16 : index
    %swap3A_73 = tpu.vector_load %arg5[%swap3A_72] {strides = array<i32>} : memref<128xf32, #tpu.memory_space<vmem>>, vector<16xf32>,
    %swap3A_74 = vector.shape_cast %swap3A_73 : vector<16xf32> to vector<16xf32>
    %swap3A_75 = vector.shape_cast %broadcast_in_dim3A_71 : vector<16xf32> to vector<16xf32>
    tpu.vector_store %arg5[%swap3A_72], %swap3A_75 {strides = array<i32>} : memref<128xf32, #tpu.memory_space<vmem>>, vector<16xf32>,
    %broadcast_in_dim3A_76 = arith.constant 1.000000e+00 : f32
    %broadcast_in_dim3A_77 = vector.broadcast %broadcast_in_dim3A_76 : f32 to vector<16xf32>
    %swap3A_78 = arith.constant 32 : index
    %swap3A_79 = tpu.vector_load %arg5[%swap3A_78] {strides = array<i32>} : memref<128xf32, #tpu.memory_space<vmem>>, vector<16xf32>,
    %swap3A_80 = vector.shape_cast %swap3A_79 : vector<16xf32> to vector<16xf32>
    %swap3A_81 = vector.shape_cast %broadcast_in_dim3A_77 : vector<16xf32> to vector<16xf32>
    tpu.vector_store %arg5[%swap3A_78], %swap3A_81 {strides = array<i32>} : memref<128xf32, #tpu.memory_space<vmem>>, vector<16xf32>,
    %broadcast_in_dim3A_82 = arith.constant 1.000000e+00 : f32
    %broadcast_in_dim3A_83 = vector.broadcast %broadcast_in_dim3A_82 : f32 to vector<16xf32>
    %swap3A_84 = arith.constant 48 : index
    %swap3A_85 = tpu.vector_load %arg5[%swap3A_84] {strides = array<i32>} : memref<128xf32, #tpu.memory_space<vmem>>, vector<16xf32>,
    %swap3A_86 = vector.shape_cast %swap3A_85 : vector<16xf32> to vector<16xf32>
    %swap3A_87 = vector.shape_cast %broadcast_in_dim3A_83 : vector<16xf32> to vector<16xf32>
    tpu.vector_store %arg5[%swap3A_84], %swap3A_87 {strides = array<i32>} : memref<128xf32, #tpu.memory_space<vmem>>, vector<16xf32>,
    %broadcast_in_dim3A_88 = arith.constant 1.000000e+00 : f32
    %broadcast_in_dim3A_89 = vector.broadcast %broadcast_in_dim3A_88 : f32 to vector<16xf32>
    %swap3A_90 = arith.constant 64 : index
    %swap3A_91 = tpu.vector_load %arg5[%swap3A_90] {strides = array<i32>} : memref<128xf32, #tpu.memory_space<vmem>>, vector<16xf32>,
    %swap3A_92 = vector.shape_cast %swap3A_91 : vector<16xf32> to vector<16xf32>
    %swap3A_93 = vector.shape_cast %broadcast_in_dim3A_89 : vector<16xf32> to vector<16xf32>
    tpu.vector_store %arg5[%swap3A_90], %swap3A_93 {strides = array<i32>} : memref<128xf32, #tpu.memory_space<vmem>>, vector<16xf32>,
    %broadcast_in_dim3A_94 = arith.constant 1.000000e+00 : f32
    %broadcast_in_dim3A_95 = vector.broadcast %broadcast_in_dim3A_94 : f32 to vector<16xf32>
    %swap3A_96 = arith.constant 80 : index
    %swap3A_97 = tpu.vector_load %arg5[%swap3A_96] {strides = array<i32>} : memref<128xf32, #tpu.memory_space<vmem>>, vector<16xf32>,
    %swap3A_98 = vector.shape_cast %swap3A_97 : vector<16xf32> to vector<16xf32>
    %swap3A_99 = vector.shape_cast %broadcast_in_dim3A_95 : vector<16xf32> to vector<16xf32>
    tpu.vector_store %arg5[%swap3A_96], %swap3A_99 {strides = array<i32>} : memref<128xf32, #tpu.memory_space<vmem>>, vector<16xf32>,
    %broadcast_in_dim3A_100 = arith.constant 1.000000e+00 : f32
    %broadcast_in_dim3A_101 = vector.broadcast %broadcast_in_dim3A_100 : f32 to vector<16xf32>
    %swap3A_102 = arith.constant 96 : index
    %swap3A_103 = tpu.vector_load %arg5[%swap3A_102] {strides = array<i32>} : memref<128xf32, #tpu.memory_space<vmem>>, vector<16xf32>,
    %swap3A_104 = vector.shape_cast %swap3A_103 : vector<16xf32> to vector<16xf32>
    %swap3A_105 = vector.shape_cast %broadcast_in_dim3A_101 : vector<16xf32> to vector<16xf32>
    tpu.vector_store %arg5[%swap3A_102], %swap3A_105 {strides = array<i32>} : memref<128xf32, #tpu.memory_space<vmem>>, vector<16xf32>,
    %broadcast_in_dim3A_106 = arith.constant 1.000000e+00 : f32
    %broadcast_in_dim3A_107 = vector.broadcast %broadcast_in_dim3A_106 : f32 to vector<16xf32>
    %swap3A_108 = arith.constant 112 : index
    %swap3A_109 = tpu.vector_load %arg5[%swap3A_108] {strides = array<i32>} : memref<128xf32, #tpu.memory_space<vmem>>, vector<16xf32>,
    %swap3A_110 = vector.shape_cast %swap3A_109 : vector<16xf32> to vector<16xf32>
    %swap3A_111 = vector.shape_cast %broadcast_in_dim3A_107 : vector<16xf32> to vector<16xf32>
    tpu.vector_store %arg5[%swap3A_108], %swap3A_111 {strides = array<i32>} : memref<128xf32, #tpu.memory_space<vmem>>, vector<16xf32>,
    %mul3A_112 = arith.constant 640 : i32
    %mul3A_113 = arith.muli %arg1, %mul3A_112 : i32
    "tpu.region"() ({
      %run_scoped3A = tpu.sem_alloc : memref<!tpu.dma_semaphore, #tpu.memory_space<semaphore_mem>>
      %dma_start3A_161 = tpu.memref_slice %arg7[%mul3A_113] : memref<10240xf32, #tpu.memory_space<vmem_shared>> -> memref<640xf32, #tpu.memory_space<vmem_shared>>
      %dma_start3A_162 = tpu.memref_slice %arg7[%mul3A_113] : memref<10240xf32, #tpu.memory_space<vmem_shared>> -> memref<640xf32, #tpu.memory_space<vmem_shared>>
      tpu.enqueue_dma source(%arg4 : memref<640xf32, #tpu.memory_space<vmem>>) target(%dma_start3A_162 : memref<640xf32, #tpu.memory_space<vmem_shared>>) target_semaphore(%run_scoped3A : memref<!tpu.dma_semaphore, #tpu.memory_space<semaphore_mem>>)
      %dma_wait3A = tpu.memref_slice %arg7[%mul3A_113] : memref<10240xf32, #tpu.memory_space<vmem_shared>> -> memref<640xf32, #tpu.memory_space<vmem_shared>>
      %dma_wait3A_163 = tpu.memref_slice %arg7[%mul3A_113] : memref<10240xf32, #tpu.memory_space<vmem_shared>> -> memref<640xf32, #tpu.memory_space<vmem_shared>>
      tpu.wait_dma2 semaphore(%run_scoped3A : memref<!tpu.dma_semaphore, #tpu.memory_space<semaphore_mem>>) src(%arg4 : memref<640xf32, #tpu.memory_space<vmem>>) dst(%dma_wait3A_163 : memref<640xf32, #tpu.memory_space<vmem_shared>>)
      tpu.yield
    }) : () -> ()
    %barrier3A = arith.constant 0 : index
    tpu.barrier barrier_id(%barrier3A)
    %while3A = arith.constant 0 : i32
    %while3A_114 = arith.constant 0 : i32
    %while3A_115 = arith.subi %select_n3A, %while3A_114 : i32
    %while3A_116 = arith.addi %while3A_114, %while3A_115 : i32
    %while3A_117 = arith.constant 1 : i32
    %while3A_118 = arith.divsi %while3A_115, %while3A_117 : i32
    %while3A_119 = arith.muli %while3A_118, %while3A_117 : i32
    %while3A_120 = arith.addi %while3A_114, %while3A_119 : i32
    %while3A_121 = arith.constant 1 : i32
    scf.for %while3A_161 = %while3A_114 to %while3A_120 step %while3A_121  : i32 {
      %jit3A_162 = arith.constant 4 : i32
      %eq3A = arith.constant 0 : i32
      %eq3A_163 = arith.cmpi eq, %jit3A_162, %eq3A : i32
      %jit3A_164 = arith.constant 1 : i32
      %select_n3A_165 = arith.select %eq3A_163, %jit3A_164, %jit3A_162 : i32
      %rem3A_166 = arith.remsi %while3A_161, %select_n3A_165 : i32
      %ne3A_167 = arith.constant 0 : i32
      %ne3A_168 = arith.cmpi ne, %rem3A_166, %ne3A_167 : i32
      %lt3A = arith.constant 0 : i32
      %lt3A_169 = arith.cmpi slt, %rem3A_166, %lt3A : i32
      %lt3A_170 = arith.constant 0 : i32
      %lt3A_171 = arith.cmpi slt, %select_n3A_165, %lt3A_170 : i32
      %ne3A_172 = arith.xori %lt3A_169, %lt3A_171 : i1
      %and3A_173 = arith.andi %ne3A_172, %ne3A_168 : i1
      %add3A_174 = arith.addi %rem3A_166, %select_n3A_165 : i32
      %select_n3A_175 = arith.select %and3A_173, %add3A_174, %rem3A_166 : i32
      %mul3A_176 = arith.constant 32 : i32
      %mul3A_177 = arith.muli %while3A_161, %mul3A_176 : i32
      %add3A_178 = arith.addi %add3A, %mul3A_177 : i32
      %mul3A_179 = arith.constant 128 : i32
      %mul3A_180 = arith.muli %add3A_178, %mul3A_179 : i32
      %multiple_of3A_181 = tpu.assume_multiple %mul3A_180, 8 : i32
      %dma_wait3A = arith.constant 1 : i32
      %dma_wait3A_182 = arith.constant 0 : i32
      %dma_wait3A_183 = tpu.memref_slice %arg6[%select_n3A_175, %dma_wait3A_182] : memref<4x128xi32, #tpu.memory_space<vmem>> -> memref<1x128xi32, #tpu.memory_space<vmem>>
      %dma_wait3A_184 = tpu.memref_squeeze %dma_wait3A_183 : memref<1x128xi32, #tpu.memory_space<vmem>> -> memref<128xi32, #tpu.memory_space<vmem>>
      %dma_wait3A_185 = tpu.memref_slice %arg2[%dma_wait3A, %multiple_of3A_181] : memref<2x320000xi32, #tpu.memory_space<hbm>> -> memref<1x128xi32, #tpu.memory_space<hbm>>
      %dma_wait3A_186 = tpu.memref_squeeze %dma_wait3A_185 : memref<1x128xi32, #tpu.memory_space<hbm>> -> memref<128xi32, #tpu.memory_space<hbm>>
      %dma_wait3A_187 = tpu.memref_slice %arg8[%select_n3A_175] : memref<4x!tpu.dma_semaphore, #tpu.memory_space<semaphore_mem>> -> memref<1x!tpu.dma_semaphore, #tpu.memory_space<semaphore_mem>>
      %dma_wait3A_188 = tpu.memref_squeeze %dma_wait3A_187 : memref<1x!tpu.dma_semaphore, #tpu.memory_space<semaphore_mem>> -> memref<!tpu.dma_semaphore, #tpu.memory_space<semaphore_mem>>
      %dma_wait3A_189 = arith.constant 0 : i32
      %dma_wait3A_190 = tpu.memref_slice %arg6[%select_n3A_175, %dma_wait3A_189] : memref<4x128xi32, #tpu.memory_space<vmem>> -> memref<1x128xi32, #tpu.memory_space<vmem>>
      %dma_wait3A_191 = tpu.memref_squeeze %dma_wait3A_190 : memref<1x128xi32, #tpu.memory_space<vmem>> -> memref<128xi32, #tpu.memory_space<vmem>>
      %dma_wait3A_192 = tpu.memref_slice %arg2[%dma_wait3A, %multiple_of3A_181] : memref<2x320000xi32, #tpu.memory_space<hbm>> -> memref<1x128xi32, #tpu.memory_space<hbm>>
      %dma_wait3A_193 = tpu.memref_squeeze %dma_wait3A_192 : memref<1x128xi32, #tpu.memory_space<hbm>> -> memref<128xi32, #tpu.memory_space<hbm>>
      tpu.wait_dma2 semaphore(%dma_wait3A_188 : memref<!tpu.dma_semaphore, #tpu.memory_space<semaphore_mem>>) src(%dma_wait3A_193 : memref<128xi32, #tpu.memory_space<hbm>>) dst(%dma_wait3A_191 : memref<128xi32, #tpu.memory_space<vmem>>)
      %dma_start3A_194 = arith.constant 0 : i32
      %dma_start3A_195 = tpu.memref_slice %arg6[%select_n3A_175, %dma_start3A_194] : memref<4x128xi32, #tpu.memory_space<vmem>> -> memref<1x128xi32, #tpu.memory_space<vmem>>
      %dma_start3A_196 = tpu.memref_squeeze %dma_start3A_195 : memref<1x128xi32, #tpu.memory_space<vmem>> -> memref<128xi32, #tpu.memory_space<vmem>>
      %dma_start3A_197 = arith.constant 0 : i32
      %dma_start3A_198 = tpu.memref_slice %arg7[%dma_start3A_197] : memref<10240xf32, #tpu.memory_space<vmem_shared>> -> memref<10240xf32, #tpu.memory_space<vmem_shared>>
      %dma_start3A_199 = tpu.memref_slice %arg9[%select_n3A_175] : memref<4x!tpu.dma_semaphore, #tpu.memory_space<semaphore_mem>> -> memref<1x!tpu.dma_semaphore, #tpu.memory_space<semaphore_mem>>
      %dma_start3A_200 = tpu.memref_squeeze %dma_start3A_199 : memref<1x!tpu.dma_semaphore, #tpu.memory_space<semaphore_mem>> -> memref<!tpu.dma_semaphore, #tpu.memory_space<semaphore_mem>>
      tpu.enqueue_indirect_dma source(%arg5 : memref<128xf32, #tpu.memory_space<vmem>>) target(%dma_start3A_198 : memref<10240xf32, #tpu.memory_space<vmem_shared>>) offsets(%dma_start3A_196 : memref<128xi32, #tpu.memory_space<vmem>>) semaphore(%dma_start3A_200 : memref<!tpu.dma_semaphore, #tpu.memory_space<semaphore_mem>>) {add = true}
      %add3A_201 = arith.constant 2 : i32
      %add3A_202 = arith.addi %while3A_161, %add3A_201 : i32
      %lt3A_203 = arith.cmpi slt, %add3A_202, %select_n3A : i32
      %convert_element_type3A_204 = arith.extui %lt3A_203 : i1 to i32
      %cond3A_205 = arith.constant 0 : i32
      %cond3A_206 = arith.cmpi ne, %convert_element_type3A_204, %cond3A_205 : i32
      scf.if %cond3A_206 {
        %add3A_207 = arith.constant 2 : i32
        %add3A_208 = arith.addi %while3A_161, %add3A_207 : i32
        %jit3A_209 = arith.constant 4 : i32
        %eq3A_210 = arith.constant 0 : i32
        %eq3A_211 = arith.cmpi eq, %jit3A_209, %eq3A_210 : i32
        %jit3A_212 = arith.constant 1 : i32
        %select_n3A_213 = arith.select %eq3A_211, %jit3A_212, %jit3A_209 : i32
        %rem3A_214 = arith.remsi %add3A_208, %select_n3A_213 : i32
        %ne3A_215 = arith.constant 0 : i32
        %ne3A_216 = arith.cmpi ne, %rem3A_214, %ne3A_215 : i32
        %lt3A_217 = arith.constant 0 : i32
        %lt3A_218 = arith.cmpi slt, %rem3A_214, %lt3A_217 : i32
        %lt3A_219 = arith.constant 0 : i32
        %lt3A_220 = arith.cmpi slt, %select_n3A_213, %lt3A_219 : i32
        %ne3A_221 = arith.xori %lt3A_218, %lt3A_220 : i1
        %and3A_222 = arith.andi %ne3A_221, %ne3A_216 : i1
        %add3A_223 = arith.addi %rem3A_214, %select_n3A_213 : i32
        %select_n3A_224 = arith.select %and3A_222, %add3A_223, %rem3A_214 : i32
        %ge3A_225 = arith.constant 2 : i32
        %ge3A_226 = arith.cmpi sge, %while3A_161, %ge3A_225 : i32
        %convert_element_type3A_227 = arith.extui %ge3A_226 : i1 to i32
        %cond3A_228 = arith.constant 0 : i32
        %cond3A_229 = arith.cmpi ne, %convert_element_type3A_227, %cond3A_228 : i32
        scf.if %cond3A_229 {
          %sub3A_251 = arith.constant 2 : i32
          %sub3A_252 = arith.subi %while3A_161, %sub3A_251 : i32
          %jit3A_253 = arith.constant 4 : i32
          %eq3A_254 = arith.constant 0 : i32
          %eq3A_255 = arith.cmpi eq, %jit3A_253, %eq3A_254 : i32
          %jit3A_256 = arith.constant 1 : i32
          %select_n3A_257 = arith.select %eq3A_255, %jit3A_256, %jit3A_253 : i32
          %rem3A_258 = arith.remsi %sub3A_252, %select_n3A_257 : i32
          %ne3A_259 = arith.constant 0 : i32
          %ne3A_260 = arith.cmpi ne, %rem3A_258, %ne3A_259 : i32
          %lt3A_261 = arith.constant 0 : i32
          %lt3A_262 = arith.cmpi slt, %rem3A_258, %lt3A_261 : i32
          %lt3A_263 = arith.constant 0 : i32
          %lt3A_264 = arith.cmpi slt, %select_n3A_257, %lt3A_263 : i32
          %ne3A_265 = arith.xori %lt3A_262, %lt3A_264 : i1
          %and3A_266 = arith.andi %ne3A_265, %ne3A_260 : i1
          %add3A_267 = arith.addi %rem3A_258, %select_n3A_257 : i32
          %select_n3A_268 = arith.select %and3A_266, %add3A_267, %rem3A_258 : i32
          %dma_wait3A_269 = arith.constant 0 : i32
          %dma_wait3A_270 = tpu.memref_slice %arg6[%select_n3A_268, %dma_wait3A_269] : memref<4x128xi32, #tpu.memory_space<vmem>> -> memref<1x128xi32, #tpu.memory_space<vmem>>
          %dma_wait3A_271 = tpu.memref_squeeze %dma_wait3A_270 : memref<1x128xi32, #tpu.memory_space<vmem>> -> memref<128xi32, #tpu.memory_space<vmem>>
          %dma_wait3A_272 = arith.constant 0 : i32
          %dma_wait3A_273 = tpu.memref_slice %arg7[%dma_wait3A_272] : memref<10240xf32, #tpu.memory_space<vmem_shared>> -> memref<10240xf32, #tpu.memory_space<vmem_shared>>
          %dma_wait3A_274 = tpu.memref_slice %arg9[%select_n3A_268] : memref<4x!tpu.dma_semaphore, #tpu.memory_space<semaphore_mem>> -> memref<1x!tpu.dma_semaphore, #tpu.memory_space<semaphore_mem>>
          %dma_wait3A_275 = tpu.memref_squeeze %dma_wait3A_274 : memref<1x!tpu.dma_semaphore, #tpu.memory_space<semaphore_mem>> -> memref<!tpu.dma_semaphore, #tpu.memory_space<semaphore_mem>>
          tpu.wait_indirect_dma semaphore(%dma_wait3A_275 : memref<!tpu.dma_semaphore, #tpu.memory_space<semaphore_mem>>) src(%arg5 : memref<128xf32, #tpu.memory_space<vmem>>) dst(%dma_wait3A_273 : memref<10240xf32, #tpu.memory_space<vmem_shared>>)
        } else {
        }
        %add3A_230 = arith.constant 2 : i32
        %add3A_231 = arith.addi %while3A_161, %add3A_230 : i32
        %mul3A_232 = arith.constant 32 : i32
        %mul3A_233 = arith.muli %add3A_231, %mul3A_232 : i32
        %add3A_234 = arith.addi %add3A, %mul3A_233 : i32
        %mul3A_235 = arith.constant 128 : i32
        %mul3A_236 = arith.muli %add3A_234, %mul3A_235 : i32
        %multiple_of3A_237 = tpu.assume_multiple %mul3A_236, 8 : i32
        %dma_start3A_238 = arith.constant 1 : i32
        %dma_start3A_239 = arith.constant 0 : i32
        %dma_start3A_240 = tpu.memref_slice %arg6[%select_n3A_224, %dma_start3A_239] : memref<4x128xi32, #tpu.memory_space<vmem>> -> memref<1x128xi32, #tpu.memory_space<vmem>>
        %dma_start3A_241 = tpu.memref_squeeze %dma_start3A_240 : memref<1x128xi32, #tpu.memory_space<vmem>> -> memref<128xi32, #tpu.memory_space<vmem>>
        %dma_start3A_242 = tpu.memref_slice %arg2[%dma_start3A_238, %multiple_of3A_237] : memref<2x320000xi32, #tpu.memory_space<hbm>> -> memref<1x128xi32, #tpu.memory_space<hbm>>
        %dma_start3A_243 = tpu.memref_squeeze %dma_start3A_242 : memref<1x128xi32, #tpu.memory_space<hbm>> -> memref<128xi32, #tpu.memory_space<hbm>>
        %dma_start3A_244 = tpu.memref_slice %arg8[%select_n3A_224] : memref<4x!tpu.dma_semaphore, #tpu.memory_space<semaphore_mem>> -> memref<1x!tpu.dma_semaphore, #tpu.memory_space<semaphore_mem>>
        %dma_start3A_245 = tpu.memref_squeeze %dma_start3A_244 : memref<1x!tpu.dma_semaphore, #tpu.memory_space<semaphore_mem>> -> memref<!tpu.dma_semaphore, #tpu.memory_space<semaphore_mem>>
        %dma_start3A_246 = arith.constant 0 : i32
        %dma_start3A_247 = tpu.memref_slice %arg6[%select_n3A_224, %dma_start3A_246] : memref<4x128xi32, #tpu.memory_space<vmem>> -> memref<1x128xi32, #tpu.memory_space<vmem>>
        %dma_start3A_248 = tpu.memref_squeeze %dma_start3A_247 : memref<1x128xi32, #tpu.memory_space<vmem>> -> memref<128xi32, #tpu.memory_space<vmem>>
        %dma_start3A_249 = tpu.memref_slice %arg2[%dma_start3A_238, %multiple_of3A_237] : memref<2x320000xi32, #tpu.memory_space<hbm>> -> memref<1x128xi32, #tpu.memory_space<hbm>>
        %dma_start3A_250 = tpu.memref_squeeze %dma_start3A_249 : memref<1x128xi32, #tpu.memory_space<hbm>> -> memref<128xi32, #tpu.memory_space<hbm>>
        tpu.enqueue_dma source(%dma_start3A_250 : memref<128xi32, #tpu.memory_space<hbm>>) target(%dma_start3A_248 : memref<128xi32, #tpu.memory_space<vmem>>) target_semaphore(%dma_start3A_245 : memref<!tpu.dma_semaphore, #tpu.memory_space<semaphore_mem>>)
      } else {
      }
    }
    %while3A_122 = arith.constant 1 : i32
    scf.for %while3A_161 = %while3A_120 to %while3A_116 step %while3A_122  : i32 {
      %jit3A_162 = arith.constant 4 : i32
      %eq3A = arith.constant 0 : i32
      %eq3A_163 = arith.cmpi eq, %jit3A_162, %eq3A : i32
      %jit3A_164 = arith.constant 1 : i32
      %select_n3A_165 = arith.select %eq3A_163, %jit3A_164, %jit3A_162 : i32
      %rem3A_166 = arith.remsi %while3A_161, %select_n3A_165 : i32
      %ne3A_167 = arith.constant 0 : i32
      %ne3A_168 = arith.cmpi ne, %rem3A_166, %ne3A_167 : i32
      %lt3A = arith.constant 0 : i32
      %lt3A_169 = arith.cmpi slt, %rem3A_166, %lt3A : i32
      %lt3A_170 = arith.constant 0 : i32
      %lt3A_171 = arith.cmpi slt, %select_n3A_165, %lt3A_170 : i32
      %ne3A_172 = arith.xori %lt3A_169, %lt3A_171 : i1
      %and3A_173 = arith.andi %ne3A_172, %ne3A_168 : i1
      %add3A_174 = arith.addi %rem3A_166, %select_n3A_165 : i32
      %select_n3A_175 = arith.select %and3A_173, %add3A_174, %rem3A_166 : i32
      %mul3A_176 = arith.constant 32 : i32
      %mul3A_177 = arith.muli %while3A_161, %mul3A_176 : i32
      %add3A_178 = arith.addi %add3A, %mul3A_177 : i32
      %mul3A_179 = arith.constant 128 : i32
      %mul3A_180 = arith.muli %add3A_178, %mul3A_179 : i32
      %multiple_of3A_181 = tpu.assume_multiple %mul3A_180, 8 : i32
      %dma_wait3A = arith.constant 1 : i32
      %dma_wait3A_182 = arith.constant 0 : i32
      %dma_wait3A_183 = tpu.memref_slice %arg6[%select_n3A_175, %dma_wait3A_182] : memref<4x128xi32, #tpu.memory_space<vmem>> -> memref<1x128xi32, #tpu.memory_space<vmem>>
      %dma_wait3A_184 = tpu.memref_squeeze %dma_wait3A_183 : memref<1x128xi32, #tpu.memory_space<vmem>> -> memref<128xi32, #tpu.memory_space<vmem>>
      %dma_wait3A_185 = tpu.memref_slice %arg2[%dma_wait3A, %multiple_of3A_181] : memref<2x320000xi32, #tpu.memory_space<hbm>> -> memref<1x128xi32, #tpu.memory_space<hbm>>
      %dma_wait3A_186 = tpu.memref_squeeze %dma_wait3A_185 : memref<1x128xi32, #tpu.memory_space<hbm>> -> memref<128xi32, #tpu.memory_space<hbm>>
      %dma_wait3A_187 = tpu.memref_slice %arg8[%select_n3A_175] : memref<4x!tpu.dma_semaphore, #tpu.memory_space<semaphore_mem>> -> memref<1x!tpu.dma_semaphore, #tpu.memory_space<semaphore_mem>>
      %dma_wait3A_188 = tpu.memref_squeeze %dma_wait3A_187 : memref<1x!tpu.dma_semaphore, #tpu.memory_space<semaphore_mem>> -> memref<!tpu.dma_semaphore, #tpu.memory_space<semaphore_mem>>
      %dma_wait3A_189 = arith.constant 0 : i32
      %dma_wait3A_190 = tpu.memref_slice %arg6[%select_n3A_175, %dma_wait3A_189] : memref<4x128xi32, #tpu.memory_space<vmem>> -> memref<1x128xi32, #tpu.memory_space<vmem>>
      %dma_wait3A_191 = tpu.memref_squeeze %dma_wait3A_190 : memref<1x128xi32, #tpu.memory_space<vmem>> -> memref<128xi32, #tpu.memory_space<vmem>>
      %dma_wait3A_192 = tpu.memref_slice %arg2[%dma_wait3A, %multiple_of3A_181] : memref<2x320000xi32, #tpu.memory_space<hbm>> -> memref<1x128xi32, #tpu.memory_space<hbm>>
      %dma_wait3A_193 = tpu.memref_squeeze %dma_wait3A_192 : memref<1x128xi32, #tpu.memory_space<hbm>> -> memref<128xi32, #tpu.memory_space<hbm>>
      tpu.wait_dma2 semaphore(%dma_wait3A_188 : memref<!tpu.dma_semaphore, #tpu.memory_space<semaphore_mem>>) src(%dma_wait3A_193 : memref<128xi32, #tpu.memory_space<hbm>>) dst(%dma_wait3A_191 : memref<128xi32, #tpu.memory_space<vmem>>)
      %dma_start3A_194 = arith.constant 0 : i32
      %dma_start3A_195 = tpu.memref_slice %arg6[%select_n3A_175, %dma_start3A_194] : memref<4x128xi32, #tpu.memory_space<vmem>> -> memref<1x128xi32, #tpu.memory_space<vmem>>
      %dma_start3A_196 = tpu.memref_squeeze %dma_start3A_195 : memref<1x128xi32, #tpu.memory_space<vmem>> -> memref<128xi32, #tpu.memory_space<vmem>>
      %dma_start3A_197 = arith.constant 0 : i32
      %dma_start3A_198 = tpu.memref_slice %arg7[%dma_start3A_197] : memref<10240xf32, #tpu.memory_space<vmem_shared>> -> memref<10240xf32, #tpu.memory_space<vmem_shared>>
      %dma_start3A_199 = tpu.memref_slice %arg9[%select_n3A_175] : memref<4x!tpu.dma_semaphore, #tpu.memory_space<semaphore_mem>> -> memref<1x!tpu.dma_semaphore, #tpu.memory_space<semaphore_mem>>
      %dma_start3A_200 = tpu.memref_squeeze %dma_start3A_199 : memref<1x!tpu.dma_semaphore, #tpu.memory_space<semaphore_mem>> -> memref<!tpu.dma_semaphore, #tpu.memory_space<semaphore_mem>>
      tpu.enqueue_indirect_dma source(%arg5 : memref<128xf32, #tpu.memory_space<vmem>>) target(%dma_start3A_198 : memref<10240xf32, #tpu.memory_space<vmem_shared>>) offsets(%dma_start3A_196 : memref<128xi32, #tpu.memory_space<vmem>>) semaphore(%dma_start3A_200 : memref<!tpu.dma_semaphore, #tpu.memory_space<semaphore_mem>>) {add = true}
      %add3A_201 = arith.constant 2 : i32
      %add3A_202 = arith.addi %while3A_161, %add3A_201 : i32
      %lt3A_203 = arith.cmpi slt, %add3A_202, %select_n3A : i32
      %convert_element_type3A_204 = arith.extui %lt3A_203 : i1 to i32
      %cond3A_205 = arith.constant 0 : i32
      %cond3A_206 = arith.cmpi ne, %convert_element_type3A_204, %cond3A_205 : i32
      scf.if %cond3A_206 {
        %add3A_207 = arith.constant 2 : i32
        %add3A_208 = arith.addi %while3A_161, %add3A_207 : i32
        %jit3A_209 = arith.constant 4 : i32
        %eq3A_210 = arith.constant 0 : i32
        %eq3A_211 = arith.cmpi eq, %jit3A_209, %eq3A_210 : i32
        %jit3A_212 = arith.constant 1 : i32
        %select_n3A_213 = arith.select %eq3A_211, %jit3A_212, %jit3A_209 : i32
        %rem3A_214 = arith.remsi %add3A_208, %select_n3A_213 : i32
        %ne3A_215 = arith.constant 0 : i32
        %ne3A_216 = arith.cmpi ne, %rem3A_214, %ne3A_215 : i32
        %lt3A_217 = arith.constant 0 : i32
        %lt3A_218 = arith.cmpi slt, %rem3A_214, %lt3A_217 : i32
        %lt3A_219 = arith.constant 0 : i32
        %lt3A_220 = arith.cmpi slt, %select_n3A_213, %lt3A_219 : i32
        %ne3A_221 = arith.xori %lt3A_218, %lt3A_220 : i1
        %and3A_222 = arith.andi %ne3A_221, %ne3A_216 : i1
        %add3A_223 = arith.addi %rem3A_214, %select_n3A_213 : i32
        %select_n3A_224 = arith.select %and3A_222, %add3A_223, %rem3A_214 : i32
        %ge3A_225 = arith.constant 2 : i32
        %ge3A_226 = arith.cmpi sge, %while3A_161, %ge3A_225 : i32
        %convert_element_type3A_227 = arith.extui %ge3A_226 : i1 to i32
        %cond3A_228 = arith.constant 0 : i32
        %cond3A_229 = arith.cmpi ne, %convert_element_type3A_227, %cond3A_228 : i32
        scf.if %cond3A_229 {
          %sub3A_251 = arith.constant 2 : i32
          %sub3A_252 = arith.subi %while3A_161, %sub3A_251 : i32
          %jit3A_253 = arith.constant 4 : i32
          %eq3A_254 = arith.constant 0 : i32
          %eq3A_255 = arith.cmpi eq, %jit3A_253, %eq3A_254 : i32
          %jit3A_256 = arith.constant 1 : i32
          %select_n3A_257 = arith.select %eq3A_255, %jit3A_256, %jit3A_253 : i32
          %rem3A_258 = arith.remsi %sub3A_252, %select_n3A_257 : i32
          %ne3A_259 = arith.constant 0 : i32
          %ne3A_260 = arith.cmpi ne, %rem3A_258, %ne3A_259 : i32
          %lt3A_261 = arith.constant 0 : i32
          %lt3A_262 = arith.cmpi slt, %rem3A_258, %lt3A_261 : i32
          %lt3A_263 = arith.constant 0 : i32
          %lt3A_264 = arith.cmpi slt, %select_n3A_257, %lt3A_263 : i32
          %ne3A_265 = arith.xori %lt3A_262, %lt3A_264 : i1
          %and3A_266 = arith.andi %ne3A_265, %ne3A_260 : i1
          %add3A_267 = arith.addi %rem3A_258, %select_n3A_257 : i32
          %select_n3A_268 = arith.select %and3A_266, %add3A_267, %rem3A_258 : i32
          %dma_wait3A_269 = arith.constant 0 : i32
          %dma_wait3A_270 = tpu.memref_slice %arg6[%select_n3A_268, %dma_wait3A_269] : memref<4x128xi32, #tpu.memory_space<vmem>> -> memref<1x128xi32, #tpu.memory_space<vmem>>
          %dma_wait3A_271 = tpu.memref_squeeze %dma_wait3A_270 : memref<1x128xi32, #tpu.memory_space<vmem>> -> memref<128xi32, #tpu.memory_space<vmem>>
          %dma_wait3A_272 = arith.constant 0 : i32
          %dma_wait3A_273 = tpu.memref_slice %arg7[%dma_wait3A_272] : memref<10240xf32, #tpu.memory_space<vmem_shared>> -> memref<10240xf32, #tpu.memory_space<vmem_shared>>
          %dma_wait3A_274 = tpu.memref_slice %arg9[%select_n3A_268] : memref<4x!tpu.dma_semaphore, #tpu.memory_space<semaphore_mem>> -> memref<1x!tpu.dma_semaphore, #tpu.memory_space<semaphore_mem>>
          %dma_wait3A_275 = tpu.memref_squeeze %dma_wait3A_274 : memref<1x!tpu.dma_semaphore, #tpu.memory_space<semaphore_mem>> -> memref<!tpu.dma_semaphore, #tpu.memory_space<semaphore_mem>>
          tpu.wait_indirect_dma semaphore(%dma_wait3A_275 : memref<!tpu.dma_semaphore, #tpu.memory_space<semaphore_mem>>) src(%arg5 : memref<128xf32, #tpu.memory_space<vmem>>) dst(%dma_wait3A_273 : memref<10240xf32, #tpu.memory_space<vmem_shared>>)
        } else {
        }
        %add3A_230 = arith.constant 2 : i32
        %add3A_231 = arith.addi %while3A_161, %add3A_230 : i32
        %mul3A_232 = arith.constant 32 : i32
        %mul3A_233 = arith.muli %add3A_231, %mul3A_232 : i32
        %add3A_234 = arith.addi %add3A, %mul3A_233 : i32
        %mul3A_235 = arith.constant 128 : i32
        %mul3A_236 = arith.muli %add3A_234, %mul3A_235 : i32
        %multiple_of3A_237 = tpu.assume_multiple %mul3A_236, 8 : i32
        %dma_start3A_238 = arith.constant 1 : i32
        %dma_start3A_239 = arith.constant 0 : i32
        %dma_start3A_240 = tpu.memref_slice %arg6[%select_n3A_224, %dma_start3A_239] : memref<4x128xi32, #tpu.memory_space<vmem>> -> memref<1x128xi32, #tpu.memory_space<vmem>>
        %dma_start3A_241 = tpu.memref_squeeze %dma_start3A_240 : memref<1x128xi32, #tpu.memory_space<vmem>> -> memref<128xi32, #tpu.memory_space<vmem>>
        %dma_start3A_242 = tpu.memref_slice %arg2[%dma_start3A_238, %multiple_of3A_237] : memref<2x320000xi32, #tpu.memory_space<hbm>> -> memref<1x128xi32, #tpu.memory_space<hbm>>
        %dma_start3A_243 = tpu.memref_squeeze %dma_start3A_242 : memref<1x128xi32, #tpu.memory_space<hbm>> -> memref<128xi32, #tpu.memory_space<hbm>>
        %dma_start3A_244 = tpu.memref_slice %arg8[%select_n3A_224] : memref<4x!tpu.dma_semaphore, #tpu.memory_space<semaphore_mem>> -> memref<1x!tpu.dma_semaphore, #tpu.memory_space<semaphore_mem>>
        %dma_start3A_245 = tpu.memref_squeeze %dma_start3A_244 : memref<1x!tpu.dma_semaphore, #tpu.memory_space<semaphore_mem>> -> memref<!tpu.dma_semaphore, #tpu.memory_space<semaphore_mem>>
        %dma_start3A_246 = arith.constant 0 : i32
        %dma_start3A_247 = tpu.memref_slice %arg6[%select_n3A_224, %dma_start3A_246] : memref<4x128xi32, #tpu.memory_space<vmem>> -> memref<1x128xi32, #tpu.memory_space<vmem>>
        %dma_start3A_248 = tpu.memref_squeeze %dma_start3A_247 : memref<1x128xi32, #tpu.memory_space<vmem>> -> memref<128xi32, #tpu.memory_space<vmem>>
        %dma_start3A_249 = tpu.memref_slice %arg2[%dma_start3A_238, %multiple_of3A_237] : memref<2x320000xi32, #tpu.memory_space<hbm>> -> memref<1x128xi32, #tpu.memory_space<hbm>>
        %dma_start3A_250 = tpu.memref_squeeze %dma_start3A_249 : memref<1x128xi32, #tpu.memory_space<hbm>> -> memref<128xi32, #tpu.memory_space<hbm>>
        tpu.enqueue_dma source(%dma_start3A_250 : memref<128xi32, #tpu.memory_space<hbm>>) target(%dma_start3A_248 : memref<128xi32, #tpu.memory_space<vmem>>) target_semaphore(%dma_start3A_245 : memref<!tpu.dma_semaphore, #tpu.memory_space<semaphore_mem>>)
      } else {
      }
    }
    %sub3A_123 = arith.constant 4 : i32
    %sub3A_124 = arith.subi %select_n3A, %sub3A_123 : i32
    %add3A_125 = arith.constant 0 : i32
    %add3A_126 = arith.addi %sub3A_124, %add3A_125 : i32
    %ge3A = arith.constant 0 : i32
    %ge3A_127 = arith.cmpi sge, %add3A_126, %ge3A : i32
    %convert_element_type3A = arith.extui %ge3A_127 : i1 to i32
    %cond3A = arith.constant 0 : i32
    %cond3A_128 = arith.cmpi ne, %convert_element_type3A, %cond3A : i32
    scf.if %cond3A_128 {
      %jit3A_161 = arith.constant 4 : i32
      %eq3A = arith.constant 0 : i32
      %eq3A_162 = arith.cmpi eq, %jit3A_161, %eq3A : i32
      %jit3A_163 = arith.constant 1 : i32
      %select_n3A_164 = arith.select %eq3A_162, %jit3A_163, %jit3A_161 : i32
      %rem3A_165 = arith.remsi %add3A_126, %select_n3A_164 : i32
      %ne3A_166 = arith.constant 0 : i32
      %ne3A_167 = arith.cmpi ne, %rem3A_165, %ne3A_166 : i32
      %lt3A = arith.constant 0 : i32
      %lt3A_168 = arith.cmpi slt, %rem3A_165, %lt3A : i32
      %lt3A_169 = arith.constant 0 : i32
      %lt3A_170 = arith.cmpi slt, %select_n3A_164, %lt3A_169 : i32
      %ne3A_171 = arith.xori %lt3A_168, %lt3A_170 : i1
      %and3A_172 = arith.andi %ne3A_171, %ne3A_167 : i1
      %add3A_173 = arith.addi %rem3A_165, %select_n3A_164 : i32
      %select_n3A_174 = arith.select %and3A_172, %add3A_173, %rem3A_165 : i32
      %dma_wait3A = arith.constant 0 : i32
      %dma_wait3A_175 = tpu.memref_slice %arg6[%select_n3A_174, %dma_wait3A] : memref<4x128xi32, #tpu.memory_space<vmem>> -> memref<1x128xi32, #tpu.memory_space<vmem>>
      %dma_wait3A_176 = tpu.memref_squeeze %dma_wait3A_175 : memref<1x128xi32, #tpu.memory_space<vmem>> -> memref<128xi32, #tpu.memory_space<vmem>>
      %dma_wait3A_177 = arith.constant 0 : i32
      %dma_wait3A_178 = tpu.memref_slice %arg7[%dma_wait3A_177] : memref<10240xf32, #tpu.memory_space<vmem_shared>> -> memref<10240xf32, #tpu.memory_space<vmem_shared>>
      %dma_wait3A_179 = tpu.memref_slice %arg9[%select_n3A_174] : memref<4x!tpu.dma_semaphore, #tpu.memory_space<semaphore_mem>> -> memref<1x!tpu.dma_semaphore, #tpu.memory_space<semaphore_mem>>
      %dma_wait3A_180 = tpu.memref_squeeze %dma_wait3A_179 : memref<1x!tpu.dma_semaphore, #tpu.memory_space<semaphore_mem>> -> memref<!tpu.dma_semaphore, #tpu.memory_space<semaphore_mem>>
      tpu.wait_indirect_dma semaphore(%dma_wait3A_180 : memref<!tpu.dma_semaphore, #tpu.memory_space<semaphore_mem>>) src(%arg5 : memref<128xf32, #tpu.memory_space<vmem>>) dst(%dma_wait3A_178 : memref<10240xf32, #tpu.memory_space<vmem_shared>>)
    } else {
    }
    %sub3A_129 = arith.constant 4 : i32
    %sub3A_130 = arith.subi %select_n3A, %sub3A_129 : i32
    %add3A_131 = arith.constant 1 : i32
    %add3A_132 = arith.addi %sub3A_130, %add3A_131 : i32
    %ge3A_133 = arith.constant 0 : i32
    %ge3A_134 = arith.cmpi sge, %add3A_132, %ge3A_133 : i32
    %convert_element_type3A_135 = arith.extui %ge3A_134 : i1 to i32
    %cond3A_136 = arith.constant 0 : i32
    %cond3A_137 = arith.cmpi ne, %convert_element_type3A_135, %cond3A_136 : i32
    scf.if %cond3A_137 {
      %jit3A_161 = arith.constant 4 : i32
      %eq3A = arith.constant 0 : i32
      %eq3A_162 = arith.cmpi eq, %jit3A_161, %eq3A : i32
      %jit3A_163 = arith.constant 1 : i32
      %select_n3A_164 = arith.select %eq3A_162, %jit3A_163, %jit3A_161 : i32
      %rem3A_165 = arith.remsi %add3A_132, %select_n3A_164 : i32
      %ne3A_166 = arith.constant 0 : i32
      %ne3A_167 = arith.cmpi ne, %rem3A_165, %ne3A_166 : i32
      %lt3A = arith.constant 0 : i32
      %lt3A_168 = arith.cmpi slt, %rem3A_165, %lt3A : i32
      %lt3A_169 = arith.constant 0 : i32
      %lt3A_170 = arith.cmpi slt, %select_n3A_164, %lt3A_169 : i32
      %ne3A_171 = arith.xori %lt3A_168, %lt3A_170 : i1
      %and3A_172 = arith.andi %ne3A_171, %ne3A_167 : i1
      %add3A_173 = arith.addi %rem3A_165, %select_n3A_164 : i32
      %select_n3A_174 = arith.select %and3A_172, %add3A_173, %rem3A_165 : i32
      %dma_wait3A = arith.constant 0 : i32
      %dma_wait3A_175 = tpu.memref_slice %arg6[%select_n3A_174, %dma_wait3A] : memref<4x128xi32, #tpu.memory_space<vmem>> -> memref<1x128xi32, #tpu.memory_space<vmem>>
      %dma_wait3A_176 = tpu.memref_squeeze %dma_wait3A_175 : memref<1x128xi32, #tpu.memory_space<vmem>> -> memref<128xi32, #tpu.memory_space<vmem>>
      %dma_wait3A_177 = arith.constant 0 : i32
      %dma_wait3A_178 = tpu.memref_slice %arg7[%dma_wait3A_177] : memref<10240xf32, #tpu.memory_space<vmem_shared>> -> memref<10240xf32, #tpu.memory_space<vmem_shared>>
      %dma_wait3A_179 = tpu.memref_slice %arg9[%select_n3A_174] : memref<4x!tpu.dma_semaphore, #tpu.memory_space<semaphore_mem>> -> memref<1x!tpu.dma_semaphore, #tpu.memory_space<semaphore_mem>>
      %dma_wait3A_180 = tpu.memref_squeeze %dma_wait3A_179 : memref<1x!tpu.dma_semaphore, #tpu.memory_space<semaphore_mem>> -> memref<!tpu.dma_semaphore, #tpu.memory_space<semaphore_mem>>
      tpu.wait_indirect_dma semaphore(%dma_wait3A_180 : memref<!tpu.dma_semaphore, #tpu.memory_space<semaphore_mem>>) src(%arg5 : memref<128xf32, #tpu.memory_space<vmem>>) dst(%dma_wait3A_178 : memref<10240xf32, #tpu.memory_space<vmem_shared>>)
    } else {
    }
    %sub3A_138 = arith.constant 4 : i32
    %sub3A_139 = arith.subi %select_n3A, %sub3A_138 : i32
    %add3A_140 = arith.constant 2 : i32
    %add3A_141 = arith.addi %sub3A_139, %add3A_140 : i32
    %ge3A_142 = arith.constant 0 : i32
    %ge3A_143 = arith.cmpi sge, %add3A_141, %ge3A_142 : i32
    %convert_element_type3A_144 = arith.extui %ge3A_143 : i1 to i32
    %cond3A_145 = arith.constant 0 : i32
    %cond3A_146 = arith.cmpi ne, %convert_element_type3A_144, %cond3A_145 : i32
    scf.if %cond3A_146 {
      %jit3A_161 = arith.constant 4 : i32
      %eq3A = arith.constant 0 : i32
      %eq3A_162 = arith.cmpi eq, %jit3A_161, %eq3A : i32
      %jit3A_163 = arith.constant 1 : i32
      %select_n3A_164 = arith.select %eq3A_162, %jit3A_163, %jit3A_161 : i32
      %rem3A_165 = arith.remsi %add3A_141, %select_n3A_164 : i32
      %ne3A_166 = arith.constant 0 : i32
      %ne3A_167 = arith.cmpi ne, %rem3A_165, %ne3A_166 : i32
      %lt3A = arith.constant 0 : i32
      %lt3A_168 = arith.cmpi slt, %rem3A_165, %lt3A : i32
      %lt3A_169 = arith.constant 0 : i32
      %lt3A_170 = arith.cmpi slt, %select_n3A_164, %lt3A_169 : i32
      %ne3A_171 = arith.xori %lt3A_168, %lt3A_170 : i1
      %and3A_172 = arith.andi %ne3A_171, %ne3A_167 : i1
      %add3A_173 = arith.addi %rem3A_165, %select_n3A_164 : i32
      %select_n3A_174 = arith.select %and3A_172, %add3A_173, %rem3A_165 : i32
      %dma_wait3A = arith.constant 0 : i32
      %dma_wait3A_175 = tpu.memref_slice %arg6[%select_n3A_174, %dma_wait3A] : memref<4x128xi32, #tpu.memory_space<vmem>> -> memref<1x128xi32, #tpu.memory_space<vmem>>
      %dma_wait3A_176 = tpu.memref_squeeze %dma_wait3A_175 : memref<1x128xi32, #tpu.memory_space<vmem>> -> memref<128xi32, #tpu.memory_space<vmem>>
      %dma_wait3A_177 = arith.constant 0 : i32
      %dma_wait3A_178 = tpu.memref_slice %arg7[%dma_wait3A_177] : memref<10240xf32, #tpu.memory_space<vmem_shared>> -> memref<10240xf32, #tpu.memory_space<vmem_shared>>
      %dma_wait3A_179 = tpu.memref_slice %arg9[%select_n3A_174] : memref<4x!tpu.dma_semaphore, #tpu.memory_space<semaphore_mem>> -> memref<1x!tpu.dma_semaphore, #tpu.memory_space<semaphore_mem>>
      %dma_wait3A_180 = tpu.memref_squeeze %dma_wait3A_179 : memref<1x!tpu.dma_semaphore, #tpu.memory_space<semaphore_mem>> -> memref<!tpu.dma_semaphore, #tpu.memory_space<semaphore_mem>>
      tpu.wait_indirect_dma semaphore(%dma_wait3A_180 : memref<!tpu.dma_semaphore, #tpu.memory_space<semaphore_mem>>) src(%arg5 : memref<128xf32, #tpu.memory_space<vmem>>) dst(%dma_wait3A_178 : memref<10240xf32, #tpu.memory_space<vmem_shared>>)
    } else {
    }
    %sub3A_147 = arith.constant 4 : i32
    %sub3A_148 = arith.subi %select_n3A, %sub3A_147 : i32
    %add3A_149 = arith.constant 3 : i32
    %add3A_150 = arith.addi %sub3A_148, %add3A_149 : i32
    %ge3A_151 = arith.constant 0 : i32
    %ge3A_152 = arith.cmpi sge, %add3A_150, %ge3A_151 : i32
    %convert_element_type3A_153 = arith.extui %ge3A_152 : i1 to i32
    %cond3A_154 = arith.constant 0 : i32
    %cond3A_155 = arith.cmpi ne, %convert_element_type3A_153, %cond3A_154 : i32
    scf.if %cond3A_155 {
      %jit3A_161 = arith.constant 4 : i32
      %eq3A = arith.constant 0 : i32
      %eq3A_162 = arith.cmpi eq, %jit3A_161, %eq3A : i32
      %jit3A_163 = arith.constant 1 : i32
      %select_n3A_164 = arith.select %eq3A_162, %jit3A_163, %jit3A_161 : i32
      %rem3A_165 = arith.remsi %add3A_150, %select_n3A_164 : i32
      %ne3A_166 = arith.constant 0 : i32
      %ne3A_167 = arith.cmpi ne, %rem3A_165, %ne3A_166 : i32
      %lt3A = arith.constant 0 : i32
      %lt3A_168 = arith.cmpi slt, %rem3A_165, %lt3A : i32
      %lt3A_169 = arith.constant 0 : i32
      %lt3A_170 = arith.cmpi slt, %select_n3A_164, %lt3A_169 : i32
      %ne3A_171 = arith.xori %lt3A_168, %lt3A_170 : i1
      %and3A_172 = arith.andi %ne3A_171, %ne3A_167 : i1
      %add3A_173 = arith.addi %rem3A_165, %select_n3A_164 : i32
      %select_n3A_174 = arith.select %and3A_172, %add3A_173, %rem3A_165 : i32
      %dma_wait3A = arith.constant 0 : i32
      %dma_wait3A_175 = tpu.memref_slice %arg6[%select_n3A_174, %dma_wait3A] : memref<4x128xi32, #tpu.memory_space<vmem>> -> memref<1x128xi32, #tpu.memory_space<vmem>>
      %dma_wait3A_176 = tpu.memref_squeeze %dma_wait3A_175 : memref<1x128xi32, #tpu.memory_space<vmem>> -> memref<128xi32, #tpu.memory_space<vmem>>
      %dma_wait3A_177 = arith.constant 0 : i32
      %dma_wait3A_178 = tpu.memref_slice %arg7[%dma_wait3A_177] : memref<10240xf32, #tpu.memory_space<vmem_shared>> -> memref<10240xf32, #tpu.memory_space<vmem_shared>>
      %dma_wait3A_179 = tpu.memref_slice %arg9[%select_n3A_174] : memref<4x!tpu.dma_semaphore, #tpu.memory_space<semaphore_mem>> -> memref<1x!tpu.dma_semaphore, #tpu.memory_space<semaphore_mem>>
      %dma_wait3A_180 = tpu.memref_squeeze %dma_wait3A_179 : memref<1x!tpu.dma_semaphore, #tpu.memory_space<semaphore_mem>> -> memref<!tpu.dma_semaphore, #tpu.memory_space<semaphore_mem>>
      tpu.wait_indirect_dma semaphore(%dma_wait3A_180 : memref<!tpu.dma_semaphore, #tpu.memory_space<semaphore_mem>>) src(%arg5 : memref<128xf32, #tpu.memory_space<vmem>>) dst(%dma_wait3A_178 : memref<10240xf32, #tpu.memory_space<vmem_shared>>)
    } else {
    }
    %barrier3A_156 = arith.constant 0 : index
    tpu.barrier barrier_id(%barrier3A_156)
    %mul3A_157 = arith.constant 640 : i32
    %mul3A_158 = arith.muli %arg1, %mul3A_157 : i32
    %mul3A_159 = arith.constant 640 : i32
    %mul3A_160 = arith.muli %arg1, %mul3A_159 : i32
    "tpu.region"() ({
      %run_scoped3A = tpu.sem_alloc : memref<!tpu.dma_semaphore, #tpu.memory_space<semaphore_mem>>
      %dma_start3A_161 = tpu.memref_slice %arg3[%arg0, %mul3A_160] : memref<2x10240xf32, #tpu.memory_space<hbm>> -> memref<1x640xf32, #tpu.memory_space<hbm>>
      %dma_start3A_162 = tpu.memref_squeeze %dma_start3A_161 : memref<1x640xf32, #tpu.memory_space<hbm>> -> memref<640xf32, #tpu.memory_space<hbm>>
      %dma_start3A_163 = tpu.memref_slice %arg7[%mul3A_158] : memref<10240xf32, #tpu.memory_space<vmem_shared>> -> memref<640xf32, #tpu.memory_space<vmem_shared>>
      tpu.enqueue_dma source(%dma_start3A_163 : memref<640xf32, #tpu.memory_space<vmem_shared>>) target(%dma_start3A_162 : memref<640xf32, #tpu.memory_space<hbm>>) target_semaphore(%run_scoped3A : memref<!tpu.dma_semaphore, #tpu.memory_space<semaphore_mem>>)
      %dma_wait3A = tpu.memref_slice %arg3[%arg0, %mul3A_160] : memref<2x10240xf32, #tpu.memory_space<hbm>> -> memref<1x640xf32, #tpu.memory_space<hbm>>
      %dma_wait3A_164 = tpu.memref_squeeze %dma_wait3A : memref<1x640xf32, #tpu.memory_space<hbm>> -> memref<640xf32, #tpu.memory_space<hbm>>
      %dma_wait3A_165 = tpu.memref_slice %arg7[%mul3A_158] : memref<10240xf32, #tpu.memory_space<vmem_shared>> -> memref<640xf32, #tpu.memory_space<vmem_shared>>
      tpu.wait_dma2 semaphore(%run_scoped3A : memref<!tpu.dma_semaphore, #tpu.memory_space<semaphore_mem>>) src(%dma_wait3A_165 : memref<640xf32, #tpu.memory_space<vmem_shared>>) dst(%dma_wait3A_164 : memref<640xf32, #tpu.memory_space<hbm>>)
      tpu.yield
    }) : () -> ()
    return
  }
}

#map = affine_map<(d0, d1) -> (0, 0)>
#map1 = affine_map<(d0, d1) -> (0, 0, 0)>
module attributes {stable_mosaic.version = 14 : i64} {
  func.func @k(%arg0: i32, %arg1: i32, %arg2: memref<10000x128xf32, #tpu.memory_space<hbm>>, %arg3: memref<2x320000xi32, #tpu.memory_space<hbm>>, %arg4: memref<2x10240x128xf32, #tpu.memory_space<hbm>>, %arg5: memref<2x128x128xf32, #tpu.memory_space<vmem>>, %arg6: memref<6x128xi32, #tpu.memory_space<vmem>>, %arg7: memref<6x128xi32, #tpu.memory_space<vmem>>, %arg8: memref<10240x128xf32, #tpu.memory_space<vmem_shared>>, %arg9: memref<6x!tpu.dma_semaphore, #tpu.memory_space<semaphore_mem>>, %arg10: memref<6x!tpu.dma_semaphore, #tpu.memory_space<semaphore_mem>>, %arg11: memref<2x!tpu.dma_semaphore, #tpu.memory_space<semaphore_mem>>, %arg12: memref<2x!tpu.dma_semaphore, #tpu.memory_space<semaphore_mem>>) attributes {dimension_semantics = [#tpu.dimension_semantics<core_parallel>, #tpu.dimension_semantics<subcore_parallel>], iteration_bounds = array<i64: 2, 16>, scalar_prefetch = 0 : i64, scratch_operands = 8 : i64, tpu.core_type = #tpu.core_type<sc_vector_subcore>, window_params = [{transform_indices = #map}, {transform_indices = #map}, {transform_indices = #map1}]} {
    %mul3A = arith.constant 16 : i32
    %mul3A_0 = arith.muli %arg0, %mul3A : i32
    %add3A = arith.addi %mul3A_0, %arg1 : i32
    %sub3A = arith.constant 2500 : i32
    %sub3A_1 = arith.subi %sub3A, %add3A : i32
    %add3A_2 = arith.constant 32 : i32
    %add3A_3 = arith.addi %sub3A_1, %add3A_2 : i32
    %sub3A_4 = arith.constant 1 : i32
    %sub3A_5 = arith.subi %add3A_3, %sub3A_4 : i32
    %jit3A = arith.constant 32 : i32
    %div3A = arith.divsi %sub3A_5, %jit3A : i32
    %sign3A = arith.constant 0 : i32
    %sign3A_6 = arith.cmpi sgt, %sub3A_5, %sign3A : i32
    %sign3A_7 = arith.extui %sign3A_6 : i1 to i32
    %sign3A_8 = arith.constant 0 : i32
    %sign3A_9 = arith.cmpi slt, %sub3A_5, %sign3A_8 : i32
    %sign3A_10 = arith.extui %sign3A_9 : i1 to i32
    %sign3A_11 = arith.subi %sign3A_7, %sign3A_10 : i32
    %sign3A_12 = arith.constant 0 : i32
    %sign3A_13 = arith.cmpi sgt, %jit3A, %sign3A_12 : i32
    %sign3A_14 = arith.extui %sign3A_13 : i1 to i32
    %sign3A_15 = arith.constant 0 : i32
    %sign3A_16 = arith.cmpi slt, %jit3A, %sign3A_15 : i32
    %sign3A_17 = arith.extui %sign3A_16 : i1 to i32
    %sign3A_18 = arith.subi %sign3A_14, %sign3A_17 : i32
    %ne3A = arith.cmpi ne, %sign3A_11, %sign3A_18 : i32
    %rem3A = arith.remsi %sub3A_5, %jit3A : i32
    %ne3A_19 = arith.constant 0 : i32
    %ne3A_20 = arith.cmpi ne, %rem3A, %ne3A_19 : i32
    %and3A = arith.andi %ne3A, %ne3A_20 : i1
    %sub3A_21 = arith.constant 1 : i32
    %sub3A_22 = arith.subi %div3A, %sub3A_21 : i32
    %select_n3A = arith.select %and3A, %sub3A_22, %div3A : i32
    %add3A_23 = arith.constant 0 : i32
    %add3A_24 = arith.addi %add3A, %add3A_23 : i32
    %mul3A_25 = arith.constant 128 : i32
    %mul3A_26 = arith.muli %add3A_24, %mul3A_25 : i32
    %multiple_of3A = tpu.assume_multiple %mul3A_26, 8 : i32
    %dma_start3A = arith.constant 0 : i32
    %dma_start3A_27 = arith.constant 0 : i32
    %dma_start3A_28 = arith.constant 0 : i32
    %dma_start3A_29 = arith.constant 0 : i32
    %dma_start3A_30 = tpu.memref_slice %arg6[%dma_start3A_27, %dma_start3A_29] : memref<6x128xi32, #tpu.memory_space<vmem>> -> memref<1x128xi32, #tpu.memory_space<vmem>>
    %dma_start3A_31 = tpu.memref_squeeze %dma_start3A_30 : memref<1x128xi32, #tpu.memory_space<vmem>> -> memref<128xi32, #tpu.memory_space<vmem>>
    %dma_start3A_32 = tpu.memref_slice %arg3[%dma_start3A, %multiple_of3A] : memref<2x320000xi32, #tpu.memory_space<hbm>> -> memref<1x128xi32, #tpu.memory_space<hbm>>
    %dma_start3A_33 = tpu.memref_squeeze %dma_start3A_32 : memref<1x128xi32, #tpu.memory_space<hbm>> -> memref<128xi32, #tpu.memory_space<hbm>>
    %dma_start3A_34 = tpu.memref_slice %arg9[%dma_start3A_28] : memref<6x!tpu.dma_semaphore, #tpu.memory_space<semaphore_mem>> -> memref<1x!tpu.dma_semaphore, #tpu.memory_space<semaphore_mem>>
    %dma_start3A_35 = tpu.memref_squeeze %dma_start3A_34 : memref<1x!tpu.dma_semaphore, #tpu.memory_space<semaphore_mem>> -> memref<!tpu.dma_semaphore, #tpu.memory_space<semaphore_mem>>
    %dma_start3A_36 = arith.constant 0 : i32
    %dma_start3A_37 = tpu.memref_slice %arg6[%dma_start3A_27, %dma_start3A_36] : memref<6x128xi32, #tpu.memory_space<vmem>> -> memref<1x128xi32, #tpu.memory_space<vmem>>
    %dma_start3A_38 = tpu.memref_squeeze %dma_start3A_37 : memref<1x128xi32, #tpu.memory_space<vmem>> -> memref<128xi32, #tpu.memory_space<vmem>>
    %dma_start3A_39 = tpu.memref_slice %arg3[%dma_start3A, %multiple_of3A] : memref<2x320000xi32, #tpu.memory_space<hbm>> -> memref<1x128xi32, #tpu.memory_space<hbm>>
    %dma_start3A_40 = tpu.memref_squeeze %dma_start3A_39 : memref<1x128xi32, #tpu.memory_space<hbm>> -> memref<128xi32, #tpu.memory_space<hbm>>
    tpu.enqueue_dma source(%dma_start3A_40 : memref<128xi32, #tpu.memory_space<hbm>>) target(%dma_start3A_38 : memref<128xi32, #tpu.memory_space<vmem>>) target_semaphore(%dma_start3A_35 : memref<!tpu.dma_semaphore, #tpu.memory_space<semaphore_mem>>)
    %dma_start3A_41 = arith.constant 1 : i32
    %dma_start3A_42 = arith.constant 0 : i32
    %dma_start3A_43 = arith.constant 0 : i32
    %dma_start3A_44 = arith.constant 0 : i32
    %dma_start3A_45 = tpu.memref_slice %arg7[%dma_start3A_42, %dma_start3A_44] : memref<6x128xi32, #tpu.memory_space<vmem>> -> memref<1x128xi32, #tpu.memory_space<vmem>>
    %dma_start3A_46 = tpu.memref_squeeze %dma_start3A_45 : memref<1x128xi32, #tpu.memory_space<vmem>> -> memref<128xi32, #tpu.memory_space<vmem>>
    %dma_start3A_47 = tpu.memref_slice %arg3[%dma_start3A_41, %multiple_of3A] : memref<2x320000xi32, #tpu.memory_space<hbm>> -> memref<1x128xi32, #tpu.memory_space<hbm>>
    %dma_start3A_48 = tpu.memref_squeeze %dma_start3A_47 : memref<1x128xi32, #tpu.memory_space<hbm>> -> memref<128xi32, #tpu.memory_space<hbm>>
    %dma_start3A_49 = tpu.memref_slice %arg10[%dma_start3A_43] : memref<6x!tpu.dma_semaphore, #tpu.memory_space<semaphore_mem>> -> memref<1x!tpu.dma_semaphore, #tpu.memory_space<semaphore_mem>>
    %dma_start3A_50 = tpu.memref_squeeze %dma_start3A_49 : memref<1x!tpu.dma_semaphore, #tpu.memory_space<semaphore_mem>> -> memref<!tpu.dma_semaphore, #tpu.memory_space<semaphore_mem>>
    %dma_start3A_51 = arith.constant 0 : i32
    %dma_start3A_52 = tpu.memref_slice %arg7[%dma_start3A_42, %dma_start3A_51] : memref<6x128xi32, #tpu.memory_space<vmem>> -> memref<1x128xi32, #tpu.memory_space<vmem>>
    %dma_start3A_53 = tpu.memref_squeeze %dma_start3A_52 : memref<1x128xi32, #tpu.memory_space<vmem>> -> memref<128xi32, #tpu.memory_space<vmem>>
    %dma_start3A_54 = tpu.memref_slice %arg3[%dma_start3A_41, %multiple_of3A] : memref<2x320000xi32, #tpu.memory_space<hbm>> -> memref<1x128xi32, #tpu.memory_space<hbm>>
    %dma_start3A_55 = tpu.memref_squeeze %dma_start3A_54 : memref<1x128xi32, #tpu.memory_space<hbm>> -> memref<128xi32, #tpu.memory_space<hbm>>
    tpu.enqueue_dma source(%dma_start3A_55 : memref<128xi32, #tpu.memory_space<hbm>>) target(%dma_start3A_53 : memref<128xi32, #tpu.memory_space<vmem>>) target_semaphore(%dma_start3A_50 : memref<!tpu.dma_semaphore, #tpu.memory_space<semaphore_mem>>)
    %add3A_56 = arith.constant 32 : i32
    %add3A_57 = arith.addi %add3A, %add3A_56 : i32
    %mul3A_58 = arith.constant 128 : i32
    %mul3A_59 = arith.muli %add3A_57, %mul3A_58 : i32
    %multiple_of3A_60 = tpu.assume_multiple %mul3A_59, 8 : i32
    %dma_start3A_61 = arith.constant 0 : i32
    %dma_start3A_62 = arith.constant 1 : i32
    %dma_start3A_63 = arith.constant 1 : i32
    %dma_start3A_64 = arith.constant 0 : i32
    %dma_start3A_65 = tpu.memref_slice %arg6[%dma_start3A_62, %dma_start3A_64] : memref<6x128xi32, #tpu.memory_space<vmem>> -> memref<1x128xi32, #tpu.memory_space<vmem>>
    %dma_start3A_66 = tpu.memref_squeeze %dma_start3A_65 : memref<1x128xi32, #tpu.memory_space<vmem>> -> memref<128xi32, #tpu.memory_space<vmem>>
    %dma_start3A_67 = tpu.memref_slice %arg3[%dma_start3A_61, %multiple_of3A_60] : memref<2x320000xi32, #tpu.memory_space<hbm>> -> memref<1x128xi32, #tpu.memory_space<hbm>>
    %dma_start3A_68 = tpu.memref_squeeze %dma_start3A_67 : memref<1x128xi32, #tpu.memory_space<hbm>> -> memref<128xi32, #tpu.memory_space<hbm>>
    %dma_start3A_69 = tpu.memref_slice %arg9[%dma_start3A_63] : memref<6x!tpu.dma_semaphore, #tpu.memory_space<semaphore_mem>> -> memref<1x!tpu.dma_semaphore, #tpu.memory_space<semaphore_mem>>
    %dma_start3A_70 = tpu.memref_squeeze %dma_start3A_69 : memref<1x!tpu.dma_semaphore, #tpu.memory_space<semaphore_mem>> -> memref<!tpu.dma_semaphore, #tpu.memory_space<semaphore_mem>>
    %dma_start3A_71 = arith.constant 0 : i32
    %dma_start3A_72 = tpu.memref_slice %arg6[%dma_start3A_62, %dma_start3A_71] : memref<6x128xi32, #tpu.memory_space<vmem>> -> memref<1x128xi32, #tpu.memory_space<vmem>>
    %dma_start3A_73 = tpu.memref_squeeze %dma_start3A_72 : memref<1x128xi32, #tpu.memory_space<vmem>> -> memref<128xi32, #tpu.memory_space<vmem>>
    %dma_start3A_74 = tpu.memref_slice %arg3[%dma_start3A_61, %multiple_of3A_60] : memref<2x320000xi32, #tpu.memory_space<hbm>> -> memref<1x128xi32, #tpu.memory_space<hbm>>
    %dma_start3A_75 = tpu.memref_squeeze %dma_start3A_74 : memref<1x128xi32, #tpu.memory_space<hbm>> -> memref<128xi32, #tpu.memory_space<hbm>>
    tpu.enqueue_dma source(%dma_start3A_75 : memref<128xi32, #tpu.memory_space<hbm>>) target(%dma_start3A_73 : memref<128xi32, #tpu.memory_space<vmem>>) target_semaphore(%dma_start3A_70 : memref<!tpu.dma_semaphore, #tpu.memory_space<semaphore_mem>>)
    %dma_start3A_76 = arith.constant 1 : i32
    %dma_start3A_77 = arith.constant 1 : i32
    %dma_start3A_78 = arith.constant 1 : i32
    %dma_start3A_79 = arith.constant 0 : i32
    %dma_start3A_80 = tpu.memref_slice %arg7[%dma_start3A_77, %dma_start3A_79] : memref<6x128xi32, #tpu.memory_space<vmem>> -> memref<1x128xi32, #tpu.memory_space<vmem>>
    %dma_start3A_81 = tpu.memref_squeeze %dma_start3A_80 : memref<1x128xi32, #tpu.memory_space<vmem>> -> memref<128xi32, #tpu.memory_space<vmem>>
    %dma_start3A_82 = tpu.memref_slice %arg3[%dma_start3A_76, %multiple_of3A_60] : memref<2x320000xi32, #tpu.memory_space<hbm>> -> memref<1x128xi32, #tpu.memory_space<hbm>>
    %dma_start3A_83 = tpu.memref_squeeze %dma_start3A_82 : memref<1x128xi32, #tpu.memory_space<hbm>> -> memref<128xi32, #tpu.memory_space<hbm>>
    %dma_start3A_84 = tpu.memref_slice %arg10[%dma_start3A_78] : memref<6x!tpu.dma_semaphore, #tpu.memory_space<semaphore_mem>> -> memref<1x!tpu.dma_semaphore, #tpu.memory_space<semaphore_mem>>
    %dma_start3A_85 = tpu.memref_squeeze %dma_start3A_84 : memref<1x!tpu.dma_semaphore, #tpu.memory_space<semaphore_mem>> -> memref<!tpu.dma_semaphore, #tpu.memory_space<semaphore_mem>>
    %dma_start3A_86 = arith.constant 0 : i32
    %dma_start3A_87 = tpu.memref_slice %arg7[%dma_start3A_77, %dma_start3A_86] : memref<6x128xi32, #tpu.memory_space<vmem>> -> memref<1x128xi32, #tpu.memory_space<vmem>>
    %dma_start3A_88 = tpu.memref_squeeze %dma_start3A_87 : memref<1x128xi32, #tpu.memory_space<vmem>> -> memref<128xi32, #tpu.memory_space<vmem>>
    %dma_start3A_89 = tpu.memref_slice %arg3[%dma_start3A_76, %multiple_of3A_60] : memref<2x320000xi32, #tpu.memory_space<hbm>> -> memref<1x128xi32, #tpu.memory_space<hbm>>
    %dma_start3A_90 = tpu.memref_squeeze %dma_start3A_89 : memref<1x128xi32, #tpu.memory_space<hbm>> -> memref<128xi32, #tpu.memory_space<hbm>>
    tpu.enqueue_dma source(%dma_start3A_90 : memref<128xi32, #tpu.memory_space<hbm>>) target(%dma_start3A_88 : memref<128xi32, #tpu.memory_space<vmem>>) target_semaphore(%dma_start3A_85 : memref<!tpu.dma_semaphore, #tpu.memory_space<semaphore_mem>>)
    %scan3A = arith.constant 0 : i32
    %scan3A_91 = arith.constant 0 : i32
    %scan3A_92 = arith.constant 128 : i32
    %scan3A_93 = arith.addi %scan3A_91, %scan3A_92 : i32
    %scan3A_94 = arith.constant 1 : i32
    scf.for %scan3A_169 = %scan3A_91 to %scan3A_93 step %scan3A_94  : i32 {
      %broadcast_in_dim3A = arith.constant 0.000000e+00 : f32
      %broadcast_in_dim3A_170 = vector.broadcast %broadcast_in_dim3A : f32 to vector<16xf32>
      %swap3A = arith.constant 1 : i32
      %swap3A_171 = arith.index_cast %swap3A : i32 to index
      %swap3A_172 = arith.index_cast %scan3A_169 : i32 to index
      %swap3A_173 = arith.constant 0 : index
      %swap3A_174 = tpu.vector_load %arg5[%swap3A_171, %swap3A_172, %swap3A_173] {strides = array<i32>} : memref<2x128x128xf32, #tpu.memory_space<vmem>>, vector<1x1x16xf32>,
      %swap3A_175 = vector.shape_cast %swap3A_174 : vector<1x1x16xf32> to vector<16xf32>
      %swap3A_176 = vector.shape_cast %broadcast_in_dim3A_170 : vector<16xf32> to vector<1x1x16xf32>
      tpu.vector_store %arg5[%swap3A_171, %swap3A_172, %swap3A_173], %swap3A_176 {strides = array<i32>} : memref<2x128x128xf32, #tpu.memory_space<vmem>>, vector<1x1x16xf32>,
      %broadcast_in_dim3A_177 = arith.constant 0.000000e+00 : f32
      %broadcast_in_dim3A_178 = vector.broadcast %broadcast_in_dim3A_177 : f32 to vector<16xf32>
      %swap3A_179 = arith.constant 1 : i32
      %swap3A_180 = arith.index_cast %swap3A_179 : i32 to index
      %swap3A_181 = arith.index_cast %scan3A_169 : i32 to index
      %swap3A_182 = arith.constant 16 : index
      %swap3A_183 = tpu.vector_load %arg5[%swap3A_180, %swap3A_181, %swap3A_182] {strides = array<i32>} : memref<2x128x128xf32, #tpu.memory_space<vmem>>, vector<1x1x16xf32>,
      %swap3A_184 = vector.shape_cast %swap3A_183 : vector<1x1x16xf32> to vector<16xf32>
      %swap3A_185 = vector.shape_cast %broadcast_in_dim3A_178 : vector<16xf32> to vector<1x1x16xf32>
      tpu.vector_store %arg5[%swap3A_180, %swap3A_181, %swap3A_182], %swap3A_185 {strides = array<i32>} : memref<2x128x128xf32, #tpu.memory_space<vmem>>, vector<1x1x16xf32>,
      %broadcast_in_dim3A_186 = arith.constant 0.000000e+00 : f32
      %broadcast_in_dim3A_187 = vector.broadcast %broadcast_in_dim3A_186 : f32 to vector<16xf32>
      %swap3A_188 = arith.constant 1 : i32
      %swap3A_189 = arith.index_cast %swap3A_188 : i32 to index
      %swap3A_190 = arith.index_cast %scan3A_169 : i32 to index
      %swap3A_191 = arith.constant 32 : index
      %swap3A_192 = tpu.vector_load %arg5[%swap3A_189, %swap3A_190, %swap3A_191] {strides = array<i32>} : memref<2x128x128xf32, #tpu.memory_space<vmem>>, vector<1x1x16xf32>,
      %swap3A_193 = vector.shape_cast %swap3A_192 : vector<1x1x16xf32> to vector<16xf32>
      %swap3A_194 = vector.shape_cast %broadcast_in_dim3A_187 : vector<16xf32> to vector<1x1x16xf32>
      tpu.vector_store %arg5[%swap3A_189, %swap3A_190, %swap3A_191], %swap3A_194 {strides = array<i32>} : memref<2x128x128xf32, #tpu.memory_space<vmem>>, vector<1x1x16xf32>,
      %broadcast_in_dim3A_195 = arith.constant 0.000000e+00 : f32
      %broadcast_in_dim3A_196 = vector.broadcast %broadcast_in_dim3A_195 : f32 to vector<16xf32>
      %swap3A_197 = arith.constant 1 : i32
      %swap3A_198 = arith.index_cast %swap3A_197 : i32 to index
      %swap3A_199 = arith.index_cast %scan3A_169 : i32 to index
      %swap3A_200 = arith.constant 48 : index
      %swap3A_201 = tpu.vector_load %arg5[%swap3A_198, %swap3A_199, %swap3A_200] {strides = array<i32>} : memref<2x128x128xf32, #tpu.memory_space<vmem>>, vector<1x1x16xf32>,
      %swap3A_202 = vector.shape_cast %swap3A_201 : vector<1x1x16xf32> to vector<16xf32>
      %swap3A_203 = vector.shape_cast %broadcast_in_dim3A_196 : vector<16xf32> to vector<1x1x16xf32>
      tpu.vector_store %arg5[%swap3A_198, %swap3A_199, %swap3A_200], %swap3A_203 {strides = array<i32>} : memref<2x128x128xf32, #tpu.memory_space<vmem>>, vector<1x1x16xf32>,
      %broadcast_in_dim3A_204 = arith.constant 0.000000e+00 : f32
      %broadcast_in_dim3A_205 = vector.broadcast %broadcast_in_dim3A_204 : f32 to vector<16xf32>
      %swap3A_206 = arith.constant 1 : i32
      %swap3A_207 = arith.index_cast %swap3A_206 : i32 to index
      %swap3A_208 = arith.index_cast %scan3A_169 : i32 to index
      %swap3A_209 = arith.constant 64 : index
      %swap3A_210 = tpu.vector_load %arg5[%swap3A_207, %swap3A_208, %swap3A_209] {strides = array<i32>} : memref<2x128x128xf32, #tpu.memory_space<vmem>>, vector<1x1x16xf32>,
      %swap3A_211 = vector.shape_cast %swap3A_210 : vector<1x1x16xf32> to vector<16xf32>
      %swap3A_212 = vector.shape_cast %broadcast_in_dim3A_205 : vector<16xf32> to vector<1x1x16xf32>
      tpu.vector_store %arg5[%swap3A_207, %swap3A_208, %swap3A_209], %swap3A_212 {strides = array<i32>} : memref<2x128x128xf32, #tpu.memory_space<vmem>>, vector<1x1x16xf32>,
      %broadcast_in_dim3A_213 = arith.constant 0.000000e+00 : f32
      %broadcast_in_dim3A_214 = vector.broadcast %broadcast_in_dim3A_213 : f32 to vector<16xf32>
      %swap3A_215 = arith.constant 1 : i32
      %swap3A_216 = arith.index_cast %swap3A_215 : i32 to index
      %swap3A_217 = arith.index_cast %scan3A_169 : i32 to index
      %swap3A_218 = arith.constant 80 : index
      %swap3A_219 = tpu.vector_load %arg5[%swap3A_216, %swap3A_217, %swap3A_218] {strides = array<i32>} : memref<2x128x128xf32, #tpu.memory_space<vmem>>, vector<1x1x16xf32>,
      %swap3A_220 = vector.shape_cast %swap3A_219 : vector<1x1x16xf32> to vector<16xf32>
      %swap3A_221 = vector.shape_cast %broadcast_in_dim3A_214 : vector<16xf32> to vector<1x1x16xf32>
      tpu.vector_store %arg5[%swap3A_216, %swap3A_217, %swap3A_218], %swap3A_221 {strides = array<i32>} : memref<2x128x128xf32, #tpu.memory_space<vmem>>, vector<1x1x16xf32>,
      %broadcast_in_dim3A_222 = arith.constant 0.000000e+00 : f32
      %broadcast_in_dim3A_223 = vector.broadcast %broadcast_in_dim3A_222 : f32 to vector<16xf32>
      %swap3A_224 = arith.constant 1 : i32
      %swap3A_225 = arith.index_cast %swap3A_224 : i32 to index
      %swap3A_226 = arith.index_cast %scan3A_169 : i32 to index
      %swap3A_227 = arith.constant 96 : index
      %swap3A_228 = tpu.vector_load %arg5[%swap3A_225, %swap3A_226, %swap3A_227] {strides = array<i32>} : memref<2x128x128xf32, #tpu.memory_space<vmem>>, vector<1x1x16xf32>,
      %swap3A_229 = vector.shape_cast %swap3A_228 : vector<1x1x16xf32> to vector<16xf32>
      %swap3A_230 = vector.shape_cast %broadcast_in_dim3A_223 : vector<16xf32> to vector<1x1x16xf32>
      tpu.vector_store %arg5[%swap3A_225, %swap3A_226, %swap3A_227], %swap3A_230 {strides = array<i32>} : memref<2x128x128xf32, #tpu.memory_space<vmem>>, vector<1x1x16xf32>,
      %broadcast_in_dim3A_231 = arith.constant 0.000000e+00 : f32
      %broadcast_in_dim3A_232 = vector.broadcast %broadcast_in_dim3A_231 : f32 to vector<16xf32>
      %swap3A_233 = arith.constant 1 : i32
      %swap3A_234 = arith.index_cast %swap3A_233 : i32 to index
      %swap3A_235 = arith.index_cast %scan3A_169 : i32 to index
      %swap3A_236 = arith.constant 112 : index
      %swap3A_237 = tpu.vector_load %arg5[%swap3A_234, %swap3A_235, %swap3A_236] {strides = array<i32>} : memref<2x128x128xf32, #tpu.memory_space<vmem>>, vector<1x1x16xf32>,
      %swap3A_238 = vector.shape_cast %swap3A_237 : vector<1x1x16xf32> to vector<16xf32>
      %swap3A_239 = vector.shape_cast %broadcast_in_dim3A_232 : vector<16xf32> to vector<1x1x16xf32>
      tpu.vector_store %arg5[%swap3A_234, %swap3A_235, %swap3A_236], %swap3A_239 {strides = array<i32>} : memref<2x128x128xf32, #tpu.memory_space<vmem>>, vector<1x1x16xf32>,
    }
    %scan3A_95 = arith.constant 128 : i32
    %mul3A_96 = arith.constant 640 : i32
    %mul3A_97 = arith.muli %arg1, %mul3A_96 : i32
    %add3A_98 = arith.constant 0 : i32
    %add3A_99 = arith.addi %mul3A_97, %add3A_98 : i32
    %run_scoped3A = arith.constant 1 : i32
    "tpu.region"() ({
      %run_scoped3A_169 = tpu.sem_alloc : memref<!tpu.dma_semaphore, #tpu.memory_space<semaphore_mem>>
      %dma_start3A_170 = arith.constant 0 : i32
      %dma_start3A_171 = arith.constant 0 : i32
      %dma_start3A_172 = tpu.memref_slice %arg5[%run_scoped3A, %dma_start3A_170, %dma_start3A_171] : memref<2x128x128xf32, #tpu.memory_space<vmem>> -> memref<1x128x128xf32, #tpu.memory_space<vmem>>
      %dma_start3A_173 = tpu.memref_squeeze %dma_start3A_172 : memref<1x128x128xf32, #tpu.memory_space<vmem>> -> memref<128x128xf32, #tpu.memory_space<vmem>>
      %dma_start3A_174 = arith.constant 0 : i32
      %dma_start3A_175 = tpu.memref_slice %arg8[%add3A_99, %dma_start3A_174] : memref<10240x128xf32, #tpu.memory_space<vmem_shared>> -> memref<128x128xf32, #tpu.memory_space<vmem_shared>>
      %dma_start3A_176 = arith.constant 0 : i32
      %dma_start3A_177 = tpu.memref_slice %arg8[%add3A_99, %dma_start3A_176] : memref<10240x128xf32, #tpu.memory_space<vmem_shared>> -> memref<128x128xf32, #tpu.memory_space<vmem_shared>>
      %dma_start3A_178 = arith.constant 0 : i32
      %dma_start3A_179 = arith.constant 0 : i32
      %dma_start3A_180 = tpu.memref_slice %arg5[%run_scoped3A, %dma_start3A_178, %dma_start3A_179] : memref<2x128x128xf32, #tpu.memory_space<vmem>> -> memref<1x128x128xf32, #tpu.memory_space<vmem>>
      %dma_start3A_181 = tpu.memref_squeeze %dma_start3A_180 : memref<1x128x128xf32, #tpu.memory_space<vmem>> -> memref<128x128xf32, #tpu.memory_space<vmem>>
      tpu.enqueue_dma source(%dma_start3A_181 : memref<128x128xf32, #tpu.memory_space<vmem>>) target(%dma_start3A_177 : memref<128x128xf32, #tpu.memory_space<vmem_shared>>) target_semaphore(%run_scoped3A_169 : memref<!tpu.dma_semaphore, #tpu.memory_space<semaphore_mem>>)
      %dma_wait3A_182 = arith.constant 0 : i32
      %dma_wait3A_183 = arith.constant 0 : i32
      %dma_wait3A_184 = tpu.memref_slice %arg5[%run_scoped3A, %dma_wait3A_182, %dma_wait3A_183] : memref<2x128x128xf32, #tpu.memory_space<vmem>> -> memref<1x128x128xf32, #tpu.memory_space<vmem>>
      %dma_wait3A_185 = tpu.memref_squeeze %dma_wait3A_184 : memref<1x128x128xf32, #tpu.memory_space<vmem>> -> memref<128x128xf32, #tpu.memory_space<vmem>>
      %dma_wait3A_186 = arith.constant 0 : i32
      %dma_wait3A_187 = tpu.memref_slice %arg8[%add3A_99, %dma_wait3A_186] : memref<10240x128xf32, #tpu.memory_space<vmem_shared>> -> memref<128x128xf32, #tpu.memory_space<vmem_shared>>
      %dma_wait3A_188 = arith.constant 0 : i32
      %dma_wait3A_189 = tpu.memref_slice %arg8[%add3A_99, %dma_wait3A_188] : memref<10240x128xf32, #tpu.memory_space<vmem_shared>> -> memref<128x128xf32, #tpu.memory_space<vmem_shared>>
      %dma_wait3A_190 = arith.constant 0 : i32
      %dma_wait3A_191 = arith.constant 0 : i32
      %dma_wait3A_192 = tpu.memref_slice %arg5[%run_scoped3A, %dma_wait3A_190, %dma_wait3A_191] : memref<2x128x128xf32, #tpu.memory_space<vmem>> -> memref<1x128x128xf32, #tpu.memory_space<vmem>>
      %dma_wait3A_193 = tpu.memref_squeeze %dma_wait3A_192 : memref<1x128x128xf32, #tpu.memory_space<vmem>> -> memref<128x128xf32, #tpu.memory_space<vmem>>
      tpu.wait_dma2 semaphore(%run_scoped3A_169 : memref<!tpu.dma_semaphore, #tpu.memory_space<semaphore_mem>>) src(%dma_wait3A_193 : memref<128x128xf32, #tpu.memory_space<vmem>>) dst(%dma_wait3A_189 : memref<128x128xf32, #tpu.memory_space<vmem_shared>>)
      tpu.yield
    }) : () -> ()
    %add3A_100 = arith.constant 128 : i32
    %add3A_101 = arith.addi %mul3A_97, %add3A_100 : i32
    %run_scoped3A_102 = arith.constant 1 : i32
    "tpu.region"() ({
      %run_scoped3A_169 = tpu.sem_alloc : memref<!tpu.dma_semaphore, #tpu.memory_space<semaphore_mem>>
      %dma_start3A_170 = arith.constant 0 : i32
      %dma_start3A_171 = arith.constant 0 : i32
      %dma_start3A_172 = tpu.memref_slice %arg5[%run_scoped3A_102, %dma_start3A_170, %dma_start3A_171] : memref<2x128x128xf32, #tpu.memory_space<vmem>> -> memref<1x128x128xf32, #tpu.memory_space<vmem>>
      %dma_start3A_173 = tpu.memref_squeeze %dma_start3A_172 : memref<1x128x128xf32, #tpu.memory_space<vmem>> -> memref<128x128xf32, #tpu.memory_space<vmem>>
      %dma_start3A_174 = arith.constant 0 : i32
      %dma_start3A_175 = tpu.memref_slice %arg8[%add3A_101, %dma_start3A_174] : memref<10240x128xf32, #tpu.memory_space<vmem_shared>> -> memref<128x128xf32, #tpu.memory_space<vmem_shared>>
      %dma_start3A_176 = arith.constant 0 : i32
      %dma_start3A_177 = tpu.memref_slice %arg8[%add3A_101, %dma_start3A_176] : memref<10240x128xf32, #tpu.memory_space<vmem_shared>> -> memref<128x128xf32, #tpu.memory_space<vmem_shared>>
      %dma_start3A_178 = arith.constant 0 : i32
      %dma_start3A_179 = arith.constant 0 : i32
      %dma_start3A_180 = tpu.memref_slice %arg5[%run_scoped3A_102, %dma_start3A_178, %dma_start3A_179] : memref<2x128x128xf32, #tpu.memory_space<vmem>> -> memref<1x128x128xf32, #tpu.memory_space<vmem>>
      %dma_start3A_181 = tpu.memref_squeeze %dma_start3A_180 : memref<1x128x128xf32, #tpu.memory_space<vmem>> -> memref<128x128xf32, #tpu.memory_space<vmem>>
      tpu.enqueue_dma source(%dma_start3A_181 : memref<128x128xf32, #tpu.memory_space<vmem>>) target(%dma_start3A_177 : memref<128x128xf32, #tpu.memory_space<vmem_shared>>) target_semaphore(%run_scoped3A_169 : memref<!tpu.dma_semaphore, #tpu.memory_space<semaphore_mem>>)
      %dma_wait3A_182 = arith.constant 0 : i32
      %dma_wait3A_183 = arith.constant 0 : i32
      %dma_wait3A_184 = tpu.memref_slice %arg5[%run_scoped3A_102, %dma_wait3A_182, %dma_wait3A_183] : memref<2x128x128xf32, #tpu.memory_space<vmem>> -> memref<1x128x128xf32, #tpu.memory_space<vmem>>
      %dma_wait3A_185 = tpu.memref_squeeze %dma_wait3A_184 : memref<1x128x128xf32, #tpu.memory_space<vmem>> -> memref<128x128xf32, #tpu.memory_space<vmem>>
      %dma_wait3A_186 = arith.constant 0 : i32
      %dma_wait3A_187 = tpu.memref_slice %arg8[%add3A_101, %dma_wait3A_186] : memref<10240x128xf32, #tpu.memory_space<vmem_shared>> -> memref<128x128xf32, #tpu.memory_space<vmem_shared>>
      %dma_wait3A_188 = arith.constant 0 : i32
      %dma_wait3A_189 = tpu.memref_slice %arg8[%add3A_101, %dma_wait3A_188] : memref<10240x128xf32, #tpu.memory_space<vmem_shared>> -> memref<128x128xf32, #tpu.memory_space<vmem_shared>>
      %dma_wait3A_190 = arith.constant 0 : i32
      %dma_wait3A_191 = arith.constant 0 : i32
      %dma_wait3A_192 = tpu.memref_slice %arg5[%run_scoped3A_102, %dma_wait3A_190, %dma_wait3A_191] : memref<2x128x128xf32, #tpu.memory_space<vmem>> -> memref<1x128x128xf32, #tpu.memory_space<vmem>>
      %dma_wait3A_193 = tpu.memref_squeeze %dma_wait3A_192 : memref<1x128x128xf32, #tpu.memory_space<vmem>> -> memref<128x128xf32, #tpu.memory_space<vmem>>
      tpu.wait_dma2 semaphore(%run_scoped3A_169 : memref<!tpu.dma_semaphore, #tpu.memory_space<semaphore_mem>>) src(%dma_wait3A_193 : memref<128x128xf32, #tpu.memory_space<vmem>>) dst(%dma_wait3A_189 : memref<128x128xf32, #tpu.memory_space<vmem_shared>>)
      tpu.yield
    }) : () -> ()
    %add3A_103 = arith.constant 256 : i32
    %add3A_104 = arith.addi %mul3A_97, %add3A_103 : i32
    %run_scoped3A_105 = arith.constant 1 : i32
    "tpu.region"() ({
      %run_scoped3A_169 = tpu.sem_alloc : memref<!tpu.dma_semaphore, #tpu.memory_space<semaphore_mem>>
      %dma_start3A_170 = arith.constant 0 : i32
      %dma_start3A_171 = arith.constant 0 : i32
      %dma_start3A_172 = tpu.memref_slice %arg5[%run_scoped3A_105, %dma_start3A_170, %dma_start3A_171] : memref<2x128x128xf32, #tpu.memory_space<vmem>> -> memref<1x128x128xf32, #tpu.memory_space<vmem>>
      %dma_start3A_173 = tpu.memref_squeeze %dma_start3A_172 : memref<1x128x128xf32, #tpu.memory_space<vmem>> -> memref<128x128xf32, #tpu.memory_space<vmem>>
      %dma_start3A_174 = arith.constant 0 : i32
      %dma_start3A_175 = tpu.memref_slice %arg8[%add3A_104, %dma_start3A_174] : memref<10240x128xf32, #tpu.memory_space<vmem_shared>> -> memref<128x128xf32, #tpu.memory_space<vmem_shared>>
      %dma_start3A_176 = arith.constant 0 : i32
      %dma_start3A_177 = tpu.memref_slice %arg8[%add3A_104, %dma_start3A_176] : memref<10240x128xf32, #tpu.memory_space<vmem_shared>> -> memref<128x128xf32, #tpu.memory_space<vmem_shared>>
      %dma_start3A_178 = arith.constant 0 : i32
      %dma_start3A_179 = arith.constant 0 : i32
      %dma_start3A_180 = tpu.memref_slice %arg5[%run_scoped3A_105, %dma_start3A_178, %dma_start3A_179] : memref<2x128x128xf32, #tpu.memory_space<vmem>> -> memref<1x128x128xf32, #tpu.memory_space<vmem>>
      %dma_start3A_181 = tpu.memref_squeeze %dma_start3A_180 : memref<1x128x128xf32, #tpu.memory_space<vmem>> -> memref<128x128xf32, #tpu.memory_space<vmem>>
      tpu.enqueue_dma source(%dma_start3A_181 : memref<128x128xf32, #tpu.memory_space<vmem>>) target(%dma_start3A_177 : memref<128x128xf32, #tpu.memory_space<vmem_shared>>) target_semaphore(%run_scoped3A_169 : memref<!tpu.dma_semaphore, #tpu.memory_space<semaphore_mem>>)
      %dma_wait3A_182 = arith.constant 0 : i32
      %dma_wait3A_183 = arith.constant 0 : i32
      %dma_wait3A_184 = tpu.memref_slice %arg5[%run_scoped3A_105, %dma_wait3A_182, %dma_wait3A_183] : memref<2x128x128xf32, #tpu.memory_space<vmem>> -> memref<1x128x128xf32, #tpu.memory_space<vmem>>
      %dma_wait3A_185 = tpu.memref_squeeze %dma_wait3A_184 : memref<1x128x128xf32, #tpu.memory_space<vmem>> -> memref<128x128xf32, #tpu.memory_space<vmem>>
      %dma_wait3A_186 = arith.constant 0 : i32
      %dma_wait3A_187 = tpu.memref_slice %arg8[%add3A_104, %dma_wait3A_186] : memref<10240x128xf32, #tpu.memory_space<vmem_shared>> -> memref<128x128xf32, #tpu.memory_space<vmem_shared>>
      %dma_wait3A_188 = arith.constant 0 : i32
      %dma_wait3A_189 = tpu.memref_slice %arg8[%add3A_104, %dma_wait3A_188] : memref<10240x128xf32, #tpu.memory_space<vmem_shared>> -> memref<128x128xf32, #tpu.memory_space<vmem_shared>>
      %dma_wait3A_190 = arith.constant 0 : i32
      %dma_wait3A_191 = arith.constant 0 : i32
      %dma_wait3A_192 = tpu.memref_slice %arg5[%run_scoped3A_105, %dma_wait3A_190, %dma_wait3A_191] : memref<2x128x128xf32, #tpu.memory_space<vmem>> -> memref<1x128x128xf32, #tpu.memory_space<vmem>>
      %dma_wait3A_193 = tpu.memref_squeeze %dma_wait3A_192 : memref<1x128x128xf32, #tpu.memory_space<vmem>> -> memref<128x128xf32, #tpu.memory_space<vmem>>
      tpu.wait_dma2 semaphore(%run_scoped3A_169 : memref<!tpu.dma_semaphore, #tpu.memory_space<semaphore_mem>>) src(%dma_wait3A_193 : memref<128x128xf32, #tpu.memory_space<vmem>>) dst(%dma_wait3A_189 : memref<128x128xf32, #tpu.memory_space<vmem_shared>>)
      tpu.yield
    }) : () -> ()
    %add3A_106 = arith.constant 384 : i32
    %add3A_107 = arith.addi %mul3A_97, %add3A_106 : i32
    %run_scoped3A_108 = arith.constant 1 : i32
    "tpu.region"() ({
      %run_scoped3A_169 = tpu.sem_alloc : memref<!tpu.dma_semaphore, #tpu.memory_space<semaphore_mem>>
      %dma_start3A_170 = arith.constant 0 : i32
      %dma_start3A_171 = arith.constant 0 : i32
      %dma_start3A_172 = tpu.memref_slice %arg5[%run_scoped3A_108, %dma_start3A_170, %dma_start3A_171] : memref<2x128x128xf32, #tpu.memory_space<vmem>> -> memref<1x128x128xf32, #tpu.memory_space<vmem>>
      %dma_start3A_173 = tpu.memref_squeeze %dma_start3A_172 : memref<1x128x128xf32, #tpu.memory_space<vmem>> -> memref<128x128xf32, #tpu.memory_space<vmem>>
      %dma_start3A_174 = arith.constant 0 : i32
      %dma_start3A_175 = tpu.memref_slice %arg8[%add3A_107, %dma_start3A_174] : memref<10240x128xf32, #tpu.memory_space<vmem_shared>> -> memref<128x128xf32, #tpu.memory_space<vmem_shared>>
      %dma_start3A_176 = arith.constant 0 : i32
      %dma_start3A_177 = tpu.memref_slice %arg8[%add3A_107, %dma_start3A_176] : memref<10240x128xf32, #tpu.memory_space<vmem_shared>> -> memref<128x128xf32, #tpu.memory_space<vmem_shared>>
      %dma_start3A_178 = arith.constant 0 : i32
      %dma_start3A_179 = arith.constant 0 : i32
      %dma_start3A_180 = tpu.memref_slice %arg5[%run_scoped3A_108, %dma_start3A_178, %dma_start3A_179] : memref<2x128x128xf32, #tpu.memory_space<vmem>> -> memref<1x128x128xf32, #tpu.memory_space<vmem>>
      %dma_start3A_181 = tpu.memref_squeeze %dma_start3A_180 : memref<1x128x128xf32, #tpu.memory_space<vmem>> -> memref<128x128xf32, #tpu.memory_space<vmem>>
      tpu.enqueue_dma source(%dma_start3A_181 : memref<128x128xf32, #tpu.memory_space<vmem>>) target(%dma_start3A_177 : memref<128x128xf32, #tpu.memory_space<vmem_shared>>) target_semaphore(%run_scoped3A_169 : memref<!tpu.dma_semaphore, #tpu.memory_space<semaphore_mem>>)
      %dma_wait3A_182 = arith.constant 0 : i32
      %dma_wait3A_183 = arith.constant 0 : i32
      %dma_wait3A_184 = tpu.memref_slice %arg5[%run_scoped3A_108, %dma_wait3A_182, %dma_wait3A_183] : memref<2x128x128xf32, #tpu.memory_space<vmem>> -> memref<1x128x128xf32, #tpu.memory_space<vmem>>
      %dma_wait3A_185 = tpu.memref_squeeze %dma_wait3A_184 : memref<1x128x128xf32, #tpu.memory_space<vmem>> -> memref<128x128xf32, #tpu.memory_space<vmem>>
      %dma_wait3A_186 = arith.constant 0 : i32
      %dma_wait3A_187 = tpu.memref_slice %arg8[%add3A_107, %dma_wait3A_186] : memref<10240x128xf32, #tpu.memory_space<vmem_shared>> -> memref<128x128xf32, #tpu.memory_space<vmem_shared>>
      %dma_wait3A_188 = arith.constant 0 : i32
      %dma_wait3A_189 = tpu.memref_slice %arg8[%add3A_107, %dma_wait3A_188] : memref<10240x128xf32, #tpu.memory_space<vmem_shared>> -> memref<128x128xf32, #tpu.memory_space<vmem_shared>>
      %dma_wait3A_190 = arith.constant 0 : i32
      %dma_wait3A_191 = arith.constant 0 : i32
      %dma_wait3A_192 = tpu.memref_slice %arg5[%run_scoped3A_108, %dma_wait3A_190, %dma_wait3A_191] : memref<2x128x128xf32, #tpu.memory_space<vmem>> -> memref<1x128x128xf32, #tpu.memory_space<vmem>>
      %dma_wait3A_193 = tpu.memref_squeeze %dma_wait3A_192 : memref<1x128x128xf32, #tpu.memory_space<vmem>> -> memref<128x128xf32, #tpu.memory_space<vmem>>
      tpu.wait_dma2 semaphore(%run_scoped3A_169 : memref<!tpu.dma_semaphore, #tpu.memory_space<semaphore_mem>>) src(%dma_wait3A_193 : memref<128x128xf32, #tpu.memory_space<vmem>>) dst(%dma_wait3A_189 : memref<128x128xf32, #tpu.memory_space<vmem_shared>>)
      tpu.yield
    }) : () -> ()
    %add3A_109 = arith.constant 512 : i32
    %add3A_110 = arith.addi %mul3A_97, %add3A_109 : i32
    %run_scoped3A_111 = arith.constant 1 : i32
    "tpu.region"() ({
      %run_scoped3A_169 = tpu.sem_alloc : memref<!tpu.dma_semaphore, #tpu.memory_space<semaphore_mem>>
      %dma_start3A_170 = arith.constant 0 : i32
      %dma_start3A_171 = arith.constant 0 : i32
      %dma_start3A_172 = tpu.memref_slice %arg5[%run_scoped3A_111, %dma_start3A_170, %dma_start3A_171] : memref<2x128x128xf32, #tpu.memory_space<vmem>> -> memref<1x128x128xf32, #tpu.memory_space<vmem>>
      %dma_start3A_173 = tpu.memref_squeeze %dma_start3A_172 : memref<1x128x128xf32, #tpu.memory_space<vmem>> -> memref<128x128xf32, #tpu.memory_space<vmem>>
      %dma_start3A_174 = arith.constant 0 : i32
      %dma_start3A_175 = tpu.memref_slice %arg8[%add3A_110, %dma_start3A_174] : memref<10240x128xf32, #tpu.memory_space<vmem_shared>> -> memref<128x128xf32, #tpu.memory_space<vmem_shared>>
      %dma_start3A_176 = arith.constant 0 : i32
      %dma_start3A_177 = tpu.memref_slice %arg8[%add3A_110, %dma_start3A_176] : memref<10240x128xf32, #tpu.memory_space<vmem_shared>> -> memref<128x128xf32, #tpu.memory_space<vmem_shared>>
      %dma_start3A_178 = arith.constant 0 : i32
      %dma_start3A_179 = arith.constant 0 : i32
      %dma_start3A_180 = tpu.memref_slice %arg5[%run_scoped3A_111, %dma_start3A_178, %dma_start3A_179] : memref<2x128x128xf32, #tpu.memory_space<vmem>> -> memref<1x128x128xf32, #tpu.memory_space<vmem>>
      %dma_start3A_181 = tpu.memref_squeeze %dma_start3A_180 : memref<1x128x128xf32, #tpu.memory_space<vmem>> -> memref<128x128xf32, #tpu.memory_space<vmem>>
      tpu.enqueue_dma source(%dma_start3A_181 : memref<128x128xf32, #tpu.memory_space<vmem>>) target(%dma_start3A_177 : memref<128x128xf32, #tpu.memory_space<vmem_shared>>) target_semaphore(%run_scoped3A_169 : memref<!tpu.dma_semaphore, #tpu.memory_space<semaphore_mem>>)
      %dma_wait3A_182 = arith.constant 0 : i32
      %dma_wait3A_183 = arith.constant 0 : i32
      %dma_wait3A_184 = tpu.memref_slice %arg5[%run_scoped3A_111, %dma_wait3A_182, %dma_wait3A_183] : memref<2x128x128xf32, #tpu.memory_space<vmem>> -> memref<1x128x128xf32, #tpu.memory_space<vmem>>
      %dma_wait3A_185 = tpu.memref_squeeze %dma_wait3A_184 : memref<1x128x128xf32, #tpu.memory_space<vmem>> -> memref<128x128xf32, #tpu.memory_space<vmem>>
      %dma_wait3A_186 = arith.constant 0 : i32
      %dma_wait3A_187 = tpu.memref_slice %arg8[%add3A_110, %dma_wait3A_186] : memref<10240x128xf32, #tpu.memory_space<vmem_shared>> -> memref<128x128xf32, #tpu.memory_space<vmem_shared>>
      %dma_wait3A_188 = arith.constant 0 : i32
      %dma_wait3A_189 = tpu.memref_slice %arg8[%add3A_110, %dma_wait3A_188] : memref<10240x128xf32, #tpu.memory_space<vmem_shared>> -> memref<128x128xf32, #tpu.memory_space<vmem_shared>>
      %dma_wait3A_190 = arith.constant 0 : i32
      %dma_wait3A_191 = arith.constant 0 : i32
      %dma_wait3A_192 = tpu.memref_slice %arg5[%run_scoped3A_111, %dma_wait3A_190, %dma_wait3A_191] : memref<2x128x128xf32, #tpu.memory_space<vmem>> -> memref<1x128x128xf32, #tpu.memory_space<vmem>>
      %dma_wait3A_193 = tpu.memref_squeeze %dma_wait3A_192 : memref<1x128x128xf32, #tpu.memory_space<vmem>> -> memref<128x128xf32, #tpu.memory_space<vmem>>
      tpu.wait_dma2 semaphore(%run_scoped3A_169 : memref<!tpu.dma_semaphore, #tpu.memory_space<semaphore_mem>>) src(%dma_wait3A_193 : memref<128x128xf32, #tpu.memory_space<vmem>>) dst(%dma_wait3A_189 : memref<128x128xf32, #tpu.memory_space<vmem_shared>>)
      tpu.yield
    }) : () -> ()
    %mul3A_112 = arith.constant 128 : i32
    %mul3A_113 = arith.muli %add3A, %mul3A_112 : i32
    %multiple_of3A_114 = tpu.assume_multiple %mul3A_113, 8 : i32
    %dma_wait3A = arith.constant 0 : i32
    %dma_wait3A_115 = arith.constant 0 : i32
    %dma_wait3A_116 = arith.constant 0 : i32
    %dma_wait3A_117 = arith.constant 0 : i32
    %dma_wait3A_118 = tpu.memref_slice %arg6[%dma_wait3A_115, %dma_wait3A_117] : memref<6x128xi32, #tpu.memory_space<vmem>> -> memref<1x128xi32, #tpu.memory_space<vmem>>
    %dma_wait3A_119 = tpu.memref_squeeze %dma_wait3A_118 : memref<1x128xi32, #tpu.memory_space<vmem>> -> memref<128xi32, #tpu.memory_space<vmem>>
    %dma_wait3A_120 = tpu.memref_slice %arg3[%dma_wait3A, %multiple_of3A_114] : memref<2x320000xi32, #tpu.memory_space<hbm>> -> memref<1x128xi32, #tpu.memory_space<hbm>>
    %dma_wait3A_121 = tpu.memref_squeeze %dma_wait3A_120 : memref<1x128xi32, #tpu.memory_space<hbm>> -> memref<128xi32, #tpu.memory_space<hbm>>
    %dma_wait3A_122 = tpu.memref_slice %arg9[%dma_wait3A_116] : memref<6x!tpu.dma_semaphore, #tpu.memory_space<semaphore_mem>> -> memref<1x!tpu.dma_semaphore, #tpu.memory_space<semaphore_mem>>
    %dma_wait3A_123 = tpu.memref_squeeze %dma_wait3A_122 : memref<1x!tpu.dma_semaphore, #tpu.memory_space<semaphore_mem>> -> memref<!tpu.dma_semaphore, #tpu.memory_space<semaphore_mem>>
    %dma_wait3A_124 = arith.constant 0 : i32
    %dma_wait3A_125 = tpu.memref_slice %arg6[%dma_wait3A_115, %dma_wait3A_124] : memref<6x128xi32, #tpu.memory_space<vmem>> -> memref<1x128xi32, #tpu.memory_space<vmem>>
    %dma_wait3A_126 = tpu.memref_squeeze %dma_wait3A_125 : memref<1x128xi32, #tpu.memory_space<vmem>> -> memref<128xi32, #tpu.memory_space<vmem>>
    %dma_wait3A_127 = tpu.memref_slice %arg3[%dma_wait3A, %multiple_of3A_114] : memref<2x320000xi32, #tpu.memory_space<hbm>> -> memref<1x128xi32, #tpu.memory_space<hbm>>
    %dma_wait3A_128 = tpu.memref_squeeze %dma_wait3A_127 : memref<1x128xi32, #tpu.memory_space<hbm>> -> memref<128xi32, #tpu.memory_space<hbm>>
    tpu.wait_dma2 semaphore(%dma_wait3A_123 : memref<!tpu.dma_semaphore, #tpu.memory_space<semaphore_mem>>) src(%dma_wait3A_128 : memref<128xi32, #tpu.memory_space<hbm>>) dst(%dma_wait3A_126 : memref<128xi32, #tpu.memory_space<vmem>>)
    %dma_start3A_129 = arith.constant 0 : i32
    %dma_start3A_130 = arith.constant 0 : i32
    %dma_start3A_131 = arith.constant 0 : i32
    %dma_start3A_132 = arith.constant 0 : i32
    %dma_start3A_133 = arith.constant 0 : i32
    %dma_start3A_134 = tpu.memref_slice %arg5[%dma_start3A_130, %dma_start3A_132, %dma_start3A_133] : memref<2x128x128xf32, #tpu.memory_space<vmem>> -> memref<1x128x128xf32, #tpu.memory_space<vmem>>
    %dma_start3A_135 = tpu.memref_squeeze %dma_start3A_134 : memref<1x128x128xf32, #tpu.memory_space<vmem>> -> memref<128x128xf32, #tpu.memory_space<vmem>>
    %dma_start3A_136 = arith.constant 0 : i32
    %dma_start3A_137 = tpu.memref_slice %arg6[%dma_start3A_129, %dma_start3A_136] : memref<6x128xi32, #tpu.memory_space<vmem>> -> memref<1x128xi32, #tpu.memory_space<vmem>>
    %dma_start3A_138 = tpu.memref_squeeze %dma_start3A_137 : memref<1x128xi32, #tpu.memory_space<vmem>> -> memref<128xi32, #tpu.memory_space<vmem>>
    %dma_start3A_139 = arith.constant 0 : i32
    %dma_start3A_140 = arith.constant 0 : i32
    %dma_start3A_141 = tpu.memref_slice %arg2[%dma_start3A_139, %dma_start3A_140] : memref<10000x128xf32, #tpu.memory_space<hbm>> -> memref<10000x128xf32, #tpu.memory_space<hbm>>
    %dma_start3A_142 = tpu.memref_slice %arg11[%dma_start3A_131] : memref<2x!tpu.dma_semaphore, #tpu.memory_space<semaphore_mem>> -> memref<1x!tpu.dma_semaphore, #tpu.memory_space<semaphore_mem>>
    %dma_start3A_143 = tpu.memref_squeeze %dma_start3A_142 : memref<1x!tpu.dma_semaphore, #tpu.memory_space<semaphore_mem>> -> memref<!tpu.dma_semaphore, #tpu.memory_space<semaphore_mem>>
    tpu.enqueue_indirect_dma source(%dma_start3A_141 : memref<10000x128xf32, #tpu.memory_space<hbm>>) target(%dma_start3A_135 : memref<128x128xf32, #tpu.memory_space<vmem>>) offsets(%dma_start3A_138 : memref<128xi32, #tpu.memory_space<vmem>>) semaphore(%dma_start3A_143 : memref<!tpu.dma_semaphore, #tpu.memory_space<semaphore_mem>>)
    %barrier3A = arith.constant 0 : index
    tpu.barrier barrier_id(%barrier3A)
    %while3A = arith.constant 0 : i32
    %while3A_144 = arith.constant 0 : i32
    %while3A_145 = arith.subi %select_n3A, %while3A_144 : i32
    %while3A_146 = arith.addi %while3A_144, %while3A_145 : i32
    %while3A_147 = arith.constant 1 : i32
    %while3A_148 = arith.divsi %while3A_145, %while3A_147 : i32
    %while3A_149 = arith.muli %while3A_148, %while3A_147 : i32
    %while3A_150 = arith.addi %while3A_144, %while3A_149 : i32
    %while3A_151 = arith.constant 1 : i32
    scf.for %while3A_169 = %while3A_144 to %while3A_150 step %while3A_151  : i32 {
      %jit3A_170 = arith.constant 2 : i32
      %eq3A = arith.constant 0 : i32
      %eq3A_171 = arith.cmpi eq, %jit3A_170, %eq3A : i32
      %jit3A_172 = arith.constant 1 : i32
      %select_n3A_173 = arith.select %eq3A_171, %jit3A_172, %jit3A_170 : i32
      %rem3A_174 = arith.remsi %while3A_169, %select_n3A_173 : i32
      %ne3A_175 = arith.constant 0 : i32
      %ne3A_176 = arith.cmpi ne, %rem3A_174, %ne3A_175 : i32
      %lt3A = arith.constant 0 : i32
      %lt3A_177 = arith.cmpi slt, %rem3A_174, %lt3A : i32
      %lt3A_178 = arith.constant 0 : i32
      %lt3A_179 = arith.cmpi slt, %select_n3A_173, %lt3A_178 : i32
      %ne3A_180 = arith.xori %lt3A_177, %lt3A_179 : i1
      %and3A_181 = arith.andi %ne3A_180, %ne3A_176 : i1
      %add3A_182 = arith.addi %rem3A_174, %select_n3A_173 : i32
      %select_n3A_183 = arith.select %and3A_181, %add3A_182, %rem3A_174 : i32
      %jit3A_184 = arith.constant 6 : i32
      %eq3A_185 = arith.constant 0 : i32
      %eq3A_186 = arith.cmpi eq, %jit3A_184, %eq3A_185 : i32
      %jit3A_187 = arith.constant 1 : i32
      %select_n3A_188 = arith.select %eq3A_186, %jit3A_187, %jit3A_184 : i32
      %rem3A_189 = arith.remsi %while3A_169, %select_n3A_188 : i32
      %ne3A_190 = arith.constant 0 : i32
      %ne3A_191 = arith.cmpi ne, %rem3A_189, %ne3A_190 : i32
      %lt3A_192 = arith.constant 0 : i32
      %lt3A_193 = arith.cmpi slt, %rem3A_189, %lt3A_192 : i32
      %lt3A_194 = arith.constant 0 : i32
      %lt3A_195 = arith.cmpi slt, %select_n3A_188, %lt3A_194 : i32
      %ne3A_196 = arith.xori %lt3A_193, %lt3A_195 : i1
      %and3A_197 = arith.andi %ne3A_196, %ne3A_191 : i1
      %add3A_198 = arith.addi %rem3A_189, %select_n3A_188 : i32
      %select_n3A_199 = arith.select %and3A_197, %add3A_198, %rem3A_189 : i32
      %add3A_200 = arith.constant 1 : i32
      %add3A_201 = arith.addi %while3A_169, %add3A_200 : i32
      %lt3A_202 = arith.cmpi slt, %add3A_201, %select_n3A : i32
      %convert_element_type3A_203 = arith.extui %lt3A_202 : i1 to i32
      %cond3A_204 = arith.constant 0 : i32
      %cond3A_205 = arith.cmpi ne, %convert_element_type3A_203, %cond3A_204 : i32
      scf.if %cond3A_205 {
        %add3A_255 = arith.constant 1 : i32
        %add3A_256 = arith.addi %while3A_169, %add3A_255 : i32
        %jit3A_257 = arith.constant 2 : i32
        %eq3A_258 = arith.constant 0 : i32
        %eq3A_259 = arith.cmpi eq, %jit3A_257, %eq3A_258 : i32
        %jit3A_260 = arith.constant 1 : i32
        %select_n3A_261 = arith.select %eq3A_259, %jit3A_260, %jit3A_257 : i32
        %rem3A_262 = arith.remsi %add3A_256, %select_n3A_261 : i32
        %ne3A_263 = arith.constant 0 : i32
        %ne3A_264 = arith.cmpi ne, %rem3A_262, %ne3A_263 : i32
        %lt3A_265 = arith.constant 0 : i32
        %lt3A_266 = arith.cmpi slt, %rem3A_262, %lt3A_265 : i32
        %lt3A_267 = arith.constant 0 : i32
        %lt3A_268 = arith.cmpi slt, %select_n3A_261, %lt3A_267 : i32
        %ne3A_269 = arith.xori %lt3A_266, %lt3A_268 : i1
        %and3A_270 = arith.andi %ne3A_269, %ne3A_264 : i1
        %add3A_271 = arith.addi %rem3A_262, %select_n3A_261 : i32
        %select_n3A_272 = arith.select %and3A_270, %add3A_271, %rem3A_262 : i32
        %add3A_273 = arith.constant 1 : i32
        %add3A_274 = arith.addi %while3A_169, %add3A_273 : i32
        %jit3A_275 = arith.constant 6 : i32
        %eq3A_276 = arith.constant 0 : i32
        %eq3A_277 = arith.cmpi eq, %jit3A_275, %eq3A_276 : i32
        %jit3A_278 = arith.constant 1 : i32
        %select_n3A_279 = arith.select %eq3A_277, %jit3A_278, %jit3A_275 : i32
        %rem3A_280 = arith.remsi %add3A_274, %select_n3A_279 : i32
        %ne3A_281 = arith.constant 0 : i32
        %ne3A_282 = arith.cmpi ne, %rem3A_280, %ne3A_281 : i32
        %lt3A_283 = arith.constant 0 : i32
        %lt3A_284 = arith.cmpi slt, %rem3A_280, %lt3A_283 : i32
        %lt3A_285 = arith.constant 0 : i32
        %lt3A_286 = arith.cmpi slt, %select_n3A_279, %lt3A_285 : i32
        %ne3A_287 = arith.xori %lt3A_284, %lt3A_286 : i1
        %and3A_288 = arith.andi %ne3A_287, %ne3A_282 : i1
        %add3A_289 = arith.addi %rem3A_280, %select_n3A_279 : i32
        %select_n3A_290 = arith.select %and3A_288, %add3A_289, %rem3A_280 : i32
        %add3A_291 = arith.constant 1 : i32
        %add3A_292 = arith.addi %while3A_169, %add3A_291 : i32
        %sub3A_293 = arith.constant 2 : i32
        %sub3A_294 = arith.subi %add3A_292, %sub3A_293 : i32
        %ge3A_295 = arith.constant 0 : i32
        %ge3A_296 = arith.cmpi sge, %sub3A_294, %ge3A_295 : i32
        %convert_element_type3A_297 = arith.extui %ge3A_296 : i1 to i32
        %cond3A_298 = arith.constant 0 : i32
        %cond3A_299 = arith.cmpi ne, %convert_element_type3A_297, %cond3A_298 : i32
        scf.if %cond3A_299 {
          %add3A_333 = arith.constant 1 : i32
          %add3A_334 = arith.addi %while3A_169, %add3A_333 : i32
          %sub3A_335 = arith.constant 2 : i32
          %sub3A_336 = arith.subi %add3A_334, %sub3A_335 : i32
          %jit3A_337 = arith.constant 6 : i32
          %eq3A_338 = arith.constant 0 : i32
          %eq3A_339 = arith.cmpi eq, %jit3A_337, %eq3A_338 : i32
          %jit3A_340 = arith.constant 1 : i32
          %select_n3A_341 = arith.select %eq3A_339, %jit3A_340, %jit3A_337 : i32
          %rem3A_342 = arith.remsi %sub3A_336, %select_n3A_341 : i32
          %ne3A_343 = arith.constant 0 : i32
          %ne3A_344 = arith.cmpi ne, %rem3A_342, %ne3A_343 : i32
          %lt3A_345 = arith.constant 0 : i32
          %lt3A_346 = arith.cmpi slt, %rem3A_342, %lt3A_345 : i32
          %lt3A_347 = arith.constant 0 : i32
          %lt3A_348 = arith.cmpi slt, %select_n3A_341, %lt3A_347 : i32
          %ne3A_349 = arith.xori %lt3A_346, %lt3A_348 : i1
          %and3A_350 = arith.andi %ne3A_349, %ne3A_344 : i1
          %add3A_351 = arith.addi %rem3A_342, %select_n3A_341 : i32
          %select_n3A_352 = arith.select %and3A_350, %add3A_351, %rem3A_342 : i32
          %dma_wait3A_353 = arith.constant 0 : i32
          %dma_wait3A_354 = arith.constant 0 : i32
          %dma_wait3A_355 = tpu.memref_slice %arg5[%select_n3A_272, %dma_wait3A_353, %dma_wait3A_354] : memref<2x128x128xf32, #tpu.memory_space<vmem>> -> memref<1x128x128xf32, #tpu.memory_space<vmem>>
          %dma_wait3A_356 = tpu.memref_squeeze %dma_wait3A_355 : memref<1x128x128xf32, #tpu.memory_space<vmem>> -> memref<128x128xf32, #tpu.memory_space<vmem>>
          %dma_wait3A_357 = arith.constant 0 : i32
          %dma_wait3A_358 = tpu.memref_slice %arg7[%select_n3A_352, %dma_wait3A_357] : memref<6x128xi32, #tpu.memory_space<vmem>> -> memref<1x128xi32, #tpu.memory_space<vmem>>
          %dma_wait3A_359 = tpu.memref_squeeze %dma_wait3A_358 : memref<1x128xi32, #tpu.memory_space<vmem>> -> memref<128xi32, #tpu.memory_space<vmem>>
          %dma_wait3A_360 = arith.constant 0 : i32
          %dma_wait3A_361 = arith.constant 0 : i32
          %dma_wait3A_362 = tpu.memref_slice %arg8[%dma_wait3A_360, %dma_wait3A_361] : memref<10240x128xf32, #tpu.memory_space<vmem_shared>> -> memref<10240x128xf32, #tpu.memory_space<vmem_shared>>
          %dma_wait3A_363 = tpu.memref_slice %arg12[%select_n3A_272] : memref<2x!tpu.dma_semaphore, #tpu.memory_space<semaphore_mem>> -> memref<1x!tpu.dma_semaphore, #tpu.memory_space<semaphore_mem>>
          %dma_wait3A_364 = tpu.memref_squeeze %dma_wait3A_363 : memref<1x!tpu.dma_semaphore, #tpu.memory_space<semaphore_mem>> -> memref<!tpu.dma_semaphore, #tpu.memory_space<semaphore_mem>>
          tpu.wait_indirect_dma semaphore(%dma_wait3A_364 : memref<!tpu.dma_semaphore, #tpu.memory_space<semaphore_mem>>) src(%dma_wait3A_356 : memref<128x128xf32, #tpu.memory_space<vmem>>) dst(%dma_wait3A_362 : memref<10240x128xf32, #tpu.memory_space<vmem_shared>>)
        } else {
        }
        %add3A_300 = arith.constant 1 : i32
        %add3A_301 = arith.addi %while3A_169, %add3A_300 : i32
        %mul3A_302 = arith.constant 32 : i32
        %mul3A_303 = arith.muli %add3A_301, %mul3A_302 : i32
        %add3A_304 = arith.addi %add3A, %mul3A_303 : i32
        %mul3A_305 = arith.constant 128 : i32
        %mul3A_306 = arith.muli %add3A_304, %mul3A_305 : i32
        %multiple_of3A_307 = tpu.assume_multiple %mul3A_306, 8 : i32
        %dma_wait3A_308 = arith.constant 0 : i32
        %dma_wait3A_309 = arith.constant 0 : i32
        %dma_wait3A_310 = tpu.memref_slice %arg6[%select_n3A_290, %dma_wait3A_309] : memref<6x128xi32, #tpu.memory_space<vmem>> -> memref<1x128xi32, #tpu.memory_space<vmem>>
        %dma_wait3A_311 = tpu.memref_squeeze %dma_wait3A_310 : memref<1x128xi32, #tpu.memory_space<vmem>> -> memref<128xi32, #tpu.memory_space<vmem>>
        %dma_wait3A_312 = tpu.memref_slice %arg3[%dma_wait3A_308, %multiple_of3A_307] : memref<2x320000xi32, #tpu.memory_space<hbm>> -> memref<1x128xi32, #tpu.memory_space<hbm>>
        %dma_wait3A_313 = tpu.memref_squeeze %dma_wait3A_312 : memref<1x128xi32, #tpu.memory_space<hbm>> -> memref<128xi32, #tpu.memory_space<hbm>>
        %dma_wait3A_314 = tpu.memref_slice %arg9[%select_n3A_290] : memref<6x!tpu.dma_semaphore, #tpu.memory_space<semaphore_mem>> -> memref<1x!tpu.dma_semaphore, #tpu.memory_space<semaphore_mem>>
        %dma_wait3A_315 = tpu.memref_squeeze %dma_wait3A_314 : memref<1x!tpu.dma_semaphore, #tpu.memory_space<semaphore_mem>> -> memref<!tpu.dma_semaphore, #tpu.memory_space<semaphore_mem>>
        %dma_wait3A_316 = arith.constant 0 : i32
        %dma_wait3A_317 = tpu.memref_slice %arg6[%select_n3A_290, %dma_wait3A_316] : memref<6x128xi32, #tpu.memory_space<vmem>> -> memref<1x128xi32, #tpu.memory_space<vmem>>
        %dma_wait3A_318 = tpu.memref_squeeze %dma_wait3A_317 : memref<1x128xi32, #tpu.memory_space<vmem>> -> memref<128xi32, #tpu.memory_space<vmem>>
        %dma_wait3A_319 = tpu.memref_slice %arg3[%dma_wait3A_308, %multiple_of3A_307] : memref<2x320000xi32, #tpu.memory_space<hbm>> -> memref<1x128xi32, #tpu.memory_space<hbm>>
        %dma_wait3A_320 = tpu.memref_squeeze %dma_wait3A_319 : memref<1x128xi32, #tpu.memory_space<hbm>> -> memref<128xi32, #tpu.memory_space<hbm>>
        tpu.wait_dma2 semaphore(%dma_wait3A_315 : memref<!tpu.dma_semaphore, #tpu.memory_space<semaphore_mem>>) src(%dma_wait3A_320 : memref<128xi32, #tpu.memory_space<hbm>>) dst(%dma_wait3A_318 : memref<128xi32, #tpu.memory_space<vmem>>)
        %dma_start3A_321 = arith.constant 0 : i32
        %dma_start3A_322 = arith.constant 0 : i32
        %dma_start3A_323 = tpu.memref_slice %arg5[%select_n3A_272, %dma_start3A_321, %dma_start3A_322] : memref<2x128x128xf32, #tpu.memory_space<vmem>> -> memref<1x128x128xf32, #tpu.memory_space<vmem>>
        %dma_start3A_324 = tpu.memref_squeeze %dma_start3A_323 : memref<1x128x128xf32, #tpu.memory_space<vmem>> -> memref<128x128xf32, #tpu.memory_space<vmem>>
        %dma_start3A_325 = arith.constant 0 : i32
        %dma_start3A_326 = tpu.memref_slice %arg6[%select_n3A_290, %dma_start3A_325] : memref<6x128xi32, #tpu.memory_space<vmem>> -> memref<1x128xi32, #tpu.memory_space<vmem>>
        %dma_start3A_327 = tpu.memref_squeeze %dma_start3A_326 : memref<1x128xi32, #tpu.memory_space<vmem>> -> memref<128xi32, #tpu.memory_space<vmem>>
        %dma_start3A_328 = arith.constant 0 : i32
        %dma_start3A_329 = arith.constant 0 : i32
        %dma_start3A_330 = tpu.memref_slice %arg2[%dma_start3A_328, %dma_start3A_329] : memref<10000x128xf32, #tpu.memory_space<hbm>> -> memref<10000x128xf32, #tpu.memory_space<hbm>>
        %dma_start3A_331 = tpu.memref_slice %arg11[%select_n3A_272] : memref<2x!tpu.dma_semaphore, #tpu.memory_space<semaphore_mem>> -> memref<1x!tpu.dma_semaphore, #tpu.memory_space<semaphore_mem>>
        %dma_start3A_332 = tpu.memref_squeeze %dma_start3A_331 : memref<1x!tpu.dma_semaphore, #tpu.memory_space<semaphore_mem>> -> memref<!tpu.dma_semaphore, #tpu.memory_space<semaphore_mem>>
        tpu.enqueue_indirect_dma source(%dma_start3A_330 : memref<10000x128xf32, #tpu.memory_space<hbm>>) target(%dma_start3A_324 : memref<128x128xf32, #tpu.memory_space<vmem>>) offsets(%dma_start3A_327 : memref<128xi32, #tpu.memory_space<vmem>>) semaphore(%dma_start3A_332 : memref<!tpu.dma_semaphore, #tpu.memory_space<semaphore_mem>>)
      } else {
      }
      %dma_wait3A_206 = arith.constant 0 : i32
      %dma_wait3A_207 = arith.constant 0 : i32
      %dma_wait3A_208 = tpu.memref_slice %arg5[%select_n3A_183, %dma_wait3A_206, %dma_wait3A_207] : memref<2x128x128xf32, #tpu.memory_space<vmem>> -> memref<1x128x128xf32, #tpu.memory_space<vmem>>
      %dma_wait3A_209 = tpu.memref_squeeze %dma_wait3A_208 : memref<1x128x128xf32, #tpu.memory_space<vmem>> -> memref<128x128xf32, #tpu.memory_space<vmem>>
      %dma_wait3A_210 = arith.constant 0 : i32
      %dma_wait3A_211 = tpu.memref_slice %arg6[%select_n3A_199, %dma_wait3A_210] : memref<6x128xi32, #tpu.memory_space<vmem>> -> memref<1x128xi32, #tpu.memory_space<vmem>>
      %dma_wait3A_212 = tpu.memref_squeeze %dma_wait3A_211 : memref<1x128xi32, #tpu.memory_space<vmem>> -> memref<128xi32, #tpu.memory_space<vmem>>
      %dma_wait3A_213 = arith.constant 0 : i32
      %dma_wait3A_214 = arith.constant 0 : i32
      %dma_wait3A_215 = tpu.memref_slice %arg2[%dma_wait3A_213, %dma_wait3A_214] : memref<10000x128xf32, #tpu.memory_space<hbm>> -> memref<10000x128xf32, #tpu.memory_space<hbm>>
      %dma_wait3A_216 = tpu.memref_slice %arg11[%select_n3A_183] : memref<2x!tpu.dma_semaphore, #tpu.memory_space<semaphore_mem>> -> memref<1x!tpu.dma_semaphore, #tpu.memory_space<semaphore_mem>>
      %dma_wait3A_217 = tpu.memref_squeeze %dma_wait3A_216 : memref<1x!tpu.dma_semaphore, #tpu.memory_space<semaphore_mem>> -> memref<!tpu.dma_semaphore, #tpu.memory_space<semaphore_mem>>
      tpu.wait_indirect_dma semaphore(%dma_wait3A_217 : memref<!tpu.dma_semaphore, #tpu.memory_space<semaphore_mem>>) src(%dma_wait3A_215 : memref<10000x128xf32, #tpu.memory_space<hbm>>) dst(%dma_wait3A_209 : memref<128x128xf32, #tpu.memory_space<vmem>>)
      %mul3A_218 = arith.constant 32 : i32
      %mul3A_219 = arith.muli %while3A_169, %mul3A_218 : i32
      %add3A_220 = arith.addi %add3A, %mul3A_219 : i32
      %mul3A_221 = arith.constant 128 : i32
      %mul3A_222 = arith.muli %add3A_220, %mul3A_221 : i32
      %multiple_of3A_223 = tpu.assume_multiple %mul3A_222, 8 : i32
      %dma_wait3A_224 = arith.constant 1 : i32
      %dma_wait3A_225 = arith.constant 0 : i32
      %dma_wait3A_226 = tpu.memref_slice %arg7[%select_n3A_199, %dma_wait3A_225] : memref<6x128xi32, #tpu.memory_space<vmem>> -> memref<1x128xi32, #tpu.memory_space<vmem>>
      %dma_wait3A_227 = tpu.memref_squeeze %dma_wait3A_226 : memref<1x128xi32, #tpu.memory_space<vmem>> -> memref<128xi32, #tpu.memory_space<vmem>>
      %dma_wait3A_228 = tpu.memref_slice %arg3[%dma_wait3A_224, %multiple_of3A_223] : memref<2x320000xi32, #tpu.memory_space<hbm>> -> memref<1x128xi32, #tpu.memory_space<hbm>>
      %dma_wait3A_229 = tpu.memref_squeeze %dma_wait3A_228 : memref<1x128xi32, #tpu.memory_space<hbm>> -> memref<128xi32, #tpu.memory_space<hbm>>
      %dma_wait3A_230 = tpu.memref_slice %arg10[%select_n3A_199] : memref<6x!tpu.dma_semaphore, #tpu.memory_space<semaphore_mem>> -> memref<1x!tpu.dma_semaphore, #tpu.memory_space<semaphore_mem>>
      %dma_wait3A_231 = tpu.memref_squeeze %dma_wait3A_230 : memref<1x!tpu.dma_semaphore, #tpu.memory_space<semaphore_mem>> -> memref<!tpu.dma_semaphore, #tpu.memory_space<semaphore_mem>>
      %dma_wait3A_232 = arith.constant 0 : i32
      %dma_wait3A_233 = tpu.memref_slice %arg7[%select_n3A_199, %dma_wait3A_232] : memref<6x128xi32, #tpu.memory_space<vmem>> -> memref<1x128xi32, #tpu.memory_space<vmem>>
      %dma_wait3A_234 = tpu.memref_squeeze %dma_wait3A_233 : memref<1x128xi32, #tpu.memory_space<vmem>> -> memref<128xi32, #tpu.memory_space<vmem>>
      %dma_wait3A_235 = tpu.memref_slice %arg3[%dma_wait3A_224, %multiple_of3A_223] : memref<2x320000xi32, #tpu.memory_space<hbm>> -> memref<1x128xi32, #tpu.memory_space<hbm>>
      %dma_wait3A_236 = tpu.memref_squeeze %dma_wait3A_235 : memref<1x128xi32, #tpu.memory_space<hbm>> -> memref<128xi32, #tpu.memory_space<hbm>>
      tpu.wait_dma2 semaphore(%dma_wait3A_231 : memref<!tpu.dma_semaphore, #tpu.memory_space<semaphore_mem>>) src(%dma_wait3A_236 : memref<128xi32, #tpu.memory_space<hbm>>) dst(%dma_wait3A_234 : memref<128xi32, #tpu.memory_space<vmem>>)
      %dma_start3A_237 = arith.constant 0 : i32
      %dma_start3A_238 = arith.constant 0 : i32
      %dma_start3A_239 = tpu.memref_slice %arg5[%select_n3A_183, %dma_start3A_237, %dma_start3A_238] : memref<2x128x128xf32, #tpu.memory_space<vmem>> -> memref<1x128x128xf32, #tpu.memory_space<vmem>>
      %dma_start3A_240 = tpu.memref_squeeze %dma_start3A_239 : memref<1x128x128xf32, #tpu.memory_space<vmem>> -> memref<128x128xf32, #tpu.memory_space<vmem>>
      %dma_start3A_241 = arith.constant 0 : i32
      %dma_start3A_242 = tpu.memref_slice %arg7[%select_n3A_199, %dma_start3A_241] : memref<6x128xi32, #tpu.memory_space<vmem>> -> memref<1x128xi32, #tpu.memory_space<vmem>>
      %dma_start3A_243 = tpu.memref_squeeze %dma_start3A_242 : memref<1x128xi32, #tpu.memory_space<vmem>> -> memref<128xi32, #tpu.memory_space<vmem>>
      %dma_start3A_244 = arith.constant 0 : i32
      %dma_start3A_245 = arith.constant 0 : i32
      %dma_start3A_246 = tpu.memref_slice %arg8[%dma_start3A_244, %dma_start3A_245] : memref<10240x128xf32, #tpu.memory_space<vmem_shared>> -> memref<10240x128xf32, #tpu.memory_space<vmem_shared>>
      %dma_start3A_247 = tpu.memref_slice %arg12[%select_n3A_183] : memref<2x!tpu.dma_semaphore, #tpu.memory_space<semaphore_mem>> -> memref<1x!tpu.dma_semaphore, #tpu.memory_space<semaphore_mem>>
      %dma_start3A_248 = tpu.memref_squeeze %dma_start3A_247 : memref<1x!tpu.dma_semaphore, #tpu.memory_space<semaphore_mem>> -> memref<!tpu.dma_semaphore, #tpu.memory_space<semaphore_mem>>
      tpu.enqueue_indirect_dma source(%dma_start3A_240 : memref<128x128xf32, #tpu.memory_space<vmem>>) target(%dma_start3A_246 : memref<10240x128xf32, #tpu.memory_space<vmem_shared>>) offsets(%dma_start3A_243 : memref<128xi32, #tpu.memory_space<vmem>>) semaphore(%dma_start3A_248 : memref<!tpu.dma_semaphore, #tpu.memory_space<semaphore_mem>>) {add = true}
      %add3A_249 = arith.constant 2 : i32
      %add3A_250 = arith.addi %while3A_169, %add3A_249 : i32
      %lt3A_251 = arith.cmpi slt, %add3A_250, %select_n3A : i32
      %convert_element_type3A_252 = arith.extui %lt3A_251 : i1 to i32
      %cond3A_253 = arith.constant 0 : i32
      %cond3A_254 = arith.cmpi ne, %convert_element_type3A_252, %cond3A_253 : i32
      scf.if %cond3A_254 {
        %add3A_255 = arith.constant 2 : i32
        %add3A_256 = arith.addi %while3A_169, %add3A_255 : i32
        %jit3A_257 = arith.constant 6 : i32
        %eq3A_258 = arith.constant 0 : i32
        %eq3A_259 = arith.cmpi eq, %jit3A_257, %eq3A_258 : i32
        %jit3A_260 = arith.constant 1 : i32
        %select_n3A_261 = arith.select %eq3A_259, %jit3A_260, %jit3A_257 : i32
        %rem3A_262 = arith.remsi %add3A_256, %select_n3A_261 : i32
        %ne3A_263 = arith.constant 0 : i32
        %ne3A_264 = arith.cmpi ne, %rem3A_262, %ne3A_263 : i32
        %lt3A_265 = arith.constant 0 : i32
        %lt3A_266 = arith.cmpi slt, %rem3A_262, %lt3A_265 : i32
        %lt3A_267 = arith.constant 0 : i32
        %lt3A_268 = arith.cmpi slt, %select_n3A_261, %lt3A_267 : i32
        %ne3A_269 = arith.xori %lt3A_266, %lt3A_268 : i1
        %and3A_270 = arith.andi %ne3A_269, %ne3A_264 : i1
        %add3A_271 = arith.addi %rem3A_262, %select_n3A_261 : i32
        %select_n3A_272 = arith.select %and3A_270, %add3A_271, %rem3A_262 : i32
        %add3A_273 = arith.constant 2 : i32
        %add3A_274 = arith.addi %while3A_169, %add3A_273 : i32
        %mul3A_275 = arith.constant 32 : i32
        %mul3A_276 = arith.muli %add3A_274, %mul3A_275 : i32
        %add3A_277 = arith.addi %add3A, %mul3A_276 : i32
        %mul3A_278 = arith.constant 128 : i32
        %mul3A_279 = arith.muli %add3A_277, %mul3A_278 : i32
        %multiple_of3A_280 = tpu.assume_multiple %mul3A_279, 8 : i32
        %dma_start3A_281 = arith.constant 0 : i32
        %dma_start3A_282 = arith.constant 0 : i32
        %dma_start3A_283 = tpu.memref_slice %arg6[%select_n3A_272, %dma_start3A_282] : memref<6x128xi32, #tpu.memory_space<vmem>> -> memref<1x128xi32, #tpu.memory_space<vmem>>
        %dma_start3A_284 = tpu.memref_squeeze %dma_start3A_283 : memref<1x128xi32, #tpu.memory_space<vmem>> -> memref<128xi32, #tpu.memory_space<vmem>>
        %dma_start3A_285 = tpu.memref_slice %arg3[%dma_start3A_281, %multiple_of3A_280] : memref<2x320000xi32, #tpu.memory_space<hbm>> -> memref<1x128xi32, #tpu.memory_space<hbm>>
        %dma_start3A_286 = tpu.memref_squeeze %dma_start3A_285 : memref<1x128xi32, #tpu.memory_space<hbm>> -> memref<128xi32, #tpu.memory_space<hbm>>
        %dma_start3A_287 = tpu.memref_slice %arg9[%select_n3A_272] : memref<6x!tpu.dma_semaphore, #tpu.memory_space<semaphore_mem>> -> memref<1x!tpu.dma_semaphore, #tpu.memory_space<semaphore_mem>>
        %dma_start3A_288 = tpu.memref_squeeze %dma_start3A_287 : memref<1x!tpu.dma_semaphore, #tpu.memory_space<semaphore_mem>> -> memref<!tpu.dma_semaphore, #tpu.memory_space<semaphore_mem>>
        %dma_start3A_289 = arith.constant 0 : i32
        %dma_start3A_290 = tpu.memref_slice %arg6[%select_n3A_272, %dma_start3A_289] : memref<6x128xi32, #tpu.memory_space<vmem>> -> memref<1x128xi32, #tpu.memory_space<vmem>>
        %dma_start3A_291 = tpu.memref_squeeze %dma_start3A_290 : memref<1x128xi32, #tpu.memory_space<vmem>> -> memref<128xi32, #tpu.memory_space<vmem>>
        %dma_start3A_292 = tpu.memref_slice %arg3[%dma_start3A_281, %multiple_of3A_280] : memref<2x320000xi32, #tpu.memory_space<hbm>> -> memref<1x128xi32, #tpu.memory_space<hbm>>
        %dma_start3A_293 = tpu.memref_squeeze %dma_start3A_292 : memref<1x128xi32, #tpu.memory_space<hbm>> -> memref<128xi32, #tpu.memory_space<hbm>>
        tpu.enqueue_dma source(%dma_start3A_293 : memref<128xi32, #tpu.memory_space<hbm>>) target(%dma_start3A_291 : memref<128xi32, #tpu.memory_space<vmem>>) target_semaphore(%dma_start3A_288 : memref<!tpu.dma_semaphore, #tpu.memory_space<semaphore_mem>>)
        %dma_start3A_294 = arith.constant 1 : i32
        %dma_start3A_295 = arith.constant 0 : i32
        %dma_start3A_296 = tpu.memref_slice %arg7[%select_n3A_272, %dma_start3A_295] : memref<6x128xi32, #tpu.memory_space<vmem>> -> memref<1x128xi32, #tpu.memory_space<vmem>>
        %dma_start3A_297 = tpu.memref_squeeze %dma_start3A_296 : memref<1x128xi32, #tpu.memory_space<vmem>> -> memref<128xi32, #tpu.memory_space<vmem>>
        %dma_start3A_298 = tpu.memref_slice %arg3[%dma_start3A_294, %multiple_of3A_280] : memref<2x320000xi32, #tpu.memory_space<hbm>> -> memref<1x128xi32, #tpu.memory_space<hbm>>
        %dma_start3A_299 = tpu.memref_squeeze %dma_start3A_298 : memref<1x128xi32, #tpu.memory_space<hbm>> -> memref<128xi32, #tpu.memory_space<hbm>>
        %dma_start3A_300 = tpu.memref_slice %arg10[%select_n3A_272] : memref<6x!tpu.dma_semaphore, #tpu.memory_space<semaphore_mem>> -> memref<1x!tpu.dma_semaphore, #tpu.memory_space<semaphore_mem>>
        %dma_start3A_301 = tpu.memref_squeeze %dma_start3A_300 : memref<1x!tpu.dma_semaphore, #tpu.memory_space<semaphore_mem>> -> memref<!tpu.dma_semaphore, #tpu.memory_space<semaphore_mem>>
        %dma_start3A_302 = arith.constant 0 : i32
        %dma_start3A_303 = tpu.memref_slice %arg7[%select_n3A_272, %dma_start3A_302] : memref<6x128xi32, #tpu.memory_space<vmem>> -> memref<1x128xi32, #tpu.memory_space<vmem>>
        %dma_start3A_304 = tpu.memref_squeeze %dma_start3A_303 : memref<1x128xi32, #tpu.memory_space<vmem>> -> memref<128xi32, #tpu.memory_space<vmem>>
        %dma_start3A_305 = tpu.memref_slice %arg3[%dma_start3A_294, %multiple_of3A_280] : memref<2x320000xi32, #tpu.memory_space<hbm>> -> memref<1x128xi32, #tpu.memory_space<hbm>>
        %dma_start3A_306 = tpu.memref_squeeze %dma_start3A_305 : memref<1x128xi32, #tpu.memory_space<hbm>> -> memref<128xi32, #tpu.memory_space<hbm>>
        tpu.enqueue_dma source(%dma_start3A_306 : memref<128xi32, #tpu.memory_space<hbm>>) target(%dma_start3A_304 : memref<128xi32, #tpu.memory_space<vmem>>) target_semaphore(%dma_start3A_301 : memref<!tpu.dma_semaphore, #tpu.memory_space<semaphore_mem>>)
      } else {
      }
    }
    %while3A_152 = arith.constant 1 : i32
    scf.for %while3A_169 = %while3A_150 to %while3A_146 step %while3A_152  : i32 {
      %jit3A_170 = arith.constant 2 : i32
      %eq3A = arith.constant 0 : i32
      %eq3A_171 = arith.cmpi eq, %jit3A_170, %eq3A : i32
      %jit3A_172 = arith.constant 1 : i32
      %select_n3A_173 = arith.select %eq3A_171, %jit3A_172, %jit3A_170 : i32
      %rem3A_174 = arith.remsi %while3A_169, %select_n3A_173 : i32
      %ne3A_175 = arith.constant 0 : i32
      %ne3A_176 = arith.cmpi ne, %rem3A_174, %ne3A_175 : i32
      %lt3A = arith.constant 0 : i32
      %lt3A_177 = arith.cmpi slt, %rem3A_174, %lt3A : i32
      %lt3A_178 = arith.constant 0 : i32
      %lt3A_179 = arith.cmpi slt, %select_n3A_173, %lt3A_178 : i32
      %ne3A_180 = arith.xori %lt3A_177, %lt3A_179 : i1
      %and3A_181 = arith.andi %ne3A_180, %ne3A_176 : i1
      %add3A_182 = arith.addi %rem3A_174, %select_n3A_173 : i32
      %select_n3A_183 = arith.select %and3A_181, %add3A_182, %rem3A_174 : i32
      %jit3A_184 = arith.constant 6 : i32
      %eq3A_185 = arith.constant 0 : i32
      %eq3A_186 = arith.cmpi eq, %jit3A_184, %eq3A_185 : i32
      %jit3A_187 = arith.constant 1 : i32
      %select_n3A_188 = arith.select %eq3A_186, %jit3A_187, %jit3A_184 : i32
      %rem3A_189 = arith.remsi %while3A_169, %select_n3A_188 : i32
      %ne3A_190 = arith.constant 0 : i32
      %ne3A_191 = arith.cmpi ne, %rem3A_189, %ne3A_190 : i32
      %lt3A_192 = arith.constant 0 : i32
      %lt3A_193 = arith.cmpi slt, %rem3A_189, %lt3A_192 : i32
      %lt3A_194 = arith.constant 0 : i32
      %lt3A_195 = arith.cmpi slt, %select_n3A_188, %lt3A_194 : i32
      %ne3A_196 = arith.xori %lt3A_193, %lt3A_195 : i1
      %and3A_197 = arith.andi %ne3A_196, %ne3A_191 : i1
      %add3A_198 = arith.addi %rem3A_189, %select_n3A_188 : i32
      %select_n3A_199 = arith.select %and3A_197, %add3A_198, %rem3A_189 : i32
      %add3A_200 = arith.constant 1 : i32
      %add3A_201 = arith.addi %while3A_169, %add3A_200 : i32
      %lt3A_202 = arith.cmpi slt, %add3A_201, %select_n3A : i32
      %convert_element_type3A_203 = arith.extui %lt3A_202 : i1 to i32
      %cond3A_204 = arith.constant 0 : i32
      %cond3A_205 = arith.cmpi ne, %convert_element_type3A_203, %cond3A_204 : i32
      scf.if %cond3A_205 {
        %add3A_255 = arith.constant 1 : i32
        %add3A_256 = arith.addi %while3A_169, %add3A_255 : i32
        %jit3A_257 = arith.constant 2 : i32
        %eq3A_258 = arith.constant 0 : i32
        %eq3A_259 = arith.cmpi eq, %jit3A_257, %eq3A_258 : i32
        %jit3A_260 = arith.constant 1 : i32
        %select_n3A_261 = arith.select %eq3A_259, %jit3A_260, %jit3A_257 : i32
        %rem3A_262 = arith.remsi %add3A_256, %select_n3A_261 : i32
        %ne3A_263 = arith.constant 0 : i32
        %ne3A_264 = arith.cmpi ne, %rem3A_262, %ne3A_263 : i32
        %lt3A_265 = arith.constant 0 : i32
        %lt3A_266 = arith.cmpi slt, %rem3A_262, %lt3A_265 : i32
        %lt3A_267 = arith.constant 0 : i32
        %lt3A_268 = arith.cmpi slt, %select_n3A_261, %lt3A_267 : i32
        %ne3A_269 = arith.xori %lt3A_266, %lt3A_268 : i1
        %and3A_270 = arith.andi %ne3A_269, %ne3A_264 : i1
        %add3A_271 = arith.addi %rem3A_262, %select_n3A_261 : i32
        %select_n3A_272 = arith.select %and3A_270, %add3A_271, %rem3A_262 : i32
        %add3A_273 = arith.constant 1 : i32
        %add3A_274 = arith.addi %while3A_169, %add3A_273 : i32
        %jit3A_275 = arith.constant 6 : i32
        %eq3A_276 = arith.constant 0 : i32
        %eq3A_277 = arith.cmpi eq, %jit3A_275, %eq3A_276 : i32
        %jit3A_278 = arith.constant 1 : i32
        %select_n3A_279 = arith.select %eq3A_277, %jit3A_278, %jit3A_275 : i32
        %rem3A_280 = arith.remsi %add3A_274, %select_n3A_279 : i32
        %ne3A_281 = arith.constant 0 : i32
        %ne3A_282 = arith.cmpi ne, %rem3A_280, %ne3A_281 : i32
        %lt3A_283 = arith.constant 0 : i32
        %lt3A_284 = arith.cmpi slt, %rem3A_280, %lt3A_283 : i32
        %lt3A_285 = arith.constant 0 : i32
        %lt3A_286 = arith.cmpi slt, %select_n3A_279, %lt3A_285 : i32
        %ne3A_287 = arith.xori %lt3A_284, %lt3A_286 : i1
        %and3A_288 = arith.andi %ne3A_287, %ne3A_282 : i1
        %add3A_289 = arith.addi %rem3A_280, %select_n3A_279 : i32
        %select_n3A_290 = arith.select %and3A_288, %add3A_289, %rem3A_280 : i32
        %add3A_291 = arith.constant 1 : i32
        %add3A_292 = arith.addi %while3A_169, %add3A_291 : i32
        %sub3A_293 = arith.constant 2 : i32
        %sub3A_294 = arith.subi %add3A_292, %sub3A_293 : i32
        %ge3A_295 = arith.constant 0 : i32
        %ge3A_296 = arith.cmpi sge, %sub3A_294, %ge3A_295 : i32
        %convert_element_type3A_297 = arith.extui %ge3A_296 : i1 to i32
        %cond3A_298 = arith.constant 0 : i32
        %cond3A_299 = arith.cmpi ne, %convert_element_type3A_297, %cond3A_298 : i32
        scf.if %cond3A_299 {
          %add3A_333 = arith.constant 1 : i32
          %add3A_334 = arith.addi %while3A_169, %add3A_333 : i32
          %sub3A_335 = arith.constant 2 : i32
          %sub3A_336 = arith.subi %add3A_334, %sub3A_335 : i32
          %jit3A_337 = arith.constant 6 : i32
          %eq3A_338 = arith.constant 0 : i32
          %eq3A_339 = arith.cmpi eq, %jit3A_337, %eq3A_338 : i32
          %jit3A_340 = arith.constant 1 : i32
          %select_n3A_341 = arith.select %eq3A_339, %jit3A_340, %jit3A_337 : i32
          %rem3A_342 = arith.remsi %sub3A_336, %select_n3A_341 : i32
          %ne3A_343 = arith.constant 0 : i32
          %ne3A_344 = arith.cmpi ne, %rem3A_342, %ne3A_343 : i32
          %lt3A_345 = arith.constant 0 : i32
          %lt3A_346 = arith.cmpi slt, %rem3A_342, %lt3A_345 : i32
          %lt3A_347 = arith.constant 0 : i32
          %lt3A_348 = arith.cmpi slt, %select_n3A_341, %lt3A_347 : i32
          %ne3A_349 = arith.xori %lt3A_346, %lt3A_348 : i1
          %and3A_350 = arith.andi %ne3A_349, %ne3A_344 : i1
          %add3A_351 = arith.addi %rem3A_342, %select_n3A_341 : i32
          %select_n3A_352 = arith.select %and3A_350, %add3A_351, %rem3A_342 : i32
          %dma_wait3A_353 = arith.constant 0 : i32
          %dma_wait3A_354 = arith.constant 0 : i32
          %dma_wait3A_355 = tpu.memref_slice %arg5[%select_n3A_272, %dma_wait3A_353, %dma_wait3A_354] : memref<2x128x128xf32, #tpu.memory_space<vmem>> -> memref<1x128x128xf32, #tpu.memory_space<vmem>>
          %dma_wait3A_356 = tpu.memref_squeeze %dma_wait3A_355 : memref<1x128x128xf32, #tpu.memory_space<vmem>> -> memref<128x128xf32, #tpu.memory_space<vmem>>
          %dma_wait3A_357 = arith.constant 0 : i32
          %dma_wait3A_358 = tpu.memref_slice %arg7[%select_n3A_352, %dma_wait3A_357] : memref<6x128xi32, #tpu.memory_space<vmem>> -> memref<1x128xi32, #tpu.memory_space<vmem>>
          %dma_wait3A_359 = tpu.memref_squeeze %dma_wait3A_358 : memref<1x128xi32, #tpu.memory_space<vmem>> -> memref<128xi32, #tpu.memory_space<vmem>>
          %dma_wait3A_360 = arith.constant 0 : i32
          %dma_wait3A_361 = arith.constant 0 : i32
          %dma_wait3A_362 = tpu.memref_slice %arg8[%dma_wait3A_360, %dma_wait3A_361] : memref<10240x128xf32, #tpu.memory_space<vmem_shared>> -> memref<10240x128xf32, #tpu.memory_space<vmem_shared>>
          %dma_wait3A_363 = tpu.memref_slice %arg12[%select_n3A_272] : memref<2x!tpu.dma_semaphore, #tpu.memory_space<semaphore_mem>> -> memref<1x!tpu.dma_semaphore, #tpu.memory_space<semaphore_mem>>
          %dma_wait3A_364 = tpu.memref_squeeze %dma_wait3A_363 : memref<1x!tpu.dma_semaphore, #tpu.memory_space<semaphore_mem>> -> memref<!tpu.dma_semaphore, #tpu.memory_space<semaphore_mem>>
          tpu.wait_indirect_dma semaphore(%dma_wait3A_364 : memref<!tpu.dma_semaphore, #tpu.memory_space<semaphore_mem>>) src(%dma_wait3A_356 : memref<128x128xf32, #tpu.memory_space<vmem>>) dst(%dma_wait3A_362 : memref<10240x128xf32, #tpu.memory_space<vmem_shared>>)
        } else {
        }
        %add3A_300 = arith.constant 1 : i32
        %add3A_301 = arith.addi %while3A_169, %add3A_300 : i32
        %mul3A_302 = arith.constant 32 : i32
        %mul3A_303 = arith.muli %add3A_301, %mul3A_302 : i32
        %add3A_304 = arith.addi %add3A, %mul3A_303 : i32
        %mul3A_305 = arith.constant 128 : i32
        %mul3A_306 = arith.muli %add3A_304, %mul3A_305 : i32
        %multiple_of3A_307 = tpu.assume_multiple %mul3A_306, 8 : i32
        %dma_wait3A_308 = arith.constant 0 : i32
        %dma_wait3A_309 = arith.constant 0 : i32
        %dma_wait3A_310 = tpu.memref_slice %arg6[%select_n3A_290, %dma_wait3A_309] : memref<6x128xi32, #tpu.memory_space<vmem>> -> memref<1x128xi32, #tpu.memory_space<vmem>>
        %dma_wait3A_311 = tpu.memref_squeeze %dma_wait3A_310 : memref<1x128xi32, #tpu.memory_space<vmem>> -> memref<128xi32, #tpu.memory_space<vmem>>
        %dma_wait3A_312 = tpu.memref_slice %arg3[%dma_wait3A_308, %multiple_of3A_307] : memref<2x320000xi32, #tpu.memory_space<hbm>> -> memref<1x128xi32, #tpu.memory_space<hbm>>
        %dma_wait3A_313 = tpu.memref_squeeze %dma_wait3A_312 : memref<1x128xi32, #tpu.memory_space<hbm>> -> memref<128xi32, #tpu.memory_space<hbm>>
        %dma_wait3A_314 = tpu.memref_slice %arg9[%select_n3A_290] : memref<6x!tpu.dma_semaphore, #tpu.memory_space<semaphore_mem>> -> memref<1x!tpu.dma_semaphore, #tpu.memory_space<semaphore_mem>>
        %dma_wait3A_315 = tpu.memref_squeeze %dma_wait3A_314 : memref<1x!tpu.dma_semaphore, #tpu.memory_space<semaphore_mem>> -> memref<!tpu.dma_semaphore, #tpu.memory_space<semaphore_mem>>
        %dma_wait3A_316 = arith.constant 0 : i32
        %dma_wait3A_317 = tpu.memref_slice %arg6[%select_n3A_290, %dma_wait3A_316] : memref<6x128xi32, #tpu.memory_space<vmem>> -> memref<1x128xi32, #tpu.memory_space<vmem>>
        %dma_wait3A_318 = tpu.memref_squeeze %dma_wait3A_317 : memref<1x128xi32, #tpu.memory_space<vmem>> -> memref<128xi32, #tpu.memory_space<vmem>>
        %dma_wait3A_319 = tpu.memref_slice %arg3[%dma_wait3A_308, %multiple_of3A_307] : memref<2x320000xi32, #tpu.memory_space<hbm>> -> memref<1x128xi32, #tpu.memory_space<hbm>>
        %dma_wait3A_320 = tpu.memref_squeeze %dma_wait3A_319 : memref<1x128xi32, #tpu.memory_space<hbm>> -> memref<128xi32, #tpu.memory_space<hbm>>
        tpu.wait_dma2 semaphore(%dma_wait3A_315 : memref<!tpu.dma_semaphore, #tpu.memory_space<semaphore_mem>>) src(%dma_wait3A_320 : memref<128xi32, #tpu.memory_space<hbm>>) dst(%dma_wait3A_318 : memref<128xi32, #tpu.memory_space<vmem>>)
        %dma_start3A_321 = arith.constant 0 : i32
        %dma_start3A_322 = arith.constant 0 : i32
        %dma_start3A_323 = tpu.memref_slice %arg5[%select_n3A_272, %dma_start3A_321, %dma_start3A_322] : memref<2x128x128xf32, #tpu.memory_space<vmem>> -> memref<1x128x128xf32, #tpu.memory_space<vmem>>
        %dma_start3A_324 = tpu.memref_squeeze %dma_start3A_323 : memref<1x128x128xf32, #tpu.memory_space<vmem>> -> memref<128x128xf32, #tpu.memory_space<vmem>>
        %dma_start3A_325 = arith.constant 0 : i32
        %dma_start3A_326 = tpu.memref_slice %arg6[%select_n3A_290, %dma_start3A_325] : memref<6x128xi32, #tpu.memory_space<vmem>> -> memref<1x128xi32, #tpu.memory_space<vmem>>
        %dma_start3A_327 = tpu.memref_squeeze %dma_start3A_326 : memref<1x128xi32, #tpu.memory_space<vmem>> -> memref<128xi32, #tpu.memory_space<vmem>>
        %dma_start3A_328 = arith.constant 0 : i32
        %dma_start3A_329 = arith.constant 0 : i32
        %dma_start3A_330 = tpu.memref_slice %arg2[%dma_start3A_328, %dma_start3A_329] : memref<10000x128xf32, #tpu.memory_space<hbm>> -> memref<10000x128xf32, #tpu.memory_space<hbm>>
        %dma_start3A_331 = tpu.memref_slice %arg11[%select_n3A_272] : memref<2x!tpu.dma_semaphore, #tpu.memory_space<semaphore_mem>> -> memref<1x!tpu.dma_semaphore, #tpu.memory_space<semaphore_mem>>
        %dma_start3A_332 = tpu.memref_squeeze %dma_start3A_331 : memref<1x!tpu.dma_semaphore, #tpu.memory_space<semaphore_mem>> -> memref<!tpu.dma_semaphore, #tpu.memory_space<semaphore_mem>>
        tpu.enqueue_indirect_dma source(%dma_start3A_330 : memref<10000x128xf32, #tpu.memory_space<hbm>>) target(%dma_start3A_324 : memref<128x128xf32, #tpu.memory_space<vmem>>) offsets(%dma_start3A_327 : memref<128xi32, #tpu.memory_space<vmem>>) semaphore(%dma_start3A_332 : memref<!tpu.dma_semaphore, #tpu.memory_space<semaphore_mem>>)
      } else {
      }
      %dma_wait3A_206 = arith.constant 0 : i32
      %dma_wait3A_207 = arith.constant 0 : i32
      %dma_wait3A_208 = tpu.memref_slice %arg5[%select_n3A_183, %dma_wait3A_206, %dma_wait3A_207] : memref<2x128x128xf32, #tpu.memory_space<vmem>> -> memref<1x128x128xf32, #tpu.memory_space<vmem>>
      %dma_wait3A_209 = tpu.memref_squeeze %dma_wait3A_208 : memref<1x128x128xf32, #tpu.memory_space<vmem>> -> memref<128x128xf32, #tpu.memory_space<vmem>>
      %dma_wait3A_210 = arith.constant 0 : i32
      %dma_wait3A_211 = tpu.memref_slice %arg6[%select_n3A_199, %dma_wait3A_210] : memref<6x128xi32, #tpu.memory_space<vmem>> -> memref<1x128xi32, #tpu.memory_space<vmem>>
      %dma_wait3A_212 = tpu.memref_squeeze %dma_wait3A_211 : memref<1x128xi32, #tpu.memory_space<vmem>> -> memref<128xi32, #tpu.memory_space<vmem>>
      %dma_wait3A_213 = arith.constant 0 : i32
      %dma_wait3A_214 = arith.constant 0 : i32
      %dma_wait3A_215 = tpu.memref_slice %arg2[%dma_wait3A_213, %dma_wait3A_214] : memref<10000x128xf32, #tpu.memory_space<hbm>> -> memref<10000x128xf32, #tpu.memory_space<hbm>>
      %dma_wait3A_216 = tpu.memref_slice %arg11[%select_n3A_183] : memref<2x!tpu.dma_semaphore, #tpu.memory_space<semaphore_mem>> -> memref<1x!tpu.dma_semaphore, #tpu.memory_space<semaphore_mem>>
      %dma_wait3A_217 = tpu.memref_squeeze %dma_wait3A_216 : memref<1x!tpu.dma_semaphore, #tpu.memory_space<semaphore_mem>> -> memref<!tpu.dma_semaphore, #tpu.memory_space<semaphore_mem>>
      tpu.wait_indirect_dma semaphore(%dma_wait3A_217 : memref<!tpu.dma_semaphore, #tpu.memory_space<semaphore_mem>>) src(%dma_wait3A_215 : memref<10000x128xf32, #tpu.memory_space<hbm>>) dst(%dma_wait3A_209 : memref<128x128xf32, #tpu.memory_space<vmem>>)
      %mul3A_218 = arith.constant 32 : i32
      %mul3A_219 = arith.muli %while3A_169, %mul3A_218 : i32
      %add3A_220 = arith.addi %add3A, %mul3A_219 : i32
      %mul3A_221 = arith.constant 128 : i32
      %mul3A_222 = arith.muli %add3A_220, %mul3A_221 : i32
      %multiple_of3A_223 = tpu.assume_multiple %mul3A_222, 8 : i32
      %dma_wait3A_224 = arith.constant 1 : i32
      %dma_wait3A_225 = arith.constant 0 : i32
      %dma_wait3A_226 = tpu.memref_slice %arg7[%select_n3A_199, %dma_wait3A_225] : memref<6x128xi32, #tpu.memory_space<vmem>> -> memref<1x128xi32, #tpu.memory_space<vmem>>
      %dma_wait3A_227 = tpu.memref_squeeze %dma_wait3A_226 : memref<1x128xi32, #tpu.memory_space<vmem>> -> memref<128xi32, #tpu.memory_space<vmem>>
      %dma_wait3A_228 = tpu.memref_slice %arg3[%dma_wait3A_224, %multiple_of3A_223] : memref<2x320000xi32, #tpu.memory_space<hbm>> -> memref<1x128xi32, #tpu.memory_space<hbm>>
      %dma_wait3A_229 = tpu.memref_squeeze %dma_wait3A_228 : memref<1x128xi32, #tpu.memory_space<hbm>> -> memref<128xi32, #tpu.memory_space<hbm>>
      %dma_wait3A_230 = tpu.memref_slice %arg10[%select_n3A_199] : memref<6x!tpu.dma_semaphore, #tpu.memory_space<semaphore_mem>> -> memref<1x!tpu.dma_semaphore, #tpu.memory_space<semaphore_mem>>
      %dma_wait3A_231 = tpu.memref_squeeze %dma_wait3A_230 : memref<1x!tpu.dma_semaphore, #tpu.memory_space<semaphore_mem>> -> memref<!tpu.dma_semaphore, #tpu.memory_space<semaphore_mem>>
      %dma_wait3A_232 = arith.constant 0 : i32
      %dma_wait3A_233 = tpu.memref_slice %arg7[%select_n3A_199, %dma_wait3A_232] : memref<6x128xi32, #tpu.memory_space<vmem>> -> memref<1x128xi32, #tpu.memory_space<vmem>>
      %dma_wait3A_234 = tpu.memref_squeeze %dma_wait3A_233 : memref<1x128xi32, #tpu.memory_space<vmem>> -> memref<128xi32, #tpu.memory_space<vmem>>
      %dma_wait3A_235 = tpu.memref_slice %arg3[%dma_wait3A_224, %multiple_of3A_223] : memref<2x320000xi32, #tpu.memory_space<hbm>> -> memref<1x128xi32, #tpu.memory_space<hbm>>
      %dma_wait3A_236 = tpu.memref_squeeze %dma_wait3A_235 : memref<1x128xi32, #tpu.memory_space<hbm>> -> memref<128xi32, #tpu.memory_space<hbm>>
      tpu.wait_dma2 semaphore(%dma_wait3A_231 : memref<!tpu.dma_semaphore, #tpu.memory_space<semaphore_mem>>) src(%dma_wait3A_236 : memref<128xi32, #tpu.memory_space<hbm>>) dst(%dma_wait3A_234 : memref<128xi32, #tpu.memory_space<vmem>>)
      %dma_start3A_237 = arith.constant 0 : i32
      %dma_start3A_238 = arith.constant 0 : i32
      %dma_start3A_239 = tpu.memref_slice %arg5[%select_n3A_183, %dma_start3A_237, %dma_start3A_238] : memref<2x128x128xf32, #tpu.memory_space<vmem>> -> memref<1x128x128xf32, #tpu.memory_space<vmem>>
      %dma_start3A_240 = tpu.memref_squeeze %dma_start3A_239 : memref<1x128x128xf32, #tpu.memory_space<vmem>> -> memref<128x128xf32, #tpu.memory_space<vmem>>
      %dma_start3A_241 = arith.constant 0 : i32
      %dma_start3A_242 = tpu.memref_slice %arg7[%select_n3A_199, %dma_start3A_241] : memref<6x128xi32, #tpu.memory_space<vmem>> -> memref<1x128xi32, #tpu.memory_space<vmem>>
      %dma_start3A_243 = tpu.memref_squeeze %dma_start3A_242 : memref<1x128xi32, #tpu.memory_space<vmem>> -> memref<128xi32, #tpu.memory_space<vmem>>
      %dma_start3A_244 = arith.constant 0 : i32
      %dma_start3A_245 = arith.constant 0 : i32
      %dma_start3A_246 = tpu.memref_slice %arg8[%dma_start3A_244, %dma_start3A_245] : memref<10240x128xf32, #tpu.memory_space<vmem_shared>> -> memref<10240x128xf32, #tpu.memory_space<vmem_shared>>
      %dma_start3A_247 = tpu.memref_slice %arg12[%select_n3A_183] : memref<2x!tpu.dma_semaphore, #tpu.memory_space<semaphore_mem>> -> memref<1x!tpu.dma_semaphore, #tpu.memory_space<semaphore_mem>>
      %dma_start3A_248 = tpu.memref_squeeze %dma_start3A_247 : memref<1x!tpu.dma_semaphore, #tpu.memory_space<semaphore_mem>> -> memref<!tpu.dma_semaphore, #tpu.memory_space<semaphore_mem>>
      tpu.enqueue_indirect_dma source(%dma_start3A_240 : memref<128x128xf32, #tpu.memory_space<vmem>>) target(%dma_start3A_246 : memref<10240x128xf32, #tpu.memory_space<vmem_shared>>) offsets(%dma_start3A_243 : memref<128xi32, #tpu.memory_space<vmem>>) semaphore(%dma_start3A_248 : memref<!tpu.dma_semaphore, #tpu.memory_space<semaphore_mem>>) {add = true}
      %add3A_249 = arith.constant 2 : i32
      %add3A_250 = arith.addi %while3A_169, %add3A_249 : i32
      %lt3A_251 = arith.cmpi slt, %add3A_250, %select_n3A : i32
      %convert_element_type3A_252 = arith.extui %lt3A_251 : i1 to i32
      %cond3A_253 = arith.constant 0 : i32
      %cond3A_254 = arith.cmpi ne, %convert_element_type3A_252, %cond3A_253 : i32
      scf.if %cond3A_254 {
        %add3A_255 = arith.constant 2 : i32
        %add3A_256 = arith.addi %while3A_169, %add3A_255 : i32
        %jit3A_257 = arith.constant 6 : i32
        %eq3A_258 = arith.constant 0 : i32
        %eq3A_259 = arith.cmpi eq, %jit3A_257, %eq3A_258 : i32
        %jit3A_260 = arith.constant 1 : i32
        %select_n3A_261 = arith.select %eq3A_259, %jit3A_260, %jit3A_257 : i32
        %rem3A_262 = arith.remsi %add3A_256, %select_n3A_261 : i32
        %ne3A_263 = arith.constant 0 : i32
        %ne3A_264 = arith.cmpi ne, %rem3A_262, %ne3A_263 : i32
        %lt3A_265 = arith.constant 0 : i32
        %lt3A_266 = arith.cmpi slt, %rem3A_262, %lt3A_265 : i32
        %lt3A_267 = arith.constant 0 : i32
        %lt3A_268 = arith.cmpi slt, %select_n3A_261, %lt3A_267 : i32
        %ne3A_269 = arith.xori %lt3A_266, %lt3A_268 : i1
        %and3A_270 = arith.andi %ne3A_269, %ne3A_264 : i1
        %add3A_271 = arith.addi %rem3A_262, %select_n3A_261 : i32
        %select_n3A_272 = arith.select %and3A_270, %add3A_271, %rem3A_262 : i32
        %add3A_273 = arith.constant 2 : i32
        %add3A_274 = arith.addi %while3A_169, %add3A_273 : i32
        %mul3A_275 = arith.constant 32 : i32
        %mul3A_276 = arith.muli %add3A_274, %mul3A_275 : i32
        %add3A_277 = arith.addi %add3A, %mul3A_276 : i32
        %mul3A_278 = arith.constant 128 : i32
        %mul3A_279 = arith.muli %add3A_277, %mul3A_278 : i32
        %multiple_of3A_280 = tpu.assume_multiple %mul3A_279, 8 : i32
        %dma_start3A_281 = arith.constant 0 : i32
        %dma_start3A_282 = arith.constant 0 : i32
        %dma_start3A_283 = tpu.memref_slice %arg6[%select_n3A_272, %dma_start3A_282] : memref<6x128xi32, #tpu.memory_space<vmem>> -> memref<1x128xi32, #tpu.memory_space<vmem>>
        %dma_start3A_284 = tpu.memref_squeeze %dma_start3A_283 : memref<1x128xi32, #tpu.memory_space<vmem>> -> memref<128xi32, #tpu.memory_space<vmem>>
        %dma_start3A_285 = tpu.memref_slice %arg3[%dma_start3A_281, %multiple_of3A_280] : memref<2x320000xi32, #tpu.memory_space<hbm>> -> memref<1x128xi32, #tpu.memory_space<hbm>>
        %dma_start3A_286 = tpu.memref_squeeze %dma_start3A_285 : memref<1x128xi32, #tpu.memory_space<hbm>> -> memref<128xi32, #tpu.memory_space<hbm>>
        %dma_start3A_287 = tpu.memref_slice %arg9[%select_n3A_272] : memref<6x!tpu.dma_semaphore, #tpu.memory_space<semaphore_mem>> -> memref<1x!tpu.dma_semaphore, #tpu.memory_space<semaphore_mem>>
        %dma_start3A_288 = tpu.memref_squeeze %dma_start3A_287 : memref<1x!tpu.dma_semaphore, #tpu.memory_space<semaphore_mem>> -> memref<!tpu.dma_semaphore, #tpu.memory_space<semaphore_mem>>
        %dma_start3A_289 = arith.constant 0 : i32
        %dma_start3A_290 = tpu.memref_slice %arg6[%select_n3A_272, %dma_start3A_289] : memref<6x128xi32, #tpu.memory_space<vmem>> -> memref<1x128xi32, #tpu.memory_space<vmem>>
        %dma_start3A_291 = tpu.memref_squeeze %dma_start3A_290 : memref<1x128xi32, #tpu.memory_space<vmem>> -> memref<128xi32, #tpu.memory_space<vmem>>
        %dma_start3A_292 = tpu.memref_slice %arg3[%dma_start3A_281, %multiple_of3A_280] : memref<2x320000xi32, #tpu.memory_space<hbm>> -> memref<1x128xi32, #tpu.memory_space<hbm>>
        %dma_start3A_293 = tpu.memref_squeeze %dma_start3A_292 : memref<1x128xi32, #tpu.memory_space<hbm>> -> memref<128xi32, #tpu.memory_space<hbm>>
        tpu.enqueue_dma source(%dma_start3A_293 : memref<128xi32, #tpu.memory_space<hbm>>) target(%dma_start3A_291 : memref<128xi32, #tpu.memory_space<vmem>>) target_semaphore(%dma_start3A_288 : memref<!tpu.dma_semaphore, #tpu.memory_space<semaphore_mem>>)
        %dma_start3A_294 = arith.constant 1 : i32
        %dma_start3A_295 = arith.constant 0 : i32
        %dma_start3A_296 = tpu.memref_slice %arg7[%select_n3A_272, %dma_start3A_295] : memref<6x128xi32, #tpu.memory_space<vmem>> -> memref<1x128xi32, #tpu.memory_space<vmem>>
        %dma_start3A_297 = tpu.memref_squeeze %dma_start3A_296 : memref<1x128xi32, #tpu.memory_space<vmem>> -> memref<128xi32, #tpu.memory_space<vmem>>
        %dma_start3A_298 = tpu.memref_slice %arg3[%dma_start3A_294, %multiple_of3A_280] : memref<2x320000xi32, #tpu.memory_space<hbm>> -> memref<1x128xi32, #tpu.memory_space<hbm>>
        %dma_start3A_299 = tpu.memref_squeeze %dma_start3A_298 : memref<1x128xi32, #tpu.memory_space<hbm>> -> memref<128xi32, #tpu.memory_space<hbm>>
        %dma_start3A_300 = tpu.memref_slice %arg10[%select_n3A_272] : memref<6x!tpu.dma_semaphore, #tpu.memory_space<semaphore_mem>> -> memref<1x!tpu.dma_semaphore, #tpu.memory_space<semaphore_mem>>
        %dma_start3A_301 = tpu.memref_squeeze %dma_start3A_300 : memref<1x!tpu.dma_semaphore, #tpu.memory_space<semaphore_mem>> -> memref<!tpu.dma_semaphore, #tpu.memory_space<semaphore_mem>>
        %dma_start3A_302 = arith.constant 0 : i32
        %dma_start3A_303 = tpu.memref_slice %arg7[%select_n3A_272, %dma_start3A_302] : memref<6x128xi32, #tpu.memory_space<vmem>> -> memref<1x128xi32, #tpu.memory_space<vmem>>
        %dma_start3A_304 = tpu.memref_squeeze %dma_start3A_303 : memref<1x128xi32, #tpu.memory_space<vmem>> -> memref<128xi32, #tpu.memory_space<vmem>>
        %dma_start3A_305 = tpu.memref_slice %arg3[%dma_start3A_294, %multiple_of3A_280] : memref<2x320000xi32, #tpu.memory_space<hbm>> -> memref<1x128xi32, #tpu.memory_space<hbm>>
        %dma_start3A_306 = tpu.memref_squeeze %dma_start3A_305 : memref<1x128xi32, #tpu.memory_space<hbm>> -> memref<128xi32, #tpu.memory_space<hbm>>
        tpu.enqueue_dma source(%dma_start3A_306 : memref<128xi32, #tpu.memory_space<hbm>>) target(%dma_start3A_304 : memref<128xi32, #tpu.memory_space<vmem>>) target_semaphore(%dma_start3A_301 : memref<!tpu.dma_semaphore, #tpu.memory_space<semaphore_mem>>)
      } else {
      }
    }
    %sub3A_153 = arith.constant 2 : i32
    %sub3A_154 = arith.subi %select_n3A, %sub3A_153 : i32
    %add3A_155 = arith.constant 0 : i32
    %add3A_156 = arith.addi %sub3A_154, %add3A_155 : i32
    %ge3A = arith.constant 0 : i32
    %ge3A_157 = arith.cmpi sge, %add3A_156, %ge3A : i32
    %convert_element_type3A = arith.extui %ge3A_157 : i1 to i32
    %cond3A = arith.constant 0 : i32
    %cond3A_158 = arith.cmpi ne, %convert_element_type3A, %cond3A : i32
    scf.if %cond3A_158 {
      %jit3A_169 = arith.constant 2 : i32
      %eq3A = arith.constant 0 : i32
      %eq3A_170 = arith.cmpi eq, %jit3A_169, %eq3A : i32
      %jit3A_171 = arith.constant 1 : i32
      %select_n3A_172 = arith.select %eq3A_170, %jit3A_171, %jit3A_169 : i32
      %rem3A_173 = arith.remsi %add3A_156, %select_n3A_172 : i32
      %ne3A_174 = arith.constant 0 : i32
      %ne3A_175 = arith.cmpi ne, %rem3A_173, %ne3A_174 : i32
      %lt3A = arith.constant 0 : i32
      %lt3A_176 = arith.cmpi slt, %rem3A_173, %lt3A : i32
      %lt3A_177 = arith.constant 0 : i32
      %lt3A_178 = arith.cmpi slt, %select_n3A_172, %lt3A_177 : i32
      %ne3A_179 = arith.xori %lt3A_176, %lt3A_178 : i1
      %and3A_180 = arith.andi %ne3A_179, %ne3A_175 : i1
      %add3A_181 = arith.addi %rem3A_173, %select_n3A_172 : i32
      %select_n3A_182 = arith.select %and3A_180, %add3A_181, %rem3A_173 : i32
      %jit3A_183 = arith.constant 6 : i32
      %eq3A_184 = arith.constant 0 : i32
      %eq3A_185 = arith.cmpi eq, %jit3A_183, %eq3A_184 : i32
      %jit3A_186 = arith.constant 1 : i32
      %select_n3A_187 = arith.select %eq3A_185, %jit3A_186, %jit3A_183 : i32
      %rem3A_188 = arith.remsi %add3A_156, %select_n3A_187 : i32
      %ne3A_189 = arith.constant 0 : i32
      %ne3A_190 = arith.cmpi ne, %rem3A_188, %ne3A_189 : i32
      %lt3A_191 = arith.constant 0 : i32
      %lt3A_192 = arith.cmpi slt, %rem3A_188, %lt3A_191 : i32
      %lt3A_193 = arith.constant 0 : i32
      %lt3A_194 = arith.cmpi slt, %select_n3A_187, %lt3A_193 : i32
      %ne3A_195 = arith.xori %lt3A_192, %lt3A_194 : i1
      %and3A_196 = arith.andi %ne3A_195, %ne3A_190 : i1
      %add3A_197 = arith.addi %rem3A_188, %select_n3A_187 : i32
      %select_n3A_198 = arith.select %and3A_196, %add3A_197, %rem3A_188 : i32
      %jit3A_199 = arith.constant 2 : i32
      %eq3A_200 = arith.constant 0 : i32
      %eq3A_201 = arith.cmpi eq, %jit3A_199, %eq3A_200 : i32
      %jit3A_202 = arith.constant 1 : i32
      %select_n3A_203 = arith.select %eq3A_201, %jit3A_202, %jit3A_199 : i32
      %rem3A_204 = arith.remsi %add3A_156, %select_n3A_203 : i32
      %ne3A_205 = arith.constant 0 : i32
      %ne3A_206 = arith.cmpi ne, %rem3A_204, %ne3A_205 : i32
      %lt3A_207 = arith.constant 0 : i32
      %lt3A_208 = arith.cmpi slt, %rem3A_204, %lt3A_207 : i32
      %lt3A_209 = arith.constant 0 : i32
      %lt3A_210 = arith.cmpi slt, %select_n3A_203, %lt3A_209 : i32
      %ne3A_211 = arith.xori %lt3A_208, %lt3A_210 : i1
      %and3A_212 = arith.andi %ne3A_211, %ne3A_206 : i1
      %add3A_213 = arith.addi %rem3A_204, %select_n3A_203 : i32
      %select_n3A_214 = arith.select %and3A_212, %add3A_213, %rem3A_204 : i32
      %dma_wait3A_215 = arith.constant 0 : i32
      %dma_wait3A_216 = arith.constant 0 : i32
      %dma_wait3A_217 = tpu.memref_slice %arg5[%select_n3A_182, %dma_wait3A_215, %dma_wait3A_216] : memref<2x128x128xf32, #tpu.memory_space<vmem>> -> memref<1x128x128xf32, #tpu.memory_space<vmem>>
      %dma_wait3A_218 = tpu.memref_squeeze %dma_wait3A_217 : memref<1x128x128xf32, #tpu.memory_space<vmem>> -> memref<128x128xf32, #tpu.memory_space<vmem>>
      %dma_wait3A_219 = arith.constant 0 : i32
      %dma_wait3A_220 = tpu.memref_slice %arg7[%select_n3A_198, %dma_wait3A_219] : memref<6x128xi32, #tpu.memory_space<vmem>> -> memref<1x128xi32, #tpu.memory_space<vmem>>
      %dma_wait3A_221 = tpu.memref_squeeze %dma_wait3A_220 : memref<1x128xi32, #tpu.memory_space<vmem>> -> memref<128xi32, #tpu.memory_space<vmem>>
      %dma_wait3A_222 = arith.constant 0 : i32
      %dma_wait3A_223 = arith.constant 0 : i32
      %dma_wait3A_224 = tpu.memref_slice %arg8[%dma_wait3A_222, %dma_wait3A_223] : memref<10240x128xf32, #tpu.memory_space<vmem_shared>> -> memref<10240x128xf32, #tpu.memory_space<vmem_shared>>
      %dma_wait3A_225 = tpu.memref_slice %arg12[%select_n3A_214] : memref<2x!tpu.dma_semaphore, #tpu.memory_space<semaphore_mem>> -> memref<1x!tpu.dma_semaphore, #tpu.memory_space<semaphore_mem>>
      %dma_wait3A_226 = tpu.memref_squeeze %dma_wait3A_225 : memref<1x!tpu.dma_semaphore, #tpu.memory_space<semaphore_mem>> -> memref<!tpu.dma_semaphore, #tpu.memory_space<semaphore_mem>>
      tpu.wait_indirect_dma semaphore(%dma_wait3A_226 : memref<!tpu.dma_semaphore, #tpu.memory_space<semaphore_mem>>) src(%dma_wait3A_218 : memref<128x128xf32, #tpu.memory_space<vmem>>) dst(%dma_wait3A_224 : memref<10240x128xf32, #tpu.memory_space<vmem_shared>>)
    } else {
    }
    %sub3A_159 = arith.constant 2 : i32
    %sub3A_160 = arith.subi %select_n3A, %sub3A_159 : i32
    %add3A_161 = arith.constant 1 : i32
    %add3A_162 = arith.addi %sub3A_160, %add3A_161 : i32
    %ge3A_163 = arith.constant 0 : i32
    %ge3A_164 = arith.cmpi sge, %add3A_162, %ge3A_163 : i32
    %convert_element_type3A_165 = arith.extui %ge3A_164 : i1 to i32
    %cond3A_166 = arith.constant 0 : i32
    %cond3A_167 = arith.cmpi ne, %convert_element_type3A_165, %cond3A_166 : i32
    scf.if %cond3A_167 {
      %jit3A_169 = arith.constant 2 : i32
      %eq3A = arith.constant 0 : i32
      %eq3A_170 = arith.cmpi eq, %jit3A_169, %eq3A : i32
      %jit3A_171 = arith.constant 1 : i32
      %select_n3A_172 = arith.select %eq3A_170, %jit3A_171, %jit3A_169 : i32
      %rem3A_173 = arith.remsi %add3A_162, %select_n3A_172 : i32
      %ne3A_174 = arith.constant 0 : i32
      %ne3A_175 = arith.cmpi ne, %rem3A_173, %ne3A_174 : i32
      %lt3A = arith.constant 0 : i32
      %lt3A_176 = arith.cmpi slt, %rem3A_173, %lt3A : i32
      %lt3A_177 = arith.constant 0 : i32
      %lt3A_178 = arith.cmpi slt, %select_n3A_172, %lt3A_177 : i32
      %ne3A_179 = arith.xori %lt3A_176, %lt3A_178 : i1
      %and3A_180 = arith.andi %ne3A_179, %ne3A_175 : i1
      %add3A_181 = arith.addi %rem3A_173, %select_n3A_172 : i32
      %select_n3A_182 = arith.select %and3A_180, %add3A_181, %rem3A_173 : i32
      %jit3A_183 = arith.constant 6 : i32
      %eq3A_184 = arith.constant 0 : i32
      %eq3A_185 = arith.cmpi eq, %jit3A_183, %eq3A_184 : i32
      %jit3A_186 = arith.constant 1 : i32
      %select_n3A_187 = arith.select %eq3A_185, %jit3A_186, %jit3A_183 : i32
      %rem3A_188 = arith.remsi %add3A_162, %select_n3A_187 : i32
      %ne3A_189 = arith.constant 0 : i32
      %ne3A_190 = arith.cmpi ne, %rem3A_188, %ne3A_189 : i32
      %lt3A_191 = arith.constant 0 : i32
      %lt3A_192 = arith.cmpi slt, %rem3A_188, %lt3A_191 : i32
      %lt3A_193 = arith.constant 0 : i32
      %lt3A_194 = arith.cmpi slt, %select_n3A_187, %lt3A_193 : i32
      %ne3A_195 = arith.xori %lt3A_192, %lt3A_194 : i1
      %and3A_196 = arith.andi %ne3A_195, %ne3A_190 : i1
      %add3A_197 = arith.addi %rem3A_188, %select_n3A_187 : i32
      %select_n3A_198 = arith.select %and3A_196, %add3A_197, %rem3A_188 : i32
      %jit3A_199 = arith.constant 2 : i32
      %eq3A_200 = arith.constant 0 : i32
      %eq3A_201 = arith.cmpi eq, %jit3A_199, %eq3A_200 : i32
      %jit3A_202 = arith.constant 1 : i32
      %select_n3A_203 = arith.select %eq3A_201, %jit3A_202, %jit3A_199 : i32
      %rem3A_204 = arith.remsi %add3A_162, %select_n3A_203 : i32
      %ne3A_205 = arith.constant 0 : i32
      %ne3A_206 = arith.cmpi ne, %rem3A_204, %ne3A_205 : i32
      %lt3A_207 = arith.constant 0 : i32
      %lt3A_208 = arith.cmpi slt, %rem3A_204, %lt3A_207 : i32
      %lt3A_209 = arith.constant 0 : i32
      %lt3A_210 = arith.cmpi slt, %select_n3A_203, %lt3A_209 : i32
      %ne3A_211 = arith.xori %lt3A_208, %lt3A_210 : i1
      %and3A_212 = arith.andi %ne3A_211, %ne3A_206 : i1
      %add3A_213 = arith.addi %rem3A_204, %select_n3A_203 : i32
      %select_n3A_214 = arith.select %and3A_212, %add3A_213, %rem3A_204 : i32
      %dma_wait3A_215 = arith.constant 0 : i32
      %dma_wait3A_216 = arith.constant 0 : i32
      %dma_wait3A_217 = tpu.memref_slice %arg5[%select_n3A_182, %dma_wait3A_215, %dma_wait3A_216] : memref<2x128x128xf32, #tpu.memory_space<vmem>> -> memref<1x128x128xf32, #tpu.memory_space<vmem>>
      %dma_wait3A_218 = tpu.memref_squeeze %dma_wait3A_217 : memref<1x128x128xf32, #tpu.memory_space<vmem>> -> memref<128x128xf32, #tpu.memory_space<vmem>>
      %dma_wait3A_219 = arith.constant 0 : i32
      %dma_wait3A_220 = tpu.memref_slice %arg7[%select_n3A_198, %dma_wait3A_219] : memref<6x128xi32, #tpu.memory_space<vmem>> -> memref<1x128xi32, #tpu.memory_space<vmem>>
      %dma_wait3A_221 = tpu.memref_squeeze %dma_wait3A_220 : memref<1x128xi32, #tpu.memory_space<vmem>> -> memref<128xi32, #tpu.memory_space<vmem>>
      %dma_wait3A_222 = arith.constant 0 : i32
      %dma_wait3A_223 = arith.constant 0 : i32
      %dma_wait3A_224 = tpu.memref_slice %arg8[%dma_wait3A_222, %dma_wait3A_223] : memref<10240x128xf32, #tpu.memory_space<vmem_shared>> -> memref<10240x128xf32, #tpu.memory_space<vmem_shared>>
      %dma_wait3A_225 = tpu.memref_slice %arg12[%select_n3A_214] : memref<2x!tpu.dma_semaphore, #tpu.memory_space<semaphore_mem>> -> memref<1x!tpu.dma_semaphore, #tpu.memory_space<semaphore_mem>>
      %dma_wait3A_226 = tpu.memref_squeeze %dma_wait3A_225 : memref<1x!tpu.dma_semaphore, #tpu.memory_space<semaphore_mem>> -> memref<!tpu.dma_semaphore, #tpu.memory_space<semaphore_mem>>
      tpu.wait_indirect_dma semaphore(%dma_wait3A_226 : memref<!tpu.dma_semaphore, #tpu.memory_space<semaphore_mem>>) src(%dma_wait3A_218 : memref<128x128xf32, #tpu.memory_space<vmem>>) dst(%dma_wait3A_224 : memref<10240x128xf32, #tpu.memory_space<vmem_shared>>)
    } else {
    }
    %barrier3A_168 = arith.constant 0 : index
    tpu.barrier barrier_id(%barrier3A_168)
    "tpu.region"() ({
      %run_scoped3A_169 = tpu.sem_alloc : memref<!tpu.dma_semaphore, #tpu.memory_space<semaphore_mem>>
      %dma_start3A_170 = arith.constant 0 : i32
      %dma_start3A_171 = tpu.memref_slice %arg4[%arg0, %mul3A_97, %dma_start3A_170] : memref<2x10240x128xf32, #tpu.memory_space<hbm>> -> memref<1x640x128xf32, #tpu.memory_space<hbm>>
      %dma_start3A_172 = tpu.memref_squeeze %dma_start3A_171 : memref<1x640x128xf32, #tpu.memory_space<hbm>> -> memref<640x128xf32, #tpu.memory_space<hbm>>
      %dma_start3A_173 = arith.constant 0 : i32
      %dma_start3A_174 = tpu.memref_slice %arg8[%mul3A_97, %dma_start3A_173] : memref<10240x128xf32, #tpu.memory_space<vmem_shared>> -> memref<640x128xf32, #tpu.memory_space<vmem_shared>>
      tpu.enqueue_dma source(%dma_start3A_174 : memref<640x128xf32, #tpu.memory_space<vmem_shared>>) target(%dma_start3A_172 : memref<640x128xf32, #tpu.memory_space<hbm>>) target_semaphore(%run_scoped3A_169 : memref<!tpu.dma_semaphore, #tpu.memory_space<semaphore_mem>>)
      %dma_wait3A_175 = arith.constant 0 : i32
      %dma_wait3A_176 = tpu.memref_slice %arg4[%arg0, %mul3A_97, %dma_wait3A_175] : memref<2x10240x128xf32, #tpu.memory_space<hbm>> -> memref<1x640x128xf32, #tpu.memory_space<hbm>>
      %dma_wait3A_177 = tpu.memref_squeeze %dma_wait3A_176 : memref<1x640x128xf32, #tpu.memory_space<hbm>> -> memref<640x128xf32, #tpu.memory_space<hbm>>
      %dma_wait3A_178 = arith.constant 0 : i32
      %dma_wait3A_179 = tpu.memref_slice %arg8[%mul3A_97, %dma_wait3A_178] : memref<10240x128xf32, #tpu.memory_space<vmem_shared>> -> memref<640x128xf32, #tpu.memory_space<vmem_shared>>
      tpu.wait_dma2 semaphore(%run_scoped3A_169 : memref<!tpu.dma_semaphore, #tpu.memory_space<semaphore_mem>>) src(%dma_wait3A_179 : memref<640x128xf32, #tpu.memory_space<vmem_shared>>) dst(%dma_wait3A_177 : memref<640x128xf32, #tpu.memory_space<hbm>>)
      tpu.yield
    }) : () -> ()
    return
  }
}

module attributes {stable_mosaic.version = 14 : i64} {
  func.func @_tc1_body(%arg0: i32, %arg1: memref<1000x128xf32, #tpu.memory_space<vmem>>, %arg2: memref<128x128xbf16, #tpu.memory_space<vmem>>, %arg3: memref<1000x1xbf16, #tpu.memory_space<vmem>>, %arg4: memref<1000x128xf32, #tpu.memory_space<vmem>>) attributes {dimension_semantics = [#tpu.dimension_semantics<arbitrary>], iteration_bounds = array<i64: 10>, scalar_prefetch = 0 : i64, scratch_operands = 0 : i64, tpu.core_type = #tpu.core_type<tc>, window_params = [{transform_indices = @transform_0, window_bounds = array<i64: 1000, 128>}, {pipeline_mode = #tpu.pipeline_mode<synchronous>, transform_indices = @transform_1, window_bounds = array<i64: 128, 128>}, {transform_indices = @transform_2, window_bounds = array<i64: 1000, 1>}, {transform_indices = @transform_3, window_bounds = array<i64: 1000, 128>}]} {
    %get3A = arith.constant 0 : index
    %get3A_0 = arith.constant 0 : index
    %get3A_1 = vector.load %arg3[%get3A, %get3A_0] : memref<1000x1xbf16, #tpu.memory_space<vmem>>, vector<1000x1xbf16>
    %convert_element_type3A = arith.extf %get3A_1 : vector<1000x1xbf16> to vector<1000x1xf32>
    %max3A = arith.constant 1.000000e+00 : f32
    %max3A_2 = vector.broadcast %max3A : f32 to vector<1000x1xf32>
    %max3A_3 = arith.maximumf %convert_element_type3A, %max3A_2 : vector<1000x1xf32>
    %rsqrt3A = math.rsqrt %max3A_3 : vector<1000x1xf32>
    %get3A_4 = arith.constant 0 : index
    %get3A_5 = arith.constant 0 : index
    %get3A_6 = vector.load %arg1[%get3A_4, %get3A_5] : memref<1000x128xf32, #tpu.memory_space<vmem>>, vector<1000x128xf32>
    %convert_element_type3A_7 = arith.truncf %get3A_6 : vector<1000x128xf32> to vector<1000x128xbf16>
    %get3A_8 = arith.constant 0 : index
    %get3A_9 = arith.constant 0 : index
    %get3A_10 = vector.load %arg2[%get3A_8, %get3A_9] : memref<128x128xbf16, #tpu.memory_space<vmem>>, vector<128x128xbf16>
    %dot_general3A = arith.constant dense<0.000000e+00> : vector<1000x128xf32>
    %dot_general3A_11 = tpu.matmul %convert_element_type3A_7, %get3A_10, %dot_general3A {dimension_numbers = #tpu.dot_dimension_numbers<[1], [0], [0], [1], [0, 0, 1, 1], [], []>, transpose_lhs_hint = false} : vector<1000x128xbf16>, vector<128x128xbf16>, vector<1000x128xf32> -> vector<1000x128xf32>
    %mul3A = vector.broadcast %rsqrt3A : vector<1000x1xf32> to vector<1000x128xf32>
    %mul3A_12 = arith.mulf %dot_general3A_11, %mul3A : vector<1000x128xf32>
    %swap3A = arith.constant 0 : index
    %swap3A_13 = arith.constant 0 : index
    %swap3A_14 = vector.load %arg4[%swap3A, %swap3A_13] : memref<1000x128xf32, #tpu.memory_space<vmem>>, vector<1000x128xf32>
    tpu.vector_store %arg4[%swap3A, %swap3A_13], %mul3A_12 {strides = array<i32>} : memref<1000x128xf32, #tpu.memory_space<vmem>>, vector<1000x128xf32>,
    return
  }
  func.func @transform_0(%arg0: i32) -> (i32, i32) {
    %c0_i32 = arith.constant 0 : i32
    %c0_i32_0 = arith.constant 0 : i32
    return %arg0, %c0_i32 : i32, i32
  }
  func.func @transform_1(%arg0: i32) -> (i32, i32) {
    %c0_i32 = arith.constant 0 : i32
    %c0_i32_0 = arith.constant 0 : i32
    %c0_i32_1 = arith.constant 0 : i32
    return %c0_i32, %c0_i32_0 : i32, i32
  }
  func.func @transform_2(%arg0: i32) -> (i32, i32) {
    %c0_i32 = arith.constant 0 : i32
    %c0_i32_0 = arith.constant 0 : i32
    return %arg0, %c0_i32 : i32, i32
  }
  func.func @transform_3(%arg0: i32) -> (i32, i32) {
    %c0_i32 = arith.constant 0 : i32
    %c0_i32_0 = arith.constant 0 : i32
    return %arg0, %c0_i32 : i32, i32
  }
}

module attributes {stable_mosaic.version = 14 : i64} {
  func.func @_tc2_body(%arg0: i32, %arg1: memref<1x1000x128xf32, #tpu.memory_space<vmem>>, %arg2: memref<1x1000x128xf32, #tpu.memory_space<vmem>>, %arg3: memref<1000x128xf32, #tpu.memory_space<vmem>>, %arg4: memref<1000x1xbf16, #tpu.memory_space<vmem>>, %arg5: memref<128x128xbf16, #tpu.memory_space<vmem>>, %arg6: memref<1x128xf32, #tpu.memory_space<vmem>>, %arg7: memref<1000x128xf32, #tpu.memory_space<vmem>>) attributes {dimension_semantics = [#tpu.dimension_semantics<arbitrary>], iteration_bounds = array<i64: 10>, scalar_prefetch = 0 : i64, scratch_operands = 0 : i64, tpu.core_type = #tpu.core_type<tc>, window_params = [{transform_indices = @transform_0, window_bounds = array<i64: 1, 1000, 128>}, {transform_indices = @transform_1, window_bounds = array<i64: 1, 1000, 128>}, {transform_indices = @transform_2, window_bounds = array<i64: 1000, 128>}, {transform_indices = @transform_3, window_bounds = array<i64: 1000, 1>}, {pipeline_mode = #tpu.pipeline_mode<synchronous>, transform_indices = @transform_4, window_bounds = array<i64: 128, 128>}, {pipeline_mode = #tpu.pipeline_mode<synchronous>, transform_indices = @transform_5, window_bounds = array<i64: 1, 128>}, {transform_indices = @transform_6, window_bounds = array<i64: 1000, 128>}]} {
    %get3A = arith.constant 0 : index
    %get3A_0 = arith.constant 0 : index
    %get3A_1 = vector.load %arg4[%get3A, %get3A_0] : memref<1000x1xbf16, #tpu.memory_space<vmem>>, vector<1000x1xbf16>
    %convert_element_type3A = arith.extf %get3A_1 : vector<1000x1xbf16> to vector<1000x1xf32>
    %max3A = arith.constant 1.000000e+00 : f32
    %max3A_2 = vector.broadcast %max3A : f32 to vector<1000x1xf32>
    %max3A_3 = arith.maximumf %convert_element_type3A, %max3A_2 : vector<1000x1xf32>
    %rsqrt3A = math.rsqrt %max3A_3 : vector<1000x1xf32>
    %get3A_4 = arith.constant 0 : index
    %get3A_5 = arith.constant 0 : index
    %get3A_6 = arith.constant 0 : index
    %get3A_7 = vector.load %arg1[%get3A_4, %get3A_5, %get3A_6] : memref<1x1000x128xf32, #tpu.memory_space<vmem>>, vector<1x1000x128xf32>
    %get3A_8 = vector.shape_cast %get3A_7 : vector<1x1000x128xf32> to vector<1000x128xf32>
    %get3A_9 = arith.constant 0 : index
    %get3A_10 = arith.constant 0 : index
    %get3A_11 = arith.constant 0 : index
    %get3A_12 = vector.load %arg2[%get3A_9, %get3A_10, %get3A_11] : memref<1x1000x128xf32, #tpu.memory_space<vmem>>, vector<1x1000x128xf32>
    %get3A_13 = vector.shape_cast %get3A_12 : vector<1x1000x128xf32> to vector<1000x128xf32>
    %add3A = arith.addf %get3A_8, %get3A_13 : vector<1000x128xf32>
    %get3A_14 = arith.constant 0 : index
    %get3A_15 = arith.constant 0 : index
    %get3A_16 = vector.load %arg3[%get3A_14, %get3A_15] : memref<1000x128xf32, #tpu.memory_space<vmem>>, vector<1000x128xf32>
    %add3A_17 = arith.addf %add3A, %get3A_16 : vector<1000x128xf32>
    %mul3A = vector.broadcast %rsqrt3A : vector<1000x1xf32> to vector<1000x128xf32>
    %mul3A_18 = arith.mulf %mul3A, %add3A_17 : vector<1000x128xf32>
    %get3A_19 = arith.constant 0 : index
    %get3A_20 = arith.constant 0 : index
    %get3A_21 = vector.load %arg6[%get3A_19, %get3A_20] : memref<1x128xf32, #tpu.memory_space<vmem>>, vector<1x128xf32>
    %add3A_22 = vector.broadcast %get3A_21 : vector<1x128xf32> to vector<1000x128xf32>
    %add3A_23 = arith.addf %mul3A_18, %add3A_22 : vector<1000x128xf32>
    %max3A_24 = arith.constant 0.000000e+00 : f32
    %max3A_25 = vector.broadcast %max3A_24 : f32 to vector<1000x128xf32>
    %max3A_26 = arith.maximumf %add3A_23, %max3A_25 : vector<1000x128xf32>
    %convert_element_type3A_27 = arith.truncf %max3A_26 : vector<1000x128xf32> to vector<1000x128xbf16>
    %get3A_28 = arith.constant 0 : index
    %get3A_29 = arith.constant 0 : index
    %get3A_30 = vector.load %arg5[%get3A_28, %get3A_29] : memref<128x128xbf16, #tpu.memory_space<vmem>>, vector<128x128xbf16>
    %dot_general3A = arith.constant dense<0.000000e+00> : vector<1000x128xf32>
    %dot_general3A_31 = tpu.matmul %convert_element_type3A_27, %get3A_30, %dot_general3A {dimension_numbers = #tpu.dot_dimension_numbers<[1], [0], [0], [1], [0, 0, 1, 1], [], []>, transpose_lhs_hint = false} : vector<1000x128xbf16>, vector<128x128xbf16>, vector<1000x128xf32> -> vector<1000x128xf32>
    %mul3A_32 = vector.broadcast %rsqrt3A : vector<1000x1xf32> to vector<1000x128xf32>
    %mul3A_33 = arith.mulf %dot_general3A_31, %mul3A_32 : vector<1000x128xf32>
    %swap3A = arith.constant 0 : index
    %swap3A_34 = arith.constant 0 : index
    %swap3A_35 = vector.load %arg7[%swap3A, %swap3A_34] : memref<1000x128xf32, #tpu.memory_space<vmem>>, vector<1000x128xf32>
    tpu.vector_store %arg7[%swap3A, %swap3A_34], %mul3A_33 {strides = array<i32>} : memref<1000x128xf32, #tpu.memory_space<vmem>>, vector<1000x128xf32>,
    return
  }
  func.func @transform_0(%arg0: i32) -> (i32, i32, i32) {
    %c0_i32 = arith.constant 0 : i32
    %c0_i32_0 = arith.constant 0 : i32
    %c0_i32_1 = arith.constant 0 : i32
    return %c0_i32, %arg0, %c0_i32_0 : i32, i32, i32
  }
  func.func @transform_1(%arg0: i32) -> (i32, i32, i32) {
    %c1_i32 = arith.constant 1 : i32
    %c0_i32 = arith.constant 0 : i32
    %c0_i32_0 = arith.constant 0 : i32
    return %c1_i32, %arg0, %c0_i32 : i32, i32, i32
  }
  func.func @transform_2(%arg0: i32) -> (i32, i32) {
    %c0_i32 = arith.constant 0 : i32
    %c0_i32_0 = arith.constant 0 : i32
    return %arg0, %c0_i32 : i32, i32
  }
  func.func @transform_3(%arg0: i32) -> (i32, i32) {
    %c0_i32 = arith.constant 0 : i32
    %c0_i32_0 = arith.constant 0 : i32
    return %arg0, %c0_i32 : i32, i32
  }
  func.func @transform_4(%arg0: i32) -> (i32, i32) {
    %c0_i32 = arith.constant 0 : i32
    %c0_i32_0 = arith.constant 0 : i32
    %c0_i32_1 = arith.constant 0 : i32
    return %c0_i32, %c0_i32_0 : i32, i32
  }
  func.func @transform_5(%arg0: i32) -> (i32, i32) {
    %c0_i32 = arith.constant 0 : i32
    %c0_i32_0 = arith.constant 0 : i32
    %c0_i32_1 = arith.constant 0 : i32
    return %c0_i32, %c0_i32_0 : i32, i32
  }
  func.func @transform_6(%arg0: i32) -> (i32, i32) {
    %c0_i32 = arith.constant 0 : i32
    %c0_i32_0 = arith.constant 0 : i32
    return %arg0, %c0_i32 : i32, i32
  }
}

module attributes {stable_mosaic.version = 14 : i64} {
  func.func @_tc3_body(%arg0: i32, %arg1: memref<1x1000x128xf32, #tpu.memory_space<vmem>>, %arg2: memref<1x1000x128xf32, #tpu.memory_space<vmem>>, %arg3: memref<1000x128xf32, #tpu.memory_space<vmem>>, %arg4: memref<1000x1xbf16, #tpu.memory_space<vmem>>, %arg5: memref<1x128xf32, #tpu.memory_space<vmem>>, %arg6: memref<1x1x1000xi32, #tpu.memory_space<vmem>>, %arg7: memref<128x128xf32, #tpu.memory_space<vmem>>, %arg8: memref<1x128xf32, #tpu.memory_space<vmem>>, %arg9: memref<64x10xf32, #tpu.memory_space<vmem>>, %arg10: memref<64x128xf32, #tpu.memory_space<vmem>>, %arg11: memref<64x128xf32, #tpu.memory_space<vmem>>) attributes {dimension_semantics = [#tpu.dimension_semantics<arbitrary>], iteration_bounds = array<i64: 10>, scalar_prefetch = 0 : i64, scratch_operands = 2 : i64, tpu.core_type = #tpu.core_type<tc>, window_params = [{transform_indices = @transform_0, window_bounds = array<i64: 1, 1000, 128>}, {transform_indices = @transform_1, window_bounds = array<i64: 1, 1000, 128>}, {transform_indices = @transform_2, window_bounds = array<i64: 1000, 128>}, {transform_indices = @transform_3, window_bounds = array<i64: 1000, 1>}, {pipeline_mode = #tpu.pipeline_mode<synchronous>, transform_indices = @transform_4, window_bounds = array<i64: 1, 128>}, {transform_indices = @transform_5, window_bounds = array<i64: 1, 1, 1000>}, {pipeline_mode = #tpu.pipeline_mode<synchronous>, transform_indices = @transform_6, window_bounds = array<i64: 128, 128>}, {pipeline_mode = #tpu.pipeline_mode<synchronous>, transform_indices = @transform_7, window_bounds = array<i64: 1, 128>}, {pipeline_mode = #tpu.pipeline_mode<synchronous>, transform_indices = @transform_8, window_bounds = array<i64: 64, 10>}]} {
    %get3A = arith.constant 0 : index
    %get3A_0 = arith.constant 0 : index
    %get3A_1 = vector.load %arg4[%get3A, %get3A_0] : memref<1000x1xbf16, #tpu.memory_space<vmem>>, vector<1000x1xbf16>
    %convert_element_type3A = arith.extf %get3A_1 : vector<1000x1xbf16> to vector<1000x1xf32>
    %max3A = arith.constant 1.000000e+00 : f32
    %max3A_2 = vector.broadcast %max3A : f32 to vector<1000x1xf32>
    %max3A_3 = arith.maximumf %convert_element_type3A, %max3A_2 : vector<1000x1xf32>
    %rsqrt3A = math.rsqrt %max3A_3 : vector<1000x1xf32>
    %get3A_4 = arith.constant 0 : index
    %get3A_5 = arith.constant 0 : index
    %get3A_6 = arith.constant 0 : index
    %get3A_7 = vector.load %arg1[%get3A_4, %get3A_5, %get3A_6] : memref<1x1000x128xf32, #tpu.memory_space<vmem>>, vector<1x1000x128xf32>
    %get3A_8 = vector.shape_cast %get3A_7 : vector<1x1000x128xf32> to vector<1000x128xf32>
    %get3A_9 = arith.constant 0 : index
    %get3A_10 = arith.constant 0 : index
    %get3A_11 = arith.constant 0 : index
    %get3A_12 = vector.load %arg2[%get3A_9, %get3A_10, %get3A_11] : memref<1x1000x128xf32, #tpu.memory_space<vmem>>, vector<1x1000x128xf32>
    %get3A_13 = vector.shape_cast %get3A_12 : vector<1x1000x128xf32> to vector<1000x128xf32>
    %add3A = arith.addf %get3A_8, %get3A_13 : vector<1000x128xf32>
    %get3A_14 = arith.constant 0 : index
    %get3A_15 = arith.constant 0 : index
    %get3A_16 = vector.load %arg3[%get3A_14, %get3A_15] : memref<1000x128xf32, #tpu.memory_space<vmem>>, vector<1000x128xf32>
    %add3A_17 = arith.addf %add3A, %get3A_16 : vector<1000x128xf32>
    %mul3A = vector.broadcast %rsqrt3A : vector<1000x1xf32> to vector<1000x128xf32>
    %mul3A_18 = arith.mulf %mul3A, %add3A_17 : vector<1000x128xf32>
    %get3A_19 = arith.constant 0 : index
    %get3A_20 = arith.constant 0 : index
    %get3A_21 = vector.load %arg5[%get3A_19, %get3A_20] : memref<1x128xf32, #tpu.memory_space<vmem>>, vector<1x128xf32>
    %add3A_22 = vector.broadcast %get3A_21 : vector<1x128xf32> to vector<1000x128xf32>
    %add3A_23 = arith.addf %mul3A_18, %add3A_22 : vector<1000x128xf32>
    %max3A_24 = arith.constant 0.000000e+00 : f32
    %max3A_25 = vector.broadcast %max3A_24 : f32 to vector<1000x128xf32>
    %max3A_26 = arith.maximumf %add3A_23, %max3A_25 : vector<1000x128xf32>
    %get3A_27 = arith.constant 0 : index
    %get3A_28 = arith.constant 0 : index
    %get3A_29 = arith.constant 0 : index
    %get3A_30 = vector.load %arg6[%get3A_27, %get3A_28, %get3A_29] : memref<1x1x1000xi32, #tpu.memory_space<vmem>>, vector<1x1x1000xi32>
    %get3A_31 = vector.shape_cast %get3A_30 : vector<1x1x1000xi32> to vector<1000xi32>
    %reshape3A = vector.shape_cast %get3A_31 : vector<1000xi32> to vector<1000x1xi32>
    %iota3A = tpu.iota {dimensions = array<i32: 1>} : vector<1000x64xi32>
    %eq3A = vector.broadcast %reshape3A : vector<1000x1xi32> to vector<1000x64xi32>
    %eq3A_32 = arith.cmpi eq, %eq3A, %iota3A : vector<1000x64xi32>
    %convert_element_type3A_33 = arith.extui %eq3A_32 : vector<1000x64xi1> to vector<1000x64xi32>
    %convert_element_type3A_34 = arith.sitofp %convert_element_type3A_33 : vector<1000x64xi32> to vector<1000x64xf32>
    %convert_element_type3A_35 = arith.truncf %convert_element_type3A_34 : vector<1000x64xf32> to vector<1000x64xbf16>
    %convert_element_type3A_36 = arith.truncf %max3A_26 : vector<1000x128xf32> to vector<1000x128xbf16>
    %dot_general3A = arith.constant dense<0.000000e+00> : vector<64x128xf32>
    %dot_general3A_37 = tpu.matmul %convert_element_type3A_35, %convert_element_type3A_36, %dot_general3A {dimension_numbers = #tpu.dot_dimension_numbers<[0], [0], [1], [1], [0, 1, 1, 1], [], []>, transpose_lhs_hint = false} : vector<1000x64xbf16>, vector<1000x128xbf16>, vector<64x128xf32> -> vector<64x128xf32>
    %broadcast_in_dim3A = arith.constant 1.000000e+00 : f32
    %broadcast_in_dim3A_38 = vector.broadcast %broadcast_in_dim3A : f32 to vector<1000x128xf32>
    %dot_general3A_39 = arith.constant dense<0.000000e+00> : vector<64x128xf32>
    %dot_general3A_40 = tpu.matmul %convert_element_type3A_34, %broadcast_in_dim3A_38, %dot_general3A_39 {dimension_numbers = #tpu.dot_dimension_numbers<[0], [0], [1], [1], [0, 1, 1, 1], [], []>, transpose_lhs_hint = false} : vector<1000x64xf32>, vector<1000x128xf32>, vector<64x128xf32> -> vector<64x128xf32>
    %eq3A_41 = arith.constant 0 : i32
    %eq3A_42 = arith.cmpi eq, %arg0, %eq3A_41 : i32
    %convert_element_type3A_43 = arith.extui %eq3A_42 : i1 to i32
    %cond3A = arith.constant 0 : i32
    %cond3A_44 = arith.cmpi ne, %convert_element_type3A_43, %cond3A : i32
    scf.if %cond3A_44 {
      %swap3A = arith.constant 0 : index
      %swap3A_54 = arith.constant 0 : index
      %swap3A_55 = vector.load %arg10[%swap3A, %swap3A_54] : memref<64x128xf32, #tpu.memory_space<vmem>>, vector<64x128xf32>
      tpu.vector_store %arg10[%swap3A, %swap3A_54], %dot_general3A_37 {strides = array<i32>} : memref<64x128xf32, #tpu.memory_space<vmem>>, vector<64x128xf32>,
      %swap3A_56 = arith.constant 0 : index
      %swap3A_57 = arith.constant 0 : index
      %swap3A_58 = vector.load %arg11[%swap3A_56, %swap3A_57] : memref<64x128xf32, #tpu.memory_space<vmem>>, vector<64x128xf32>
      tpu.vector_store %arg11[%swap3A_56, %swap3A_57], %dot_general3A_40 {strides = array<i32>} : memref<64x128xf32, #tpu.memory_space<vmem>>, vector<64x128xf32>,
    } else {
    }
    %gt3A = arith.constant 0 : i32
    %gt3A_45 = arith.cmpi sgt, %arg0, %gt3A : i32
    %convert_element_type3A_46 = arith.extui %gt3A_45 : i1 to i32
    %cond3A_47 = arith.constant 0 : i32
    %cond3A_48 = arith.cmpi ne, %convert_element_type3A_46, %cond3A_47 : i32
    scf.if %cond3A_48 {
      %get3A_54 = arith.constant 0 : index
      %get3A_55 = arith.constant 0 : index
      %get3A_56 = vector.load %arg10[%get3A_54, %get3A_55] : memref<64x128xf32, #tpu.memory_space<vmem>>, vector<64x128xf32>
      %add3A_57 = arith.addf %get3A_56, %dot_general3A_37 : vector<64x128xf32>
      %swap3A = arith.constant 0 : index
      %swap3A_58 = arith.constant 0 : index
      %swap3A_59 = vector.load %arg10[%swap3A, %swap3A_58] : memref<64x128xf32, #tpu.memory_space<vmem>>, vector<64x128xf32>
      tpu.vector_store %arg10[%swap3A, %swap3A_58], %add3A_57 {strides = array<i32>} : memref<64x128xf32, #tpu.memory_space<vmem>>, vector<64x128xf32>,
      %get3A_60 = arith.constant 0 : index
      %get3A_61 = arith.constant 0 : index
      %get3A_62 = vector.load %arg11[%get3A_60, %get3A_61] : memref<64x128xf32, #tpu.memory_space<vmem>>, vector<64x128xf32>
      %add3A_63 = arith.addf %get3A_62, %dot_general3A_40 : vector<64x128xf32>
      %swap3A_64 = arith.constant 0 : index
      %swap3A_65 = arith.constant 0 : index
      %swap3A_66 = vector.load %arg11[%swap3A_64, %swap3A_65] : memref<64x128xf32, #tpu.memory_space<vmem>>, vector<64x128xf32>
      tpu.vector_store %arg11[%swap3A_64, %swap3A_65], %add3A_63 {strides = array<i32>} : memref<64x128xf32, #tpu.memory_space<vmem>>, vector<64x128xf32>,
    } else {
    }
    %eq3A_49 = arith.constant 9 : i32
    %eq3A_50 = arith.cmpi eq, %arg0, %eq3A_49 : i32
    %convert_element_type3A_51 = arith.extui %eq3A_50 : i1 to i32
    %cond3A_52 = arith.constant 0 : i32
    %cond3A_53 = arith.cmpi ne, %convert_element_type3A_51, %cond3A_52 : i32
    scf.if %cond3A_53 {
      %get3A_54 = arith.constant 0 : index
      %get3A_55 = arith.constant 0 : index
      %get3A_56 = vector.load %arg10[%get3A_54, %get3A_55] : memref<64x128xf32, #tpu.memory_space<vmem>>, vector<64x128xf32>
      %get3A_57 = arith.constant 0 : index
      %get3A_58 = arith.constant 0 : index
      %get3A_59 = vector.load %arg11[%get3A_57, %get3A_58] : memref<64x128xf32, #tpu.memory_space<vmem>>, vector<64x128xf32>
      %max3A_60 = arith.constant 1.000000e+00 : f32
      %max3A_61 = vector.broadcast %max3A_60 : f32 to vector<64x128xf32>
      %max3A_62 = arith.maximumf %get3A_59, %max3A_61 : vector<64x128xf32>
      %div3A = arith.divf %get3A_56, %max3A_62 : vector<64x128xf32>
      %get3A_63 = arith.constant 0 : index
      %get3A_64 = arith.constant 0 : index
      %get3A_65 = vector.load %arg7[%get3A_63, %get3A_64] : memref<128x128xf32, #tpu.memory_space<vmem>>, vector<128x128xf32>
      %dot_general3A_66 = arith.constant dense<0.000000e+00> : vector<64x128xf32>
      %dot_general3A_67 = tpu.matmul %div3A, %get3A_65, %dot_general3A_66 {dimension_numbers = #tpu.dot_dimension_numbers<[1], [0], [0], [1], [0, 0, 1, 1], [], []>, transpose_lhs_hint = false} : vector<64x128xf32>, vector<128x128xf32>, vector<64x128xf32> -> vector<64x128xf32>
      %get3A_68 = arith.constant 0 : index
      %get3A_69 = arith.constant 0 : index
      %get3A_70 = vector.load %arg8[%get3A_68, %get3A_69] : memref<1x128xf32, #tpu.memory_space<vmem>>, vector<1x128xf32>
      %add3A_71 = vector.broadcast %get3A_70 : vector<1x128xf32> to vector<64x128xf32>
      %add3A_72 = arith.addf %dot_general3A_67, %add3A_71 : vector<64x128xf32>
      %reduce_max3A = arith.constant dense<0xFF800000> : vector<64xf32>
      %reduce_max3A_73 = vector.multi_reduction <maximumf>, %add3A_72, %reduce_max3A [1] : vector<64x128xf32> to vector<64xf32>
      %broadcast_in_dim3A_74 = vector.shape_cast %reduce_max3A_73 : vector<64xf32> to vector<64x1xf32>
      %sub3A = vector.broadcast %broadcast_in_dim3A_74 : vector<64x1xf32> to vector<64x128xf32>
      %sub3A_75 = arith.subf %add3A_72, %sub3A : vector<64x128xf32>
      %exp3A = math.exp %sub3A_75 : vector<64x128xf32>
      %reduce_sum3A = arith.constant dense<0.000000e+00> : vector<64xf32>
      %reduce_sum3A_76 = vector.multi_reduction <add>, %exp3A, %reduce_sum3A [1] : vector<64x128xf32> to vector<64xf32>
      %broadcast_in_dim3A_77 = vector.shape_cast %reduce_sum3A_76 : vector<64xf32> to vector<64x1xf32>
      %log3A = math.log %broadcast_in_dim3A_77 : vector<64x1xf32>
      %sub3A_78 = vector.broadcast %log3A : vector<64x1xf32> to vector<64x128xf32>
      %sub3A_79 = arith.subf %sub3A_75, %sub3A_78 : vector<64x128xf32>
      %slice3A = vector.extract_strided_slice %sub3A_79 {offsets = [0, 0], sizes = [64, 10], strides = [1, 1]} : vector<64x128xf32> to vector<64x10xf32>
      %swap3A = arith.constant 0 : index
      %swap3A_80 = arith.constant 0 : index
      %swap3A_81 = vector.load %arg9[%swap3A, %swap3A_80] : memref<64x10xf32, #tpu.memory_space<vmem>>, vector<64x10xf32>
      tpu.vector_store %arg9[%swap3A, %swap3A_80], %slice3A {strides = array<i32>} : memref<64x10xf32, #tpu.memory_space<vmem>>, vector<64x10xf32>,
    } else {
    }
    return
  }
  func.func @transform_0(%arg0: i32) -> (i32, i32, i32) {
    %c0_i32 = arith.constant 0 : i32
    %c0_i32_0 = arith.constant 0 : i32
    %c0_i32_1 = arith.constant 0 : i32
    return %c0_i32, %arg0, %c0_i32_0 : i32, i32, i32
  }
  func.func @transform_1(%arg0: i32) -> (i32, i32, i32) {
    %c1_i32 = arith.constant 1 : i32
    %c0_i32 = arith.constant 0 : i32
    %c0_i32_0 = arith.constant 0 : i32
    return %c1_i32, %arg0, %c0_i32 : i32, i32, i32
  }
  func.func @transform_2(%arg0: i32) -> (i32, i32) {
    %c0_i32 = arith.constant 0 : i32
    %c0_i32_0 = arith.constant 0 : i32
    return %arg0, %c0_i32 : i32, i32
  }
  func.func @transform_3(%arg0: i32) -> (i32, i32) {
    %c0_i32 = arith.constant 0 : i32
    %c0_i32_0 = arith.constant 0 : i32
    return %arg0, %c0_i32 : i32, i32
  }
  func.func @transform_4(%arg0: i32) -> (i32, i32) {
    %c0_i32 = arith.constant 0 : i32
    %c0_i32_0 = arith.constant 0 : i32
    %c0_i32_1 = arith.constant 0 : i32
    return %c0_i32, %c0_i32_0 : i32, i32
  }
  func.func @transform_5(%arg0: i32) -> (i32, i32, i32) {
    %c0_i32 = arith.constant 0 : i32
    %c0_i32_0 = arith.constant 0 : i32
    %c0_i32_1 = arith.constant 0 : i32
    return %arg0, %c0_i32, %c0_i32_0 : i32, i32, i32
  }
  func.func @transform_6(%arg0: i32) -> (i32, i32) {
    %c0_i32 = arith.constant 0 : i32
    %c0_i32_0 = arith.constant 0 : i32
    %c0_i32_1 = arith.constant 0 : i32
    return %c0_i32, %c0_i32_0 : i32, i32
  }
  func.func @transform_7(%arg0: i32) -> (i32, i32) {
    %c0_i32 = arith.constant 0 : i32
    %c0_i32_0 = arith.constant 0 : i32
    %c0_i32_1 = arith.constant 0 : i32
    return %c0_i32, %c0_i32_0 : i32, i32
  }
  func.func @transform_8(%arg0: i32) -> (i32, i32) {
    %c0_i32 = arith.constant 0 : i32
    %c0_i32_0 = arith.constant 0 : i32
    %c0_i32_1 = arith.constant 0 : i32
    return %c0_i32, %c0_i32_0 : i32, i32
  }
}

</mosaic_0001>

<sc_bundles>
// kernel: kernel.11.cloned.1.call-start
scs
__scs_entry_jumppad:
0x0: {  	(pc) =	sbr.rel $0x88, $3  }
0x1: {  	(tag) =	ssettag $0x0;
	lr =	simm.s32 $0x1  }
0x2: {  	[smem:$0x3F98] =	sst lr;
	_ =	strace $0xD0000000  }
0x3: {  	_ = 	snop  }
0x4: {  	_ = 	snop  }
0x5: {  	_ = 	snop  }
0x6: {  	_ = 	snop  }
0x7: {  	_ = 	snop  }
__scs_overlays_trampoline_lowered:
0x8: {  	[smem:$0x3FA7] =	sst s0  }
0x9: {  	[smem:$0x3FA8] =	sst s1  }
0xa: {  	[smem:$0x3FA9] =	sst s2  }
0xb: {  	[smem:$0x3FAA] =	sst s3  }
0xc: {  	[smem:$0x3FAB] =	sst s4  }
0xd: {  	[smem:$0x3FAC] =	sst s5  }
0xe: {  	[smem:$0x3FAD] =	sst s6  }
0xf: {  	[smem:$0x3FAE] =	sst s7  }
0x10: {  	[smem:$0x3FAF] =	sst s8  }
0x11: {  	[smem:$0x3FB0] =	sst s9;
	s0 =	simm.s32 @!p0 $0x0  }
0x12: {  	s1 =	sld [smem:$0x3F96];
	s0 =	simm.s32 @p0 $0x1  }
0x13: {  	[smem:$0x3FB1] =	sst s0;
	s0 =	simm.s32 @!p1 $0x0  }
0x14: {  	s2 =	sld [smem:$0x3F95];
	s0 =	simm.s32 @p1 $0x1  }
0x15: {  	[smem:$0x3FB2] =	sst s0;
	s0 =	simm.s32 @!p2 $0x0  }
0x16: {  	s3 =	sld [smem:$0x3FDB];
	s0 =	simm.s32 @p2 $0x1  }
0x17: {  	s4 =	simm.s32 $0x1BF5;
	[smem:$0x3FB4] =	sst s0  }
0x18: {  	s0 =	sld [smem:$0x3F97];
	_ =	swait.ge [sflag:s4], $0x0  }
0x19: {  	s7 =	sld [smem:$0x3F98]  }
0x1a: {  	s8 =	sadd.s32 $0xFFFFE003, lr  }
0x1b: {  	s9 =	sadd.s32 $0xFFFFFEF7, lr;
	s5 =	simm.s32 $0xFFFFFFFF;
	p2 =	slt.u32 s8, $0xFFFFF086  }
0x1c: {  	p1 =	slt.u32 s9, $0xF7A;
	s5 =	simm.s32 @!p2 $0x0  }
0x1d: {  	s5 =	simm.s32 @p1 $0x1;
	p0 =	seq.s32 s7, s2  }
0x1e: {  	s7 =	smul.u32 @!p0 $0xF7A, s2;
	p2 =	seq.s32 @!p0 s5, $0x0  }
0x1f: {  	s9 =	smul.u32 $0xF7A, s1;
	s8 =	simm.s32 @!p0 $0x1BF5;
	p2 =	por !p2, p0  }
0x20: {  	[sflag:s8] =	ssyncset.s32 @!p0 $0xFFFFF086;
	s6 =	sadd.s32 @!p0 s3, s7;
	s7 =	simm.s32 @!p0 $0x108  }
0x21: {  	s3 =	sadd.s32 s3, s9;
	s6 =	sadd.s32 @!p0 $0x88, s6;
	s7 =	simm.s32 @p2 $0x1082  }
0x22: {  	[simem:s7], [sflag:s8] =	dma.local @!p0 [hbm:s6], $0xF7A  }
0x23: {  	s9 =	sor.u32 $0xD0000000, s2;
	s6 =	simm.s32 $0x108;
	_ =	swait.ge @!p0 [sflag:s8], $0x0  }
0x24: {  	s3 =	sadd.s32 $0x88, s3;
	s6 =	simm.s32 @!p1 $0x1082;
	[sflag:s4] =	ssyncset.s32 $0xFFFFF086  }
0x25: {  	[simem:s6], [sflag:s4] =	dma.local [hbm:s3], $0xF7A  }
0x26: {  	[smem:$0x3F98] =	sst s1;
	(tag) =	ssettag s2;
	_ =	strace s9  }
0x27: {  	s1 =	sld [smem:$0x3FA8]  }
0x28: {  	s2 =	sld [smem:$0x3FA9]  }
0x29: {  	s4 =	sld [smem:$0x3FAB]  }
0x2a: {  	p0 =	seq.s32 s5, $0x0;
	s5 =	sld [smem:$0x3FAC]  }
0x2b: {  	s6 =	sld [smem:$0x3FAD]  }
0x2c: {  	s7 =	sld [smem:$0x3FAE]  }
0x2d: {  	s3 =	simm.s32 $0x108;
	s8 =	sld [smem:$0x3FAF]  }
0x2e: {  	s3 =	simm.s32 @!p0 $0x1082;
	s9 =	sld [smem:$0x3FB0]  }
0x2f: {  	lr =	sadd.s32 s0, s3;
	s0 =	sld [smem:$0x3FA7]  }
0x30: {  	s3 =	sld [smem:$0x3FAA]  }
0x31: {  	[smem:$0x3FB3] =	sst s10  }
0x32: {  	s10 =	sld [smem:$0x3FB1];
	_ =	sdelay $0x3  }
0x33: {  	p0 =	seq.s32 s10, $0x1;
	s10 =	sld [smem:$0x3FB3];
	_ =	sdelay $0x3  }
0x34: {  	[smem:$0x3FB3] =	sst s10  }
0x35: {  	s10 =	sld [smem:$0x3FB2];
	_ =	sdelay $0x3  }
0x36: {  	p1 =	seq.s32 s10, $0x1;
	s10 =	sld [smem:$0x3FB3];
	_ =	sdelay $0x3  }
0x37: {  	[smem:$0x3FB3] =	sst s10  }
0x38: {  	s10 =	sld [smem:$0x3FB4]  }
0x39: {  	_ = 	snop;
	(pc) =	sbr.ind lr, $3  }
0x3a: {  	_ = 	snop  }
0x3b: {  	_ = 	snop  }
0x3c: {  	p2 =	seq.s32 s10, $0x1;
	s10 =	sld [smem:$0x3FB3]  }
0x3d: {  	_ =	shalt  }
0x3e: {  	_ =	shalt  }
0x3f: {  	_ =	shalt  }
0x40: {  	_ =	shalt  }
0x41: {  	_ =	shalt  }
0x42: {  	_ =	shalt  }
0x43: {  	_ =	shalt  }
0x44: {  	_ =	shalt  }
0x45: {  	_ =	shalt  }
0x46: {  	_ =	shalt  }
0x47: {  	_ =	shalt  }
0x48: {  	_ =	shalt  }
0x49: {  	_ =	shalt  }
0x4a: {  	_ =	shalt  }
0x4b: {  	_ =	shalt  }
0x4c: {  	_ =	shalt  }
0x4d: {  	_ =	shalt  }
0x4e: {  	_ =	shalt  }
0x4f: {  	_ =	shalt  }
0x50: {  	_ =	shalt  }
0x51: {  	_ =	shalt  }
0x52: {  	_ =	shalt  }
0x53: {  	_ =	shalt  }
0x54: {  	_ =	shalt  }
0x55: {  	_ =	shalt  }
0x56: {  	_ =	shalt  }
0x57: {  	_ =	shalt  }
0x58: {  	_ =	shalt  }
0x59: {  	_ =	shalt  }
0x5a: {  	_ =	shalt  }
0x5b: {  	_ =	shalt  }
0x5c: {  	_ =	shalt  }
0x5d: {  	_ =	shalt  }
0x5e: {  	_ =	shalt  }
0x5f: {  	_ =	shalt  }
0x60: {  	_ =	shalt  }
0x61: {  	_ =	shalt  }
0x62: {  	_ =	shalt  }
0x63: {  	_ =	shalt  }
0x64: {  	_ =	shalt  }
0x65: {  	_ =	shalt  }
0x66: {  	_ =	shalt  }
0x67: {  	_ =	shalt  }
0x68: {  	_ =	shalt  }
0x69: {  	_ =	shalt  }
0x6a: {  	_ =	shalt  }
0x6b: {  	_ =	shalt  }
0x6c: {  	_ =	shalt  }
0x6d: {  	_ =	shalt  }
0x6e: {  	_ =	shalt  }
0x6f: {  	_ =	shalt  }
0x70: {  	_ =	shalt  }
0x71: {  	_ =	shalt  }
0x72: {  	_ =	shalt  }
0x73: {  	_ =	shalt  }
0x74: {  	_ =	shalt  }
0x75: {  	_ =	shalt  }
0x76: {  	_ =	shalt  }
0x77: {  	_ =	shalt  }
0x78: {  	_ =	shalt  }
0x79: {  	_ =	shalt  }
0x7a: {  	_ =	shalt  }
0x7b: {  	_ =	shalt  }
0x7c: {  	_ =	shalt  }
0x7d: {  	_ =	shalt  }
0x7e: {  	_ =	shalt  }
0x7f: {  	_ =	shalt  }
0x80: {  	_ =	shalt  }
0x81: {  	_ =	shalt  }
0x82: {  	_ =	shalt  }
0x83: {  	_ =	shalt  }
0x84: {  	_ =	shalt  }
0x85: {  	_ =	shalt  }
0x86: {  	_ =	shalt  }
0x87: {  	_ =	shalt  }
.Lfunc_end0:
.L_simem_size_0:
called_computation.1_lowered:
.L_overlay_start_0:
0x88: {  	s2 =	sld [smem:$0x3FD9]  }
0x89: {  	s3 =	sld [smem:$0x3FFE];
	_ =	sdelay $0x1  }
0x8a: {  	s1 =	srdreg.scid  }
0x8b: {  	s0 =	sand.u32 $0x1, s1  }
0x8c: {  	s17 =	sshll.u32 s0, $0xA;
	s2 =	sadd.s32 s3, s2  }
0x8d: {  	s2 =	sadd.s32 s2, s17  }
0x8e: {  	[smem:$0x3FBF] =	sst s2  }
0x8f: {  	_ = 	snop  }
0x90: {  	s2 =	sld [smem:$0x3FC8];
	(tm) =	ssettm $0x1  }
0x91: {  	s18 =	sld [smem:$0x3FFB];
	_ =	sdelay $0x3  }
0x92: {  	_ =	strace s18  }
0x93: {  	s3 =	sld [smem:$0x3FFC];
	_ =	sdelay $0x3  }
0x94: {  	_ =	strace s3  }
0x95: {  	s3 =	sld [smem:$0x3FFD];
	_ =	sdelay $0x3  }
0x96: {  	_ =	strace s3  }
0x97: {  	_ =	strace $0x8FFFFFFF  }
0x98: {  	s19 =	sld [smem:$0x3FDB];
	_ =	sdelay $0x1  }
0x99: {  	s4 =	simm.s32 $_scs_section_size  }
0x9a: {  	s5 =	simm.s32 $_size__tile_overlayer_lowered;
	s6 =	simm.s32 $_tile_overlayer_lowered  }
0x9b: {  	s22 =	simm.s32 $0x1BFF;
	s21 =	sshll.u32 s6, $0x1;
	s3 =	sadd.s32 s4, s19  }
0x9c: {  	s7 =	simm.s32 $0x0;
	s20 =	sshll.u32 s5, $0x1;
	s5 =	sadd.s32 s21, s3  }
0x9d: {  	[timem:s7], [sflag:s22] =	dma.local [hbm:s5], s20  }
0x9e: {  	_ =	swait.ge [sflag:s22], s20  }
0x9f: {  	s4 =	ssub.s32 $0x0, s20;
	[sflag:s22] =	ssyncset.done $0x0  }
0xa0: {  	[sflag:s22] =	ssyncadd.s32 s4;
	_ =	sdelay $0x1  }
0xa1: {  	s23 =	simm.s32 $0x1B8B  }
0xa2: {  	_ =	swait.ge [sflag:s23], $0x1  }
0xa3: {  	[sflag:s23] =	ssyncset.done $0x0  }
0xa4: {  	s25 =	simm.s32 $0x1B8E;
	s24 =	sld [smem:$0x3FFE];
	[sflag:s23] =	ssyncadd.s32 $0xFFFFFFFF  }
0xa5: {  	s26 =	simm.s32 $execute0_lowered;
	[smem:$0x3FD2] =	sst s25  }
0xa6: {  	s5 =	sshll.u32 s26, $0x1;
	_ =	strace $0x80000049;
	[dreg:$0x1] =	wrdreg $0xFFFFFFFF  }
0xa7: {  	s28 =	simm.s32 $_size_execute0_lowered;
	s3 =	sadd.s32 s3, s5;
	[dreg:$0x0] =	wrdreg $0x0  }
0xa8: {  	s5 =	sshll.u32 s28, $0x1;
	[dreg:$0x2] =	wrdreg s3  }
0xa9: {  	[dreg:$0x3] =	wrdreg s5  }
0xaa: {  	[dreg:$0x4] =	wrdreg $0xC0  }
0xab: {  	_ =	task [dreg:s7], $0x5FFFF  }
0xac: {  	[dreg:$0x1] =	wrdreg $0xFFFFFFFF  }
0xad: {  	[dreg:$0x0] =	wrdreg $0x60  }
0xae: {  	[dreg:$0x2] =	wrdreg s24  }
0xaf: {  	[dreg:$0x3] =	wrdreg s2  }
0xb0: {  	[dreg:$0x4] =	wrdreg $0x88000  }
0xb1: {  	[dreg:$0x5] =	wrdreg $0x9  }
0xb2: {  	_ =	task.clear_ibuf [dreg:s7], $0x6FFFF;
	_ =	strace $0x90000049  }
0xb3: {  	s29 =	simm.s32 $0x9;
	_ =	strace $0x8000004B  }
0xb4: {  	_ =	swait.ge [sflag:s29], $0x1  }
0xb5: {  	[sflag:s29] =	ssyncadd.s32 $0xFFFFFFFF  }
0xb6: {  	_ =	strace $0x9000004B  }
0xb7: {  	_ =	sfence  }
0xb8: {  	s30 =	sld [smem:$0x0];
	_ =	sdelay $0x2  }
0xb9: {  	s31 =	sshll.u32 s1, $0xD;
	s1 =	sshrl.u32 s1, $0x2  }
0xba: {  	s3 =	sand.u32 $0x4000, s31;
	s1 =	sadd.s32 s1, s30  }
0xbb: {  	s0 =	sor.u32 s3, s0;
	s1 =	sshll.u32 s1, $0x11  }
0xbc: {  	s0 =	sor.u32 s1, s0  }
0xbd: {  	s0 =	sadd.s32 $0x8F2B, s0  }
0xbe: {  	[sflag:s0] =	ssyncadd.remote.s32 $0x1  }
0xbf: {  	_ =	sfence.sel $0xFFFF  }
0xc0: {  	[dreg:$0x0] =	wrdreg $0xFFFFFFFF;
	(pc) =	sbr.abs _section_cstart, $3  }
0xc1: {  	[dreg:$0x1] =	wrdreg $0xFFFFFFFF  }
0xc2: {  	_ =	task.clear_ibuf [dreg:s7], $0x2FFFF;
	_ =	strace $0x9FFFFFFF  }
0xc3: {  	(tm) =	ssettm $0x7FFFFFFF  }
tec
execute0_lowered:
.L_overlay_start_1:
0x0: {  	(tag) =	ssettag $0x1  }
0x1: {  	s0 =	rddreg [dreg:$0x0]  }
0x2: {  	s1 =	rddreg [dreg:$0x1]  }
0x3: {  	s2 =	rddreg [dreg:$0x2];
	s3 =	srdreg.scid;
	s4 =	simm.s32 $0x0  }
0x4: {  	s11 =	stileid.u32;
	s28 =	simm.s32 $0x11;
	s29 =	simm.s32 $0x80  }
0x5: {  	s30 =	simm.s32 $0x0;
	s3 =	sand.u32 $0x1, s3;
	s7 =	smul.u32 $0x14000, s11  }
0x6: {  	[smem:$0x7FF] =	sst s4;
	s5 =	sadd.s32 $0x2800, s0;
	s10 =	smul.u32 $0x50000, s11  }
0x7: {  	s6 =	smul.u32 $0x140000, s3;
	_ =	strace $0x8000004A;
	s8 =	ssub.s32 $0x2, s3  }
0x8: {  	s15 =	sshll.u32 s3, $0x4;
	s3 =	sshll.u32 s3, $0xC;
	s9 =	sshrl.u32 s8, $0x1  }
0x9: {  	s10 =	sshrl.u32 s10, $0x2;
	s6 =	sadd.s32 s7, s6;
	s7 =	sor.u32 s11, s15  }
0xa: {  	s21 =	ssub.s32 s8, s9;
	s10 =	sadd.s32 s10, s2;
	s6 =	sshrl.u32 s6, $0x3  }
0xb: {  	s20 =	ssub.s32 $0x9E3, s7;
	s16 =	sshll.u32 s7, $0x5;
	s19 =	sadd.s32 $0x4000, s10  }
0xc: {  	s7 =	sadd.s32 $0x10, s1;
	s22 =	sadd.s32 $0x8000, s10;
	[dreg:$0x9] =	wrdreg s19  }
0xd: {  	s23 =	sadd.s32 $0xC000, s10;
	s24 =	sadd.s32 $0x10000, s10;
	[dreg:$0xa] =	wrdreg s22  }
0xe: {  	s0 =	sadd.s32 s6, s0;
	s6 =	sshrl.u32 s20, $0x5;
	[dreg:$0xb] =	wrdreg s23  }
0xf: {  	s17 =	sadd.s32 s1, s16;
	s9 =	sadd.s32 s16, s7;
	[dreg:$0xc] =	wrdreg s24  }
0x10: {  	s22 =	sshll.u32 s11, $0x8;
	s26 =	sshrl.u32 s20, $0x3;
	[dreg:$0x6] =	wrdreg s9  }
0x11: {  	s20 =	smax.u32 s21, $0x1;
	s18 =	sadd.s32 $0x400, s17;
	[dreg:$0x5] =	wrdreg s17  }
0x12: {  	s8 =	sadd.s32 $0x410, s17;
	s0 =	sadd.s32 $0x29A00, s0;
	s25 =	sor.u32 s22, s3  }
0x13: {  	s31 =	sand.u32 $0x13C, s26;
	s22 =	simm.s32 $0x8000;
	[dreg:$0x7] =	wrdreg s18  }
0x14: {  	s26 =	simm.s32 $0x4000;
	[dreg:$0x8] =	wrdreg s8;
	s18 =	sand.u32 $0x1, s6  }
0x15: {  	[dreg:$0xd] =	wrdreg s0;
	s17 =	sadd.s32 $0xF, s18;
	s18 =	sxor.u32 $0x1, s18  }
0x16: {  	v0 =	vimm.f32 $0.0e+00;
	s24 =	sor.u32 $0x4000, s25;
	[dreg:$0x4] =	wrdreg s31;
	s18 =	sadd.s32 $0xF, s18  }
.LBB2_1:
0x17: {  	s0 =	rddreg [dreg:$0x5]  }
0x18: {  	s19 =	rddreg [dreg:$0x6]  }
0x19: {  	[tilespmem:s22], [sflag:$0x1] =	stream.linear.gather [hbm4b:s0+s4], $0x80, $0x38;
	[tilespmem:$0x1C800] =	vst v63  }
0x1a: {  	s3 =	simm.s32 $0x8400;
	s21 =	rddreg [dreg:$0x7]  }
0x1b: {  	[tilespmem:s3], [sflag:$0x7] =	stream.linear.gather [hbm4b:s19+s4], $0x80, $0x38;
	[tilespmem:$0x1C800] =	vst v63  }
0x1c: {  	s23 =	simm.s32 $0x8080;
	s25 =	rddreg [dreg:$0x8]  }
0x1d: {  	[tilespmem:s23], [sflag:$0x2] =	stream.linear.gather [hbm4b:s21+s4], $0x80, $0x38;
	[tilespmem:$0x1C800] =	vst v63  }
0x1e: {  	s31 =	simm.s32 $0x8480;
	s0 =	simm.s32 $0x0;
	s3 =	simm.s32 $0x200  }
0x1f: {  	[tilespmem:s31], [sflag:$0x8] =	stream.linear.gather [hbm4b:s25+s4], $0x80, $0x38;
	[tilespmem:$0x1C800] =	vst v63  }
.LBB2_2:
0x20: {  	p0 =	sne.s32 s3, $0xFE00;
	[tilespmem:s0+$0x4070] =	vst v0  }
0x21: {  	[tilespmem:s0+$0x4000] =	vst v0  }
0x22: {  	[tilespmem:s0+$0x4010] =	vst v0  }
.Ltmp0:
0x23: {  	[tilespmem:s0+$0x4020] =	vst v0;
	(pc) =	sbr.rel @p0 .LBB2_2-.Ltmp0, $4  }
0x24: {  	[tilespmem:s0+$0x4030] =	vst v0  }
0x25: {  	[tilespmem:s0+$0x4040] =	vst v0  }
0x26: {  	[tilespmem:s0+$0x4050] =	vst v0  }
0x27: {  	[tilespmem:s0+$0x4060] =	vst v0;
	s0 =	sshra.s32 s3, $0x2;
	s3 =	sadd.s32 $0x200, s3  }
0x28: {  	[tilespmem:s0+$0x4070] =	vst v0  }
0x29: {  	[tilespmem:s0+$0x4000] =	vst v0  }
0x2a: {  	[tilespmem:s0+$0x4010] =	vst v0  }
0x2b: {  	[tilespmem:s0+$0x4020] =	vst v0  }
0x2c: {  	[tilespmem:s0+$0x4030] =	vst v0  }
0x2d: {  	[tilespmem:s0+$0x4040] =	vst v0  }
0x2e: {  	[tilespmem:s0+$0x4050] =	vst v0  }
0x2f: {  	[tilespmem:s0+$0x4060] =	vst v0  }
0x30: {  	[spmem:s10] =	stream.linear.scatter [tilespmem:s26], [sflag:$0x11], $0x4000, $0x38;
	[tilespmem:$0x1C800] =	vst v63  }
0x31: {  	_ =	swait.ge [sflag:s28], $0x4000  }
0x32: {  	[sflag:s28] =	ssyncset.done $0x0  }
0x33: {  	s19 =	rddreg [dreg:$0x9];
	[sflag:s28] =	ssyncadd.s32 $0xFFFFC000  }
0x34: {  	[spmem:s19] =	stream.linear.scatter [tilespmem:s26], [sflag:$0x11], $0x4000, $0x38;
	[tilespmem:$0x1C800] =	vst v63  }
0x35: {  	_ =	swait.ge [sflag:s28], $0x4000  }
0x36: {  	[sflag:s28] =	ssyncset.done $0x0  }
0x37: {  	s21 =	rddreg [dreg:$0xa];
	[sflag:s28] =	ssyncadd.s32 $0xFFFFC000  }
0x38: {  	[spmem:s21] =	stream.linear.scatter [tilespmem:s26], [sflag:$0x11], $0x4000, $0x38;
	[tilespmem:$0x1C800] =	vst v63  }
0x39: {  	_ =	swait.ge [sflag:s28], $0x4000  }
0x3a: {  	[sflag:s28] =	ssyncset.done $0x0  }
0x3b: {  	s23 =	rddreg [dreg:$0xb];
	[sflag:s28] =	ssyncadd.s32 $0xFFFFC000  }
0x3c: {  	[spmem:s23] =	stream.linear.scatter [tilespmem:s26], [sflag:$0x11], $0x4000, $0x38;
	[tilespmem:$0x1C800] =	vst v63  }
0x3d: {  	_ =	swait.ge [sflag:s28], $0x4000  }
0x3e: {  	[sflag:s28] =	ssyncset.done $0x0  }
0x3f: {  	s25 =	rddreg [dreg:$0xc];
	[sflag:s28] =	ssyncadd.s32 $0xFFFFC000  }
0x40: {  	[spmem:s25] =	stream.linear.scatter [tilespmem:s26], [sflag:$0x11], $0x4000, $0x38;
	[tilespmem:$0x1C800] =	vst v63  }
0x41: {  	_ =	swait.ge [sflag:s28], $0x4000  }
0x42: {  	[sflag:s28] =	ssyncset.done $0x0  }
0x43: {  	s31 =	simm.s32 $0x1;
	[sflag:s28] =	ssyncadd.s32 $0xFFFFC000  }
0x44: {  	_ =	swait.ge [sflag:s31], $0x80  }
0x45: {  	s0 =	simm.s32 $0x0;
	[sflag:s31] =	ssyncset.done $0x0  }
0x46: {  	s3 =	simm.s32 $0x2;
	s21 =	smov.u32 s24;
	[sflag:s31] =	ssyncadd.s32 $0xFFFFFF80  }
0x47: {  	[tilespmem:s0], [sflag:$0xD] =	stream.indirect.gather [hbm4b:s5+s29], $0x80, s22, s29, $0xb8;
	[tilespmem:$0x1C800] =	vst v63  }
0x48: {  	s23 =	simm.s32 $0x0;
	s25 =	simm.s32 $0x0;
	[bflag:$0x0] =	sbarrier.arrive $0xFFFF  }
.LBB2_4:
0x49: {  	s9 =	smulhi.u32 $0xAAAAAAAB, s31  }
0x4a: {  	s11 =	smulhi.u32 $0xAAAAAAAB, s3  }
0x4b: {  	s12 =	sadd.s32 $0xFFFFFFFF, s3;
	s16 =	smulhi.u32 $0xAAAAAAAB, s25;
	s9 =	sshrl.u32 s9, $0x2  }
0x4c: {  	p0 =	sge.u32 s12, s6;
	s13 =	smul.u32 $0xFFFFFFE8, s9  }
0x4d: {  	s11 =	sshrl.u32 s11, $0x2;
	p1 =	seq.s32 @!p0 s23, $0x0;
	s9 =	smul.u32 $0xFFFFF400, s9  }
0x4e: {  	s12 =	sand.u32 @!p0 $0x1, s12;
	p1 =	por p1, p0;
	s14 =	smul.u32 $0xFFFFFFE8, s11  }
0x4f: {  	s8 =	sshra.s32 @!p0 s23, $0x2;
	s11 =	smul.u32 $0xFFFFF400, s11;
	s15 =	sadd.s32 @!p1 $0xF, s12  }
0x50: {  	s19 =	sshra.s32 @!p0 s0, $0x2;
	s13 =	sshra.s32 s13, $0x2;
	_ =	swait.ge @!p1 [sflag:s15], $0x4000  }
0x51: {  	s9 =	sshra.s32 s9, $0x2;
	s11 =	sshra.s32 s11, $0x2;
	[sflag:s15] =	ssyncset.done @!p1 $0x0  }
0x52: {  	s13 =	sadd.s32 $0x2, s13;
	s9 =	sadd.s32 $0x8080, s9;
	[sflag:s15] =	ssyncadd.s32 @!p1 $0xFFFFC000  }
0x53: {  	s8 =	sadd.s32 @!p0 s8, s13;
	s13 =	sadd.s32 $0xFFFFFFFE, s3;
	s15 =	sshrl.u32 s16, $0x2  }
0x54: {  	s9 =	sadd.s32 @!p0 s19, s9;
	s19 =	simm.s32 @!p0 $0x80;
	_ =	swait.ge @!p0 [sflag:s8], $0x80  }
0x55: {  	s16 =	smul.u32 $0xFFFFFFE8, s15;
	s13 =	sand.u32 $0x1, s13;
	[sflag:s8] =	ssyncset.done @!p0 $0x0  }
0x56: {  	[sflag:s8] =	ssyncadd.s32 @!p0 $0xFFFFFF80;
	s8 =	sshll.u32 @!p0 s12, $0xE;
	s12 =	sadd.s32 @!p0 $0xD, s12  }
0x57: {  	[tilespmem:s8], [sflag:s12] =	stream.indirect.gather @!p0 [hbm4b:s5+s19], $0x80, s9, s19, $0xb8;
	[tilespmem:$0x1C800] =	vst v63  }
0x58: {  	s8 =	sshra.s32 s14, $0x2;
	s9 =	sadd.s32 $0xD, s13;
	s14 =	sshra.s32 s16, $0x2  }
0x59: {  	s16 =	smul.u32 $0xFFFFF400, s15;
	s19 =	sshra.s32 s23, $0x2;
	_ =	swait.ge [sflag:s9], $0x4000  }
0x5a: {  	p0 =	sge.u32 s3, s6;
	s12 =	sadd.s32 $0x7, s14;
	[sflag:s9] =	ssyncset.done $0x0  }
0x5b: {  	s14 =	sshra.s32 s16, $0x2;
	s16 =	sshll.u32 s13, $0xE;
	[sflag:s9] =	ssyncadd.s32 $0xFFFFC000  }
0x5c: {  	s9 =	sadd.s32 s19, s12;
	s15 =	sadd.s32 $0x8400, s14;
	s19 =	sshra.s32 s0, $0x2  }
0x5d: {  	s14 =	sshra.s32 @!p0 s23, $0x2;
	s23 =	sadd.s32 $0x4, s23;
	_ =	swait.ge [sflag:s9], $0x80  }
0x5e: {  	s12 =	sadd.s32 s19, s15;
	s15 =	sadd.s32 $0xF, s13;
	[sflag:s9] =	ssyncset.done $0x0  }
0x5f: {  	s13 =	sshra.s32 @!p0 s0, $0x2;
	s19 =	simm.s32 @!p0 $0x0;
	[sflag:s9] =	ssyncadd.s32 $0xFFFFFF80  }
0x60: {  	[spmem:s2] =	stream.indirect.scatter.add.f32 [tilespmem:s16], [sflag:s15], $0x80, s12, s29, $0xb8;
	[tilespmem:$0x1C800] =	vst v63  }
0x61: {  	s9 =	sadd.s32 $0x3, s8;
	s8 =	sadd.s32 $0x9, s8;
	s12 =	sadd.s32 $0x8100, s11  }
0x62: {  	s11 =	sadd.s32 $0x8500, s11;
	s15 =	sshrl.u32 @!p0 s21, $0x3;
	s9 =	sadd.s32 @!p0 s14, s9  }
0x63: {  	s8 =	sadd.s32 @!p0 s14, s8;
	s12 =	sadd.s32 @!p0 s13, s12;
	s16 =	sadd.s32 @!p0 s1, s15  }
0x64: {  	[tilespmem:s12], [sflag:s9] =	stream.linear.gather @!p0 [hbm4b:s16+s19], $0x80, $0x38;
	[tilespmem:$0x1C800] =	vst v63  }
0x65: {  	s9 =	sadd.s32 @!p0 s13, s11;
	s11 =	sadd.s32 @!p0 s15, s7;
	s16 =	rddreg [dreg:$0x4]  }
0x66: {  	[tilespmem:s9], [sflag:s8] =	stream.linear.gather @!p0 [hbm4b:s11+s19], $0x80, $0x38;
	[tilespmem:$0x1C800] =	vst v63  }
0x67: {  	p0 =	sne.s32 s16, s23  }
.Ltmp1:
0x68: {  	_ = 	snop;
	(pc) =	sbr.rel @p0 .LBB2_4-.Ltmp1, $3  }
0x69: {  	_ =	sdelay $0x1  }
0x6a: {  	s31 =	sadd.s32 $0x1, s31;
	s25 =	sadd.s32 $0x1, s25  }
0x6b: {  	s3 =	sadd.s32 $0x1, s3;
	s0 =	sadd.s32 $0x200, s0;
	s21 =	sadd.s32 $0x2000, s21  }
0x6c: {  	_ =	swait.ge [sflag:s17], $0x4000  }
0x6d: {  	[sflag:s17] =	ssyncset.done $0x0  }
0x6e: {  	[sflag:s17] =	ssyncadd.s32 $0xFFFFC000  }
0x6f: {  	_ =	swait.ge [sflag:s18], $0x4000  }
0x70: {  	s0 =	stileid.u32;
	[sflag:s18] =	ssyncset.done $0x0  }
0x71: {  	s3 =	sshrl.u32 s10, $0x3;
	s30 =	sadd.s32 $0x1, s30;
	[sflag:s18] =	ssyncadd.s32 $0xFFFFC000  }
0x72: {  	s0 =	sshll.u32 s0, $0x6;
	p0 =	sne.s32 s30, s20;
	[bflag:$0x0] =	sbarrier.arrive $0xFFFF  }
.Ltmp2:
0x73: {  	s0 =	sor.u32 $0x1C11, s0;
	s8 =	rddreg [dreg:$0xd];
	(pc) =	sbr.rel @p0 .LBB2_1-.Ltmp2, $4  }
0x74: {  	[hbm:s8], [sflag:s0] =	dma.local [spmem:s3], $0x2800  }
0x75: {  	_ =	swait.ge [sflag:s28], $0x2800  }
0x76: {  	[sflag:s28] =	ssyncset.done $0x0  }
0x77: {  	[sflag:s28] =	ssyncadd.s32 $0xFFFFD800  }
0x78: {  	_ =	sfence.sel $0x180000  }
0x79: {  	[bflag:$0x0] =	sbarrier.arrive $0xFFFF  }
0x7a: {  	_ =	strace $0x9000004A  }
0x7b: {  	s0 =	stileid.u32;
	[bflag:$0x2] =	sbarrier.arrive $0xFFFF  }
0x7c: {  	p0 =	sne.s32 s0, $0x0;
	s0 =	rddreg [dreg:$0x3]  }
0x7d: {  	s0 =	sadd.s32 @!p0 $0x100000, s0  }
0x7e: {  	[sflag:s0] =	ssyncadd.tile.s32 @!p0 $0x1;
	_ =	shalt  }
.Lfunc_end2:
_tile_overlayer_lowered:
.L_overlay_start_2:
0x7f: {  	(tag) =	ssettag $0x2  }
0x80: {  	s0 =	rddreg [dreg:$0x0];
	s2 =	stileid.u32  }
0x81: {  	s1 =	rddreg [dreg:$0x1];
	p0 =	sne.s32 s2, $0x0  }
0x82: {  	s3 =	rddreg [dreg:$0x2];
	[bflag:$0x3] =	sbarrier.arrive $0xFFFF;
	s2 =	simm.s32 @!p0 $0x1C11  }
0x83: {  	[timem:s3], [sflag:s2] =	dma.local @!p0 [hbm:s0], s1  }
0x84: {  	s0 =	simm.s32 @!p0 $0x11  }
0x85: {  	_ =	swait.ge @!p0 [sflag:s0], s1  }
0x86: {  	s1 =	ssub.s32 @!p0 $0x0, s1;
	[sflag:s0] =	ssyncset.done @!p0 $0x0  }
0x87: {  	[sflag:s0] =	ssyncadd.s32 @!p0 s1  }
0x88: {  	[bflag:$0x3] =	sbarrier.arrive $0xFFFF  }
0x89: {  	_ =	shalt  }

// kernel: kernel.14.cloned.1.call-start
scs
__scs_entry_jumppad:
0x0: {  	(pc) =	sbr.rel $0x88, $3  }
0x1: {  	(tag) =	ssettag $0x0;
	lr =	simm.s32 $0x1  }
0x2: {  	[smem:$0x3F98] =	sst lr;
	_ =	strace $0xD0000000  }
0x3: {  	_ = 	snop  }
0x4: {  	_ = 	snop  }
0x5: {  	_ = 	snop  }
0x6: {  	_ = 	snop  }
0x7: {  	_ = 	snop  }
__scs_overlays_trampoline_lowered:
0x8: {  	[smem:$0x3FA7] =	sst s0  }
0x9: {  	[smem:$0x3FA8] =	sst s1  }
0xa: {  	[smem:$0x3FA9] =	sst s2  }
0xb: {  	[smem:$0x3FAA] =	sst s3  }
0xc: {  	[smem:$0x3FAB] =	sst s4  }
0xd: {  	[smem:$0x3FAC] =	sst s5  }
0xe: {  	[smem:$0x3FAD] =	sst s6  }
0xf: {  	[smem:$0x3FAE] =	sst s7  }
0x10: {  	[smem:$0x3FAF] =	sst s8  }
0x11: {  	[smem:$0x3FB0] =	sst s9;
	s0 =	simm.s32 @!p0 $0x0  }
0x12: {  	s1 =	sld [smem:$0x3F96];
	s0 =	simm.s32 @p0 $0x1  }
0x13: {  	[smem:$0x3FB1] =	sst s0;
	s0 =	simm.s32 @!p1 $0x0  }
0x14: {  	s2 =	sld [smem:$0x3F95];
	s0 =	simm.s32 @p1 $0x1  }
0x15: {  	[smem:$0x3FB2] =	sst s0;
	s0 =	simm.s32 @!p2 $0x0  }
0x16: {  	s3 =	sld [smem:$0x3FDB];
	s0 =	simm.s32 @p2 $0x1  }
0x17: {  	s4 =	simm.s32 $0x1BF5;
	[smem:$0x3FB4] =	sst s0  }
0x18: {  	s0 =	sld [smem:$0x3F97];
	_ =	swait.ge [sflag:s4], $0x0  }
0x19: {  	s7 =	sld [smem:$0x3F98]  }
0x1a: {  	s8 =	sadd.s32 $0xFFFFE003, lr  }
0x1b: {  	s9 =	sadd.s32 $0xFFFFFEF7, lr;
	s5 =	simm.s32 $0xFFFFFFFF;
	p2 =	slt.u32 s8, $0xFFFFF086  }
0x1c: {  	p1 =	slt.u32 s9, $0xF7A;
	s5 =	simm.s32 @!p2 $0x0  }
0x1d: {  	s5 =	simm.s32 @p1 $0x1;
	p0 =	seq.s32 s7, s2  }
0x1e: {  	s7 =	smul.u32 @!p0 $0xF7A, s2;
	p2 =	seq.s32 @!p0 s5, $0x0  }
0x1f: {  	s9 =	smul.u32 $0xF7A, s1;
	s8 =	simm.s32 @!p0 $0x1BF5;
	p2 =	por !p2, p0  }
0x20: {  	[sflag:s8] =	ssyncset.s32 @!p0 $0xFFFFF086;
	s6 =	sadd.s32 @!p0 s3, s7;
	s7 =	simm.s32 @!p0 $0x108  }
0x21: {  	s3 =	sadd.s32 s3, s9;
	s6 =	sadd.s32 @!p0 $0x88, s6;
	s7 =	simm.s32 @p2 $0x1082  }
0x22: {  	[simem:s7], [sflag:s8] =	dma.local @!p0 [hbm:s6], $0xF7A  }
0x23: {  	s9 =	sor.u32 $0xD0000000, s2;
	s6 =	simm.s32 $0x108;
	_ =	swait.ge @!p0 [sflag:s8], $0x0  }
0x24: {  	s3 =	sadd.s32 $0x88, s3;
	s6 =	simm.s32 @!p1 $0x1082;
	[sflag:s4] =	ssyncset.s32 $0xFFFFF086  }
0x25: {  	[simem:s6], [sflag:s4] =	dma.local [hbm:s3], $0xF7A  }
0x26: {  	[smem:$0x3F98] =	sst s1;
	(tag) =	ssettag s2;
	_ =	strace s9  }
0x27: {  	s1 =	sld [smem:$0x3FA8]  }
0x28: {  	s2 =	sld [smem:$0x3FA9]  }
0x29: {  	s4 =	sld [smem:$0x3FAB]  }
0x2a: {  	p0 =	seq.s32 s5, $0x0;
	s5 =	sld [smem:$0x3FAC]  }
0x2b: {  	s6 =	sld [smem:$0x3FAD]  }
0x2c: {  	s7 =	sld [smem:$0x3FAE]  }
0x2d: {  	s3 =	simm.s32 $0x108;
	s8 =	sld [smem:$0x3FAF]  }
0x2e: {  	s3 =	simm.s32 @!p0 $0x1082;
	s9 =	sld [smem:$0x3FB0]  }
0x2f: {  	lr =	sadd.s32 s0, s3;
	s0 =	sld [smem:$0x3FA7]  }
0x30: {  	s3 =	sld [smem:$0x3FAA]  }
0x31: {  	[smem:$0x3FB3] =	sst s10  }
0x32: {  	s10 =	sld [smem:$0x3FB1];
	_ =	sdelay $0x3  }
0x33: {  	p0 =	seq.s32 s10, $0x1;
	s10 =	sld [smem:$0x3FB3];
	_ =	sdelay $0x3  }
0x34: {  	[smem:$0x3FB3] =	sst s10  }
0x35: {  	s10 =	sld [smem:$0x3FB2];
	_ =	sdelay $0x3  }
0x36: {  	p1 =	seq.s32 s10, $0x1;
	s10 =	sld [smem:$0x3FB3];
	_ =	sdelay $0x3  }
0x37: {  	[smem:$0x3FB3] =	sst s10  }
0x38: {  	s10 =	sld [smem:$0x3FB4]  }
0x39: {  	_ = 	snop;
	(pc) =	sbr.ind lr, $3  }
0x3a: {  	_ = 	snop  }
0x3b: {  	_ = 	snop  }
0x3c: {  	p2 =	seq.s32 s10, $0x1;
	s10 =	sld [smem:$0x3FB3]  }
0x3d: {  	_ =	shalt  }
0x3e: {  	_ =	shalt  }
0x3f: {  	_ =	shalt  }
0x40: {  	_ =	shalt  }
0x41: {  	_ =	shalt  }
0x42: {  	_ =	shalt  }
0x43: {  	_ =	shalt  }
0x44: {  	_ =	shalt  }
0x45: {  	_ =	shalt  }
0x46: {  	_ =	shalt  }
0x47: {  	_ =	shalt  }
0x48: {  	_ =	shalt  }
0x49: {  	_ =	shalt  }
0x4a: {  	_ =	shalt  }
0x4b: {  	_ =	shalt  }
0x4c: {  	_ =	shalt  }
0x4d: {  	_ =	shalt  }
0x4e: {  	_ =	shalt  }
0x4f: {  	_ =	shalt  }
0x50: {  	_ =	shalt  }
0x51: {  	_ =	shalt  }
0x52: {  	_ =	shalt  }
0x53: {  	_ =	shalt  }
0x54: {  	_ =	shalt  }
0x55: {  	_ =	shalt  }
0x56: {  	_ =	shalt  }
0x57: {  	_ =	shalt  }
0x58: {  	_ =	shalt  }
0x59: {  	_ =	shalt  }
0x5a: {  	_ =	shalt  }
0x5b: {  	_ =	shalt  }
0x5c: {  	_ =	shalt  }
0x5d: {  	_ =	shalt  }
0x5e: {  	_ =	shalt  }
0x5f: {  	_ =	shalt  }
0x60: {  	_ =	shalt  }
0x61: {  	_ =	shalt  }
0x62: {  	_ =	shalt  }
0x63: {  	_ =	shalt  }
0x64: {  	_ =	shalt  }
0x65: {  	_ =	shalt  }
0x66: {  	_ =	shalt  }
0x67: {  	_ =	shalt  }
0x68: {  	_ =	shalt  }
0x69: {  	_ =	shalt  }
0x6a: {  	_ =	shalt  }
0x6b: {  	_ =	shalt  }
0x6c: {  	_ =	shalt  }
0x6d: {  	_ =	shalt  }
0x6e: {  	_ =	shalt  }
0x6f: {  	_ =	shalt  }
0x70: {  	_ =	shalt  }
0x71: {  	_ =	shalt  }
0x72: {  	_ =	shalt  }
0x73: {  	_ =	shalt  }
0x74: {  	_ =	shalt  }
0x75: {  	_ =	shalt  }
0x76: {  	_ =	shalt  }
0x77: {  	_ =	shalt  }
0x78: {  	_ =	shalt  }
0x79: {  	_ =	shalt  }
0x7a: {  	_ =	shalt  }
0x7b: {  	_ =	shalt  }
0x7c: {  	_ =	shalt  }
0x7d: {  	_ =	shalt  }
0x7e: {  	_ =	shalt  }
0x7f: {  	_ =	shalt  }
0x80: {  	_ =	shalt  }
0x81: {  	_ =	shalt  }
0x82: {  	_ =	shalt  }
0x83: {  	_ =	shalt  }
0x84: {  	_ =	shalt  }
0x85: {  	_ =	shalt  }
0x86: {  	_ =	shalt  }
0x87: {  	_ =	shalt  }
.Lfunc_end0:
.L_simem_size_0:
called_computation.2_lowered:
.L_overlay_start_0:
0x88: {  	s2 =	sld [smem:$0x3FD9]  }
0x89: {  	s3 =	sld [smem:$0x3FFE];
	_ =	sdelay $0x1  }
0x8a: {  	s1 =	srdreg.scid  }
0x8b: {  	s0 =	sand.u32 $0x1, s1  }
0x8c: {  	s17 =	sshll.u32 s0, $0xA;
	s2 =	sadd.s32 s3, s2  }
0x8d: {  	s2 =	sadd.s32 s2, s17  }
0x8e: {  	[smem:$0x3FBF] =	sst s2  }
0x8f: {  	_ = 	snop  }
0x90: {  	s2 =	sld [smem:$0x3FC8];
	(tm) =	ssettm $0x1  }
0x91: {  	s18 =	sld [smem:$0x3FFB];
	_ =	sdelay $0x3  }
0x92: {  	_ =	strace s18  }
0x93: {  	s3 =	sld [smem:$0x3FFC];
	_ =	sdelay $0x3  }
0x94: {  	_ =	strace s3  }
0x95: {  	s3 =	sld [smem:$0x3FFD];
	_ =	sdelay $0x3  }
0x96: {  	_ =	strace s3  }
0x97: {  	_ =	strace $0x8FFFFFFF  }
0x98: {  	s19 =	sld [smem:$0x3FDB];
	_ =	sdelay $0x1  }
0x99: {  	s4 =	simm.s32 $_scs_section_size  }
0x9a: {  	s5 =	simm.s32 $_size__tile_overlayer_lowered;
	s6 =	simm.s32 $_tile_overlayer_lowered  }
0x9b: {  	s22 =	simm.s32 $0x1BFF;
	s21 =	sshll.u32 s6, $0x1;
	s3 =	sadd.s32 s4, s19  }
0x9c: {  	s7 =	simm.s32 $0x0;
	s20 =	sshll.u32 s5, $0x1;
	s5 =	sadd.s32 s21, s3  }
0x9d: {  	[timem:s7], [sflag:s22] =	dma.local [hbm:s5], s20  }
0x9e: {  	_ =	swait.ge [sflag:s22], s20  }
0x9f: {  	s4 =	ssub.s32 $0x0, s20;
	[sflag:s22] =	ssyncset.done $0x0  }
0xa0: {  	[sflag:s22] =	ssyncadd.s32 s4;
	_ =	sdelay $0x1  }
0xa1: {  	s23 =	simm.s32 $0x1B8B  }
0xa2: {  	_ =	swait.ge [sflag:s23], $0x1  }
0xa3: {  	[sflag:s23] =	ssyncset.done $0x0  }
0xa4: {  	s25 =	simm.s32 $0x1B8E;
	s24 =	sld [smem:$0x3FFE];
	[sflag:s23] =	ssyncadd.s32 $0xFFFFFFFF  }
0xa5: {  	s26 =	simm.s32 $execute0_lowered;
	[smem:$0x3FD2] =	sst s25  }
0xa6: {  	s5 =	sshll.u32 s26, $0x1;
	_ =	strace $0x8000004C;
	[dreg:$0x1] =	wrdreg $0xFFFFFFFF  }
0xa7: {  	s28 =	simm.s32 $_size_execute0_lowered;
	s3 =	sadd.s32 s3, s5;
	[dreg:$0x0] =	wrdreg $0x0  }
0xa8: {  	s5 =	sshll.u32 s28, $0x1;
	[dreg:$0x2] =	wrdreg s3  }
0xa9: {  	[dreg:$0x3] =	wrdreg s5  }
0xaa: {  	[dreg:$0x4] =	wrdreg $0xC0  }
0xab: {  	_ =	task [dreg:s7], $0x5FFFF  }
0xac: {  	[dreg:$0x1] =	wrdreg $0xFFFFFFFF  }
0xad: {  	[dreg:$0x0] =	wrdreg $0x60  }
0xae: {  	[dreg:$0x2] =	wrdreg s24  }
0xaf: {  	[dreg:$0x3] =	wrdreg s2  }
0xb0: {  	[dreg:$0x4] =	wrdreg $0x88000  }
0xb1: {  	[dreg:$0x5] =	wrdreg $0x9  }
0xb2: {  	_ =	task.clear_ibuf [dreg:s7], $0x6FFFF;
	_ =	strace $0x9000004C  }
0xb3: {  	s29 =	simm.s32 $0x9;
	_ =	strace $0x8000004E  }
0xb4: {  	_ =	swait.ge [sflag:s29], $0x1  }
0xb5: {  	[sflag:s29] =	ssyncadd.s32 $0xFFFFFFFF  }
0xb6: {  	_ =	strace $0x9000004E  }
0xb7: {  	_ =	sfence  }
0xb8: {  	s30 =	sld [smem:$0x0];
	_ =	sdelay $0x2  }
0xb9: {  	s31 =	sshll.u32 s1, $0xD;
	s1 =	sshrl.u32 s1, $0x2  }
0xba: {  	s3 =	sand.u32 $0x4000, s31;
	s1 =	sadd.s32 s1, s30  }
0xbb: {  	s0 =	sor.u32 s3, s0;
	s1 =	sshll.u32 s1, $0x11  }
0xbc: {  	s0 =	sor.u32 s1, s0  }
0xbd: {  	s0 =	sadd.s32 $0x8F2B, s0  }
0xbe: {  	[sflag:s0] =	ssyncadd.remote.s32 $0x1  }
0xbf: {  	_ =	sfence.sel $0xFFFF  }
0xc0: {  	[dreg:$0x0] =	wrdreg $0xFFFFFFFF;
	(pc) =	sbr.abs _section_cstart, $3  }
0xc1: {  	[dreg:$0x1] =	wrdreg $0xFFFFFFFF  }
0xc2: {  	_ =	task.clear_ibuf [dreg:s7], $0x2FFFF;
	_ =	strace $0x9FFFFFFF  }
0xc3: {  	(tm) =	ssettm $0x7FFFFFFF  }
tec
execute0_lowered:
.L_overlay_start_1:
0x0: {  	(tag) =	ssettag $0x1  }
0x1: {  	s0 =	rddreg [dreg:$0x0]  }
0x2: {  	s1 =	rddreg [dreg:$0x1]  }
0x3: {  	s2 =	rddreg [dreg:$0x2];
	s3 =	srdreg.scid;
	s4 =	simm.s32 $0x0  }
0x4: {  	s11 =	stileid.u32;
	s28 =	simm.s32 $0x11;
	s29 =	simm.s32 $0x80  }
0x5: {  	s30 =	simm.s32 $0x0;
	s3 =	sand.u32 $0x1, s3;
	s7 =	smul.u32 $0x14000, s11  }
0x6: {  	[smem:$0x7FF] =	sst s4;
	s5 =	sadd.s32 $0x2800, s0;
	s10 =	smul.u32 $0x50000, s11  }
0x7: {  	s6 =	smul.u32 $0x140000, s3;
	_ =	strace $0x8000004D;
	s8 =	ssub.s32 $0x2, s3  }
0x8: {  	s15 =	sshll.u32 s3, $0x4;
	s3 =	sshll.u32 s3, $0xC;
	s9 =	sshrl.u32 s8, $0x1  }
0x9: {  	s10 =	sshrl.u32 s10, $0x2;
	s6 =	sadd.s32 s7, s6;
	s7 =	sor.u32 s11, s15  }
0xa: {  	s21 =	ssub.s32 s8, s9;
	s10 =	sadd.s32 s10, s2;
	s6 =	sshrl.u32 s6, $0x3  }
0xb: {  	s20 =	ssub.s32 $0x9E3, s7;
	s16 =	sshll.u32 s7, $0x5;
	s19 =	sadd.s32 $0x4000, s10  }
0xc: {  	s7 =	sadd.s32 $0x10, s1;
	s22 =	sadd.s32 $0x8000, s10;
	[dreg:$0x9] =	wrdreg s19  }
0xd: {  	s23 =	sadd.s32 $0xC000, s10;
	s24 =	sadd.s32 $0x10000, s10;
	[dreg:$0xa] =	wrdreg s22  }
0xe: {  	s0 =	sadd.s32 s6, s0;
	s6 =	sshrl.u32 s20, $0x5;
	[dreg:$0xb] =	wrdreg s23  }
0xf: {  	s17 =	sadd.s32 s1, s16;
	s9 =	sadd.s32 s16, s7;
	[dreg:$0xc] =	wrdreg s24  }
0x10: {  	s22 =	sshll.u32 s11, $0x8;
	s26 =	sshrl.u32 s20, $0x3;
	[dreg:$0x6] =	wrdreg s9  }
0x11: {  	s20 =	smax.u32 s21, $0x1;
	s18 =	sadd.s32 $0x400, s17;
	[dreg:$0x5] =	wrdreg s17  }
0x12: {  	s8 =	sadd.s32 $0x410, s17;
	s0 =	sadd.s32 $0x29A00, s0;
	s25 =	sor.u32 s22, s3  }
0x13: {  	s31 =	sand.u32 $0x13C, s26;
	s22 =	simm.s32 $0x8000;
	[dreg:$0x7] =	wrdreg s18  }
0x14: {  	s26 =	simm.s32 $0x4000;
	[dreg:$0x8] =	wrdreg s8;
	s18 =	sand.u32 $0x1, s6  }
0x15: {  	[dreg:$0xd] =	wrdreg s0;
	s17 =	sadd.s32 $0xF, s18;
	s18 =	sxor.u32 $0x1, s18  }
0x16: {  	v0 =	vimm.f32 $0.0e+00;
	s24 =	sor.u32 $0x4000, s25;
	[dreg:$0x4] =	wrdreg s31;
	s18 =	sadd.s32 $0xF, s18  }
.LBB2_1:
0x17: {  	s0 =	rddreg [dreg:$0x5]  }
0x18: {  	s19 =	rddreg [dreg:$0x6]  }
0x19: {  	[tilespmem:s22], [sflag:$0x1] =	stream.linear.gather [hbm4b:s0+s4], $0x80, $0x38;
	[tilespmem:$0x1C800] =	vst v63  }
0x1a: {  	s3 =	simm.s32 $0x8400;
	s21 =	rddreg [dreg:$0x7]  }
0x1b: {  	[tilespmem:s3], [sflag:$0x7] =	stream.linear.gather [hbm4b:s19+s4], $0x80, $0x38;
	[tilespmem:$0x1C800] =	vst v63  }
0x1c: {  	s23 =	simm.s32 $0x8080;
	s25 =	rddreg [dreg:$0x8]  }
0x1d: {  	[tilespmem:s23], [sflag:$0x2] =	stream.linear.gather [hbm4b:s21+s4], $0x80, $0x38;
	[tilespmem:$0x1C800] =	vst v63  }
0x1e: {  	s31 =	simm.s32 $0x8480;
	s0 =	simm.s32 $0x0;
	s3 =	simm.s32 $0x200  }
0x1f: {  	[tilespmem:s31], [sflag:$0x8] =	stream.linear.gather [hbm4b:s25+s4], $0x80, $0x38;
	[tilespmem:$0x1C800] =	vst v63  }
.LBB2_2:
0x20: {  	p0 =	sne.s32 s3, $0xFE00;
	[tilespmem:s0+$0x4070] =	vst v0  }
0x21: {  	[tilespmem:s0+$0x4000] =	vst v0  }
0x22: {  	[tilespmem:s0+$0x4010] =	vst v0  }
.Ltmp0:
0x23: {  	[tilespmem:s0+$0x4020] =	vst v0;
	(pc) =	sbr.rel @p0 .LBB2_2-.Ltmp0, $4  }
0x24: {  	[tilespmem:s0+$0x4030] =	vst v0  }
0x25: {  	[tilespmem:s0+$0x4040] =	vst v0  }
0x26: {  	[tilespmem:s0+$0x4050] =	vst v0  }
0x27: {  	[tilespmem:s0+$0x4060] =	vst v0;
	s0 =	sshra.s32 s3, $0x2;
	s3 =	sadd.s32 $0x200, s3  }
0x28: {  	[tilespmem:s0+$0x4070] =	vst v0  }
0x29: {  	[tilespmem:s0+$0x4000] =	vst v0  }
0x2a: {  	[tilespmem:s0+$0x4010] =	vst v0  }
0x2b: {  	[tilespmem:s0+$0x4020] =	vst v0  }
0x2c: {  	[tilespmem:s0+$0x4030] =	vst v0  }
0x2d: {  	[tilespmem:s0+$0x4040] =	vst v0  }
0x2e: {  	[tilespmem:s0+$0x4050] =	vst v0  }
0x2f: {  	[tilespmem:s0+$0x4060] =	vst v0  }
0x30: {  	[spmem:s10] =	stream.linear.scatter [tilespmem:s26], [sflag:$0x11], $0x4000, $0x38;
	[tilespmem:$0x1C800] =	vst v63  }
0x31: {  	_ =	swait.ge [sflag:s28], $0x4000  }
0x32: {  	[sflag:s28] =	ssyncset.done $0x0  }
0x33: {  	s19 =	rddreg [dreg:$0x9];
	[sflag:s28] =	ssyncadd.s32 $0xFFFFC000  }
0x34: {  	[spmem:s19] =	stream.linear.scatter [tilespmem:s26], [sflag:$0x11], $0x4000, $0x38;
	[tilespmem:$0x1C800] =	vst v63  }
0x35: {  	_ =	swait.ge [sflag:s28], $0x4000  }
0x36: {  	[sflag:s28] =	ssyncset.done $0x0  }
0x37: {  	s21 =	rddreg [dreg:$0xa];
	[sflag:s28] =	ssyncadd.s32 $0xFFFFC000  }
0x38: {  	[spmem:s21] =	stream.linear.scatter [tilespmem:s26], [sflag:$0x11], $0x4000, $0x38;
	[tilespmem:$0x1C800] =	vst v63  }
0x39: {  	_ =	swait.ge [sflag:s28], $0x4000  }
0x3a: {  	[sflag:s28] =	ssyncset.done $0x0  }
0x3b: {  	s23 =	rddreg [dreg:$0xb];
	[sflag:s28] =	ssyncadd.s32 $0xFFFFC000  }
0x3c: {  	[spmem:s23] =	stream.linear.scatter [tilespmem:s26], [sflag:$0x11], $0x4000, $0x38;
	[tilespmem:$0x1C800] =	vst v63  }
0x3d: {  	_ =	swait.ge [sflag:s28], $0x4000  }
0x3e: {  	[sflag:s28] =	ssyncset.done $0x0  }
0x3f: {  	s25 =	rddreg [dreg:$0xc];
	[sflag:s28] =	ssyncadd.s32 $0xFFFFC000  }
0x40: {  	[spmem:s25] =	stream.linear.scatter [tilespmem:s26], [sflag:$0x11], $0x4000, $0x38;
	[tilespmem:$0x1C800] =	vst v63  }
0x41: {  	_ =	swait.ge [sflag:s28], $0x4000  }
0x42: {  	[sflag:s28] =	ssyncset.done $0x0  }
0x43: {  	s31 =	simm.s32 $0x1;
	[sflag:s28] =	ssyncadd.s32 $0xFFFFC000  }
0x44: {  	_ =	swait.ge [sflag:s31], $0x80  }
0x45: {  	s0 =	simm.s32 $0x0;
	[sflag:s31] =	ssyncset.done $0x0  }
0x46: {  	s3 =	simm.s32 $0x2;
	s21 =	smov.u32 s24;
	[sflag:s31] =	ssyncadd.s32 $0xFFFFFF80  }
0x47: {  	[tilespmem:s0], [sflag:$0xD] =	stream.indirect.gather [hbm4b:s5+s29], $0x80, s22, s29, $0xb8;
	[tilespmem:$0x1C800] =	vst v63  }
0x48: {  	s23 =	simm.s32 $0x0;
	s25 =	simm.s32 $0x0;
	[bflag:$0x0] =	sbarrier.arrive $0xFFFF  }
.LBB2_4:
0x49: {  	s9 =	smulhi.u32 $0xAAAAAAAB, s31  }
0x4a: {  	s11 =	smulhi.u32 $0xAAAAAAAB, s3  }
0x4b: {  	s12 =	sadd.s32 $0xFFFFFFFF, s3;
	s16 =	smulhi.u32 $0xAAAAAAAB, s25;
	s9 =	sshrl.u32 s9, $0x2  }
0x4c: {  	p0 =	sge.u32 s12, s6;
	s13 =	smul.u32 $0xFFFFFFE8, s9  }
0x4d: {  	s11 =	sshrl.u32 s11, $0x2;
	p1 =	seq.s32 @!p0 s23, $0x0;
	s9 =	smul.u32 $0xFFFFF400, s9  }
0x4e: {  	s12 =	sand.u32 @!p0 $0x1, s12;
	p1 =	por p1, p0;
	s14 =	smul.u32 $0xFFFFFFE8, s11  }
0x4f: {  	s8 =	sshra.s32 @!p0 s23, $0x2;
	s11 =	smul.u32 $0xFFFFF400, s11;
	s15 =	sadd.s32 @!p1 $0xF, s12  }
0x50: {  	s19 =	sshra.s32 @!p0 s0, $0x2;
	s13 =	sshra.s32 s13, $0x2;
	_ =	swait.ge @!p1 [sflag:s15], $0x4000  }
0x51: {  	s9 =	sshra.s32 s9, $0x2;
	s11 =	sshra.s32 s11, $0x2;
	[sflag:s15] =	ssyncset.done @!p1 $0x0  }
0x52: {  	s13 =	sadd.s32 $0x2, s13;
	s9 =	sadd.s32 $0x8080, s9;
	[sflag:s15] =	ssyncadd.s32 @!p1 $0xFFFFC000  }
0x53: {  	s8 =	sadd.s32 @!p0 s8, s13;
	s13 =	sadd.s32 $0xFFFFFFFE, s3;
	s15 =	sshrl.u32 s16, $0x2  }
0x54: {  	s9 =	sadd.s32 @!p0 s19, s9;
	s19 =	simm.s32 @!p0 $0x80;
	_ =	swait.ge @!p0 [sflag:s8], $0x80  }
0x55: {  	s16 =	smul.u32 $0xFFFFFFE8, s15;
	s13 =	sand.u32 $0x1, s13;
	[sflag:s8] =	ssyncset.done @!p0 $0x0  }
0x56: {  	[sflag:s8] =	ssyncadd.s32 @!p0 $0xFFFFFF80;
	s8 =	sshll.u32 @!p0 s12, $0xE;
	s12 =	sadd.s32 @!p0 $0xD, s12  }
0x57: {  	[tilespmem:s8], [sflag:s12] =	stream.indirect.gather @!p0 [hbm4b:s5+s19], $0x80, s9, s19, $0xb8;
	[tilespmem:$0x1C800] =	vst v63  }
0x58: {  	s8 =	sshra.s32 s14, $0x2;
	s9 =	sadd.s32 $0xD, s13;
	s14 =	sshra.s32 s16, $0x2  }
0x59: {  	s16 =	smul.u32 $0xFFFFF400, s15;
	s19 =	sshra.s32 s23, $0x2;
	_ =	swait.ge [sflag:s9], $0x4000  }
0x5a: {  	p0 =	sge.u32 s3, s6;
	s12 =	sadd.s32 $0x7, s14;
	[sflag:s9] =	ssyncset.done $0x0  }
0x5b: {  	s14 =	sshra.s32 s16, $0x2;
	s16 =	sshll.u32 s13, $0xE;
	[sflag:s9] =	ssyncadd.s32 $0xFFFFC000  }
0x5c: {  	s9 =	sadd.s32 s19, s12;
	s15 =	sadd.s32 $0x8400, s14;
	s19 =	sshra.s32 s0, $0x2  }
0x5d: {  	s14 =	sshra.s32 @!p0 s23, $0x2;
	s23 =	sadd.s32 $0x4, s23;
	_ =	swait.ge [sflag:s9], $0x80  }
0x5e: {  	s12 =	sadd.s32 s19, s15;
	s15 =	sadd.s32 $0xF, s13;
	[sflag:s9] =	ssyncset.done $0x0  }
0x5f: {  	s13 =	sshra.s32 @!p0 s0, $0x2;
	s19 =	simm.s32 @!p0 $0x0;
	[sflag:s9] =	ssyncadd.s32 $0xFFFFFF80  }
0x60: {  	[spmem:s2] =	stream.indirect.scatter.add.f32 [tilespmem:s16], [sflag:s15], $0x80, s12, s29, $0xb8;
	[tilespmem:$0x1C800] =	vst v63  }
0x61: {  	s9 =	sadd.s32 $0x3, s8;
	s8 =	sadd.s32 $0x9, s8;
	s12 =	sadd.s32 $0x8100, s11  }
0x62: {  	s11 =	sadd.s32 $0x8500, s11;
	s15 =	sshrl.u32 @!p0 s21, $0x3;
	s9 =	sadd.s32 @!p0 s14, s9  }
0x63: {  	s8 =	sadd.s32 @!p0 s14, s8;
	s12 =	sadd.s32 @!p0 s13, s12;
	s16 =	sadd.s32 @!p0 s1, s15  }
0x64: {  	[tilespmem:s12], [sflag:s9] =	stream.linear.gather @!p0 [hbm4b:s16+s19], $0x80, $0x38;
	[tilespmem:$0x1C800] =	vst v63  }
0x65: {  	s9 =	sadd.s32 @!p0 s13, s11;
	s11 =	sadd.s32 @!p0 s15, s7;
	s16 =	rddreg [dreg:$0x4]  }
0x66: {  	[tilespmem:s9], [sflag:s8] =	stream.linear.gather @!p0 [hbm4b:s11+s19], $0x80, $0x38;
	[tilespmem:$0x1C800] =	vst v63  }
0x67: {  	p0 =	sne.s32 s16, s23  }
.Ltmp1:
0x68: {  	_ = 	snop;
	(pc) =	sbr.rel @p0 .LBB2_4-.Ltmp1, $3  }
0x69: {  	_ =	sdelay $0x1  }
0x6a: {  	s31 =	sadd.s32 $0x1, s31;
	s25 =	sadd.s32 $0x1, s25  }
0x6b: {  	s3 =	sadd.s32 $0x1, s3;
	s0 =	sadd.s32 $0x200, s0;
	s21 =	sadd.s32 $0x2000, s21  }
0x6c: {  	_ =	swait.ge [sflag:s17], $0x4000  }
0x6d: {  	[sflag:s17] =	ssyncset.done $0x0  }
0x6e: {  	[sflag:s17] =	ssyncadd.s32 $0xFFFFC000  }
0x6f: {  	_ =	swait.ge [sflag:s18], $0x4000  }
0x70: {  	s0 =	stileid.u32;
	[sflag:s18] =	ssyncset.done $0x0  }
0x71: {  	s3 =	sshrl.u32 s10, $0x3;
	s30 =	sadd.s32 $0x1, s30;
	[sflag:s18] =	ssyncadd.s32 $0xFFFFC000  }
0x72: {  	s0 =	sshll.u32 s0, $0x6;
	p0 =	sne.s32 s30, s20;
	[bflag:$0x0] =	sbarrier.arrive $0xFFFF  }
.Ltmp2:
0x73: {  	s0 =	sor.u32 $0x1C11, s0;
	s8 =	rddreg [dreg:$0xd];
	(pc) =	sbr.rel @p0 .LBB2_1-.Ltmp2, $4  }
0x74: {  	[hbm:s8], [sflag:s0] =	dma.local [spmem:s3], $0x2800  }
0x75: {  	_ =	swait.ge [sflag:s28], $0x2800  }
0x76: {  	[sflag:s28] =	ssyncset.done $0x0  }
0x77: {  	[sflag:s28] =	ssyncadd.s32 $0xFFFFD800  }
0x78: {  	_ =	sfence.sel $0x180000  }
0x79: {  	[bflag:$0x0] =	sbarrier.arrive $0xFFFF  }
0x7a: {  	_ =	strace $0x9000004D  }
0x7b: {  	s0 =	stileid.u32;
	[bflag:$0x2] =	sbarrier.arrive $0xFFFF  }
0x7c: {  	p0 =	sne.s32 s0, $0x0;
	s0 =	rddreg [dreg:$0x3]  }
0x7d: {  	s0 =	sadd.s32 @!p0 $0x100000, s0  }
0x7e: {  	[sflag:s0] =	ssyncadd.tile.s32 @!p0 $0x1;
	_ =	shalt  }
.Lfunc_end2:
_tile_overlayer_lowered:
.L_overlay_start_2:
0x7f: {  	(tag) =	ssettag $0x2  }
0x80: {  	s0 =	rddreg [dreg:$0x0];
	s2 =	stileid.u32  }
0x81: {  	s1 =	rddreg [dreg:$0x1];
	p0 =	sne.s32 s2, $0x0  }
0x82: {  	s3 =	rddreg [dreg:$0x2];
	[bflag:$0x3] =	sbarrier.arrive $0xFFFF;
	s2 =	simm.s32 @!p0 $0x1C11  }
0x83: {  	[timem:s3], [sflag:s2] =	dma.local @!p0 [hbm:s0], s1  }
0x84: {  	s0 =	simm.s32 @!p0 $0x11  }
0x85: {  	_ =	swait.ge @!p0 [sflag:s0], s1  }
0x86: {  	s1 =	ssub.s32 @!p0 $0x0, s1;
	[sflag:s0] =	ssyncset.done @!p0 $0x0  }
0x87: {  	[sflag:s0] =	ssyncadd.s32 @!p0 s1  }
0x88: {  	[bflag:$0x3] =	sbarrier.arrive $0xFFFF  }
0x89: {  	_ =	shalt  }

// kernel: kernel.8.cloned.1.call-start
scs
__scs_entry_jumppad:
0x0: {  	(pc) =	sbr.rel $0x88, $3  }
0x1: {  	(tag) =	ssettag $0x0;
	lr =	simm.s32 $0x1  }
0x2: {  	[smem:$0x3F98] =	sst lr;
	_ =	strace $0xD0000000  }
0x3: {  	_ = 	snop  }
0x4: {  	_ = 	snop  }
0x5: {  	_ = 	snop  }
0x6: {  	_ = 	snop  }
0x7: {  	_ = 	snop  }
__scs_overlays_trampoline_lowered:
0x8: {  	[smem:$0x3FA7] =	sst s0  }
0x9: {  	[smem:$0x3FA8] =	sst s1  }
0xa: {  	[smem:$0x3FA9] =	sst s2  }
0xb: {  	[smem:$0x3FAA] =	sst s3  }
0xc: {  	[smem:$0x3FAB] =	sst s4  }
0xd: {  	[smem:$0x3FAC] =	sst s5  }
0xe: {  	[smem:$0x3FAD] =	sst s6  }
0xf: {  	[smem:$0x3FAE] =	sst s7  }
0x10: {  	[smem:$0x3FAF] =	sst s8  }
0x11: {  	[smem:$0x3FB0] =	sst s9;
	s0 =	simm.s32 @!p0 $0x0  }
0x12: {  	s1 =	sld [smem:$0x3F96];
	s0 =	simm.s32 @p0 $0x1  }
0x13: {  	[smem:$0x3FB1] =	sst s0;
	s0 =	simm.s32 @!p1 $0x0  }
0x14: {  	s2 =	sld [smem:$0x3F95];
	s0 =	simm.s32 @p1 $0x1  }
0x15: {  	[smem:$0x3FB2] =	sst s0;
	s0 =	simm.s32 @!p2 $0x0  }
0x16: {  	s3 =	sld [smem:$0x3FDB];
	s0 =	simm.s32 @p2 $0x1  }
0x17: {  	s4 =	simm.s32 $0x1BF5;
	[smem:$0x3FB4] =	sst s0  }
0x18: {  	s0 =	sld [smem:$0x3F97];
	_ =	swait.ge [sflag:s4], $0x0  }
0x19: {  	s7 =	sld [smem:$0x3F98]  }
0x1a: {  	s8 =	sadd.s32 $0xFFFFE003, lr  }
0x1b: {  	s9 =	sadd.s32 $0xFFFFFEF7, lr;
	s5 =	simm.s32 $0xFFFFFFFF;
	p2 =	slt.u32 s8, $0xFFFFF086  }
0x1c: {  	p1 =	slt.u32 s9, $0xF7A;
	s5 =	simm.s32 @!p2 $0x0  }
0x1d: {  	s5 =	simm.s32 @p1 $0x1;
	p0 =	seq.s32 s7, s2  }
0x1e: {  	s7 =	smul.u32 @!p0 $0xF7A, s2;
	p2 =	seq.s32 @!p0 s5, $0x0  }
0x1f: {  	s9 =	smul.u32 $0xF7A, s1;
	s8 =	simm.s32 @!p0 $0x1BF5;
	p2 =	por !p2, p0  }
0x20: {  	[sflag:s8] =	ssyncset.s32 @!p0 $0xFFFFF086;
	s6 =	sadd.s32 @!p0 s3, s7;
	s7 =	simm.s32 @!p0 $0x108  }
0x21: {  	s3 =	sadd.s32 s3, s9;
	s6 =	sadd.s32 @!p0 $0x88, s6;
	s7 =	simm.s32 @p2 $0x1082  }
0x22: {  	[simem:s7], [sflag:s8] =	dma.local @!p0 [hbm:s6], $0xF7A  }
0x23: {  	s9 =	sor.u32 $0xD0000000, s2;
	s6 =	simm.s32 $0x108;
	_ =	swait.ge @!p0 [sflag:s8], $0x0  }
0x24: {  	s3 =	sadd.s32 $0x88, s3;
	s6 =	simm.s32 @!p1 $0x1082;
	[sflag:s4] =	ssyncset.s32 $0xFFFFF086  }
0x25: {  	[simem:s6], [sflag:s4] =	dma.local [hbm:s3], $0xF7A  }
0x26: {  	[smem:$0x3F98] =	sst s1;
	(tag) =	ssettag s2;
	_ =	strace s9  }
0x27: {  	s1 =	sld [smem:$0x3FA8]  }
0x28: {  	s2 =	sld [smem:$0x3FA9]  }
0x29: {  	s4 =	sld [smem:$0x3FAB]  }
0x2a: {  	p0 =	seq.s32 s5, $0x0;
	s5 =	sld [smem:$0x3FAC]  }
0x2b: {  	s6 =	sld [smem:$0x3FAD]  }
0x2c: {  	s7 =	sld [smem:$0x3FAE]  }
0x2d: {  	s3 =	simm.s32 $0x108;
	s8 =	sld [smem:$0x3FAF]  }
0x2e: {  	s3 =	simm.s32 @!p0 $0x1082;
	s9 =	sld [smem:$0x3FB0]  }
0x2f: {  	lr =	sadd.s32 s0, s3;
	s0 =	sld [smem:$0x3FA7]  }
0x30: {  	s3 =	sld [smem:$0x3FAA]  }
0x31: {  	[smem:$0x3FB3] =	sst s10  }
0x32: {  	s10 =	sld [smem:$0x3FB1];
	_ =	sdelay $0x3  }
0x33: {  	p0 =	seq.s32 s10, $0x1;
	s10 =	sld [smem:$0x3FB3];
	_ =	sdelay $0x3  }
0x34: {  	[smem:$0x3FB3] =	sst s10  }
0x35: {  	s10 =	sld [smem:$0x3FB2];
	_ =	sdelay $0x3  }
0x36: {  	p1 =	seq.s32 s10, $0x1;
	s10 =	sld [smem:$0x3FB3];
	_ =	sdelay $0x3  }
0x37: {  	[smem:$0x3FB3] =	sst s10  }
0x38: {  	s10 =	sld [smem:$0x3FB4]  }
0x39: {  	_ = 	snop;
	(pc) =	sbr.ind lr, $3  }
0x3a: {  	_ = 	snop  }
0x3b: {  	_ = 	snop  }
0x3c: {  	p2 =	seq.s32 s10, $0x1;
	s10 =	sld [smem:$0x3FB3]  }
0x3d: {  	_ =	shalt  }
0x3e: {  	_ =	shalt  }
0x3f: {  	_ =	shalt  }
0x40: {  	_ =	shalt  }
0x41: {  	_ =	shalt  }
0x42: {  	_ =	shalt  }
0x43: {  	_ =	shalt  }
0x44: {  	_ =	shalt  }
0x45: {  	_ =	shalt  }
0x46: {  	_ =	shalt  }
0x47: {  	_ =	shalt  }
0x48: {  	_ =	shalt  }
0x49: {  	_ =	shalt  }
0x4a: {  	_ =	shalt  }
0x4b: {  	_ =	shalt  }
0x4c: {  	_ =	shalt  }
0x4d: {  	_ =	shalt  }
0x4e: {  	_ =	shalt  }
0x4f: {  	_ =	shalt  }
0x50: {  	_ =	shalt  }
0x51: {  	_ =	shalt  }
0x52: {  	_ =	shalt  }
0x53: {  	_ =	shalt  }
0x54: {  	_ =	shalt  }
0x55: {  	_ =	shalt  }
0x56: {  	_ =	shalt  }
0x57: {  	_ =	shalt  }
0x58: {  	_ =	shalt  }
0x59: {  	_ =	shalt  }
0x5a: {  	_ =	shalt  }
0x5b: {  	_ =	shalt  }
0x5c: {  	_ =	shalt  }
0x5d: {  	_ =	shalt  }
0x5e: {  	_ =	shalt  }
0x5f: {  	_ =	shalt  }
0x60: {  	_ =	shalt  }
0x61: {  	_ =	shalt  }
0x62: {  	_ =	shalt  }
0x63: {  	_ =	shalt  }
0x64: {  	_ =	shalt  }
0x65: {  	_ =	shalt  }
0x66: {  	_ =	shalt  }
0x67: {  	_ =	shalt  }
0x68: {  	_ =	shalt  }
0x69: {  	_ =	shalt  }
0x6a: {  	_ =	shalt  }
0x6b: {  	_ =	shalt  }
0x6c: {  	_ =	shalt  }
0x6d: {  	_ =	shalt  }
0x6e: {  	_ =	shalt  }
0x6f: {  	_ =	shalt  }
0x70: {  	_ =	shalt  }
0x71: {  	_ =	shalt  }
0x72: {  	_ =	shalt  }
0x73: {  	_ =	shalt  }
0x74: {  	_ =	shalt  }
0x75: {  	_ =	shalt  }
0x76: {  	_ =	shalt  }
0x77: {  	_ =	shalt  }
0x78: {  	_ =	shalt  }
0x79: {  	_ =	shalt  }
0x7a: {  	_ =	shalt  }
0x7b: {  	_ =	shalt  }
0x7c: {  	_ =	shalt  }
0x7d: {  	_ =	shalt  }
0x7e: {  	_ =	shalt  }
0x7f: {  	_ =	shalt  }
0x80: {  	_ =	shalt  }
0x81: {  	_ =	shalt  }
0x82: {  	_ =	shalt  }
0x83: {  	_ =	shalt  }
0x84: {  	_ =	shalt  }
0x85: {  	_ =	shalt  }
0x86: {  	_ =	shalt  }
0x87: {  	_ =	shalt  }
.Lfunc_end0:
.L_simem_size_0:
called_computation_lowered:
.L_overlay_start_0:
0x88: {  	s2 =	sld [smem:$0x3FD9]  }
0x89: {  	s3 =	sld [smem:$0x3FFE];
	_ =	sdelay $0x1  }
0x8a: {  	s1 =	srdreg.scid  }
0x8b: {  	s0 =	sand.u32 $0x1, s1  }
0x8c: {  	s17 =	sshll.u32 s0, $0xA;
	s2 =	sadd.s32 s3, s2  }
0x8d: {  	s2 =	sadd.s32 s2, s17  }
0x8e: {  	[smem:$0x3FBF] =	sst s2  }
0x8f: {  	_ = 	snop  }
0x90: {  	s2 =	sld [smem:$0x3FC8];
	(tm) =	ssettm $0x1  }
0x91: {  	s18 =	sld [smem:$0x3FFB];
	_ =	sdelay $0x3  }
0x92: {  	_ =	strace s18  }
0x93: {  	s3 =	sld [smem:$0x3FFC];
	_ =	sdelay $0x3  }
0x94: {  	_ =	strace s3  }
0x95: {  	s3 =	sld [smem:$0x3FFD];
	_ =	sdelay $0x3  }
0x96: {  	_ =	strace s3  }
0x97: {  	_ =	strace $0x8FFFFFFF  }
0x98: {  	s19 =	sld [smem:$0x3FDB];
	_ =	sdelay $0x1  }
0x99: {  	s4 =	simm.s32 $_scs_section_size  }
0x9a: {  	s5 =	simm.s32 $_size__tile_overlayer_lowered;
	s6 =	simm.s32 $_tile_overlayer_lowered  }
0x9b: {  	s22 =	simm.s32 $0x1BFF;
	s21 =	sshll.u32 s6, $0x1;
	s3 =	sadd.s32 s4, s19  }
0x9c: {  	s7 =	simm.s32 $0x0;
	s20 =	sshll.u32 s5, $0x1;
	s5 =	sadd.s32 s21, s3  }
0x9d: {  	[timem:s7], [sflag:s22] =	dma.local [hbm:s5], s20  }
0x9e: {  	_ =	swait.ge [sflag:s22], s20  }
0x9f: {  	s4 =	ssub.s32 $0x0, s20;
	[sflag:s22] =	ssyncset.done $0x0  }
0xa0: {  	[sflag:s22] =	ssyncadd.s32 s4;
	_ =	sdelay $0x1  }
0xa1: {  	s23 =	simm.s32 $0x1B8B  }
0xa2: {  	_ =	swait.ge [sflag:s23], $0x1  }
0xa3: {  	[sflag:s23] =	ssyncset.done $0x0  }
0xa4: {  	s25 =	simm.s32 $0x1B8E;
	s24 =	sld [smem:$0x3FFE];
	[sflag:s23] =	ssyncadd.s32 $0xFFFFFFFF  }
0xa5: {  	s26 =	simm.s32 $execute0_lowered;
	[smem:$0x3FD2] =	sst s25  }
0xa6: {  	s5 =	sshll.u32 s26, $0x1;
	_ =	strace $0x80000046;
	[dreg:$0x1] =	wrdreg $0xFFFFFFFF  }
0xa7: {  	s28 =	simm.s32 $_size_execute0_lowered;
	s3 =	sadd.s32 s3, s5;
	[dreg:$0x0] =	wrdreg $0x0  }
0xa8: {  	s5 =	sshll.u32 s28, $0x1;
	[dreg:$0x2] =	wrdreg s3  }
0xa9: {  	[dreg:$0x3] =	wrdreg s5  }
0xaa: {  	[dreg:$0x4] =	wrdreg $0xC0  }
0xab: {  	_ =	task [dreg:s7], $0x5FFFF  }
0xac: {  	[dreg:$0x1] =	wrdreg $0xFFFFFFFF  }
0xad: {  	[dreg:$0x0] =	wrdreg $0x60  }
0xae: {  	[dreg:$0x2] =	wrdreg s2  }
0xaf: {  	[dreg:$0x3] =	wrdreg s24  }
0xb0: {  	[dreg:$0x4] =	wrdreg $0x5000  }
0xb1: {  	[dreg:$0x5] =	wrdreg $0x9  }
0xb2: {  	_ =	task.clear_ibuf [dreg:s7], $0x6FFFF;
	_ =	strace $0x90000046  }
0xb3: {  	s29 =	simm.s32 $0x9;
	_ =	strace $0x80000048  }
0xb4: {  	_ =	swait.ge [sflag:s29], $0x1  }
0xb5: {  	[sflag:s29] =	ssyncadd.s32 $0xFFFFFFFF  }
0xb6: {  	_ =	strace $0x90000048  }
0xb7: {  	_ =	sfence  }
0xb8: {  	s30 =	sld [smem:$0x0];
	_ =	sdelay $0x2  }
0xb9: {  	s31 =	sshll.u32 s1, $0xD;
	s1 =	sshrl.u32 s1, $0x2  }
0xba: {  	s3 =	sand.u32 $0x4000, s31;
	s1 =	sadd.s32 s1, s30  }
0xbb: {  	s0 =	sor.u32 s3, s0;
	s1 =	sshll.u32 s1, $0x11  }
0xbc: {  	s0 =	sor.u32 s1, s0  }
0xbd: {  	s0 =	sadd.s32 $0x8F2B, s0  }
0xbe: {  	[sflag:s0] =	ssyncadd.remote.s32 $0x1  }
0xbf: {  	_ =	sfence.sel $0xFFFF  }
0xc0: {  	[dreg:$0x0] =	wrdreg $0xFFFFFFFF;
	(pc) =	sbr.abs _section_cstart, $3  }
0xc1: {  	[dreg:$0x1] =	wrdreg $0xFFFFFFFF  }
0xc2: {  	_ =	task.clear_ibuf [dreg:s7], $0x2FFFF;
	_ =	strace $0x9FFFFFFF  }
0xc3: {  	(tm) =	ssettm $0x7FFFFFFF  }
tec
execute0_lowered:
.L_overlay_start_1:
0x0: {  	(tag) =	ssettag $0x1  }
0x1: {  	s0 =	rddreg [dreg:$0x0]  }
0x2: {  	s1 =	rddreg [dreg:$0x1]  }
0x3: {  	s2 =	rddreg [dreg:$0x2]  }
0x4: {  	s4 =	srdreg.scid;
	s16 =	stileid.u32;
	s3 =	simm.s32 $0x0  }
0x5: {  	s18 =	simm.s32 $0x300;
	s19 =	simm.s32 $0x380;
	s20 =	simm.s32 $0x9  }
0x6: {  	s29 =	simm.s32 $0x0;
	s15 =	sand.u32 $0x1, s4;
	s21 =	smul.u32 $0x500, s16  }
0x7: {  	[smem:$0x7FF] =	sst s3;
	s8 =	smul.u32 $0xA00, s16;
	s31 =	sshll.u32 s16, $0x8  }
0x8: {  	s5 =	sshll.u32 s15, $0x7;
	_ =	strace $0x80000047;
	s22 =	ssub.s32 $0x2, s15  }
0x9: {  	s7 =	sshll.u32 s15, $0x4;
	s30 =	sshll.u32 s15, $0xC;
	s4 =	sor.u32 s5, s21  }
0xa: {  	s6 =	sshrl.u32 s22, $0x1;
	s23 =	sor.u32 s16, s7;
	s5 =	sadd.s32 $0x10, s0  }
0xb: {  	s26 =	sshrl.u32 s8, $0x2;
	s21 =	simm.s32 $0x1;
	s4 =	sshrl.u32 s4, $0x3  }
0xc: {  	s14 =	ssub.s32 s22, s6;
	s24 =	ssub.s32 $0x9E3, s23;
	s25 =	sshll.u32 s23, $0x5  }
0xd: {  	s8 =	sadd.s32 s26, s2;
	s22 =	simm.s32 $0x80;
	s23 =	simm.s32 $0x280  }
0xe: {  	s1 =	sadd.s32 s4, s1;
	s4 =	sshrl.u32 s24, $0x5;
	s0 =	sadd.s32 s25, s0  }
0xf: {  	s6 =	sadd.s32 s25, s5;
	s14 =	smax.u32 s14, $0x1;
	s7 =	sadd.s32 $0x410, s0  }
0x10: {  	s28 =	sand.u32 $0x3, s4;
	s10 =	sadd.s32 $0x1, s4;
	s11 =	sadd.s32 $0xFFFFFFFF, s4  }
0x11: {  	s13 =	sadd.s32 $0x2800, s1;
	s15 =	sadd.s32 $0x800, s6;
	s16 =	sadd.s32 $0xC00, s6  }
0x12: {  	s9 =	sadd.s32 $0x5, s28;
	s10 =	sand.u32 $0x3, s10;
	s0 =	sxor.u32 $0x2, s28  }
0x13: {  	s12 =	sand.u32 $0x3, s11;
	s11 =	sadd.s32 $0x5, s0;
	s0 =	sor.u32 s31, s30  }
0x14: {  	v0 =	vimm.f32 $0.0e+00;
	v1 =	vimm.f32 $1.000000000e+00;
	s10 =	sadd.s32 $0x5, s10;
	s12 =	sadd.s32 $0x5, s12;
	s17 =	sor.u32 $0x8000, s0  }
.LBB2_1:
0x15: {  	[tilespmem:s18], [sflag:$0x1] =	stream.linear.gather [hbm4b:s6+s3], $0x80, $0x38;
	[tilespmem:$0x780] =	vst v63  }
0x16: {  	_ = 	snop  }
0x17: {  	[tilespmem:s19], [sflag:$0x2] =	stream.linear.gather [hbm4b:s7+s3], $0x80, $0x38;
	[tilespmem:$0x780] =	vst v63  }
0x18: {  	[tilespmem:$0x0] =	vst v0  }
0x19: {  	[tilespmem:$0x10] =	vst v0  }
0x1a: {  	[tilespmem:$0x20] =	vst v0  }
0x1b: {  	[tilespmem:$0x30] =	vst v0  }
0x1c: {  	[tilespmem:$0x40] =	vst v0  }
0x1d: {  	[tilespmem:$0x50] =	vst v0  }
0x1e: {  	[tilespmem:$0x60] =	vst v0  }
0x1f: {  	[tilespmem:$0x70] =	vst v0  }
0x20: {  	[tilespmem:$0x80] =	vst v0  }
0x21: {  	[tilespmem:$0x90] =	vst v0  }
0x22: {  	[tilespmem:$0xA0] =	vst v0  }
0x23: {  	[tilespmem:$0xB0] =	vst v0  }
0x24: {  	[tilespmem:$0xC0] =	vst v0  }
0x25: {  	[tilespmem:$0xD0] =	vst v0  }
0x26: {  	[tilespmem:$0xE0] =	vst v0  }
0x27: {  	[tilespmem:$0xF0] =	vst v0  }
0x28: {  	[tilespmem:$0x100] =	vst v0  }
0x29: {  	[tilespmem:$0x110] =	vst v0  }
0x2a: {  	[tilespmem:$0x120] =	vst v0  }
0x2b: {  	[tilespmem:$0x130] =	vst v0  }
0x2c: {  	[tilespmem:$0x140] =	vst v0  }
0x2d: {  	[tilespmem:$0x150] =	vst v0  }
0x2e: {  	[tilespmem:$0x160] =	vst v0  }
0x2f: {  	[tilespmem:$0x170] =	vst v0  }
0x30: {  	[tilespmem:$0x180] =	vst v0  }
0x31: {  	[tilespmem:$0x190] =	vst v0  }
0x32: {  	[tilespmem:$0x1A0] =	vst v0  }
0x33: {  	[tilespmem:$0x1B0] =	vst v0  }
0x34: {  	[tilespmem:$0x1C0] =	vst v0  }
0x35: {  	[tilespmem:$0x1D0] =	vst v0  }
0x36: {  	[tilespmem:$0x1E0] =	vst v0  }
0x37: {  	[tilespmem:$0x1F0] =	vst v0  }
0x38: {  	[tilespmem:$0x200] =	vst v0  }
0x39: {  	[tilespmem:$0x210] =	vst v0  }
0x3a: {  	[tilespmem:$0x220] =	vst v0  }
0x3b: {  	[tilespmem:$0x230] =	vst v0  }
0x3c: {  	[tilespmem:$0x240] =	vst v0  }
0x3d: {  	[tilespmem:$0x250] =	vst v0  }
0x3e: {  	[tilespmem:$0x260] =	vst v0  }
0x3f: {  	[tilespmem:$0x270] =	vst v0  }
0x40: {  	[tilespmem:$0x280] =	vst v1  }
0x41: {  	[tilespmem:$0x290] =	vst v1  }
0x42: {  	[tilespmem:$0x2A0] =	vst v1  }
0x43: {  	[tilespmem:$0x2B0] =	vst v1  }
0x44: {  	[tilespmem:$0x2C0] =	vst v1  }
0x45: {  	[tilespmem:$0x2D0] =	vst v1  }
0x46: {  	[tilespmem:$0x2E0] =	vst v1  }
0x47: {  	[tilespmem:$0x2F0] =	vst v1  }
0x48: {  	[spmem:s8] =	stream.linear.scatter [tilespmem:s3], [sflag:$0x9], $0x280, $0x38;
	[tilespmem:$0x780] =	vst v63  }
0x49: {  	_ =	swait.ge [sflag:s20], $0x280  }
0x4a: {  	[sflag:s20] =	ssyncset.done $0x0  }
0x4b: {  	[sflag:s20] =	ssyncadd.s32 $0xFFFFFD80  }
0x4c: {  	[bflag:$0x0] =	sbarrier.arrive $0xFFFF  }
0x4d: {  	_ =	swait.ge [sflag:s21], $0x80  }
0x4e: {  	[sflag:s21] =	ssyncset.done $0x0  }
0x4f: {  	[sflag:s21] =	ssyncadd.s32 $0xFFFFFF80  }
0x50: {  	[spmem:s2] =	stream.indirect.scatter.add.f32 [tilespmem:s23], [sflag:$0x5], $0x1, s18, s22, $0xb8;
	[tilespmem:$0x780] =	vst v63  }
0x51: {  	s0 =	simm.s32 $0x400;
	s28 =	simm.s32 $0x2  }
0x52: {  	[tilespmem:s0], [sflag:$0x3] =	stream.linear.gather [hbm4b:s15+s3], $0x80, $0x38;
	[tilespmem:$0x780] =	vst v63  }
0x53: {  	s1 =	simm.s32 $0x480;
	s30 =	simm.s32 $0x3;
	_ =	swait.ge [sflag:s28], $0x80  }
0x54: {  	p0 =	sle.u32 s4, $0x4;
	p1 =	sne.s32 s4, $0x3;
	[sflag:s28] =	ssyncset.done $0x0  }
0x55: {  	s26 =	sshrl.u32 @!p0 s17, $0x3;
	s0 =	sand.u32 $0x3, s28;
	[sflag:s28] =	ssyncadd.s32 $0xFFFFFF80  }
0x56: {  	[spmem:s2] =	stream.indirect.scatter.add.f32 [tilespmem:s23], [sflag:$0x6], $0x1, s19, s22, $0xb8;
	[tilespmem:$0x780] =	vst v63  }
0x57: {  	s24 =	sadd.s32 $0x1, s0;
	s25 =	sshll.u32 s0, $0x7;
	s31 =	sxor.u32 @!p0 $0x2, s0  }
0x58: {  	[tilespmem:s1], [sflag:$0x4] =	stream.linear.gather [hbm4b:s16+s3], $0x80, $0x38;
	[tilespmem:$0x780] =	vst v63  }
0x59: {  	s0 =	sadd.s32 $0x5, s0;
	s31 =	sadd.s32 @!p0 $0x5, s31;
	_ =	swait.ge [sflag:s24], $0x80  }
0x5a: {  	s25 =	sadd.s32 $0x300, s25;
	s1 =	simm.s32 $0x4;
	[sflag:s24] =	ssyncset.done $0x0  }
.Ltmp0:
0x5b: {  	s1 =	sand.u32 @!p0 $0x3, s1;
	[sflag:s24] =	ssyncadd.s32 $0xFFFFFF80;
	(pc) =	sbr.rel @!p1 .LBB2_3-.Ltmp0, $4  }
0x5c: {  	[spmem:s2] =	stream.indirect.scatter.add.f32 [tilespmem:s23], [sflag:s0], $0x1, s25, s22, $0xb8;
	[tilespmem:$0x780] =	vst v63  }
0x5d: {  	s24 =	sshll.u32 @!p0 s1, $0x7;
	s0 =	sadd.s32 @!p0 $0x1, s1;
	_ =	swait.ge @!p0 [sflag:s31], $0x80  }
0x5e: {  	s1 =	sadd.s32 @!p0 $0x300, s24;
	s24 =	sadd.s32 @!p0 s26, s5;
	[sflag:s31] =	ssyncset.done @!p0 $0x0  }
0x5f: {  	s25 =	simm.s32 @!p0 $0x0;
	[sflag:s31] =	ssyncadd.s32 @!p0 $0xFFFFFF80;
	s31 =	sadd.s32 $0x2000, s17  }
.LBB2_2:
0x60: {  	[tilespmem:s1], [sflag:s0] =	stream.linear.gather @!p0 [hbm4b:s24+s25], $0x80, $0x38;
	[tilespmem:$0x780] =	vst v63  }
0x61: {  	s0 =	sadd.s32 $0x2, s30;
	s1 =	smov.u32 s30;
	s30 =	sadd.s32 $0x1, s30  }
0x62: {  	s1 =	sand.u32 $0x3, s1;
	p0 =	sge.u32 s0, s4;
	p1 =	sne.s32 s4, s30  }
0x63: {  	s24 =	sadd.s32 $0x1, s1;
	s25 =	sshll.u32 s1, $0x7;
	s26 =	sxor.u32 @!p0 $0x2, s1  }
0x64: {  	s0 =	sand.u32 @!p0 $0x3, s0;
	s28 =	sshrl.u32 @!p0 s31, $0x3;
	_ =	swait.ge [sflag:s24], $0x80  }
0x65: {  	s1 =	sadd.s32 $0x5, s1;
	s26 =	sadd.s32 @!p0 $0x5, s26;
	[sflag:s24] =	ssyncset.done $0x0  }
.Ltmp1:
0x66: {  	s25 =	sadd.s32 $0x300, s25;
	[sflag:s24] =	ssyncadd.s32 $0xFFFFFF80;
	(pc) =	sbr.rel @p1 .LBB2_2-.Ltmp1, $4  }
0x67: {  	[spmem:s2] =	stream.indirect.scatter.add.f32 [tilespmem:s23], [sflag:s1], $0x1, s25, s22, $0xb8;
	[tilespmem:$0x780] =	vst v63  }
0x68: {  	s1 =	sshll.u32 @!p0 s0, $0x7;
	s0 =	sadd.s32 @!p0 $0x1, s0;
	_ =	swait.ge @!p0 [sflag:s26], $0x80  }
0x69: {  	s24 =	sadd.s32 @!p0 s28, s5;
	s1 =	sadd.s32 @!p0 $0x300, s1;
	[sflag:s26] =	ssyncset.done @!p0 $0x0  }
0x6a: {  	s31 =	sadd.s32 $0x2000, s31;
	s25 =	simm.s32 @!p0 $0x0;
	[sflag:s26] =	ssyncadd.s32 @!p0 $0xFFFFFF80  }
.LBB2_3:
0x6b: {  	[tilespmem:s1], [sflag:s0] =	stream.linear.gather @!p0 [hbm4b:s24+s25], $0x80, $0x38;
	[tilespmem:$0x780] =	vst v63  }
0x6c: {  	_ =	swait.ge [sflag:s9], $0x80  }
0x6d: {  	[sflag:s9] =	ssyncset.done $0x0  }
0x6e: {  	[sflag:s9] =	ssyncadd.s32 $0xFFFFFF80  }
0x6f: {  	_ =	swait.ge [sflag:s10], $0x80  }
0x70: {  	[sflag:s10] =	ssyncset.done $0x0  }
0x71: {  	[sflag:s10] =	ssyncadd.s32 $0xFFFFFF80  }
0x72: {  	_ =	swait.ge [sflag:s11], $0x80  }
0x73: {  	[sflag:s11] =	ssyncset.done $0x0  }
0x74: {  	s26 =	stileid.u32;
	[sflag:s11] =	ssyncadd.s32 $0xFFFFFF80  }
0x75: {  	s28 =	sshrl.u32 s8, $0x3;
	s30 =	simm.s32 $0x20;
	_ =	swait.ge [sflag:s12], $0x80  }
0x76: {  	s31 =	simm.s32 $0x10;
	s29 =	sadd.s32 $0x1, s29;
	[sflag:s12] =	ssyncset.done $0x0  }
0x77: {  	s0 =	sshll.u32 s26, $0x6;
	p0 =	sne.s32 s29, s14;
	[sflag:s12] =	ssyncadd.s32 $0xFFFFFF80  }
.Ltmp2:
0x78: {  	s0 =	sor.u32 $0x1C09, s0;
	[bflag:$0x0] =	sbarrier.arrive $0xFFFF;
	(pc) =	sbr.rel @p0 .LBB2_1-.Ltmp2, $4  }
0x79: {  	[hbm:s13@s30], [sflag:s0] =	dma.strided [spmem:s28@s31], $0x50, s21, $0x10   }
0x7a: {  	_ =	swait.ge [sflag:s20], $0x50  }
0x7b: {  	[sflag:s20] =	ssyncset.done $0x0  }
0x7c: {  	[sflag:s20] =	ssyncadd.s32 $0xFFFFFFB0  }
0x7d: {  	_ =	sfence.sel $0x180000  }
0x7e: {  	[bflag:$0x0] =	sbarrier.arrive $0xFFFF  }
0x7f: {  	_ =	strace $0x90000047  }
0x80: {  	s0 =	stileid.u32;
	[bflag:$0x2] =	sbarrier.arrive $0xFFFF  }
0x81: {  	p0 =	sne.s32 s0, $0x0;
	s0 =	rddreg [dreg:$0x3]  }
0x82: {  	s0 =	sadd.s32 @!p0 $0x100000, s0  }
0x83: {  	[sflag:s0] =	ssyncadd.tile.s32 @!p0 $0x1;
	_ =	shalt  }
.Lfunc_end2:
_tile_overlayer_lowered:
.L_overlay_start_2:
0x84: {  	(tag) =	ssettag $0x2  }
0x85: {  	s0 =	rddreg [dreg:$0x0];
	s2 =	stileid.u32  }
0x86: {  	s1 =	rddreg [dreg:$0x1];
	p0 =	sne.s32 s2, $0x0  }
0x87: {  	s3 =	rddreg [dreg:$0x2];
	[bflag:$0x3] =	sbarrier.arrive $0xFFFF;
	s2 =	simm.s32 @!p0 $0x1C09  }
0x88: {  	[timem:s3], [sflag:s2] =	dma.local @!p0 [hbm:s0], s1  }
0x89: {  	s0 =	simm.s32 @!p0 $0x9  }
0x8a: {  	_ =	swait.ge @!p0 [sflag:s0], s1  }
0x8b: {  	s1 =	ssub.s32 @!p0 $0x0, s1;
	[sflag:s0] =	ssyncset.done @!p0 $0x0  }
0x8c: {  	[sflag:s0] =	ssyncadd.s32 @!p0 s1  }
0x8d: {  	[bflag:$0x3] =	sbarrier.arrive $0xFFFF  }
0x8e: {  	_ =	shalt  }

</sc_bundles>
